<compile_context>
chip_gen: v7x
topology: tpu7x:2x2x1
jax: 0.10.2.dev20260603
libtpu: 0.0.44.dev20260713+nightly
codegen_flags: <defaults>
</compile_context>

<pallas_src>
import functools

import jax
import jax.numpy as jnp
from jax import lax
from jax.experimental import pallas as pl
from jax.experimental.pallas import tpu as pltpu
from jax.experimental.pallas import tpu_sc as plsc

NUM_WORKERS = 32
LANES = 16
PITCH = 136


@functools.lru_cache(maxsize=None)
def _build_gather(n_sg: int, d: int):
    seq = n_sg * 8
    n_dg = d // 8
    mesh = plsc.VectorSubcoreMesh(core_axis_name="c", subcore_axis_name="s")

    @functools.partial(
        pl.kernel,
        mesh=mesh,
        out_type=jax.ShapeDtypeStruct((seq, n_dg, NUM_WORKERS, 8, 128),
                                      jnp.float32),
        scratch_types=[
            pltpu.VMEM((n_sg, 8, 128), jnp.int32),
            pltpu.VMEM((4, 128, d), jnp.float32),
            pltpu.VMEM((2, n_dg, 8, PITCH), jnp.float32),
            pltpu.SemaphoreType.DMA,
            pltpu.SemaphoreType.DMA,
            pltpu.SemaphoreType.DMA,
            pltpu.SemaphoreType.DMA,
            pltpu.SemaphoreType.DMA,
            pltpu.SemaphoreType.DMA,
        ],
        compiler_params=pltpu.CompilerParams(use_tc_tiling_on_sc=False,
                                             needs_layout_passes=False),
    )
    def gather_kernel(table_hbm, idx_hbm, out_hbm, idx_v, rows_v, patch_v,
                      sem_g0, sem_g1, sem_g2, sem_g3, sem_w0, sem_w1):
        wid = lax.axis_index("s") * 2 + lax.axis_index("c")
        g_sems = (sem_g0, sem_g1, sem_g2, sem_g3)
        w_sems = (sem_w0, sem_w1)

        pltpu.sync_copy(idx_hbm.at[:, wid], idx_v)

        def fire_gathers(s, half):
            sg = s // 8
            sr = lax.rem(s, 8)
            for j in range(8):
                iv = idx_v[sg, sr, pl.ds(j * LANES, LANES)]
                pltpu.async_copy(
                    table_hbm.at[iv],
                    rows_v.at[half, pl.ds(j * LANES, LANES)],
                    g_sems[half],
                )

        def drain_gathers(half):
            pltpu.make_async_copy(table_hbm.at[pl.ds(0, 128)],
                                  rows_v.at[half], g_sems[half]).wait()

        def fire_write(s, half):
            pltpu.async_copy(
                patch_v.at[half, :, :, pl.ds(0, 128)],
                out_hbm.at[s, :, wid],
                w_sems[half],
            )

        def drain_write(half):
            pltpu.make_async_copy(patch_v.at[half, :, :, pl.ds(0, 128)],
                                  out_hbm.at[0, :, wid], w_sems[half]).wait()

        lane_iota = lax.iota(jnp.int32, LANES)
        dg_vecs = [(lane_iota >> 3) + (2 * k) for k in range(d // LANES)]
        dr_vec = lane_iota & 7
        zeros = lane_iota - lane_iota

        def transpose_s(slot, half):
            def t_body(i, carry):
                for bi in range(16):
                    b = i * 16 + bi
                    b_vec = zeros + b
                    for k in range(d // LANES):
                        x = rows_v[slot, b, pl.ds(k * LANES, LANES)]
                        plsc.store_scatter(patch_v.at[half],
                                           [dg_vecs[k], dr_vec, b_vec], x)
                return carry
            lax.fori_loop(0, 8, t_body, 0)

        fire_gathers(0, 0)

        def body(g, carry):
            s0 = 2 * g
            s1 = s0 + 1
            drain_gathers(0)
            fire_gathers(s1, 1)
            @pl.when(g >= 1)
            def _():
                drain_write(0)
            transpose_s(0, 0)
            fire_write(s0, 0)
            drain_gathers(1)
            @pl.when(g <= (seq // 2) - 2)
            def _():
                fire_gathers(s1 + 1, 0)
            @pl.when(g >= 1)
            def _():
                drain_write(1)
            transpose_s(1, 1)
            fire_write(s1, 1)
            return carry

        lax.fori_loop(0, seq // 2, body, 0)
        drain_write(0)
        drain_write(1)

    return gather_kernel


def kernel(input_index, embedding_weight):
    b, seq = input_index.shape
    v, d = embedding_weight.shape
    n_sg = seq // 8
    idx4 = (input_index.T.reshape(n_sg, 8, NUM_WORKERS, 128)
            .transpose(0, 2, 1, 3))
    out5 = _build_gather(n_sg, d)(embedding_weight, idx4)
    return out5.transpose(2, 4, 0, 1, 3).reshape(b, seq, d)

# --- scband reference (transcript-rebuilt; emitter-appended) ---
"""Pipeline reference for scband-index-position-embedding-43928925504085 (READ-ONLY COPY).

The authoritative reference and input builder live on the scoring server;
editing this copy changes nothing except your own understanding.
"""

import jax, jax.numpy as jnp
import numpy as np

MAX_LEN = 1000000
HIDDEN = 64
BATCH = 4096
SEQ = 200

def setup_inputs(seed: int = 0) -> dict:
    key = jax.random.key(seed)
    k_idx, k_emb = jax.random.split(key)
    input_index = jax.random.randint(k_idx, (BATCH, SEQ), 0, MAX_LEN, dtype=jnp.int64 if jax.config.jax_enable_x64 else jnp.int32)
    embedding_weight = jax.random.normal(k_emb, (MAX_LEN, HIDDEN), dtype=jnp.float32)
    return {"input_index": input_index, "embedding_weight": embedding_weight}

def reference(input_index, embedding_weight):
    # nn.Embedding lookup: gather rows of the table
    embedded_index = jnp.take(embedding_weight, input_index, axis=0)
    return embedded_index

if __name__ == "__main__":
    import jax
    _d = setup_inputs()
    print(jax.jit(kernel)(*tuple(_d.values())))

</pallas_src>

<mosaic_0001>
#map = affine_map<(d0, d1) -> (0, 0)>
#map1 = affine_map<(d0, d1) -> (0, 0, 0, 0)>
#map2 = affine_map<(d0, d1) -> (0, 0, 0, 0, 0)>
module attributes {stable_mosaic.version = 14 : i64} {
  func.func @gather_kernel(%arg0: i32, %arg1: i32, %arg2: memref<1000000x64xf32, #tpu.memory_space<hbm>>, %arg3: memref<25x32x8x128xi32, #tpu.memory_space<hbm>>, %arg4: memref<200x8x32x8x128xf32, #tpu.memory_space<hbm>>, %arg5: memref<25x8x128xi32, #tpu.memory_space<vmem>>, %arg6: memref<4x128x64xf32, #tpu.memory_space<vmem>>, %arg7: memref<2x8x8x136xf32, #tpu.memory_space<vmem>>, %arg8: memref<!tpu.dma_semaphore, #tpu.memory_space<semaphore_mem>>, %arg9: memref<!tpu.dma_semaphore, #tpu.memory_space<semaphore_mem>>, %arg10: memref<!tpu.dma_semaphore, #tpu.memory_space<semaphore_mem>>, %arg11: memref<!tpu.dma_semaphore, #tpu.memory_space<semaphore_mem>>, %arg12: memref<!tpu.dma_semaphore, #tpu.memory_space<semaphore_mem>>, %arg13: memref<!tpu.dma_semaphore, #tpu.memory_space<semaphore_mem>>) attributes {dimension_semantics = [#tpu.dimension_semantics<core_parallel>, #tpu.dimension_semantics<subcore_parallel>], iteration_bounds = array<i64: 2, 16>, scalar_prefetch = 0 : i64, scratch_operands = 9 : i64, tpu.core_type = #tpu.core_type<sc_vector_subcore>, window_params = [{transform_indices = #map}, {transform_indices = #map1}, {transform_indices = #map2}]} {
    %mul3A = arith.constant 2 : i32
    %mul3A_0 = arith.muli %arg1, %mul3A : i32
    %add3A = arith.addi %mul3A_0, %arg0 : i32
    "tpu.region"() ({
      %run_scoped3A = tpu.sem_alloc : memref<!tpu.dma_semaphore, #tpu.memory_space<semaphore_mem>>
      %dma_start3A_178 = arith.constant 0 : i32
      %dma_start3A_179 = arith.constant 0 : i32
      %dma_start3A_180 = arith.constant 0 : i32
      %dma_start3A_181 = tpu.memref_slice %arg3[%dma_start3A_178, %add3A, %dma_start3A_179, %dma_start3A_180] : memref<25x32x8x128xi32, #tpu.memory_space<hbm>> -> memref<25x1x8x128xi32, #tpu.memory_space<hbm>>
      %dma_start3A_182 = tpu.memref_squeeze %dma_start3A_181 : memref<25x1x8x128xi32, #tpu.memory_space<hbm>> -> memref<25x8x128xi32, #tpu.memory_space<hbm>>
      %dma_start3A_183 = arith.constant 0 : i32
      %dma_start3A_184 = arith.constant 0 : i32
      %dma_start3A_185 = arith.constant 0 : i32
      %dma_start3A_186 = tpu.memref_slice %arg3[%dma_start3A_183, %add3A, %dma_start3A_184, %dma_start3A_185] : memref<25x32x8x128xi32, #tpu.memory_space<hbm>> -> memref<25x1x8x128xi32, #tpu.memory_space<hbm>>
      %dma_start3A_187 = tpu.memref_squeeze %dma_start3A_186 : memref<25x1x8x128xi32, #tpu.memory_space<hbm>> -> memref<25x8x128xi32, #tpu.memory_space<hbm>>
      tpu.enqueue_dma source(%dma_start3A_187 : memref<25x8x128xi32, #tpu.memory_space<hbm>>) target(%arg5 : memref<25x8x128xi32, #tpu.memory_space<vmem>>) target_semaphore(%run_scoped3A : memref<!tpu.dma_semaphore, #tpu.memory_space<semaphore_mem>>)
      %dma_wait3A_188 = arith.constant 0 : i32
      %dma_wait3A_189 = arith.constant 0 : i32
      %dma_wait3A_190 = arith.constant 0 : i32
      %dma_wait3A_191 = tpu.memref_slice %arg3[%dma_wait3A_188, %add3A, %dma_wait3A_189, %dma_wait3A_190] : memref<25x32x8x128xi32, #tpu.memory_space<hbm>> -> memref<25x1x8x128xi32, #tpu.memory_space<hbm>>
      %dma_wait3A_192 = tpu.memref_squeeze %dma_wait3A_191 : memref<25x1x8x128xi32, #tpu.memory_space<hbm>> -> memref<25x8x128xi32, #tpu.memory_space<hbm>>
      %dma_wait3A_193 = arith.constant 0 : i32
      %dma_wait3A_194 = arith.constant 0 : i32
      %dma_wait3A_195 = arith.constant 0 : i32
      %dma_wait3A_196 = tpu.memref_slice %arg3[%dma_wait3A_193, %add3A, %dma_wait3A_194, %dma_wait3A_195] : memref<25x32x8x128xi32, #tpu.memory_space<hbm>> -> memref<25x1x8x128xi32, #tpu.memory_space<hbm>>
      %dma_wait3A_197 = tpu.memref_squeeze %dma_wait3A_196 : memref<25x1x8x128xi32, #tpu.memory_space<hbm>> -> memref<25x8x128xi32, #tpu.memory_space<hbm>>
      tpu.wait_dma2 semaphore(%run_scoped3A : memref<!tpu.dma_semaphore, #tpu.memory_space<semaphore_mem>>) src(%dma_wait3A_197 : memref<25x8x128xi32, #tpu.memory_space<hbm>>) dst(%arg5 : memref<25x8x128xi32, #tpu.memory_space<vmem>>)
      tpu.yield
    }) : () -> ()
    %iota3A = tpu.iota {dimensions = array<i32: 0>} : vector<16xi32>
    %shift_right_arithmetic3A = arith.constant 3 : i32
    %shift_right_arithmetic3A_1 = vector.broadcast %shift_right_arithmetic3A : i32 to vector<16xi32>
    %shift_right_arithmetic3A_2 = arith.shrsi %iota3A, %shift_right_arithmetic3A_1 : vector<16xi32>
    %add3A_3 = arith.constant 0 : i32
    %add3A_4 = vector.broadcast %add3A_3 : i32 to vector<16xi32>
    %add3A_5 = arith.addi %shift_right_arithmetic3A_2, %add3A_4 : vector<16xi32>
    %shift_right_arithmetic3A_6 = arith.constant 3 : i32
    %shift_right_arithmetic3A_7 = vector.broadcast %shift_right_arithmetic3A_6 : i32 to vector<16xi32>
    %shift_right_arithmetic3A_8 = arith.shrsi %iota3A, %shift_right_arithmetic3A_7 : vector<16xi32>
    %add3A_9 = arith.constant 2 : i32
    %add3A_10 = vector.broadcast %add3A_9 : i32 to vector<16xi32>
    %add3A_11 = arith.addi %shift_right_arithmetic3A_8, %add3A_10 : vector<16xi32>
    %shift_right_arithmetic3A_12 = arith.constant 3 : i32
    %shift_right_arithmetic3A_13 = vector.broadcast %shift_right_arithmetic3A_12 : i32 to vector<16xi32>
    %shift_right_arithmetic3A_14 = arith.shrsi %iota3A, %shift_right_arithmetic3A_13 : vector<16xi32>
    %add3A_15 = arith.constant 4 : i32
    %add3A_16 = vector.broadcast %add3A_15 : i32 to vector<16xi32>
    %add3A_17 = arith.addi %shift_right_arithmetic3A_14, %add3A_16 : vector<16xi32>
    %shift_right_arithmetic3A_18 = arith.constant 3 : i32
    %shift_right_arithmetic3A_19 = vector.broadcast %shift_right_arithmetic3A_18 : i32 to vector<16xi32>
    %shift_right_arithmetic3A_20 = arith.shrsi %iota3A, %shift_right_arithmetic3A_19 : vector<16xi32>
    %add3A_21 = arith.constant 6 : i32
    %add3A_22 = vector.broadcast %add3A_21 : i32 to vector<16xi32>
    %add3A_23 = arith.addi %shift_right_arithmetic3A_20, %add3A_22 : vector<16xi32>
    %and3A = arith.constant 7 : i32
    %and3A_24 = vector.broadcast %and3A : i32 to vector<16xi32>
    %and3A_25 = arith.andi %iota3A, %and3A_24 : vector<16xi32>
    %sub3A = arith.subi %iota3A, %iota3A : vector<16xi32>
    %rem3A = arith.constant 0 : i32
    %rem3A_26 = arith.constant 8 : i32
    %rem3A_27 = arith.remsi %rem3A, %rem3A_26 : i32
    %get3A = arith.constant 0 : i32
    %get3A_28 = arith.index_cast %get3A : i32 to index
    %get3A_29 = arith.index_cast %rem3A_27 : i32 to index
    %get3A_30 = arith.constant 0 : index
    %get3A_31 = tpu.vector_load %arg5[%get3A_28, %get3A_29, %get3A_30] {strides = array<i32>} : memref<25x8x128xi32, #tpu.memory_space<vmem>>, vector<16xi32>,
    %dma_start3A = arith.constant 0 : i32
    %dma_start3A_32 = arith.constant 0 : i32
    %dma_start3A_33 = arith.constant 0 : i32
    %dma_start3A_34 = tpu.memref_slice %arg6[%dma_start3A, %dma_start3A_32, %dma_start3A_33] : memref<4x128x64xf32, #tpu.memory_space<vmem>> -> memref<1x16x64xf32, #tpu.memory_space<vmem>>
    %dma_start3A_35 = tpu.memref_squeeze %dma_start3A_34 : memref<1x16x64xf32, #tpu.memory_space<vmem>> -> memref<16x64xf32, #tpu.memory_space<vmem>>
    %dma_start3A_36 = arith.constant 0 : i32
    %dma_start3A_37 = arith.constant 0 : i32
    %dma_start3A_38 = tpu.memref_slice %arg2[%dma_start3A_36, %dma_start3A_37] : memref<1000000x64xf32, #tpu.memory_space<hbm>> -> memref<1000000x64xf32, #tpu.memory_space<hbm>>
    tpu.enqueue_indirect_dma source(%dma_start3A_38 : memref<1000000x64xf32, #tpu.memory_space<hbm>>) target(%dma_start3A_35 : memref<16x64xf32, #tpu.memory_space<vmem>>) offsets(%get3A_31 : vector<16xi32>) semaphore(%arg8 : memref<!tpu.dma_semaphore, #tpu.memory_space<semaphore_mem>>)
    %get3A_39 = arith.constant 0 : i32
    %get3A_40 = arith.index_cast %get3A_39 : i32 to index
    %get3A_41 = arith.index_cast %rem3A_27 : i32 to index
    %get3A_42 = arith.constant 16 : index
    %get3A_43 = tpu.vector_load %arg5[%get3A_40, %get3A_41, %get3A_42] {strides = array<i32>} : memref<25x8x128xi32, #tpu.memory_space<vmem>>, vector<16xi32>,
    %dma_start3A_44 = arith.constant 0 : i32
    %dma_start3A_45 = arith.constant 16 : i32
    %dma_start3A_46 = arith.constant 0 : i32
    %dma_start3A_47 = tpu.memref_slice %arg6[%dma_start3A_44, %dma_start3A_45, %dma_start3A_46] : memref<4x128x64xf32, #tpu.memory_space<vmem>> -> memref<1x16x64xf32, #tpu.memory_space<vmem>>
    %dma_start3A_48 = tpu.memref_squeeze %dma_start3A_47 : memref<1x16x64xf32, #tpu.memory_space<vmem>> -> memref<16x64xf32, #tpu.memory_space<vmem>>
    %dma_start3A_49 = arith.constant 0 : i32
    %dma_start3A_50 = arith.constant 0 : i32
    %dma_start3A_51 = tpu.memref_slice %arg2[%dma_start3A_49, %dma_start3A_50] : memref<1000000x64xf32, #tpu.memory_space<hbm>> -> memref<1000000x64xf32, #tpu.memory_space<hbm>>
    tpu.enqueue_indirect_dma source(%dma_start3A_51 : memref<1000000x64xf32, #tpu.memory_space<hbm>>) target(%dma_start3A_48 : memref<16x64xf32, #tpu.memory_space<vmem>>) offsets(%get3A_43 : vector<16xi32>) semaphore(%arg8 : memref<!tpu.dma_semaphore, #tpu.memory_space<semaphore_mem>>)
    %get3A_52 = arith.constant 0 : i32
    %get3A_53 = arith.index_cast %get3A_52 : i32 to index
    %get3A_54 = arith.index_cast %rem3A_27 : i32 to index
    %get3A_55 = arith.constant 32 : index
    %get3A_56 = tpu.vector_load %arg5[%get3A_53, %get3A_54, %get3A_55] {strides = array<i32>} : memref<25x8x128xi32, #tpu.memory_space<vmem>>, vector<16xi32>,
    %dma_start3A_57 = arith.constant 0 : i32
    %dma_start3A_58 = arith.constant 32 : i32
    %dma_start3A_59 = arith.constant 0 : i32
    %dma_start3A_60 = tpu.memref_slice %arg6[%dma_start3A_57, %dma_start3A_58, %dma_start3A_59] : memref<4x128x64xf32, #tpu.memory_space<vmem>> -> memref<1x16x64xf32, #tpu.memory_space<vmem>>
    %dma_start3A_61 = tpu.memref_squeeze %dma_start3A_60 : memref<1x16x64xf32, #tpu.memory_space<vmem>> -> memref<16x64xf32, #tpu.memory_space<vmem>>
    %dma_start3A_62 = arith.constant 0 : i32
    %dma_start3A_63 = arith.constant 0 : i32
    %dma_start3A_64 = tpu.memref_slice %arg2[%dma_start3A_62, %dma_start3A_63] : memref<1000000x64xf32, #tpu.memory_space<hbm>> -> memref<1000000x64xf32, #tpu.memory_space<hbm>>
    tpu.enqueue_indirect_dma source(%dma_start3A_64 : memref<1000000x64xf32, #tpu.memory_space<hbm>>) target(%dma_start3A_61 : memref<16x64xf32, #tpu.memory_space<vmem>>) offsets(%get3A_56 : vector<16xi32>) semaphore(%arg8 : memref<!tpu.dma_semaphore, #tpu.memory_space<semaphore_mem>>)
    %get3A_65 = arith.constant 0 : i32
    %get3A_66 = arith.index_cast %get3A_65 : i32 to index
    %get3A_67 = arith.index_cast %rem3A_27 : i32 to index
    %get3A_68 = arith.constant 48 : index
    %get3A_69 = tpu.vector_load %arg5[%get3A_66, %get3A_67, %get3A_68] {strides = array<i32>} : memref<25x8x128xi32, #tpu.memory_space<vmem>>, vector<16xi32>,
    %dma_start3A_70 = arith.constant 0 : i32
    %dma_start3A_71 = arith.constant 48 : i32
    %dma_start3A_72 = arith.constant 0 : i32
    %dma_start3A_73 = tpu.memref_slice %arg6[%dma_start3A_70, %dma_start3A_71, %dma_start3A_72] : memref<4x128x64xf32, #tpu.memory_space<vmem>> -> memref<1x16x64xf32, #tpu.memory_space<vmem>>
    %dma_start3A_74 = tpu.memref_squeeze %dma_start3A_73 : memref<1x16x64xf32, #tpu.memory_space<vmem>> -> memref<16x64xf32, #tpu.memory_space<vmem>>
    %dma_start3A_75 = arith.constant 0 : i32
    %dma_start3A_76 = arith.constant 0 : i32
    %dma_start3A_77 = tpu.memref_slice %arg2[%dma_start3A_75, %dma_start3A_76] : memref<1000000x64xf32, #tpu.memory_space<hbm>> -> memref<1000000x64xf32, #tpu.memory_space<hbm>>
    tpu.enqueue_indirect_dma source(%dma_start3A_77 : memref<1000000x64xf32, #tpu.memory_space<hbm>>) target(%dma_start3A_74 : memref<16x64xf32, #tpu.memory_space<vmem>>) offsets(%get3A_69 : vector<16xi32>) semaphore(%arg8 : memref<!tpu.dma_semaphore, #tpu.memory_space<semaphore_mem>>)
    %get3A_78 = arith.constant 0 : i32
    %get3A_79 = arith.index_cast %get3A_78 : i32 to index
    %get3A_80 = arith.index_cast %rem3A_27 : i32 to index
    %get3A_81 = arith.constant 64 : index
    %get3A_82 = tpu.vector_load %arg5[%get3A_79, %get3A_80, %get3A_81] {strides = array<i32>} : memref<25x8x128xi32, #tpu.memory_space<vmem>>, vector<16xi32>,
    %dma_start3A_83 = arith.constant 0 : i32
    %dma_start3A_84 = arith.constant 64 : i32
    %dma_start3A_85 = arith.constant 0 : i32
    %dma_start3A_86 = tpu.memref_slice %arg6[%dma_start3A_83, %dma_start3A_84, %dma_start3A_85] : memref<4x128x64xf32, #tpu.memory_space<vmem>> -> memref<1x16x64xf32, #tpu.memory_space<vmem>>
    %dma_start3A_87 = tpu.memref_squeeze %dma_start3A_86 : memref<1x16x64xf32, #tpu.memory_space<vmem>> -> memref<16x64xf32, #tpu.memory_space<vmem>>
    %dma_start3A_88 = arith.constant 0 : i32
    %dma_start3A_89 = arith.constant 0 : i32
    %dma_start3A_90 = tpu.memref_slice %arg2[%dma_start3A_88, %dma_start3A_89] : memref<1000000x64xf32, #tpu.memory_space<hbm>> -> memref<1000000x64xf32, #tpu.memory_space<hbm>>
    tpu.enqueue_indirect_dma source(%dma_start3A_90 : memref<1000000x64xf32, #tpu.memory_space<hbm>>) target(%dma_start3A_87 : memref<16x64xf32, #tpu.memory_space<vmem>>) offsets(%get3A_82 : vector<16xi32>) semaphore(%arg8 : memref<!tpu.dma_semaphore, #tpu.memory_space<semaphore_mem>>)
    %get3A_91 = arith.constant 0 : i32
    %get3A_92 = arith.index_cast %get3A_91 : i32 to index
    %get3A_93 = arith.index_cast %rem3A_27 : i32 to index
    %get3A_94 = arith.constant 80 : index
    %get3A_95 = tpu.vector_load %arg5[%get3A_92, %get3A_93, %get3A_94] {strides = array<i32>} : memref<25x8x128xi32, #tpu.memory_space<vmem>>, vector<16xi32>,
    %dma_start3A_96 = arith.constant 0 : i32
    %dma_start3A_97 = arith.constant 80 : i32
    %dma_start3A_98 = arith.constant 0 : i32
    %dma_start3A_99 = tpu.memref_slice %arg6[%dma_start3A_96, %dma_start3A_97, %dma_start3A_98] : memref<4x128x64xf32, #tpu.memory_space<vmem>> -> memref<1x16x64xf32, #tpu.memory_space<vmem>>
    %dma_start3A_100 = tpu.memref_squeeze %dma_start3A_99 : memref<1x16x64xf32, #tpu.memory_space<vmem>> -> memref<16x64xf32, #tpu.memory_space<vmem>>
    %dma_start3A_101 = arith.constant 0 : i32
    %dma_start3A_102 = arith.constant 0 : i32
    %dma_start3A_103 = tpu.memref_slice %arg2[%dma_start3A_101, %dma_start3A_102] : memref<1000000x64xf32, #tpu.memory_space<hbm>> -> memref<1000000x64xf32, #tpu.memory_space<hbm>>
    tpu.enqueue_indirect_dma source(%dma_start3A_103 : memref<1000000x64xf32, #tpu.memory_space<hbm>>) target(%dma_start3A_100 : memref<16x64xf32, #tpu.memory_space<vmem>>) offsets(%get3A_95 : vector<16xi32>) semaphore(%arg8 : memref<!tpu.dma_semaphore, #tpu.memory_space<semaphore_mem>>)
    %get3A_104 = arith.constant 0 : i32
    %get3A_105 = arith.index_cast %get3A_104 : i32 to index
    %get3A_106 = arith.index_cast %rem3A_27 : i32 to index
    %get3A_107 = arith.constant 96 : index
    %get3A_108 = tpu.vector_load %arg5[%get3A_105, %get3A_106, %get3A_107] {strides = array<i32>} : memref<25x8x128xi32, #tpu.memory_space<vmem>>, vector<16xi32>,
    %dma_start3A_109 = arith.constant 0 : i32
    %dma_start3A_110 = arith.constant 96 : i32
    %dma_start3A_111 = arith.constant 0 : i32
    %dma_start3A_112 = tpu.memref_slice %arg6[%dma_start3A_109, %dma_start3A_110, %dma_start3A_111] : memref<4x128x64xf32, #tpu.memory_space<vmem>> -> memref<1x16x64xf32, #tpu.memory_space<vmem>>
    %dma_start3A_113 = tpu.memref_squeeze %dma_start3A_112 : memref<1x16x64xf32, #tpu.memory_space<vmem>> -> memref<16x64xf32, #tpu.memory_space<vmem>>
    %dma_start3A_114 = arith.constant 0 : i32
    %dma_start3A_115 = arith.constant 0 : i32
    %dma_start3A_116 = tpu.memref_slice %arg2[%dma_start3A_114, %dma_start3A_115] : memref<1000000x64xf32, #tpu.memory_space<hbm>> -> memref<1000000x64xf32, #tpu.memory_space<hbm>>
    tpu.enqueue_indirect_dma source(%dma_start3A_116 : memref<1000000x64xf32, #tpu.memory_space<hbm>>) target(%dma_start3A_113 : memref<16x64xf32, #tpu.memory_space<vmem>>) offsets(%get3A_108 : vector<16xi32>) semaphore(%arg8 : memref<!tpu.dma_semaphore, #tpu.memory_space<semaphore_mem>>)
    %get3A_117 = arith.constant 0 : i32
    %get3A_118 = arith.index_cast %get3A_117 : i32 to index
    %get3A_119 = arith.index_cast %rem3A_27 : i32 to index
    %get3A_120 = arith.constant 112 : index
    %get3A_121 = tpu.vector_load %arg5[%get3A_118, %get3A_119, %get3A_120] {strides = array<i32>} : memref<25x8x128xi32, #tpu.memory_space<vmem>>, vector<16xi32>,
    %dma_start3A_122 = arith.constant 0 : i32
    %dma_start3A_123 = arith.constant 112 : i32
    %dma_start3A_124 = arith.constant 0 : i32
    %dma_start3A_125 = tpu.memref_slice %arg6[%dma_start3A_122, %dma_start3A_123, %dma_start3A_124] : memref<4x128x64xf32, #tpu.memory_space<vmem>> -> memref<1x16x64xf32, #tpu.memory_space<vmem>>
    %dma_start3A_126 = tpu.memref_squeeze %dma_start3A_125 : memref<1x16x64xf32, #tpu.memory_space<vmem>> -> memref<16x64xf32, #tpu.memory_space<vmem>>
    %dma_start3A_127 = arith.constant 0 : i32
    %dma_start3A_128 = arith.constant 0 : i32
    %dma_start3A_129 = tpu.memref_slice %arg2[%dma_start3A_127, %dma_start3A_128] : memref<1000000x64xf32, #tpu.memory_space<hbm>> -> memref<1000000x64xf32, #tpu.memory_space<hbm>>
    tpu.enqueue_indirect_dma source(%dma_start3A_129 : memref<1000000x64xf32, #tpu.memory_space<hbm>>) target(%dma_start3A_126 : memref<16x64xf32, #tpu.memory_space<vmem>>) offsets(%get3A_121 : vector<16xi32>) semaphore(%arg8 : memref<!tpu.dma_semaphore, #tpu.memory_space<semaphore_mem>>)
    %scan3A = arith.constant 0 : i32
    %scan3A_130 = arith.constant 0 : i32
    %scan3A_131 = arith.constant 100 : i32
    %scan3A_132 = arith.addi %scan3A_130, %scan3A_131 : i32
    %scan3A_133 = arith.constant 1 : i32
    scf.for %scan3A_178 = %scan3A_130 to %scan3A_132 step %scan3A_133  : i32 {
      %mul3A_179 = arith.constant 2 : i32
      %mul3A_180 = arith.muli %mul3A_179, %scan3A_178 : i32
      %add3A_181 = arith.constant 1 : i32
      %add3A_182 = arith.addi %mul3A_180, %add3A_181 : i32
      %dma_wait3A_183 = arith.constant 0 : i32
      %dma_wait3A_184 = arith.constant 0 : i32
      %dma_wait3A_185 = arith.constant 0 : i32
      %dma_wait3A_186 = tpu.memref_slice %arg6[%dma_wait3A_183, %dma_wait3A_184, %dma_wait3A_185] : memref<4x128x64xf32, #tpu.memory_space<vmem>> -> memref<1x128x64xf32, #tpu.memory_space<vmem>>
      %dma_wait3A_187 = tpu.memref_squeeze %dma_wait3A_186 : memref<1x128x64xf32, #tpu.memory_space<vmem>> -> memref<128x64xf32, #tpu.memory_space<vmem>>
      %dma_wait3A_188 = arith.constant 0 : i32
      %dma_wait3A_189 = arith.constant 0 : i32
      %dma_wait3A_190 = tpu.memref_slice %arg2[%dma_wait3A_188, %dma_wait3A_189] : memref<1000000x64xf32, #tpu.memory_space<hbm>> -> memref<128x64xf32, #tpu.memory_space<hbm>>
      %dma_wait3A_191 = arith.constant 0 : i32
      %dma_wait3A_192 = arith.constant 0 : i32
      %dma_wait3A_193 = tpu.memref_slice %arg6[%dma_wait3A_183, %dma_wait3A_191, %dma_wait3A_192] : memref<4x128x64xf32, #tpu.memory_space<vmem>> -> memref<1x128x64xf32, #tpu.memory_space<vmem>>
      %dma_wait3A_194 = tpu.memref_squeeze %dma_wait3A_193 : memref<1x128x64xf32, #tpu.memory_space<vmem>> -> memref<128x64xf32, #tpu.memory_space<vmem>>
      %dma_wait3A_195 = arith.constant 0 : i32
      %dma_wait3A_196 = arith.constant 0 : i32
      %dma_wait3A_197 = tpu.memref_slice %arg2[%dma_wait3A_195, %dma_wait3A_196] : memref<1000000x64xf32, #tpu.memory_space<hbm>> -> memref<128x64xf32, #tpu.memory_space<hbm>>
      tpu.wait_dma2 semaphore(%arg8 : memref<!tpu.dma_semaphore, #tpu.memory_space<semaphore_mem>>) src(%dma_wait3A_197 : memref<128x64xf32, #tpu.memory_space<hbm>>) dst(%dma_wait3A_194 : memref<128x64xf32, #tpu.memory_space<vmem>>)
      %jit3A = arith.constant 8 : i32
      %div3A = arith.divsi %add3A_182, %jit3A : i32
      %sign3A = arith.constant 0 : i32
      %sign3A_198 = arith.cmpi sgt, %add3A_182, %sign3A : i32
      %sign3A_199 = arith.extui %sign3A_198 : i1 to i32
      %sign3A_200 = arith.constant 0 : i32
      %sign3A_201 = arith.cmpi slt, %add3A_182, %sign3A_200 : i32
      %sign3A_202 = arith.extui %sign3A_201 : i1 to i32
      %sign3A_203 = arith.subi %sign3A_199, %sign3A_202 : i32
      %sign3A_204 = arith.constant 0 : i32
      %sign3A_205 = arith.cmpi sgt, %jit3A, %sign3A_204 : i32
      %sign3A_206 = arith.extui %sign3A_205 : i1 to i32
      %sign3A_207 = arith.constant 0 : i32
      %sign3A_208 = arith.cmpi slt, %jit3A, %sign3A_207 : i32
      %sign3A_209 = arith.extui %sign3A_208 : i1 to i32
      %sign3A_210 = arith.subi %sign3A_206, %sign3A_209 : i32
      %ne3A = arith.cmpi ne, %sign3A_203, %sign3A_210 : i32
      %rem3A_211 = arith.remsi %add3A_182, %jit3A : i32
      %ne3A_212 = arith.constant 0 : i32
      %ne3A_213 = arith.cmpi ne, %rem3A_211, %ne3A_212 : i32
      %and3A_214 = arith.andi %ne3A, %ne3A_213 : i1
      %sub3A_215 = arith.constant 1 : i32
      %sub3A_216 = arith.subi %div3A, %sub3A_215 : i32
      %select_n3A = arith.select %and3A_214, %sub3A_216, %div3A : i32
      %rem3A_217 = arith.constant 8 : i32
      %rem3A_218 = arith.remsi %add3A_182, %rem3A_217 : i32
      %get3A_219 = arith.index_cast %select_n3A : i32 to index
      %get3A_220 = arith.index_cast %rem3A_218 : i32 to index
      %get3A_221 = arith.constant 0 : index
      %get3A_222 = tpu.vector_load %arg5[%get3A_219, %get3A_220, %get3A_221] {strides = array<i32>} : memref<25x8x128xi32, #tpu.memory_space<vmem>>, vector<16xi32>,
      %dma_start3A_223 = arith.constant 1 : i32
      %dma_start3A_224 = arith.constant 0 : i32
      %dma_start3A_225 = arith.constant 0 : i32
      %dma_start3A_226 = tpu.memref_slice %arg6[%dma_start3A_223, %dma_start3A_224, %dma_start3A_225] : memref<4x128x64xf32, #tpu.memory_space<vmem>> -> memref<1x16x64xf32, #tpu.memory_space<vmem>>
      %dma_start3A_227 = tpu.memref_squeeze %dma_start3A_226 : memref<1x16x64xf32, #tpu.memory_space<vmem>> -> memref<16x64xf32, #tpu.memory_space<vmem>>
      %dma_start3A_228 = arith.constant 0 : i32
      %dma_start3A_229 = arith.constant 0 : i32
      %dma_start3A_230 = tpu.memref_slice %arg2[%dma_start3A_228, %dma_start3A_229] : memref<1000000x64xf32, #tpu.memory_space<hbm>> -> memref<1000000x64xf32, #tpu.memory_space<hbm>>
      tpu.enqueue_indirect_dma source(%dma_start3A_230 : memref<1000000x64xf32, #tpu.memory_space<hbm>>) target(%dma_start3A_227 : memref<16x64xf32, #tpu.memory_space<vmem>>) offsets(%get3A_222 : vector<16xi32>) semaphore(%arg9 : memref<!tpu.dma_semaphore, #tpu.memory_space<semaphore_mem>>)
      %get3A_231 = arith.index_cast %select_n3A : i32 to index
      %get3A_232 = arith.index_cast %rem3A_218 : i32 to index
      %get3A_233 = arith.constant 16 : index
      %get3A_234 = tpu.vector_load %arg5[%get3A_231, %get3A_232, %get3A_233] {strides = array<i32>} : memref<25x8x128xi32, #tpu.memory_space<vmem>>, vector<16xi32>,
      %dma_start3A_235 = arith.constant 1 : i32
      %dma_start3A_236 = arith.constant 16 : i32
      %dma_start3A_237 = arith.constant 0 : i32
      %dma_start3A_238 = tpu.memref_slice %arg6[%dma_start3A_235, %dma_start3A_236, %dma_start3A_237] : memref<4x128x64xf32, #tpu.memory_space<vmem>> -> memref<1x16x64xf32, #tpu.memory_space<vmem>>
      %dma_start3A_239 = tpu.memref_squeeze %dma_start3A_238 : memref<1x16x64xf32, #tpu.memory_space<vmem>> -> memref<16x64xf32, #tpu.memory_space<vmem>>
      %dma_start3A_240 = arith.constant 0 : i32
      %dma_start3A_241 = arith.constant 0 : i32
      %dma_start3A_242 = tpu.memref_slice %arg2[%dma_start3A_240, %dma_start3A_241] : memref<1000000x64xf32, #tpu.memory_space<hbm>> -> memref<1000000x64xf32, #tpu.memory_space<hbm>>
      tpu.enqueue_indirect_dma source(%dma_start3A_242 : memref<1000000x64xf32, #tpu.memory_space<hbm>>) target(%dma_start3A_239 : memref<16x64xf32, #tpu.memory_space<vmem>>) offsets(%get3A_234 : vector<16xi32>) semaphore(%arg9 : memref<!tpu.dma_semaphore, #tpu.memory_space<semaphore_mem>>)
      %get3A_243 = arith.index_cast %select_n3A : i32 to index
      %get3A_244 = arith.index_cast %rem3A_218 : i32 to index
      %get3A_245 = arith.constant 32 : index
      %get3A_246 = tpu.vector_load %arg5[%get3A_243, %get3A_244, %get3A_245] {strides = array<i32>} : memref<25x8x128xi32, #tpu.memory_space<vmem>>, vector<16xi32>,
      %dma_start3A_247 = arith.constant 1 : i32
      %dma_start3A_248 = arith.constant 32 : i32
      %dma_start3A_249 = arith.constant 0 : i32
      %dma_start3A_250 = tpu.memref_slice %arg6[%dma_start3A_247, %dma_start3A_248, %dma_start3A_249] : memref<4x128x64xf32, #tpu.memory_space<vmem>> -> memref<1x16x64xf32, #tpu.memory_space<vmem>>
      %dma_start3A_251 = tpu.memref_squeeze %dma_start3A_250 : memref<1x16x64xf32, #tpu.memory_space<vmem>> -> memref<16x64xf32, #tpu.memory_space<vmem>>
      %dma_start3A_252 = arith.constant 0 : i32
      %dma_start3A_253 = arith.constant 0 : i32
      %dma_start3A_254 = tpu.memref_slice %arg2[%dma_start3A_252, %dma_start3A_253] : memref<1000000x64xf32, #tpu.memory_space<hbm>> -> memref<1000000x64xf32, #tpu.memory_space<hbm>>
      tpu.enqueue_indirect_dma source(%dma_start3A_254 : memref<1000000x64xf32, #tpu.memory_space<hbm>>) target(%dma_start3A_251 : memref<16x64xf32, #tpu.memory_space<vmem>>) offsets(%get3A_246 : vector<16xi32>) semaphore(%arg9 : memref<!tpu.dma_semaphore, #tpu.memory_space<semaphore_mem>>)
      %get3A_255 = arith.index_cast %select_n3A : i32 to index
      %get3A_256 = arith.index_cast %rem3A_218 : i32 to index
      %get3A_257 = arith.constant 48 : index
      %get3A_258 = tpu.vector_load %arg5[%get3A_255, %get3A_256, %get3A_257] {strides = array<i32>} : memref<25x8x128xi32, #tpu.memory_space<vmem>>, vector<16xi32>,
      %dma_start3A_259 = arith.constant 1 : i32
      %dma_start3A_260 = arith.constant 48 : i32
      %dma_start3A_261 = arith.constant 0 : i32
      %dma_start3A_262 = tpu.memref_slice %arg6[%dma_start3A_259, %dma_start3A_260, %dma_start3A_261] : memref<4x128x64xf32, #tpu.memory_space<vmem>> -> memref<1x16x64xf32, #tpu.memory_space<vmem>>
      %dma_start3A_263 = tpu.memref_squeeze %dma_start3A_262 : memref<1x16x64xf32, #tpu.memory_space<vmem>> -> memref<16x64xf32, #tpu.memory_space<vmem>>
      %dma_start3A_264 = arith.constant 0 : i32
      %dma_start3A_265 = arith.constant 0 : i32
      %dma_start3A_266 = tpu.memref_slice %arg2[%dma_start3A_264, %dma_start3A_265] : memref<1000000x64xf32, #tpu.memory_space<hbm>> -> memref<1000000x64xf32, #tpu.memory_space<hbm>>
      tpu.enqueue_indirect_dma source(%dma_start3A_266 : memref<1000000x64xf32, #tpu.memory_space<hbm>>) target(%dma_start3A_263 : memref<16x64xf32, #tpu.memory_space<vmem>>) offsets(%get3A_258 : vector<16xi32>) semaphore(%arg9 : memref<!tpu.dma_semaphore, #tpu.memory_space<semaphore_mem>>)
      %get3A_267 = arith.index_cast %select_n3A : i32 to index
      %get3A_268 = arith.index_cast %rem3A_218 : i32 to index
      %get3A_269 = arith.constant 64 : index
      %get3A_270 = tpu.vector_load %arg5[%get3A_267, %get3A_268, %get3A_269] {strides = array<i32>} : memref<25x8x128xi32, #tpu.memory_space<vmem>>, vector<16xi32>,
      %dma_start3A_271 = arith.constant 1 : i32
      %dma_start3A_272 = arith.constant 64 : i32
      %dma_start3A_273 = arith.constant 0 : i32
      %dma_start3A_274 = tpu.memref_slice %arg6[%dma_start3A_271, %dma_start3A_272, %dma_start3A_273] : memref<4x128x64xf32, #tpu.memory_space<vmem>> -> memref<1x16x64xf32, #tpu.memory_space<vmem>>
      %dma_start3A_275 = tpu.memref_squeeze %dma_start3A_274 : memref<1x16x64xf32, #tpu.memory_space<vmem>> -> memref<16x64xf32, #tpu.memory_space<vmem>>
      %dma_start3A_276 = arith.constant 0 : i32
      %dma_start3A_277 = arith.constant 0 : i32
      %dma_start3A_278 = tpu.memref_slice %arg2[%dma_start3A_276, %dma_start3A_277] : memref<1000000x64xf32, #tpu.memory_space<hbm>> -> memref<1000000x64xf32, #tpu.memory_space<hbm>>
      tpu.enqueue_indirect_dma source(%dma_start3A_278 : memref<1000000x64xf32, #tpu.memory_space<hbm>>) target(%dma_start3A_275 : memref<16x64xf32, #tpu.memory_space<vmem>>) offsets(%get3A_270 : vector<16xi32>) semaphore(%arg9 : memref<!tpu.dma_semaphore, #tpu.memory_space<semaphore_mem>>)
      %get3A_279 = arith.index_cast %select_n3A : i32 to index
      %get3A_280 = arith.index_cast %rem3A_218 : i32 to index
      %get3A_281 = arith.constant 80 : index
      %get3A_282 = tpu.vector_load %arg5[%get3A_279, %get3A_280, %get3A_281] {strides = array<i32>} : memref<25x8x128xi32, #tpu.memory_space<vmem>>, vector<16xi32>,
      %dma_start3A_283 = arith.constant 1 : i32
      %dma_start3A_284 = arith.constant 80 : i32
      %dma_start3A_285 = arith.constant 0 : i32
      %dma_start3A_286 = tpu.memref_slice %arg6[%dma_start3A_283, %dma_start3A_284, %dma_start3A_285] : memref<4x128x64xf32, #tpu.memory_space<vmem>> -> memref<1x16x64xf32, #tpu.memory_space<vmem>>
      %dma_start3A_287 = tpu.memref_squeeze %dma_start3A_286 : memref<1x16x64xf32, #tpu.memory_space<vmem>> -> memref<16x64xf32, #tpu.memory_space<vmem>>
      %dma_start3A_288 = arith.constant 0 : i32
      %dma_start3A_289 = arith.constant 0 : i32
      %dma_start3A_290 = tpu.memref_slice %arg2[%dma_start3A_288, %dma_start3A_289] : memref<1000000x64xf32, #tpu.memory_space<hbm>> -> memref<1000000x64xf32, #tpu.memory_space<hbm>>
      tpu.enqueue_indirect_dma source(%dma_start3A_290 : memref<1000000x64xf32, #tpu.memory_space<hbm>>) target(%dma_start3A_287 : memref<16x64xf32, #tpu.memory_space<vmem>>) offsets(%get3A_282 : vector<16xi32>) semaphore(%arg9 : memref<!tpu.dma_semaphore, #tpu.memory_space<semaphore_mem>>)
      %get3A_291 = arith.index_cast %select_n3A : i32 to index
      %get3A_292 = arith.index_cast %rem3A_218 : i32 to index
      %get3A_293 = arith.constant 96 : index
      %get3A_294 = tpu.vector_load %arg5[%get3A_291, %get3A_292, %get3A_293] {strides = array<i32>} : memref<25x8x128xi32, #tpu.memory_space<vmem>>, vector<16xi32>,
      %dma_start3A_295 = arith.constant 1 : i32
      %dma_start3A_296 = arith.constant 96 : i32
      %dma_start3A_297 = arith.constant 0 : i32
      %dma_start3A_298 = tpu.memref_slice %arg6[%dma_start3A_295, %dma_start3A_296, %dma_start3A_297] : memref<4x128x64xf32, #tpu.memory_space<vmem>> -> memref<1x16x64xf32, #tpu.memory_space<vmem>>
      %dma_start3A_299 = tpu.memref_squeeze %dma_start3A_298 : memref<1x16x64xf32, #tpu.memory_space<vmem>> -> memref<16x64xf32, #tpu.memory_space<vmem>>
      %dma_start3A_300 = arith.constant 0 : i32
      %dma_start3A_301 = arith.constant 0 : i32
      %dma_start3A_302 = tpu.memref_slice %arg2[%dma_start3A_300, %dma_start3A_301] : memref<1000000x64xf32, #tpu.memory_space<hbm>> -> memref<1000000x64xf32, #tpu.memory_space<hbm>>
      tpu.enqueue_indirect_dma source(%dma_start3A_302 : memref<1000000x64xf32, #tpu.memory_space<hbm>>) target(%dma_start3A_299 : memref<16x64xf32, #tpu.memory_space<vmem>>) offsets(%get3A_294 : vector<16xi32>) semaphore(%arg9 : memref<!tpu.dma_semaphore, #tpu.memory_space<semaphore_mem>>)
      %get3A_303 = arith.index_cast %select_n3A : i32 to index
      %get3A_304 = arith.index_cast %rem3A_218 : i32 to index
      %get3A_305 = arith.constant 112 : index
      %get3A_306 = tpu.vector_load %arg5[%get3A_303, %get3A_304, %get3A_305] {strides = array<i32>} : memref<25x8x128xi32, #tpu.memory_space<vmem>>, vector<16xi32>,
      %dma_start3A_307 = arith.constant 1 : i32
      %dma_start3A_308 = arith.constant 112 : i32
      %dma_start3A_309 = arith.constant 0 : i32
      %dma_start3A_310 = tpu.memref_slice %arg6[%dma_start3A_307, %dma_start3A_308, %dma_start3A_309] : memref<4x128x64xf32, #tpu.memory_space<vmem>> -> memref<1x16x64xf32, #tpu.memory_space<vmem>>
      %dma_start3A_311 = tpu.memref_squeeze %dma_start3A_310 : memref<1x16x64xf32, #tpu.memory_space<vmem>> -> memref<16x64xf32, #tpu.memory_space<vmem>>
      %dma_start3A_312 = arith.constant 0 : i32
      %dma_start3A_313 = arith.constant 0 : i32
      %dma_start3A_314 = tpu.memref_slice %arg2[%dma_start3A_312, %dma_start3A_313] : memref<1000000x64xf32, #tpu.memory_space<hbm>> -> memref<1000000x64xf32, #tpu.memory_space<hbm>>
      tpu.enqueue_indirect_dma source(%dma_start3A_314 : memref<1000000x64xf32, #tpu.memory_space<hbm>>) target(%dma_start3A_311 : memref<16x64xf32, #tpu.memory_space<vmem>>) offsets(%get3A_306 : vector<16xi32>) semaphore(%arg9 : memref<!tpu.dma_semaphore, #tpu.memory_space<semaphore_mem>>)
      %ge3A = arith.constant 1 : i32
      %ge3A_315 = arith.cmpi sge, %scan3A_178, %ge3A : i32
      %convert_element_type3A = arith.extui %ge3A_315 : i1 to i32
      %cond3A = arith.constant 0 : i32
      %cond3A_316 = arith.cmpi ne, %convert_element_type3A, %cond3A : i32
      scf.if %cond3A_316 {
        %dma_wait3A_395 = arith.constant 0 : i32
        %dma_wait3A_396 = arith.constant 0 : i32
        %dma_wait3A_397 = arith.constant 0 : i32
        %dma_wait3A_398 = arith.constant 0 : i32
        %dma_wait3A_399 = arith.constant 0 : i32
        %dma_wait3A_400 = tpu.memref_slice %arg7[%dma_wait3A_395, %dma_wait3A_397, %dma_wait3A_398, %dma_wait3A_399] : memref<2x8x8x136xf32, #tpu.memory_space<vmem>> -> memref<1x8x8x128xf32, #tpu.memory_space<vmem>>
        %dma_wait3A_401 = tpu.memref_squeeze %dma_wait3A_400 : memref<1x8x8x128xf32, #tpu.memory_space<vmem>> -> memref<8x8x128xf32, #tpu.memory_space<vmem>>
        %dma_wait3A_402 = arith.constant 0 : i32
        %dma_wait3A_403 = arith.constant 0 : i32
        %dma_wait3A_404 = arith.constant 0 : i32
        %dma_wait3A_405 = tpu.memref_slice %arg4[%dma_wait3A_396, %dma_wait3A_402, %add3A, %dma_wait3A_403, %dma_wait3A_404] : memref<200x8x32x8x128xf32, #tpu.memory_space<hbm>> -> memref<1x8x1x8x128xf32, #tpu.memory_space<hbm>>
        %dma_wait3A_406 = tpu.memref_squeeze %dma_wait3A_405 : memref<1x8x1x8x128xf32, #tpu.memory_space<hbm>> -> memref<8x8x128xf32, #tpu.memory_space<hbm>>
        %dma_wait3A_407 = arith.constant 0 : i32
        %dma_wait3A_408 = arith.constant 0 : i32
        %dma_wait3A_409 = arith.constant 0 : i32
        %dma_wait3A_410 = tpu.memref_slice %arg4[%dma_wait3A_396, %dma_wait3A_407, %add3A, %dma_wait3A_408, %dma_wait3A_409] : memref<200x8x32x8x128xf32, #tpu.memory_space<hbm>> -> memref<1x8x1x8x128xf32, #tpu.memory_space<hbm>>
        %dma_wait3A_411 = tpu.memref_squeeze %dma_wait3A_410 : memref<1x8x1x8x128xf32, #tpu.memory_space<hbm>> -> memref<8x8x128xf32, #tpu.memory_space<hbm>>
        %dma_wait3A_412 = arith.constant 0 : i32
        %dma_wait3A_413 = arith.constant 0 : i32
        %dma_wait3A_414 = arith.constant 0 : i32
        %dma_wait3A_415 = tpu.memref_slice %arg7[%dma_wait3A_395, %dma_wait3A_412, %dma_wait3A_413, %dma_wait3A_414] : memref<2x8x8x136xf32, #tpu.memory_space<vmem>> -> memref<1x8x8x128xf32, #tpu.memory_space<vmem>>
        %dma_wait3A_416 = tpu.memref_squeeze %dma_wait3A_415 : memref<1x8x8x128xf32, #tpu.memory_space<vmem>> -> memref<8x8x128xf32, #tpu.memory_space<vmem>>
        tpu.wait_dma2 semaphore(%arg12 : memref<!tpu.dma_semaphore, #tpu.memory_space<semaphore_mem>>) src(%dma_wait3A_416 : memref<8x8x128xf32, #tpu.memory_space<vmem>>) dst(%dma_wait3A_411 : memref<8x8x128xf32, #tpu.memory_space<hbm>>)
      } else {
      }
      %scan3A_317 = arith.constant 0 : i32
      %scan3A_318 = arith.constant 0 : i32
      %scan3A_319 = arith.constant 8 : i32
      %scan3A_320 = arith.addi %scan3A_318, %scan3A_319 : i32
      %scan3A_321 = arith.constant 1 : i32
      scf.for %scan3A_395 = %scan3A_318 to %scan3A_320 step %scan3A_321  : i32 {
        %mul3A_396 = arith.constant 16 : i32
        %mul3A_397 = arith.muli %scan3A_395, %mul3A_396 : i32
        %add3A_398 = arith.constant 0 : i32
        %add3A_399 = arith.addi %mul3A_397, %add3A_398 : i32
        %add3A_400 = vector.broadcast %add3A_399 : i32 to vector<16xi32>
        %add3A_401 = arith.addi %sub3A, %add3A_400 : vector<16xi32>
        %get3A_402 = arith.constant 0 : i32
        %get3A_403 = arith.index_cast %get3A_402 : i32 to index
        %get3A_404 = arith.index_cast %add3A_399 : i32 to index
        %get3A_405 = arith.constant 0 : index
        %get3A_406 = tpu.vector_load %arg6[%get3A_403, %get3A_404, %get3A_405] {strides = array<i32>} : memref<4x128x64xf32, #tpu.memory_space<vmem>>, vector<16xf32>,
        %scatter3A = arith.constant 0 : i32
        %scatter3A_407 = arith.constant 0 : i32
        %scatter3A_408 = arith.constant 0 : i32
        %scatter3A_409 = arith.constant 0 : i32
        %scatter3A_410 = tpu.memref_slice %arg7[%scatter3A, %scatter3A_407, %scatter3A_408, %scatter3A_409] : memref<2x8x8x136xf32, #tpu.memory_space<vmem>> -> memref<1x8x8x136xf32, #tpu.memory_space<vmem>>
        %scatter3A_411 = tpu.memref_squeeze %scatter3A_410 : memref<1x8x8x136xf32, #tpu.memory_space<vmem>> -> memref<8x8x136xf32, #tpu.memory_space<vmem>>
        tpu.vector_store_idx %scatter3A_411[%add3A_5, %and3A_25, %add3A_401], %get3A_406 : memref<8x8x136xf32, #tpu.memory_space<vmem>>[vector<16xi32>, vector<16xi32>, vector<16xi32>], vector<16xf32>,
        %get3A_412 = arith.constant 0 : i32
        %get3A_413 = arith.index_cast %get3A_412 : i32 to index
        %get3A_414 = arith.index_cast %add3A_399 : i32 to index
        %get3A_415 = arith.constant 16 : index
        %get3A_416 = tpu.vector_load %arg6[%get3A_413, %get3A_414, %get3A_415] {strides = array<i32>} : memref<4x128x64xf32, #tpu.memory_space<vmem>>, vector<16xf32>,
        %scatter3A_417 = arith.constant 0 : i32
        %scatter3A_418 = arith.constant 0 : i32
        %scatter3A_419 = arith.constant 0 : i32
        %scatter3A_420 = arith.constant 0 : i32
        %scatter3A_421 = tpu.memref_slice %arg7[%scatter3A_417, %scatter3A_418, %scatter3A_419, %scatter3A_420] : memref<2x8x8x136xf32, #tpu.memory_space<vmem>> -> memref<1x8x8x136xf32, #tpu.memory_space<vmem>>
        %scatter3A_422 = tpu.memref_squeeze %scatter3A_421 : memref<1x8x8x136xf32, #tpu.memory_space<vmem>> -> memref<8x8x136xf32, #tpu.memory_space<vmem>>
        tpu.vector_store_idx %scatter3A_422[%add3A_11, %and3A_25, %add3A_401], %get3A_416 : memref<8x8x136xf32, #tpu.memory_space<vmem>>[vector<16xi32>, vector<16xi32>, vector<16xi32>], vector<16xf32>,
        %get3A_423 = arith.constant 0 : i32
        %get3A_424 = arith.index_cast %get3A_423 : i32 to index
        %get3A_425 = arith.index_cast %add3A_399 : i32 to index
        %get3A_426 = arith.constant 32 : index
        %get3A_427 = tpu.vector_load %arg6[%get3A_424, %get3A_425, %get3A_426] {strides = array<i32>} : memref<4x128x64xf32, #tpu.memory_space<vmem>>, vector<16xf32>,
        %scatter3A_428 = arith.constant 0 : i32
        %scatter3A_429 = arith.constant 0 : i32
        %scatter3A_430 = arith.constant 0 : i32
        %scatter3A_431 = arith.constant 0 : i32
        %scatter3A_432 = tpu.memref_slice %arg7[%scatter3A_428, %scatter3A_429, %scatter3A_430, %scatter3A_431] : memref<2x8x8x136xf32, #tpu.memory_space<vmem>> -> memref<1x8x8x136xf32, #tpu.memory_space<vmem>>
        %scatter3A_433 = tpu.memref_squeeze %scatter3A_432 : memref<1x8x8x136xf32, #tpu.memory_space<vmem>> -> memref<8x8x136xf32, #tpu.memory_space<vmem>>
        tpu.vector_store_idx %scatter3A_433[%add3A_17, %and3A_25, %add3A_401], %get3A_427 : memref<8x8x136xf32, #tpu.memory_space<vmem>>[vector<16xi32>, vector<16xi32>, vector<16xi32>], vector<16xf32>,
        %get3A_434 = arith.constant 0 : i32
        %get3A_435 = arith.index_cast %get3A_434 : i32 to index
        %get3A_436 = arith.index_cast %add3A_399 : i32 to index
        %get3A_437 = arith.constant 48 : index
        %get3A_438 = tpu.vector_load %arg6[%get3A_435, %get3A_436, %get3A_437] {strides = array<i32>} : memref<4x128x64xf32, #tpu.memory_space<vmem>>, vector<16xf32>,
        %scatter3A_439 = arith.constant 0 : i32
        %scatter3A_440 = arith.constant 0 : i32
        %scatter3A_441 = arith.constant 0 : i32
        %scatter3A_442 = arith.constant 0 : i32
        %scatter3A_443 = tpu.memref_slice %arg7[%scatter3A_439, %scatter3A_440, %scatter3A_441, %scatter3A_442] : memref<2x8x8x136xf32, #tpu.memory_space<vmem>> -> memref<1x8x8x136xf32, #tpu.memory_space<vmem>>
        %scatter3A_444 = tpu.memref_squeeze %scatter3A_443 : memref<1x8x8x136xf32, #tpu.memory_space<vmem>> -> memref<8x8x136xf32, #tpu.memory_space<vmem>>
        tpu.vector_store_idx %scatter3A_444[%add3A_23, %and3A_25, %add3A_401], %get3A_438 : memref<8x8x136xf32, #tpu.memory_space<vmem>>[vector<16xi32>, vector<16xi32>, vector<16xi32>], vector<16xf32>,
        %mul3A_445 = arith.constant 16 : i32
        %mul3A_446 = arith.muli %scan3A_395, %mul3A_445 : i32
        %add3A_447 = arith.constant 1 : i32
        %add3A_448 = arith.addi %mul3A_446, %add3A_447 : i32
        %add3A_449 = vector.broadcast %add3A_448 : i32 to vector<16xi32>
        %add3A_450 = arith.addi %sub3A, %add3A_449 : vector<16xi32>
        %get3A_451 = arith.constant 0 : i32
        %get3A_452 = arith.index_cast %get3A_451 : i32 to index
        %get3A_453 = arith.index_cast %add3A_448 : i32 to index
        %get3A_454 = arith.constant 0 : index
        %get3A_455 = tpu.vector_load %arg6[%get3A_452, %get3A_453, %get3A_454] {strides = array<i32>} : memref<4x128x64xf32, #tpu.memory_space<vmem>>, vector<16xf32>,
        %scatter3A_456 = arith.constant 0 : i32
        %scatter3A_457 = arith.constant 0 : i32
        %scatter3A_458 = arith.constant 0 : i32
        %scatter3A_459 = arith.constant 0 : i32
        %scatter3A_460 = tpu.memref_slice %arg7[%scatter3A_456, %scatter3A_457, %scatter3A_458, %scatter3A_459] : memref<2x8x8x136xf32, #tpu.memory_space<vmem>> -> memref<1x8x8x136xf32, #tpu.memory_space<vmem>>
        %scatter3A_461 = tpu.memref_squeeze %scatter3A_460 : memref<1x8x8x136xf32, #tpu.memory_space<vmem>> -> memref<8x8x136xf32, #tpu.memory_space<vmem>>
        tpu.vector_store_idx %scatter3A_461[%add3A_5, %and3A_25, %add3A_450], %get3A_455 : memref<8x8x136xf32, #tpu.memory_space<vmem>>[vector<16xi32>, vector<16xi32>, vector<16xi32>], vector<16xf32>,
        %get3A_462 = arith.constant 0 : i32
        %get3A_463 = arith.index_cast %get3A_462 : i32 to index
        %get3A_464 = arith.index_cast %add3A_448 : i32 to index
        %get3A_465 = arith.constant 16 : index
        %get3A_466 = tpu.vector_load %arg6[%get3A_463, %get3A_464, %get3A_465] {strides = array<i32>} : memref<4x128x64xf32, #tpu.memory_space<vmem>>, vector<16xf32>,
        %scatter3A_467 = arith.constant 0 : i32
        %scatter3A_468 = arith.constant 0 : i32
        %scatter3A_469 = arith.constant 0 : i32
        %scatter3A_470 = arith.constant 0 : i32
        %scatter3A_471 = tpu.memref_slice %arg7[%scatter3A_467, %scatter3A_468, %scatter3A_469, %scatter3A_470] : memref<2x8x8x136xf32, #tpu.memory_space<vmem>> -> memref<1x8x8x136xf32, #tpu.memory_space<vmem>>
        %scatter3A_472 = tpu.memref_squeeze %scatter3A_471 : memref<1x8x8x136xf32, #tpu.memory_space<vmem>> -> memref<8x8x136xf32, #tpu.memory_space<vmem>>
        tpu.vector_store_idx %scatter3A_472[%add3A_11, %and3A_25, %add3A_450], %get3A_466 : memref<8x8x136xf32, #tpu.memory_space<vmem>>[vector<16xi32>, vector<16xi32>, vector<16xi32>], vector<16xf32>,
        %get3A_473 = arith.constant 0 : i32
        %get3A_474 = arith.index_cast %get3A_473 : i32 to index
        %get3A_475 = arith.index_cast %add3A_448 : i32 to index
        %get3A_476 = arith.constant 32 : index
        %get3A_477 = tpu.vector_load %arg6[%get3A_474, %get3A_475, %get3A_476] {strides = array<i32>} : memref<4x128x64xf32, #tpu.memory_space<vmem>>, vector<16xf32>,
        %scatter3A_478 = arith.constant 0 : i32
        %scatter3A_479 = arith.constant 0 : i32
        %scatter3A_480 = arith.constant 0 : i32
        %scatter3A_481 = arith.constant 0 : i32
        %scatter3A_482 = tpu.memref_slice %arg7[%scatter3A_478, %scatter3A_479, %scatter3A_480, %scatter3A_481] : memref<2x8x8x136xf32, #tpu.memory_space<vmem>> -> memref<1x8x8x136xf32, #tpu.memory_space<vmem>>
        %scatter3A_483 = tpu.memref_squeeze %scatter3A_482 : memref<1x8x8x136xf32, #tpu.memory_space<vmem>> -> memref<8x8x136xf32, #tpu.memory_space<vmem>>
        tpu.vector_store_idx %scatter3A_483[%add3A_17, %and3A_25, %add3A_450], %get3A_477 : memref<8x8x136xf32, #tpu.memory_space<vmem>>[vector<16xi32>, vector<16xi32>, vector<16xi32>], vector<16xf32>,
        %get3A_484 = arith.constant 0 : i32
        %get3A_485 = arith.index_cast %get3A_484 : i32 to index
        %get3A_486 = arith.index_cast %add3A_448 : i32 to index
        %get3A_487 = arith.constant 48 : index
        %get3A_488 = tpu.vector_load %arg6[%get3A_485, %get3A_486, %get3A_487] {strides = array<i32>} : memref<4x128x64xf32, #tpu.memory_space<vmem>>, vector<16xf32>,
        %scatter3A_489 = arith.constant 0 : i32
        %scatter3A_490 = arith.constant 0 : i32
        %scatter3A_491 = arith.constant 0 : i32
        %scatter3A_492 = arith.constant 0 : i32
        %scatter3A_493 = tpu.memref_slice %arg7[%scatter3A_489, %scatter3A_490, %scatter3A_491, %scatter3A_492] : memref<2x8x8x136xf32, #tpu.memory_space<vmem>> -> memref<1x8x8x136xf32, #tpu.memory_space<vmem>>
        %scatter3A_494 = tpu.memref_squeeze %scatter3A_493 : memref<1x8x8x136xf32, #tpu.memory_space<vmem>> -> memref<8x8x136xf32, #tpu.memory_space<vmem>>
        tpu.vector_store_idx %scatter3A_494[%add3A_23, %and3A_25, %add3A_450], %get3A_488 : memref<8x8x136xf32, #tpu.memory_space<vmem>>[vector<16xi32>, vector<16xi32>, vector<16xi32>], vector<16xf32>,
        %mul3A_495 = arith.constant 16 : i32
        %mul3A_496 = arith.muli %scan3A_395, %mul3A_495 : i32
        %add3A_497 = arith.constant 2 : i32
        %add3A_498 = arith.addi %mul3A_496, %add3A_497 : i32
        %add3A_499 = vector.broadcast %add3A_498 : i32 to vector<16xi32>
        %add3A_500 = arith.addi %sub3A, %add3A_499 : vector<16xi32>
        %get3A_501 = arith.constant 0 : i32
        %get3A_502 = arith.index_cast %get3A_501 : i32 to index
        %get3A_503 = arith.index_cast %add3A_498 : i32 to index
        %get3A_504 = arith.constant 0 : index
        %get3A_505 = tpu.vector_load %arg6[%get3A_502, %get3A_503, %get3A_504] {strides = array<i32>} : memref<4x128x64xf32, #tpu.memory_space<vmem>>, vector<16xf32>,
        %scatter3A_506 = arith.constant 0 : i32
        %scatter3A_507 = arith.constant 0 : i32
        %scatter3A_508 = arith.constant 0 : i32
        %scatter3A_509 = arith.constant 0 : i32
        %scatter3A_510 = tpu.memref_slice %arg7[%scatter3A_506, %scatter3A_507, %scatter3A_508, %scatter3A_509] : memref<2x8x8x136xf32, #tpu.memory_space<vmem>> -> memref<1x8x8x136xf32, #tpu.memory_space<vmem>>
        %scatter3A_511 = tpu.memref_squeeze %scatter3A_510 : memref<1x8x8x136xf32, #tpu.memory_space<vmem>> -> memref<8x8x136xf32, #tpu.memory_space<vmem>>
        tpu.vector_store_idx %scatter3A_511[%add3A_5, %and3A_25, %add3A_500], %get3A_505 : memref<8x8x136xf32, #tpu.memory_space<vmem>>[vector<16xi32>, vector<16xi32>, vector<16xi32>], vector<16xf32>,
        %get3A_512 = arith.constant 0 : i32
        %get3A_513 = arith.index_cast %get3A_512 : i32 to index
        %get3A_514 = arith.index_cast %add3A_498 : i32 to index
        %get3A_515 = arith.constant 16 : index
        %get3A_516 = tpu.vector_load %arg6[%get3A_513, %get3A_514, %get3A_515] {strides = array<i32>} : memref<4x128x64xf32, #tpu.memory_space<vmem>>, vector<16xf32>,
        %scatter3A_517 = arith.constant 0 : i32
        %scatter3A_518 = arith.constant 0 : i32
        %scatter3A_519 = arith.constant 0 : i32
        %scatter3A_520 = arith.constant 0 : i32
        %scatter3A_521 = tpu.memref_slice %arg7[%scatter3A_517, %scatter3A_518, %scatter3A_519, %scatter3A_520] : memref<2x8x8x136xf32, #tpu.memory_space<vmem>> -> memref<1x8x8x136xf32, #tpu.memory_space<vmem>>
        %scatter3A_522 = tpu.memref_squeeze %scatter3A_521 : memref<1x8x8x136xf32, #tpu.memory_space<vmem>> -> memref<8x8x136xf32, #tpu.memory_space<vmem>>
        tpu.vector_store_idx %scatter3A_522[%add3A_11, %and3A_25, %add3A_500], %get3A_516 : memref<8x8x136xf32, #tpu.memory_space<vmem>>[vector<16xi32>, vector<16xi32>, vector<16xi32>], vector<16xf32>,
        %get3A_523 = arith.constant 0 : i32
        %get3A_524 = arith.index_cast %get3A_523 : i32 to index
        %get3A_525 = arith.index_cast %add3A_498 : i32 to index
        %get3A_526 = arith.constant 32 : index
        %get3A_527 = tpu.vector_load %arg6[%get3A_524, %get3A_525, %get3A_526] {strides = array<i32>} : memref<4x128x64xf32, #tpu.memory_space<vmem>>, vector<16xf32>,
        %scatter3A_528 = arith.constant 0 : i32
        %scatter3A_529 = arith.constant 0 : i32
        %scatter3A_530 = arith.constant 0 : i32
        %scatter3A_531 = arith.constant 0 : i32
        %scatter3A_532 = tpu.memref_slice %arg7[%scatter3A_528, %scatter3A_529, %scatter3A_530, %scatter3A_531] : memref<2x8x8x136xf32, #tpu.memory_space<vmem>> -> memref<1x8x8x136xf32, #tpu.memory_space<vmem>>
        %scatter3A_533 = tpu.memref_squeeze %scatter3A_532 : memref<1x8x8x136xf32, #tpu.memory_space<vmem>> -> memref<8x8x136xf32, #tpu.memory_space<vmem>>
        tpu.vector_store_idx %scatter3A_533[%add3A_17, %and3A_25, %add3A_500], %get3A_527 : memref<8x8x136xf32, #tpu.memory_space<vmem>>[vector<16xi32>, vector<16xi32>, vector<16xi32>], vector<16xf32>,
        %get3A_534 = arith.constant 0 : i32
        %get3A_535 = arith.index_cast %get3A_534 : i32 to index
        %get3A_536 = arith.index_cast %add3A_498 : i32 to index
        %get3A_537 = arith.constant 48 : index
        %get3A_538 = tpu.vector_load %arg6[%get3A_535, %get3A_536, %get3A_537] {strides = array<i32>} : memref<4x128x64xf32, #tpu.memory_space<vmem>>, vector<16xf32>,
        %scatter3A_539 = arith.constant 0 : i32
        %scatter3A_540 = arith.constant 0 : i32
        %scatter3A_541 = arith.constant 0 : i32
        %scatter3A_542 = arith.constant 0 : i32
        %scatter3A_543 = tpu.memref_slice %arg7[%scatter3A_539, %scatter3A_540, %scatter3A_541, %scatter3A_542] : memref<2x8x8x136xf32, #tpu.memory_space<vmem>> -> memref<1x8x8x136xf32, #tpu.memory_space<vmem>>
        %scatter3A_544 = tpu.memref_squeeze %scatter3A_543 : memref<1x8x8x136xf32, #tpu.memory_space<vmem>> -> memref<8x8x136xf32, #tpu.memory_space<vmem>>
        tpu.vector_store_idx %scatter3A_544[%add3A_23, %and3A_25, %add3A_500], %get3A_538 : memref<8x8x136xf32, #tpu.memory_space<vmem>>[vector<16xi32>, vector<16xi32>, vector<16xi32>], vector<16xf32>,
        %mul3A_545 = arith.constant 16 : i32
        %mul3A_546 = arith.muli %scan3A_395, %mul3A_545 : i32
        %add3A_547 = arith.constant 3 : i32
        %add3A_548 = arith.addi %mul3A_546, %add3A_547 : i32
        %add3A_549 = vector.broadcast %add3A_548 : i32 to vector<16xi32>
        %add3A_550 = arith.addi %sub3A, %add3A_549 : vector<16xi32>
        %get3A_551 = arith.constant 0 : i32
        %get3A_552 = arith.index_cast %get3A_551 : i32 to index
        %get3A_553 = arith.index_cast %add3A_548 : i32 to index
        %get3A_554 = arith.constant 0 : index
        %get3A_555 = tpu.vector_load %arg6[%get3A_552, %get3A_553, %get3A_554] {strides = array<i32>} : memref<4x128x64xf32, #tpu.memory_space<vmem>>, vector<16xf32>,
        %scatter3A_556 = arith.constant 0 : i32
        %scatter3A_557 = arith.constant 0 : i32
        %scatter3A_558 = arith.constant 0 : i32
        %scatter3A_559 = arith.constant 0 : i32
        %scatter3A_560 = tpu.memref_slice %arg7[%scatter3A_556, %scatter3A_557, %scatter3A_558, %scatter3A_559] : memref<2x8x8x136xf32, #tpu.memory_space<vmem>> -> memref<1x8x8x136xf32, #tpu.memory_space<vmem>>
        %scatter3A_561 = tpu.memref_squeeze %scatter3A_560 : memref<1x8x8x136xf32, #tpu.memory_space<vmem>> -> memref<8x8x136xf32, #tpu.memory_space<vmem>>
        tpu.vector_store_idx %scatter3A_561[%add3A_5, %and3A_25, %add3A_550], %get3A_555 : memref<8x8x136xf32, #tpu.memory_space<vmem>>[vector<16xi32>, vector<16xi32>, vector<16xi32>], vector<16xf32>,
        %get3A_562 = arith.constant 0 : i32
        %get3A_563 = arith.index_cast %get3A_562 : i32 to index
        %get3A_564 = arith.index_cast %add3A_548 : i32 to index
        %get3A_565 = arith.constant 16 : index
        %get3A_566 = tpu.vector_load %arg6[%get3A_563, %get3A_564, %get3A_565] {strides = array<i32>} : memref<4x128x64xf32, #tpu.memory_space<vmem>>, vector<16xf32>,
        %scatter3A_567 = arith.constant 0 : i32
        %scatter3A_568 = arith.constant 0 : i32
        %scatter3A_569 = arith.constant 0 : i32
        %scatter3A_570 = arith.constant 0 : i32
        %scatter3A_571 = tpu.memref_slice %arg7[%scatter3A_567, %scatter3A_568, %scatter3A_569, %scatter3A_570] : memref<2x8x8x136xf32, #tpu.memory_space<vmem>> -> memref<1x8x8x136xf32, #tpu.memory_space<vmem>>
        %scatter3A_572 = tpu.memref_squeeze %scatter3A_571 : memref<1x8x8x136xf32, #tpu.memory_space<vmem>> -> memref<8x8x136xf32, #tpu.memory_space<vmem>>
        tpu.vector_store_idx %scatter3A_572[%add3A_11, %and3A_25, %add3A_550], %get3A_566 : memref<8x8x136xf32, #tpu.memory_space<vmem>>[vector<16xi32>, vector<16xi32>, vector<16xi32>], vector<16xf32>,
        %get3A_573 = arith.constant 0 : i32
        %get3A_574 = arith.index_cast %get3A_573 : i32 to index
        %get3A_575 = arith.index_cast %add3A_548 : i32 to index
        %get3A_576 = arith.constant 32 : index
        %get3A_577 = tpu.vector_load %arg6[%get3A_574, %get3A_575, %get3A_576] {strides = array<i32>} : memref<4x128x64xf32, #tpu.memory_space<vmem>>, vector<16xf32>,
        %scatter3A_578 = arith.constant 0 : i32
        %scatter3A_579 = arith.constant 0 : i32
        %scatter3A_580 = arith.constant 0 : i32
        %scatter3A_581 = arith.constant 0 : i32
        %scatter3A_582 = tpu.memref_slice %arg7[%scatter3A_578, %scatter3A_579, %scatter3A_580, %scatter3A_581] : memref<2x8x8x136xf32, #tpu.memory_space<vmem>> -> memref<1x8x8x136xf32, #tpu.memory_space<vmem>>
        %scatter3A_583 = tpu.memref_squeeze %scatter3A_582 : memref<1x8x8x136xf32, #tpu.memory_space<vmem>> -> memref<8x8x136xf32, #tpu.memory_space<vmem>>
        tpu.vector_store_idx %scatter3A_583[%add3A_17, %and3A_25, %add3A_550], %get3A_577 : memref<8x8x136xf32, #tpu.memory_space<vmem>>[vector<16xi32>, vector<16xi32>, vector<16xi32>], vector<16xf32>,
        %get3A_584 = arith.constant 0 : i32
        %get3A_585 = arith.index_cast %get3A_584 : i32 to index
        %get3A_586 = arith.index_cast %add3A_548 : i32 to index
        %get3A_587 = arith.constant 48 : index
        %get3A_588 = tpu.vector_load %arg6[%get3A_585, %get3A_586, %get3A_587] {strides = array<i32>} : memref<4x128x64xf32, #tpu.memory_space<vmem>>, vector<16xf32>,
        %scatter3A_589 = arith.constant 0 : i32
        %scatter3A_590 = arith.constant 0 : i32
        %scatter3A_591 = arith.constant 0 : i32
        %scatter3A_592 = arith.constant 0 : i32
        %scatter3A_593 = tpu.memref_slice %arg7[%scatter3A_589, %scatter3A_590, %scatter3A_591, %scatter3A_592] : memref<2x8x8x136xf32, #tpu.memory_space<vmem>> -> memref<1x8x8x136xf32, #tpu.memory_space<vmem>>
        %scatter3A_594 = tpu.memref_squeeze %scatter3A_593 : memref<1x8x8x136xf32, #tpu.memory_space<vmem>> -> memref<8x8x136xf32, #tpu.memory_space<vmem>>
        tpu.vector_store_idx %scatter3A_594[%add3A_23, %and3A_25, %add3A_550], %get3A_588 : memref<8x8x136xf32, #tpu.memory_space<vmem>>[vector<16xi32>, vector<16xi32>, vector<16xi32>], vector<16xf32>,
        %mul3A_595 = arith.constant 16 : i32
        %mul3A_596 = arith.muli %scan3A_395, %mul3A_595 : i32
        %add3A_597 = arith.constant 4 : i32
        %add3A_598 = arith.addi %mul3A_596, %add3A_597 : i32
        %add3A_599 = vector.broadcast %add3A_598 : i32 to vector<16xi32>
        %add3A_600 = arith.addi %sub3A, %add3A_599 : vector<16xi32>
        %get3A_601 = arith.constant 0 : i32
        %get3A_602 = arith.index_cast %get3A_601 : i32 to index
        %get3A_603 = arith.index_cast %add3A_598 : i32 to index
        %get3A_604 = arith.constant 0 : index
        %get3A_605 = tpu.vector_load %arg6[%get3A_602, %get3A_603, %get3A_604] {strides = array<i32>} : memref<4x128x64xf32, #tpu.memory_space<vmem>>, vector<16xf32>,
        %scatter3A_606 = arith.constant 0 : i32
        %scatter3A_607 = arith.constant 0 : i32
        %scatter3A_608 = arith.constant 0 : i32
        %scatter3A_609 = arith.constant 0 : i32
        %scatter3A_610 = tpu.memref_slice %arg7[%scatter3A_606, %scatter3A_607, %scatter3A_608, %scatter3A_609] : memref<2x8x8x136xf32, #tpu.memory_space<vmem>> -> memref<1x8x8x136xf32, #tpu.memory_space<vmem>>
        %scatter3A_611 = tpu.memref_squeeze %scatter3A_610 : memref<1x8x8x136xf32, #tpu.memory_space<vmem>> -> memref<8x8x136xf32, #tpu.memory_space<vmem>>
        tpu.vector_store_idx %scatter3A_611[%add3A_5, %and3A_25, %add3A_600], %get3A_605 : memref<8x8x136xf32, #tpu.memory_space<vmem>>[vector<16xi32>, vector<16xi32>, vector<16xi32>], vector<16xf32>,
        %get3A_612 = arith.constant 0 : i32
        %get3A_613 = arith.index_cast %get3A_612 : i32 to index
        %get3A_614 = arith.index_cast %add3A_598 : i32 to index
        %get3A_615 = arith.constant 16 : index
        %get3A_616 = tpu.vector_load %arg6[%get3A_613, %get3A_614, %get3A_615] {strides = array<i32>} : memref<4x128x64xf32, #tpu.memory_space<vmem>>, vector<16xf32>,
        %scatter3A_617 = arith.constant 0 : i32
        %scatter3A_618 = arith.constant 0 : i32
        %scatter3A_619 = arith.constant 0 : i32
        %scatter3A_620 = arith.constant 0 : i32
        %scatter3A_621 = tpu.memref_slice %arg7[%scatter3A_617, %scatter3A_618, %scatter3A_619, %scatter3A_620] : memref<2x8x8x136xf32, #tpu.memory_space<vmem>> -> memref<1x8x8x136xf32, #tpu.memory_space<vmem>>
        %scatter3A_622 = tpu.memref_squeeze %scatter3A_621 : memref<1x8x8x136xf32, #tpu.memory_space<vmem>> -> memref<8x8x136xf32, #tpu.memory_space<vmem>>
        tpu.vector_store_idx %scatter3A_622[%add3A_11, %and3A_25, %add3A_600], %get3A_616 : memref<8x8x136xf32, #tpu.memory_space<vmem>>[vector<16xi32>, vector<16xi32>, vector<16xi32>], vector<16xf32>,
        %get3A_623 = arith.constant 0 : i32
        %get3A_624 = arith.index_cast %get3A_623 : i32 to index
        %get3A_625 = arith.index_cast %add3A_598 : i32 to index
        %get3A_626 = arith.constant 32 : index
        %get3A_627 = tpu.vector_load %arg6[%get3A_624, %get3A_625, %get3A_626] {strides = array<i32>} : memref<4x128x64xf32, #tpu.memory_space<vmem>>, vector<16xf32>,
        %scatter3A_628 = arith.constant 0 : i32
        %scatter3A_629 = arith.constant 0 : i32
        %scatter3A_630 = arith.constant 0 : i32
        %scatter3A_631 = arith.constant 0 : i32
        %scatter3A_632 = tpu.memref_slice %arg7[%scatter3A_628, %scatter3A_629, %scatter3A_630, %scatter3A_631] : memref<2x8x8x136xf32, #tpu.memory_space<vmem>> -> memref<1x8x8x136xf32, #tpu.memory_space<vmem>>
        %scatter3A_633 = tpu.memref_squeeze %scatter3A_632 : memref<1x8x8x136xf32, #tpu.memory_space<vmem>> -> memref<8x8x136xf32, #tpu.memory_space<vmem>>
        tpu.vector_store_idx %scatter3A_633[%add3A_17, %and3A_25, %add3A_600], %get3A_627 : memref<8x8x136xf32, #tpu.memory_space<vmem>>[vector<16xi32>, vector<16xi32>, vector<16xi32>], vector<16xf32>,
        %get3A_634 = arith.constant 0 : i32
        %get3A_635 = arith.index_cast %get3A_634 : i32 to index
        %get3A_636 = arith.index_cast %add3A_598 : i32 to index
        %get3A_637 = arith.constant 48 : index
        %get3A_638 = tpu.vector_load %arg6[%get3A_635, %get3A_636, %get3A_637] {strides = array<i32>} : memref<4x128x64xf32, #tpu.memory_space<vmem>>, vector<16xf32>,
        %scatter3A_639 = arith.constant 0 : i32
        %scatter3A_640 = arith.constant 0 : i32
        %scatter3A_641 = arith.constant 0 : i32
        %scatter3A_642 = arith.constant 0 : i32
        %scatter3A_643 = tpu.memref_slice %arg7[%scatter3A_639, %scatter3A_640, %scatter3A_641, %scatter3A_642] : memref<2x8x8x136xf32, #tpu.memory_space<vmem>> -> memref<1x8x8x136xf32, #tpu.memory_space<vmem>>
        %scatter3A_644 = tpu.memref_squeeze %scatter3A_643 : memref<1x8x8x136xf32, #tpu.memory_space<vmem>> -> memref<8x8x136xf32, #tpu.memory_space<vmem>>
        tpu.vector_store_idx %scatter3A_644[%add3A_23, %and3A_25, %add3A_600], %get3A_638 : memref<8x8x136xf32, #tpu.memory_space<vmem>>[vector<16xi32>, vector<16xi32>, vector<16xi32>], vector<16xf32>,
        %mul3A_645 = arith.constant 16 : i32
        %mul3A_646 = arith.muli %scan3A_395, %mul3A_645 : i32
        %add3A_647 = arith.constant 5 : i32
        %add3A_648 = arith.addi %mul3A_646, %add3A_647 : i32
        %add3A_649 = vector.broadcast %add3A_648 : i32 to vector<16xi32>
        %add3A_650 = arith.addi %sub3A, %add3A_649 : vector<16xi32>
        %get3A_651 = arith.constant 0 : i32
        %get3A_652 = arith.index_cast %get3A_651 : i32 to index
        %get3A_653 = arith.index_cast %add3A_648 : i32 to index
        %get3A_654 = arith.constant 0 : index
        %get3A_655 = tpu.vector_load %arg6[%get3A_652, %get3A_653, %get3A_654] {strides = array<i32>} : memref<4x128x64xf32, #tpu.memory_space<vmem>>, vector<16xf32>,
        %scatter3A_656 = arith.constant 0 : i32
        %scatter3A_657 = arith.constant 0 : i32
        %scatter3A_658 = arith.constant 0 : i32
        %scatter3A_659 = arith.constant 0 : i32
        %scatter3A_660 = tpu.memref_slice %arg7[%scatter3A_656, %scatter3A_657, %scatter3A_658, %scatter3A_659] : memref<2x8x8x136xf32, #tpu.memory_space<vmem>> -> memref<1x8x8x136xf32, #tpu.memory_space<vmem>>
        %scatter3A_661 = tpu.memref_squeeze %scatter3A_660 : memref<1x8x8x136xf32, #tpu.memory_space<vmem>> -> memref<8x8x136xf32, #tpu.memory_space<vmem>>
        tpu.vector_store_idx %scatter3A_661[%add3A_5, %and3A_25, %add3A_650], %get3A_655 : memref<8x8x136xf32, #tpu.memory_space<vmem>>[vector<16xi32>, vector<16xi32>, vector<16xi32>], vector<16xf32>,
        %get3A_662 = arith.constant 0 : i32
        %get3A_663 = arith.index_cast %get3A_662 : i32 to index
        %get3A_664 = arith.index_cast %add3A_648 : i32 to index
        %get3A_665 = arith.constant 16 : index
        %get3A_666 = tpu.vector_load %arg6[%get3A_663, %get3A_664, %get3A_665] {strides = array<i32>} : memref<4x128x64xf32, #tpu.memory_space<vmem>>, vector<16xf32>,
        %scatter3A_667 = arith.constant 0 : i32
        %scatter3A_668 = arith.constant 0 : i32
        %scatter3A_669 = arith.constant 0 : i32
        %scatter3A_670 = arith.constant 0 : i32
        %scatter3A_671 = tpu.memref_slice %arg7[%scatter3A_667, %scatter3A_668, %scatter3A_669, %scatter3A_670] : memref<2x8x8x136xf32, #tpu.memory_space<vmem>> -> memref<1x8x8x136xf32, #tpu.memory_space<vmem>>
        %scatter3A_672 = tpu.memref_squeeze %scatter3A_671 : memref<1x8x8x136xf32, #tpu.memory_space<vmem>> -> memref<8x8x136xf32, #tpu.memory_space<vmem>>
        tpu.vector_store_idx %scatter3A_672[%add3A_11, %and3A_25, %add3A_650], %get3A_666 : memref<8x8x136xf32, #tpu.memory_space<vmem>>[vector<16xi32>, vector<16xi32>, vector<16xi32>], vector<16xf32>,
        %get3A_673 = arith.constant 0 : i32
        %get3A_674 = arith.index_cast %get3A_673 : i32 to index
        %get3A_675 = arith.index_cast %add3A_648 : i32 to index
        %get3A_676 = arith.constant 32 : index
        %get3A_677 = tpu.vector_load %arg6[%get3A_674, %get3A_675, %get3A_676] {strides = array<i32>} : memref<4x128x64xf32, #tpu.memory_space<vmem>>, vector<16xf32>,
        %scatter3A_678 = arith.constant 0 : i32
        %scatter3A_679 = arith.constant 0 : i32
        %scatter3A_680 = arith.constant 0 : i32
        %scatter3A_681 = arith.constant 0 : i32
        %scatter3A_682 = tpu.memref_slice %arg7[%scatter3A_678, %scatter3A_679, %scatter3A_680, %scatter3A_681] : memref<2x8x8x136xf32, #tpu.memory_space<vmem>> -> memref<1x8x8x136xf32, #tpu.memory_space<vmem>>
        %scatter3A_683 = tpu.memref_squeeze %scatter3A_682 : memref<1x8x8x136xf32, #tpu.memory_space<vmem>> -> memref<8x8x136xf32, #tpu.memory_space<vmem>>
        tpu.vector_store_idx %scatter3A_683[%add3A_17, %and3A_25, %add3A_650], %get3A_677 : memref<8x8x136xf32, #tpu.memory_space<vmem>>[vector<16xi32>, vector<16xi32>, vector<16xi32>], vector<16xf32>,
        %get3A_684 = arith.constant 0 : i32
        %get3A_685 = arith.index_cast %get3A_684 : i32 to index
        %get3A_686 = arith.index_cast %add3A_648 : i32 to index
        %get3A_687 = arith.constant 48 : index
        %get3A_688 = tpu.vector_load %arg6[%get3A_685, %get3A_686, %get3A_687] {strides = array<i32>} : memref<4x128x64xf32, #tpu.memory_space<vmem>>, vector<16xf32>,
        %scatter3A_689 = arith.constant 0 : i32
        %scatter3A_690 = arith.constant 0 : i32
        %scatter3A_691 = arith.constant 0 : i32
        %scatter3A_692 = arith.constant 0 : i32
        %scatter3A_693 = tpu.memref_slice %arg7[%scatter3A_689, %scatter3A_690, %scatter3A_691, %scatter3A_692] : memref<2x8x8x136xf32, #tpu.memory_space<vmem>> -> memref<1x8x8x136xf32, #tpu.memory_space<vmem>>
        %scatter3A_694 = tpu.memref_squeeze %scatter3A_693 : memref<1x8x8x136xf32, #tpu.memory_space<vmem>> -> memref<8x8x136xf32, #tpu.memory_space<vmem>>
        tpu.vector_store_idx %scatter3A_694[%add3A_23, %and3A_25, %add3A_650], %get3A_688 : memref<8x8x136xf32, #tpu.memory_space<vmem>>[vector<16xi32>, vector<16xi32>, vector<16xi32>], vector<16xf32>,
        %mul3A_695 = arith.constant 16 : i32
        %mul3A_696 = arith.muli %scan3A_395, %mul3A_695 : i32
        %add3A_697 = arith.constant 6 : i32
        %add3A_698 = arith.addi %mul3A_696, %add3A_697 : i32
        %add3A_699 = vector.broadcast %add3A_698 : i32 to vector<16xi32>
        %add3A_700 = arith.addi %sub3A, %add3A_699 : vector<16xi32>
        %get3A_701 = arith.constant 0 : i32
        %get3A_702 = arith.index_cast %get3A_701 : i32 to index
        %get3A_703 = arith.index_cast %add3A_698 : i32 to index
        %get3A_704 = arith.constant 0 : index
        %get3A_705 = tpu.vector_load %arg6[%get3A_702, %get3A_703, %get3A_704] {strides = array<i32>} : memref<4x128x64xf32, #tpu.memory_space<vmem>>, vector<16xf32>,
        %scatter3A_706 = arith.constant 0 : i32
        %scatter3A_707 = arith.constant 0 : i32
        %scatter3A_708 = arith.constant 0 : i32
        %scatter3A_709 = arith.constant 0 : i32
        %scatter3A_710 = tpu.memref_slice %arg7[%scatter3A_706, %scatter3A_707, %scatter3A_708, %scatter3A_709] : memref<2x8x8x136xf32, #tpu.memory_space<vmem>> -> memref<1x8x8x136xf32, #tpu.memory_space<vmem>>
        %scatter3A_711 = tpu.memref_squeeze %scatter3A_710 : memref<1x8x8x136xf32, #tpu.memory_space<vmem>> -> memref<8x8x136xf32, #tpu.memory_space<vmem>>
        tpu.vector_store_idx %scatter3A_711[%add3A_5, %and3A_25, %add3A_700], %get3A_705 : memref<8x8x136xf32, #tpu.memory_space<vmem>>[vector<16xi32>, vector<16xi32>, vector<16xi32>], vector<16xf32>,
        %get3A_712 = arith.constant 0 : i32
        %get3A_713 = arith.index_cast %get3A_712 : i32 to index
        %get3A_714 = arith.index_cast %add3A_698 : i32 to index
        %get3A_715 = arith.constant 16 : index
        %get3A_716 = tpu.vector_load %arg6[%get3A_713, %get3A_714, %get3A_715] {strides = array<i32>} : memref<4x128x64xf32, #tpu.memory_space<vmem>>, vector<16xf32>,
        %scatter3A_717 = arith.constant 0 : i32
        %scatter3A_718 = arith.constant 0 : i32
        %scatter3A_719 = arith.constant 0 : i32
        %scatter3A_720 = arith.constant 0 : i32
        %scatter3A_721 = tpu.memref_slice %arg7[%scatter3A_717, %scatter3A_718, %scatter3A_719, %scatter3A_720] : memref<2x8x8x136xf32, #tpu.memory_space<vmem>> -> memref<1x8x8x136xf32, #tpu.memory_space<vmem>>
        %scatter3A_722 = tpu.memref_squeeze %scatter3A_721 : memref<1x8x8x136xf32, #tpu.memory_space<vmem>> -> memref<8x8x136xf32, #tpu.memory_space<vmem>>
        tpu.vector_store_idx %scatter3A_722[%add3A_11, %and3A_25, %add3A_700], %get3A_716 : memref<8x8x136xf32, #tpu.memory_space<vmem>>[vector<16xi32>, vector<16xi32>, vector<16xi32>], vector<16xf32>,
        %get3A_723 = arith.constant 0 : i32
        %get3A_724 = arith.index_cast %get3A_723 : i32 to index
        %get3A_725 = arith.index_cast %add3A_698 : i32 to index
        %get3A_726 = arith.constant 32 : index
        %get3A_727 = tpu.vector_load %arg6[%get3A_724, %get3A_725, %get3A_726] {strides = array<i32>} : memref<4x128x64xf32, #tpu.memory_space<vmem>>, vector<16xf32>,
        %scatter3A_728 = arith.constant 0 : i32
        %scatter3A_729 = arith.constant 0 : i32
        %scatter3A_730 = arith.constant 0 : i32
        %scatter3A_731 = arith.constant 0 : i32
        %scatter3A_732 = tpu.memref_slice %arg7[%scatter3A_728, %scatter3A_729, %scatter3A_730, %scatter3A_731] : memref<2x8x8x136xf32, #tpu.memory_space<vmem>> -> memref<1x8x8x136xf32, #tpu.memory_space<vmem>>
        %scatter3A_733 = tpu.memref_squeeze %scatter3A_732 : memref<1x8x8x136xf32, #tpu.memory_space<vmem>> -> memref<8x8x136xf32, #tpu.memory_space<vmem>>
        tpu.vector_store_idx %scatter3A_733[%add3A_17, %and3A_25, %add3A_700], %get3A_727 : memref<8x8x136xf32, #tpu.memory_space<vmem>>[vector<16xi32>, vector<16xi32>, vector<16xi32>], vector<16xf32>,
        %get3A_734 = arith.constant 0 : i32
        %get3A_735 = arith.index_cast %get3A_734 : i32 to index
        %get3A_736 = arith.index_cast %add3A_698 : i32 to index
        %get3A_737 = arith.constant 48 : index
        %get3A_738 = tpu.vector_load %arg6[%get3A_735, %get3A_736, %get3A_737] {strides = array<i32>} : memref<4x128x64xf32, #tpu.memory_space<vmem>>, vector<16xf32>,
        %scatter3A_739 = arith.constant 0 : i32
        %scatter3A_740 = arith.constant 0 : i32
        %scatter3A_741 = arith.constant 0 : i32
        %scatter3A_742 = arith.constant 0 : i32
        %scatter3A_743 = tpu.memref_slice %arg7[%scatter3A_739, %scatter3A_740, %scatter3A_741, %scatter3A_742] : memref<2x8x8x136xf32, #tpu.memory_space<vmem>> -> memref<1x8x8x136xf32, #tpu.memory_space<vmem>>
        %scatter3A_744 = tpu.memref_squeeze %scatter3A_743 : memref<1x8x8x136xf32, #tpu.memory_space<vmem>> -> memref<8x8x136xf32, #tpu.memory_space<vmem>>
        tpu.vector_store_idx %scatter3A_744[%add3A_23, %and3A_25, %add3A_700], %get3A_738 : memref<8x8x136xf32, #tpu.memory_space<vmem>>[vector<16xi32>, vector<16xi32>, vector<16xi32>], vector<16xf32>,
        %mul3A_745 = arith.constant 16 : i32
        %mul3A_746 = arith.muli %scan3A_395, %mul3A_745 : i32
        %add3A_747 = arith.constant 7 : i32
        %add3A_748 = arith.addi %mul3A_746, %add3A_747 : i32
        %add3A_749 = vector.broadcast %add3A_748 : i32 to vector<16xi32>
        %add3A_750 = arith.addi %sub3A, %add3A_749 : vector<16xi32>
        %get3A_751 = arith.constant 0 : i32
        %get3A_752 = arith.index_cast %get3A_751 : i32 to index
        %get3A_753 = arith.index_cast %add3A_748 : i32 to index
        %get3A_754 = arith.constant 0 : index
        %get3A_755 = tpu.vector_load %arg6[%get3A_752, %get3A_753, %get3A_754] {strides = array<i32>} : memref<4x128x64xf32, #tpu.memory_space<vmem>>, vector<16xf32>,
        %scatter3A_756 = arith.constant 0 : i32
        %scatter3A_757 = arith.constant 0 : i32
        %scatter3A_758 = arith.constant 0 : i32
        %scatter3A_759 = arith.constant 0 : i32
        %scatter3A_760 = tpu.memref_slice %arg7[%scatter3A_756, %scatter3A_757, %scatter3A_758, %scatter3A_759] : memref<2x8x8x136xf32, #tpu.memory_space<vmem>> -> memref<1x8x8x136xf32, #tpu.memory_space<vmem>>
        %scatter3A_761 = tpu.memref_squeeze %scatter3A_760 : memref<1x8x8x136xf32, #tpu.memory_space<vmem>> -> memref<8x8x136xf32, #tpu.memory_space<vmem>>
        tpu.vector_store_idx %scatter3A_761[%add3A_5, %and3A_25, %add3A_750], %get3A_755 : memref<8x8x136xf32, #tpu.memory_space<vmem>>[vector<16xi32>, vector<16xi32>, vector<16xi32>], vector<16xf32>,
        %get3A_762 = arith.constant 0 : i32
        %get3A_763 = arith.index_cast %get3A_762 : i32 to index
        %get3A_764 = arith.index_cast %add3A_748 : i32 to index
        %get3A_765 = arith.constant 16 : index
        %get3A_766 = tpu.vector_load %arg6[%get3A_763, %get3A_764, %get3A_765] {strides = array<i32>} : memref<4x128x64xf32, #tpu.memory_space<vmem>>, vector<16xf32>,
        %scatter3A_767 = arith.constant 0 : i32
        %scatter3A_768 = arith.constant 0 : i32
        %scatter3A_769 = arith.constant 0 : i32
        %scatter3A_770 = arith.constant 0 : i32
        %scatter3A_771 = tpu.memref_slice %arg7[%scatter3A_767, %scatter3A_768, %scatter3A_769, %scatter3A_770] : memref<2x8x8x136xf32, #tpu.memory_space<vmem>> -> memref<1x8x8x136xf32, #tpu.memory_space<vmem>>
        %scatter3A_772 = tpu.memref_squeeze %scatter3A_771 : memref<1x8x8x136xf32, #tpu.memory_space<vmem>> -> memref<8x8x136xf32, #tpu.memory_space<vmem>>
        tpu.vector_store_idx %scatter3A_772[%add3A_11, %and3A_25, %add3A_750], %get3A_766 : memref<8x8x136xf32, #tpu.memory_space<vmem>>[vector<16xi32>, vector<16xi32>, vector<16xi32>], vector<16xf32>,
        %get3A_773 = arith.constant 0 : i32
        %get3A_774 = arith.index_cast %get3A_773 : i32 to index
        %get3A_775 = arith.index_cast %add3A_748 : i32 to index
        %get3A_776 = arith.constant 32 : index
        %get3A_777 = tpu.vector_load %arg6[%get3A_774, %get3A_775, %get3A_776] {strides = array<i32>} : memref<4x128x64xf32, #tpu.memory_space<vmem>>, vector<16xf32>,
        %scatter3A_778 = arith.constant 0 : i32
        %scatter3A_779 = arith.constant 0 : i32
        %scatter3A_780 = arith.constant 0 : i32
        %scatter3A_781 = arith.constant 0 : i32
        %scatter3A_782 = tpu.memref_slice %arg7[%scatter3A_778, %scatter3A_779, %scatter3A_780, %scatter3A_781] : memref<2x8x8x136xf32, #tpu.memory_space<vmem>> -> memref<1x8x8x136xf32, #tpu.memory_space<vmem>>
        %scatter3A_783 = tpu.memref_squeeze %scatter3A_782 : memref<1x8x8x136xf32, #tpu.memory_space<vmem>> -> memref<8x8x136xf32, #tpu.memory_space<vmem>>
        tpu.vector_store_idx %scatter3A_783[%add3A_17, %and3A_25, %add3A_750], %get3A_777 : memref<8x8x136xf32, #tpu.memory_space<vmem>>[vector<16xi32>, vector<16xi32>, vector<16xi32>], vector<16xf32>,
        %get3A_784 = arith.constant 0 : i32
        %get3A_785 = arith.index_cast %get3A_784 : i32 to index
        %get3A_786 = arith.index_cast %add3A_748 : i32 to index
        %get3A_787 = arith.constant 48 : index
        %get3A_788 = tpu.vector_load %arg6[%get3A_785, %get3A_786, %get3A_787] {strides = array<i32>} : memref<4x128x64xf32, #tpu.memory_space<vmem>>, vector<16xf32>,
        %scatter3A_789 = arith.constant 0 : i32
        %scatter3A_790 = arith.constant 0 : i32
        %scatter3A_791 = arith.constant 0 : i32
        %scatter3A_792 = arith.constant 0 : i32
        %scatter3A_793 = tpu.memref_slice %arg7[%scatter3A_789, %scatter3A_790, %scatter3A_791, %scatter3A_792] : memref<2x8x8x136xf32, #tpu.memory_space<vmem>> -> memref<1x8x8x136xf32, #tpu.memory_space<vmem>>
        %scatter3A_794 = tpu.memref_squeeze %scatter3A_793 : memref<1x8x8x136xf32, #tpu.memory_space<vmem>> -> memref<8x8x136xf32, #tpu.memory_space<vmem>>
        tpu.vector_store_idx %scatter3A_794[%add3A_23, %and3A_25, %add3A_750], %get3A_788 : memref<8x8x136xf32, #tpu.memory_space<vmem>>[vector<16xi32>, vector<16xi32>, vector<16xi32>], vector<16xf32>,
        %mul3A_795 = arith.constant 16 : i32
        %mul3A_796 = arith.muli %scan3A_395, %mul3A_795 : i32
        %add3A_797 = arith.constant 8 : i32
        %add3A_798 = arith.addi %mul3A_796, %add3A_797 : i32
        %add3A_799 = vector.broadcast %add3A_798 : i32 to vector<16xi32>
        %add3A_800 = arith.addi %sub3A, %add3A_799 : vector<16xi32>
        %get3A_801 = arith.constant 0 : i32
        %get3A_802 = arith.index_cast %get3A_801 : i32 to index
        %get3A_803 = arith.index_cast %add3A_798 : i32 to index
        %get3A_804 = arith.constant 0 : index
        %get3A_805 = tpu.vector_load %arg6[%get3A_802, %get3A_803, %get3A_804] {strides = array<i32>} : memref<4x128x64xf32, #tpu.memory_space<vmem>>, vector<16xf32>,
        %scatter3A_806 = arith.constant 0 : i32
        %scatter3A_807 = arith.constant 0 : i32
        %scatter3A_808 = arith.constant 0 : i32
        %scatter3A_809 = arith.constant 0 : i32
        %scatter3A_810 = tpu.memref_slice %arg7[%scatter3A_806, %scatter3A_807, %scatter3A_808, %scatter3A_809] : memref<2x8x8x136xf32, #tpu.memory_space<vmem>> -> memref<1x8x8x136xf32, #tpu.memory_space<vmem>>
        %scatter3A_811 = tpu.memref_squeeze %scatter3A_810 : memref<1x8x8x136xf32, #tpu.memory_space<vmem>> -> memref<8x8x136xf32, #tpu.memory_space<vmem>>
        tpu.vector_store_idx %scatter3A_811[%add3A_5, %and3A_25, %add3A_800], %get3A_805 : memref<8x8x136xf32, #tpu.memory_space<vmem>>[vector<16xi32>, vector<16xi32>, vector<16xi32>], vector<16xf32>,
        %get3A_812 = arith.constant 0 : i32
        %get3A_813 = arith.index_cast %get3A_812 : i32 to index
        %get3A_814 = arith.index_cast %add3A_798 : i32 to index
        %get3A_815 = arith.constant 16 : index
        %get3A_816 = tpu.vector_load %arg6[%get3A_813, %get3A_814, %get3A_815] {strides = array<i32>} : memref<4x128x64xf32, #tpu.memory_space<vmem>>, vector<16xf32>,
        %scatter3A_817 = arith.constant 0 : i32
        %scatter3A_818 = arith.constant 0 : i32
        %scatter3A_819 = arith.constant 0 : i32
        %scatter3A_820 = arith.constant 0 : i32
        %scatter3A_821 = tpu.memref_slice %arg7[%scatter3A_817, %scatter3A_818, %scatter3A_819, %scatter3A_820] : memref<2x8x8x136xf32, #tpu.memory_space<vmem>> -> memref<1x8x8x136xf32, #tpu.memory_space<vmem>>
        %scatter3A_822 = tpu.memref_squeeze %scatter3A_821 : memref<1x8x8x136xf32, #tpu.memory_space<vmem>> -> memref<8x8x136xf32, #tpu.memory_space<vmem>>
        tpu.vector_store_idx %scatter3A_822[%add3A_11, %and3A_25, %add3A_800], %get3A_816 : memref<8x8x136xf32, #tpu.memory_space<vmem>>[vector<16xi32>, vector<16xi32>, vector<16xi32>], vector<16xf32>,
        %get3A_823 = arith.constant 0 : i32
        %get3A_824 = arith.index_cast %get3A_823 : i32 to index
        %get3A_825 = arith.index_cast %add3A_798 : i32 to index
        %get3A_826 = arith.constant 32 : index
        %get3A_827 = tpu.vector_load %arg6[%get3A_824, %get3A_825, %get3A_826] {strides = array<i32>} : memref<4x128x64xf32, #tpu.memory_space<vmem>>, vector<16xf32>,
        %scatter3A_828 = arith.constant 0 : i32
        %scatter3A_829 = arith.constant 0 : i32
        %scatter3A_830 = arith.constant 0 : i32
        %scatter3A_831 = arith.constant 0 : i32
        %scatter3A_832 = tpu.memref_slice %arg7[%scatter3A_828, %scatter3A_829, %scatter3A_830, %scatter3A_831] : memref<2x8x8x136xf32, #tpu.memory_space<vmem>> -> memref<1x8x8x136xf32, #tpu.memory_space<vmem>>
        %scatter3A_833 = tpu.memref_squeeze %scatter3A_832 : memref<1x8x8x136xf32, #tpu.memory_space<vmem>> -> memref<8x8x136xf32, #tpu.memory_space<vmem>>
        tpu.vector_store_idx %scatter3A_833[%add3A_17, %and3A_25, %add3A_800], %get3A_827 : memref<8x8x136xf32, #tpu.memory_space<vmem>>[vector<16xi32>, vector<16xi32>, vector<16xi32>], vector<16xf32>,
        %get3A_834 = arith.constant 0 : i32
        %get3A_835 = arith.index_cast %get3A_834 : i32 to index
        %get3A_836 = arith.index_cast %add3A_798 : i32 to index
        %get3A_837 = arith.constant 48 : index
        %get3A_838 = tpu.vector_load %arg6[%get3A_835, %get3A_836, %get3A_837] {strides = array<i32>} : memref<4x128x64xf32, #tpu.memory_space<vmem>>, vector<16xf32>,
        %scatter3A_839 = arith.constant 0 : i32
        %scatter3A_840 = arith.constant 0 : i32
        %scatter3A_841 = arith.constant 0 : i32
        %scatter3A_842 = arith.constant 0 : i32
        %scatter3A_843 = tpu.memref_slice %arg7[%scatter3A_839, %scatter3A_840, %scatter3A_841, %scatter3A_842] : memref<2x8x8x136xf32, #tpu.memory_space<vmem>> -> memref<1x8x8x136xf32, #tpu.memory_space<vmem>>
        %scatter3A_844 = tpu.memref_squeeze %scatter3A_843 : memref<1x8x8x136xf32, #tpu.memory_space<vmem>> -> memref<8x8x136xf32, #tpu.memory_space<vmem>>
        tpu.vector_store_idx %scatter3A_844[%add3A_23, %and3A_25, %add3A_800], %get3A_838 : memref<8x8x136xf32, #tpu.memory_space<vmem>>[vector<16xi32>, vector<16xi32>, vector<16xi32>], vector<16xf32>,
        %mul3A_845 = arith.constant 16 : i32
        %mul3A_846 = arith.muli %scan3A_395, %mul3A_845 : i32
        %add3A_847 = arith.constant 9 : i32
        %add3A_848 = arith.addi %mul3A_846, %add3A_847 : i32
        %add3A_849 = vector.broadcast %add3A_848 : i32 to vector<16xi32>
        %add3A_850 = arith.addi %sub3A, %add3A_849 : vector<16xi32>
        %get3A_851 = arith.constant 0 : i32
        %get3A_852 = arith.index_cast %get3A_851 : i32 to index
        %get3A_853 = arith.index_cast %add3A_848 : i32 to index
        %get3A_854 = arith.constant 0 : index
        %get3A_855 = tpu.vector_load %arg6[%get3A_852, %get3A_853, %get3A_854] {strides = array<i32>} : memref<4x128x64xf32, #tpu.memory_space<vmem>>, vector<16xf32>,
        %scatter3A_856 = arith.constant 0 : i32
        %scatter3A_857 = arith.constant 0 : i32
        %scatter3A_858 = arith.constant 0 : i32
        %scatter3A_859 = arith.constant 0 : i32
        %scatter3A_860 = tpu.memref_slice %arg7[%scatter3A_856, %scatter3A_857, %scatter3A_858, %scatter3A_859] : memref<2x8x8x136xf32, #tpu.memory_space<vmem>> -> memref<1x8x8x136xf32, #tpu.memory_space<vmem>>
        %scatter3A_861 = tpu.memref_squeeze %scatter3A_860 : memref<1x8x8x136xf32, #tpu.memory_space<vmem>> -> memref<8x8x136xf32, #tpu.memory_space<vmem>>
        tpu.vector_store_idx %scatter3A_861[%add3A_5, %and3A_25, %add3A_850], %get3A_855 : memref<8x8x136xf32, #tpu.memory_space<vmem>>[vector<16xi32>, vector<16xi32>, vector<16xi32>], vector<16xf32>,
        %get3A_862 = arith.constant 0 : i32
        %get3A_863 = arith.index_cast %get3A_862 : i32 to index
        %get3A_864 = arith.index_cast %add3A_848 : i32 to index
        %get3A_865 = arith.constant 16 : index
        %get3A_866 = tpu.vector_load %arg6[%get3A_863, %get3A_864, %get3A_865] {strides = array<i32>} : memref<4x128x64xf32, #tpu.memory_space<vmem>>, vector<16xf32>,
        %scatter3A_867 = arith.constant 0 : i32
        %scatter3A_868 = arith.constant 0 : i32
        %scatter3A_869 = arith.constant 0 : i32
        %scatter3A_870 = arith.constant 0 : i32
        %scatter3A_871 = tpu.memref_slice %arg7[%scatter3A_867, %scatter3A_868, %scatter3A_869, %scatter3A_870] : memref<2x8x8x136xf32, #tpu.memory_space<vmem>> -> memref<1x8x8x136xf32, #tpu.memory_space<vmem>>
        %scatter3A_872 = tpu.memref_squeeze %scatter3A_871 : memref<1x8x8x136xf32, #tpu.memory_space<vmem>> -> memref<8x8x136xf32, #tpu.memory_space<vmem>>
        tpu.vector_store_idx %scatter3A_872[%add3A_11, %and3A_25, %add3A_850], %get3A_866 : memref<8x8x136xf32, #tpu.memory_space<vmem>>[vector<16xi32>, vector<16xi32>, vector<16xi32>], vector<16xf32>,
        %get3A_873 = arith.constant 0 : i32
        %get3A_874 = arith.index_cast %get3A_873 : i32 to index
        %get3A_875 = arith.index_cast %add3A_848 : i32 to index
        %get3A_876 = arith.constant 32 : index
        %get3A_877 = tpu.vector_load %arg6[%get3A_874, %get3A_875, %get3A_876] {strides = array<i32>} : memref<4x128x64xf32, #tpu.memory_space<vmem>>, vector<16xf32>,
        %scatter3A_878 = arith.constant 0 : i32
        %scatter3A_879 = arith.constant 0 : i32
        %scatter3A_880 = arith.constant 0 : i32
        %scatter3A_881 = arith.constant 0 : i32
        %scatter3A_882 = tpu.memref_slice %arg7[%scatter3A_878, %scatter3A_879, %scatter3A_880, %scatter3A_881] : memref<2x8x8x136xf32, #tpu.memory_space<vmem>> -> memref<1x8x8x136xf32, #tpu.memory_space<vmem>>
        %scatter3A_883 = tpu.memref_squeeze %scatter3A_882 : memref<1x8x8x136xf32, #tpu.memory_space<vmem>> -> memref<8x8x136xf32, #tpu.memory_space<vmem>>
        tpu.vector_store_idx %scatter3A_883[%add3A_17, %and3A_25, %add3A_850], %get3A_877 : memref<8x8x136xf32, #tpu.memory_space<vmem>>[vector<16xi32>, vector<16xi32>, vector<16xi32>], vector<16xf32>,
        %get3A_884 = arith.constant 0 : i32
        %get3A_885 = arith.index_cast %get3A_884 : i32 to index
        %get3A_886 = arith.index_cast %add3A_848 : i32 to index
        %get3A_887 = arith.constant 48 : index
        %get3A_888 = tpu.vector_load %arg6[%get3A_885, %get3A_886, %get3A_887] {strides = array<i32>} : memref<4x128x64xf32, #tpu.memory_space<vmem>>, vector<16xf32>,
        %scatter3A_889 = arith.constant 0 : i32
        %scatter3A_890 = arith.constant 0 : i32
        %scatter3A_891 = arith.constant 0 : i32
        %scatter3A_892 = arith.constant 0 : i32
        %scatter3A_893 = tpu.memref_slice %arg7[%scatter3A_889, %scatter3A_890, %scatter3A_891, %scatter3A_892] : memref<2x8x8x136xf32, #tpu.memory_space<vmem>> -> memref<1x8x8x136xf32, #tpu.memory_space<vmem>>
        %scatter3A_894 = tpu.memref_squeeze %scatter3A_893 : memref<1x8x8x136xf32, #tpu.memory_space<vmem>> -> memref<8x8x136xf32, #tpu.memory_space<vmem>>
        tpu.vector_store_idx %scatter3A_894[%add3A_23, %and3A_25, %add3A_850], %get3A_888 : memref<8x8x136xf32, #tpu.memory_space<vmem>>[vector<16xi32>, vector<16xi32>, vector<16xi32>], vector<16xf32>,
        %mul3A_895 = arith.constant 16 : i32
        %mul3A_896 = arith.muli %scan3A_395, %mul3A_895 : i32
        %add3A_897 = arith.constant 10 : i32
        %add3A_898 = arith.addi %mul3A_896, %add3A_897 : i32
        %add3A_899 = vector.broadcast %add3A_898 : i32 to vector<16xi32>
        %add3A_900 = arith.addi %sub3A, %add3A_899 : vector<16xi32>
        %get3A_901 = arith.constant 0 : i32
        %get3A_902 = arith.index_cast %get3A_901 : i32 to index
        %get3A_903 = arith.index_cast %add3A_898 : i32 to index
        %get3A_904 = arith.constant 0 : index
        %get3A_905 = tpu.vector_load %arg6[%get3A_902, %get3A_903, %get3A_904] {strides = array<i32>} : memref<4x128x64xf32, #tpu.memory_space<vmem>>, vector<16xf32>,
        %scatter3A_906 = arith.constant 0 : i32
        %scatter3A_907 = arith.constant 0 : i32
        %scatter3A_908 = arith.constant 0 : i32
        %scatter3A_909 = arith.constant 0 : i32
        %scatter3A_910 = tpu.memref_slice %arg7[%scatter3A_906, %scatter3A_907, %scatter3A_908, %scatter3A_909] : memref<2x8x8x136xf32, #tpu.memory_space<vmem>> -> memref<1x8x8x136xf32, #tpu.memory_space<vmem>>
        %scatter3A_911 = tpu.memref_squeeze %scatter3A_910 : memref<1x8x8x136xf32, #tpu.memory_space<vmem>> -> memref<8x8x136xf32, #tpu.memory_space<vmem>>
        tpu.vector_store_idx %scatter3A_911[%add3A_5, %and3A_25, %add3A_900], %get3A_905 : memref<8x8x136xf32, #tpu.memory_space<vmem>>[vector<16xi32>, vector<16xi32>, vector<16xi32>], vector<16xf32>,
        %get3A_912 = arith.constant 0 : i32
        %get3A_913 = arith.index_cast %get3A_912 : i32 to index
        %get3A_914 = arith.index_cast %add3A_898 : i32 to index
        %get3A_915 = arith.constant 16 : index
        %get3A_916 = tpu.vector_load %arg6[%get3A_913, %get3A_914, %get3A_915] {strides = array<i32>} : memref<4x128x64xf32, #tpu.memory_space<vmem>>, vector<16xf32>,
        %scatter3A_917 = arith.constant 0 : i32
        %scatter3A_918 = arith.constant 0 : i32
        %scatter3A_919 = arith.constant 0 : i32
        %scatter3A_920 = arith.constant 0 : i32
        %scatter3A_921 = tpu.memref_slice %arg7[%scatter3A_917, %scatter3A_918, %scatter3A_919, %scatter3A_920] : memref<2x8x8x136xf32, #tpu.memory_space<vmem>> -> memref<1x8x8x136xf32, #tpu.memory_space<vmem>>
        %scatter3A_922 = tpu.memref_squeeze %scatter3A_921 : memref<1x8x8x136xf32, #tpu.memory_space<vmem>> -> memref<8x8x136xf32, #tpu.memory_space<vmem>>
        tpu.vector_store_idx %scatter3A_922[%add3A_11, %and3A_25, %add3A_900], %get3A_916 : memref<8x8x136xf32, #tpu.memory_space<vmem>>[vector<16xi32>, vector<16xi32>, vector<16xi32>], vector<16xf32>,
        %get3A_923 = arith.constant 0 : i32
        %get3A_924 = arith.index_cast %get3A_923 : i32 to index
        %get3A_925 = arith.index_cast %add3A_898 : i32 to index
        %get3A_926 = arith.constant 32 : index
        %get3A_927 = tpu.vector_load %arg6[%get3A_924, %get3A_925, %get3A_926] {strides = array<i32>} : memref<4x128x64xf32, #tpu.memory_space<vmem>>, vector<16xf32>,
        %scatter3A_928 = arith.constant 0 : i32
        %scatter3A_929 = arith.constant 0 : i32
        %scatter3A_930 = arith.constant 0 : i32
        %scatter3A_931 = arith.constant 0 : i32
        %scatter3A_932 = tpu.memref_slice %arg7[%scatter3A_928, %scatter3A_929, %scatter3A_930, %scatter3A_931] : memref<2x8x8x136xf32, #tpu.memory_space<vmem>> -> memref<1x8x8x136xf32, #tpu.memory_space<vmem>>
        %scatter3A_933 = tpu.memref_squeeze %scatter3A_932 : memref<1x8x8x136xf32, #tpu.memory_space<vmem>> -> memref<8x8x136xf32, #tpu.memory_space<vmem>>
        tpu.vector_store_idx %scatter3A_933[%add3A_17, %and3A_25, %add3A_900], %get3A_927 : memref<8x8x136xf32, #tpu.memory_space<vmem>>[vector<16xi32>, vector<16xi32>, vector<16xi32>], vector<16xf32>,
        %get3A_934 = arith.constant 0 : i32
        %get3A_935 = arith.index_cast %get3A_934 : i32 to index
        %get3A_936 = arith.index_cast %add3A_898 : i32 to index
        %get3A_937 = arith.constant 48 : index
        %get3A_938 = tpu.vector_load %arg6[%get3A_935, %get3A_936, %get3A_937] {strides = array<i32>} : memref<4x128x64xf32, #tpu.memory_space<vmem>>, vector<16xf32>,
        %scatter3A_939 = arith.constant 0 : i32
        %scatter3A_940 = arith.constant 0 : i32
        %scatter3A_941 = arith.constant 0 : i32
        %scatter3A_942 = arith.constant 0 : i32
        %scatter3A_943 = tpu.memref_slice %arg7[%scatter3A_939, %scatter3A_940, %scatter3A_941, %scatter3A_942] : memref<2x8x8x136xf32, #tpu.memory_space<vmem>> -> memref<1x8x8x136xf32, #tpu.memory_space<vmem>>
        %scatter3A_944 = tpu.memref_squeeze %scatter3A_943 : memref<1x8x8x136xf32, #tpu.memory_space<vmem>> -> memref<8x8x136xf32, #tpu.memory_space<vmem>>
        tpu.vector_store_idx %scatter3A_944[%add3A_23, %and3A_25, %add3A_900], %get3A_938 : memref<8x8x136xf32, #tpu.memory_space<vmem>>[vector<16xi32>, vector<16xi32>, vector<16xi32>], vector<16xf32>,
        %mul3A_945 = arith.constant 16 : i32
        %mul3A_946 = arith.muli %scan3A_395, %mul3A_945 : i32
        %add3A_947 = arith.constant 11 : i32
        %add3A_948 = arith.addi %mul3A_946, %add3A_947 : i32
        %add3A_949 = vector.broadcast %add3A_948 : i32 to vector<16xi32>
        %add3A_950 = arith.addi %sub3A, %add3A_949 : vector<16xi32>
        %get3A_951 = arith.constant 0 : i32
        %get3A_952 = arith.index_cast %get3A_951 : i32 to index
        %get3A_953 = arith.index_cast %add3A_948 : i32 to index
        %get3A_954 = arith.constant 0 : index
        %get3A_955 = tpu.vector_load %arg6[%get3A_952, %get3A_953, %get3A_954] {strides = array<i32>} : memref<4x128x64xf32, #tpu.memory_space<vmem>>, vector<16xf32>,
        %scatter3A_956 = arith.constant 0 : i32
        %scatter3A_957 = arith.constant 0 : i32
        %scatter3A_958 = arith.constant 0 : i32
        %scatter3A_959 = arith.constant 0 : i32
        %scatter3A_960 = tpu.memref_slice %arg7[%scatter3A_956, %scatter3A_957, %scatter3A_958, %scatter3A_959] : memref<2x8x8x136xf32, #tpu.memory_space<vmem>> -> memref<1x8x8x136xf32, #tpu.memory_space<vmem>>
        %scatter3A_961 = tpu.memref_squeeze %scatter3A_960 : memref<1x8x8x136xf32, #tpu.memory_space<vmem>> -> memref<8x8x136xf32, #tpu.memory_space<vmem>>
        tpu.vector_store_idx %scatter3A_961[%add3A_5, %and3A_25, %add3A_950], %get3A_955 : memref<8x8x136xf32, #tpu.memory_space<vmem>>[vector<16xi32>, vector<16xi32>, vector<16xi32>], vector<16xf32>,
        %get3A_962 = arith.constant 0 : i32
        %get3A_963 = arith.index_cast %get3A_962 : i32 to index
        %get3A_964 = arith.index_cast %add3A_948 : i32 to index
        %get3A_965 = arith.constant 16 : index
        %get3A_966 = tpu.vector_load %arg6[%get3A_963, %get3A_964, %get3A_965] {strides = array<i32>} : memref<4x128x64xf32, #tpu.memory_space<vmem>>, vector<16xf32>,
        %scatter3A_967 = arith.constant 0 : i32
        %scatter3A_968 = arith.constant 0 : i32
        %scatter3A_969 = arith.constant 0 : i32
        %scatter3A_970 = arith.constant 0 : i32
        %scatter3A_971 = tpu.memref_slice %arg7[%scatter3A_967, %scatter3A_968, %scatter3A_969, %scatter3A_970] : memref<2x8x8x136xf32, #tpu.memory_space<vmem>> -> memref<1x8x8x136xf32, #tpu.memory_space<vmem>>
        %scatter3A_972 = tpu.memref_squeeze %scatter3A_971 : memref<1x8x8x136xf32, #tpu.memory_space<vmem>> -> memref<8x8x136xf32, #tpu.memory_space<vmem>>
        tpu.vector_store_idx %scatter3A_972[%add3A_11, %and3A_25, %add3A_950], %get3A_966 : memref<8x8x136xf32, #tpu.memory_space<vmem>>[vector<16xi32>, vector<16xi32>, vector<16xi32>], vector<16xf32>,
        %get3A_973 = arith.constant 0 : i32
        %get3A_974 = arith.index_cast %get3A_973 : i32 to index
        %get3A_975 = arith.index_cast %add3A_948 : i32 to index
        %get3A_976 = arith.constant 32 : index
        %get3A_977 = tpu.vector_load %arg6[%get3A_974, %get3A_975, %get3A_976] {strides = array<i32>} : memref<4x128x64xf32, #tpu.memory_space<vmem>>, vector<16xf32>,
        %scatter3A_978 = arith.constant 0 : i32
        %scatter3A_979 = arith.constant 0 : i32
        %scatter3A_980 = arith.constant 0 : i32
        %scatter3A_981 = arith.constant 0 : i32
        %scatter3A_982 = tpu.memref_slice %arg7[%scatter3A_978, %scatter3A_979, %scatter3A_980, %scatter3A_981] : memref<2x8x8x136xf32, #tpu.memory_space<vmem>> -> memref<1x8x8x136xf32, #tpu.memory_space<vmem>>
        %scatter3A_983 = tpu.memref_squeeze %scatter3A_982 : memref<1x8x8x136xf32, #tpu.memory_space<vmem>> -> memref<8x8x136xf32, #tpu.memory_space<vmem>>
        tpu.vector_store_idx %scatter3A_983[%add3A_17, %and3A_25, %add3A_950], %get3A_977 : memref<8x8x136xf32, #tpu.memory_space<vmem>>[vector<16xi32>, vector<16xi32>, vector<16xi32>], vector<16xf32>,
        %get3A_984 = arith.constant 0 : i32
        %get3A_985 = arith.index_cast %get3A_984 : i32 to index
        %get3A_986 = arith.index_cast %add3A_948 : i32 to index
        %get3A_987 = arith.constant 48 : index
        %get3A_988 = tpu.vector_load %arg6[%get3A_985, %get3A_986, %get3A_987] {strides = array<i32>} : memref<4x128x64xf32, #tpu.memory_space<vmem>>, vector<16xf32>,
        %scatter3A_989 = arith.constant 0 : i32
        %scatter3A_990 = arith.constant 0 : i32
        %scatter3A_991 = arith.constant 0 : i32
        %scatter3A_992 = arith.constant 0 : i32
        %scatter3A_993 = tpu.memref_slice %arg7[%scatter3A_989, %scatter3A_990, %scatter3A_991, %scatter3A_992] : memref<2x8x8x136xf32, #tpu.memory_space<vmem>> -> memref<1x8x8x136xf32, #tpu.memory_space<vmem>>
        %scatter3A_994 = tpu.memref_squeeze %scatter3A_993 : memref<1x8x8x136xf32, #tpu.memory_space<vmem>> -> memref<8x8x136xf32, #tpu.memory_space<vmem>>
        tpu.vector_store_idx %scatter3A_994[%add3A_23, %and3A_25, %add3A_950], %get3A_988 : memref<8x8x136xf32, #tpu.memory_space<vmem>>[vector<16xi32>, vector<16xi32>, vector<16xi32>], vector<16xf32>,
        %mul3A_995 = arith.constant 16 : i32
        %mul3A_996 = arith.muli %scan3A_395, %mul3A_995 : i32
        %add3A_997 = arith.constant 12 : i32
        %add3A_998 = arith.addi %mul3A_996, %add3A_997 : i32
        %add3A_999 = vector.broadcast %add3A_998 : i32 to vector<16xi32>
        %add3A_1000 = arith.addi %sub3A, %add3A_999 : vector<16xi32>
        %get3A_1001 = arith.constant 0 : i32
        %get3A_1002 = arith.index_cast %get3A_1001 : i32 to index
        %get3A_1003 = arith.index_cast %add3A_998 : i32 to index
        %get3A_1004 = arith.constant 0 : index
        %get3A_1005 = tpu.vector_load %arg6[%get3A_1002, %get3A_1003, %get3A_1004] {strides = array<i32>} : memref<4x128x64xf32, #tpu.memory_space<vmem>>, vector<16xf32>,
        %scatter3A_1006 = arith.constant 0 : i32
        %scatter3A_1007 = arith.constant 0 : i32
        %scatter3A_1008 = arith.constant 0 : i32
        %scatter3A_1009 = arith.constant 0 : i32
        %scatter3A_1010 = tpu.memref_slice %arg7[%scatter3A_1006, %scatter3A_1007, %scatter3A_1008, %scatter3A_1009] : memref<2x8x8x136xf32, #tpu.memory_space<vmem>> -> memref<1x8x8x136xf32, #tpu.memory_space<vmem>>
        %scatter3A_1011 = tpu.memref_squeeze %scatter3A_1010 : memref<1x8x8x136xf32, #tpu.memory_space<vmem>> -> memref<8x8x136xf32, #tpu.memory_space<vmem>>
        tpu.vector_store_idx %scatter3A_1011[%add3A_5, %and3A_25, %add3A_1000], %get3A_1005 : memref<8x8x136xf32, #tpu.memory_space<vmem>>[vector<16xi32>, vector<16xi32>, vector<16xi32>], vector<16xf32>,
        %get3A_1012 = arith.constant 0 : i32
        %get3A_1013 = arith.index_cast %get3A_1012 : i32 to index
        %get3A_1014 = arith.index_cast %add3A_998 : i32 to index
        %get3A_1015 = arith.constant 16 : index
        %get3A_1016 = tpu.vector_load %arg6[%get3A_1013, %get3A_1014, %get3A_1015] {strides = array<i32>} : memref<4x128x64xf32, #tpu.memory_space<vmem>>, vector<16xf32>,
        %scatter3A_1017 = arith.constant 0 : i32
        %scatter3A_1018 = arith.constant 0 : i32
        %scatter3A_1019 = arith.constant 0 : i32
        %scatter3A_1020 = arith.constant 0 : i32
        %scatter3A_1021 = tpu.memref_slice %arg7[%scatter3A_1017, %scatter3A_1018, %scatter3A_1019, %scatter3A_1020] : memref<2x8x8x136xf32, #tpu.memory_space<vmem>> -> memref<1x8x8x136xf32, #tpu.memory_space<vmem>>
        %scatter3A_1022 = tpu.memref_squeeze %scatter3A_1021 : memref<1x8x8x136xf32, #tpu.memory_space<vmem>> -> memref<8x8x136xf32, #tpu.memory_space<vmem>>
        tpu.vector_store_idx %scatter3A_1022[%add3A_11, %and3A_25, %add3A_1000], %get3A_1016 : memref<8x8x136xf32, #tpu.memory_space<vmem>>[vector<16xi32>, vector<16xi32>, vector<16xi32>], vector<16xf32>,
        %get3A_1023 = arith.constant 0 : i32
        %get3A_1024 = arith.index_cast %get3A_1023 : i32 to index
        %get3A_1025 = arith.index_cast %add3A_998 : i32 to index
        %get3A_1026 = arith.constant 32 : index
        %get3A_1027 = tpu.vector_load %arg6[%get3A_1024, %get3A_1025, %get3A_1026] {strides = array<i32>} : memref<4x128x64xf32, #tpu.memory_space<vmem>>, vector<16xf32>,
        %scatter3A_1028 = arith.constant 0 : i32
        %scatter3A_1029 = arith.constant 0 : i32
        %scatter3A_1030 = arith.constant 0 : i32
        %scatter3A_1031 = arith.constant 0 : i32
        %scatter3A_1032 = tpu.memref_slice %arg7[%scatter3A_1028, %scatter3A_1029, %scatter3A_1030, %scatter3A_1031] : memref<2x8x8x136xf32, #tpu.memory_space<vmem>> -> memref<1x8x8x136xf32, #tpu.memory_space<vmem>>
        %scatter3A_1033 = tpu.memref_squeeze %scatter3A_1032 : memref<1x8x8x136xf32, #tpu.memory_space<vmem>> -> memref<8x8x136xf32, #tpu.memory_space<vmem>>
        tpu.vector_store_idx %scatter3A_1033[%add3A_17, %and3A_25, %add3A_1000], %get3A_1027 : memref<8x8x136xf32, #tpu.memory_space<vmem>>[vector<16xi32>, vector<16xi32>, vector<16xi32>], vector<16xf32>,
        %get3A_1034 = arith.constant 0 : i32
        %get3A_1035 = arith.index_cast %get3A_1034 : i32 to index
        %get3A_1036 = arith.index_cast %add3A_998 : i32 to index
        %get3A_1037 = arith.constant 48 : index
        %get3A_1038 = tpu.vector_load %arg6[%get3A_1035, %get3A_1036, %get3A_1037] {strides = array<i32>} : memref<4x128x64xf32, #tpu.memory_space<vmem>>, vector<16xf32>,
        %scatter3A_1039 = arith.constant 0 : i32
        %scatter3A_1040 = arith.constant 0 : i32
        %scatter3A_1041 = arith.constant 0 : i32
        %scatter3A_1042 = arith.constant 0 : i32
        %scatter3A_1043 = tpu.memref_slice %arg7[%scatter3A_1039, %scatter3A_1040, %scatter3A_1041, %scatter3A_1042] : memref<2x8x8x136xf32, #tpu.memory_space<vmem>> -> memref<1x8x8x136xf32, #tpu.memory_space<vmem>>
        %scatter3A_1044 = tpu.memref_squeeze %scatter3A_1043 : memref<1x8x8x136xf32, #tpu.memory_space<vmem>> -> memref<8x8x136xf32, #tpu.memory_space<vmem>>
        tpu.vector_store_idx %scatter3A_1044[%add3A_23, %and3A_25, %add3A_1000], %get3A_1038 : memref<8x8x136xf32, #tpu.memory_space<vmem>>[vector<16xi32>, vector<16xi32>, vector<16xi32>], vector<16xf32>,
        %mul3A_1045 = arith.constant 16 : i32
        %mul3A_1046 = arith.muli %scan3A_395, %mul3A_1045 : i32
        %add3A_1047 = arith.constant 13 : i32
        %add3A_1048 = arith.addi %mul3A_1046, %add3A_1047 : i32
        %add3A_1049 = vector.broadcast %add3A_1048 : i32 to vector<16xi32>
        %add3A_1050 = arith.addi %sub3A, %add3A_1049 : vector<16xi32>
        %get3A_1051 = arith.constant 0 : i32
        %get3A_1052 = arith.index_cast %get3A_1051 : i32 to index
        %get3A_1053 = arith.index_cast %add3A_1048 : i32 to index
        %get3A_1054 = arith.constant 0 : index
        %get3A_1055 = tpu.vector_load %arg6[%get3A_1052, %get3A_1053, %get3A_1054] {strides = array<i32>} : memref<4x128x64xf32, #tpu.memory_space<vmem>>, vector<16xf32>,
        %scatter3A_1056 = arith.constant 0 : i32
        %scatter3A_1057 = arith.constant 0 : i32
        %scatter3A_1058 = arith.constant 0 : i32
        %scatter3A_1059 = arith.constant 0 : i32
        %scatter3A_1060 = tpu.memref_slice %arg7[%scatter3A_1056, %scatter3A_1057, %scatter3A_1058, %scatter3A_1059] : memref<2x8x8x136xf32, #tpu.memory_space<vmem>> -> memref<1x8x8x136xf32, #tpu.memory_space<vmem>>
        %scatter3A_1061 = tpu.memref_squeeze %scatter3A_1060 : memref<1x8x8x136xf32, #tpu.memory_space<vmem>> -> memref<8x8x136xf32, #tpu.memory_space<vmem>>
        tpu.vector_store_idx %scatter3A_1061[%add3A_5, %and3A_25, %add3A_1050], %get3A_1055 : memref<8x8x136xf32, #tpu.memory_space<vmem>>[vector<16xi32>, vector<16xi32>, vector<16xi32>], vector<16xf32>,
        %get3A_1062 = arith.constant 0 : i32
        %get3A_1063 = arith.index_cast %get3A_1062 : i32 to index
        %get3A_1064 = arith.index_cast %add3A_1048 : i32 to index
        %get3A_1065 = arith.constant 16 : index
        %get3A_1066 = tpu.vector_load %arg6[%get3A_1063, %get3A_1064, %get3A_1065] {strides = array<i32>} : memref<4x128x64xf32, #tpu.memory_space<vmem>>, vector<16xf32>,
        %scatter3A_1067 = arith.constant 0 : i32
        %scatter3A_1068 = arith.constant 0 : i32
        %scatter3A_1069 = arith.constant 0 : i32
        %scatter3A_1070 = arith.constant 0 : i32
        %scatter3A_1071 = tpu.memref_slice %arg7[%scatter3A_1067, %scatter3A_1068, %scatter3A_1069, %scatter3A_1070] : memref<2x8x8x136xf32, #tpu.memory_space<vmem>> -> memref<1x8x8x136xf32, #tpu.memory_space<vmem>>
        %scatter3A_1072 = tpu.memref_squeeze %scatter3A_1071 : memref<1x8x8x136xf32, #tpu.memory_space<vmem>> -> memref<8x8x136xf32, #tpu.memory_space<vmem>>
        tpu.vector_store_idx %scatter3A_1072[%add3A_11, %and3A_25, %add3A_1050], %get3A_1066 : memref<8x8x136xf32, #tpu.memory_space<vmem>>[vector<16xi32>, vector<16xi32>, vector<16xi32>], vector<16xf32>,
        %get3A_1073 = arith.constant 0 : i32
        %get3A_1074 = arith.index_cast %get3A_1073 : i32 to index
        %get3A_1075 = arith.index_cast %add3A_1048 : i32 to index
        %get3A_1076 = arith.constant 32 : index
        %get3A_1077 = tpu.vector_load %arg6[%get3A_1074, %get3A_1075, %get3A_1076] {strides = array<i32>} : memref<4x128x64xf32, #tpu.memory_space<vmem>>, vector<16xf32>,
        %scatter3A_1078 = arith.constant 0 : i32
        %scatter3A_1079 = arith.constant 0 : i32
        %scatter3A_1080 = arith.constant 0 : i32
        %scatter3A_1081 = arith.constant 0 : i32
        %scatter3A_1082 = tpu.memref_slice %arg7[%scatter3A_1078, %scatter3A_1079, %scatter3A_1080, %scatter3A_1081] : memref<2x8x8x136xf32, #tpu.memory_space<vmem>> -> memref<1x8x8x136xf32, #tpu.memory_space<vmem>>
        %scatter3A_1083 = tpu.memref_squeeze %scatter3A_1082 : memref<1x8x8x136xf32, #tpu.memory_space<vmem>> -> memref<8x8x136xf32, #tpu.memory_space<vmem>>
        tpu.vector_store_idx %scatter3A_1083[%add3A_17, %and3A_25, %add3A_1050], %get3A_1077 : memref<8x8x136xf32, #tpu.memory_space<vmem>>[vector<16xi32>, vector<16xi32>, vector<16xi32>], vector<16xf32>,
        %get3A_1084 = arith.constant 0 : i32
        %get3A_1085 = arith.index_cast %get3A_1084 : i32 to index
        %get3A_1086 = arith.index_cast %add3A_1048 : i32 to index
        %get3A_1087 = arith.constant 48 : index
        %get3A_1088 = tpu.vector_load %arg6[%get3A_1085, %get3A_1086, %get3A_1087] {strides = array<i32>} : memref<4x128x64xf32, #tpu.memory_space<vmem>>, vector<16xf32>,
        %scatter3A_1089 = arith.constant 0 : i32
        %scatter3A_1090 = arith.constant 0 : i32
        %scatter3A_1091 = arith.constant 0 : i32
        %scatter3A_1092 = arith.constant 0 : i32
        %scatter3A_1093 = tpu.memref_slice %arg7[%scatter3A_1089, %scatter3A_1090, %scatter3A_1091, %scatter3A_1092] : memref<2x8x8x136xf32, #tpu.memory_space<vmem>> -> memref<1x8x8x136xf32, #tpu.memory_space<vmem>>
        %scatter3A_1094 = tpu.memref_squeeze %scatter3A_1093 : memref<1x8x8x136xf32, #tpu.memory_space<vmem>> -> memref<8x8x136xf32, #tpu.memory_space<vmem>>
        tpu.vector_store_idx %scatter3A_1094[%add3A_23, %and3A_25, %add3A_1050], %get3A_1088 : memref<8x8x136xf32, #tpu.memory_space<vmem>>[vector<16xi32>, vector<16xi32>, vector<16xi32>], vector<16xf32>,
        %mul3A_1095 = arith.constant 16 : i32
        %mul3A_1096 = arith.muli %scan3A_395, %mul3A_1095 : i32
        %add3A_1097 = arith.constant 14 : i32
        %add3A_1098 = arith.addi %mul3A_1096, %add3A_1097 : i32
        %add3A_1099 = vector.broadcast %add3A_1098 : i32 to vector<16xi32>
        %add3A_1100 = arith.addi %sub3A, %add3A_1099 : vector<16xi32>
        %get3A_1101 = arith.constant 0 : i32
        %get3A_1102 = arith.index_cast %get3A_1101 : i32 to index
        %get3A_1103 = arith.index_cast %add3A_1098 : i32 to index
        %get3A_1104 = arith.constant 0 : index
        %get3A_1105 = tpu.vector_load %arg6[%get3A_1102, %get3A_1103, %get3A_1104] {strides = array<i32>} : memref<4x128x64xf32, #tpu.memory_space<vmem>>, vector<16xf32>,
        %scatter3A_1106 = arith.constant 0 : i32
        %scatter3A_1107 = arith.constant 0 : i32
        %scatter3A_1108 = arith.constant 0 : i32
        %scatter3A_1109 = arith.constant 0 : i32
        %scatter3A_1110 = tpu.memref_slice %arg7[%scatter3A_1106, %scatter3A_1107, %scatter3A_1108, %scatter3A_1109] : memref<2x8x8x136xf32, #tpu.memory_space<vmem>> -> memref<1x8x8x136xf32, #tpu.memory_space<vmem>>
        %scatter3A_1111 = tpu.memref_squeeze %scatter3A_1110 : memref<1x8x8x136xf32, #tpu.memory_space<vmem>> -> memref<8x8x136xf32, #tpu.memory_space<vmem>>
        tpu.vector_store_idx %scatter3A_1111[%add3A_5, %and3A_25, %add3A_1100], %get3A_1105 : memref<8x8x136xf32, #tpu.memory_space<vmem>>[vector<16xi32>, vector<16xi32>, vector<16xi32>], vector<16xf32>,
        %get3A_1112 = arith.constant 0 : i32
        %get3A_1113 = arith.index_cast %get3A_1112 : i32 to index
        %get3A_1114 = arith.index_cast %add3A_1098 : i32 to index
        %get3A_1115 = arith.constant 16 : index
        %get3A_1116 = tpu.vector_load %arg6[%get3A_1113, %get3A_1114, %get3A_1115] {strides = array<i32>} : memref<4x128x64xf32, #tpu.memory_space<vmem>>, vector<16xf32>,
        %scatter3A_1117 = arith.constant 0 : i32
        %scatter3A_1118 = arith.constant 0 : i32
        %scatter3A_1119 = arith.constant 0 : i32
        %scatter3A_1120 = arith.constant 0 : i32
        %scatter3A_1121 = tpu.memref_slice %arg7[%scatter3A_1117, %scatter3A_1118, %scatter3A_1119, %scatter3A_1120] : memref<2x8x8x136xf32, #tpu.memory_space<vmem>> -> memref<1x8x8x136xf32, #tpu.memory_space<vmem>>
        %scatter3A_1122 = tpu.memref_squeeze %scatter3A_1121 : memref<1x8x8x136xf32, #tpu.memory_space<vmem>> -> memref<8x8x136xf32, #tpu.memory_space<vmem>>
        tpu.vector_store_idx %scatter3A_1122[%add3A_11, %and3A_25, %add3A_1100], %get3A_1116 : memref<8x8x136xf32, #tpu.memory_space<vmem>>[vector<16xi32>, vector<16xi32>, vector<16xi32>], vector<16xf32>,
        %get3A_1123 = arith.constant 0 : i32
        %get3A_1124 = arith.index_cast %get3A_1123 : i32 to index
        %get3A_1125 = arith.index_cast %add3A_1098 : i32 to index
        %get3A_1126 = arith.constant 32 : index
        %get3A_1127 = tpu.vector_load %arg6[%get3A_1124, %get3A_1125, %get3A_1126] {strides = array<i32>} : memref<4x128x64xf32, #tpu.memory_space<vmem>>, vector<16xf32>,
        %scatter3A_1128 = arith.constant 0 : i32
        %scatter3A_1129 = arith.constant 0 : i32
        %scatter3A_1130 = arith.constant 0 : i32
        %scatter3A_1131 = arith.constant 0 : i32
        %scatter3A_1132 = tpu.memref_slice %arg7[%scatter3A_1128, %scatter3A_1129, %scatter3A_1130, %scatter3A_1131] : memref<2x8x8x136xf32, #tpu.memory_space<vmem>> -> memref<1x8x8x136xf32, #tpu.memory_space<vmem>>
        %scatter3A_1133 = tpu.memref_squeeze %scatter3A_1132 : memref<1x8x8x136xf32, #tpu.memory_space<vmem>> -> memref<8x8x136xf32, #tpu.memory_space<vmem>>
        tpu.vector_store_idx %scatter3A_1133[%add3A_17, %and3A_25, %add3A_1100], %get3A_1127 : memref<8x8x136xf32, #tpu.memory_space<vmem>>[vector<16xi32>, vector<16xi32>, vector<16xi32>], vector<16xf32>,
        %get3A_1134 = arith.constant 0 : i32
        %get3A_1135 = arith.index_cast %get3A_1134 : i32 to index
        %get3A_1136 = arith.index_cast %add3A_1098 : i32 to index
        %get3A_1137 = arith.constant 48 : index
        %get3A_1138 = tpu.vector_load %arg6[%get3A_1135, %get3A_1136, %get3A_1137] {strides = array<i32>} : memref<4x128x64xf32, #tpu.memory_space<vmem>>, vector<16xf32>,
        %scatter3A_1139 = arith.constant 0 : i32
        %scatter3A_1140 = arith.constant 0 : i32
        %scatter3A_1141 = arith.constant 0 : i32
        %scatter3A_1142 = arith.constant 0 : i32
        %scatter3A_1143 = tpu.memref_slice %arg7[%scatter3A_1139, %scatter3A_1140, %scatter3A_1141, %scatter3A_1142] : memref<2x8x8x136xf32, #tpu.memory_space<vmem>> -> memref<1x8x8x136xf32, #tpu.memory_space<vmem>>
        %scatter3A_1144 = tpu.memref_squeeze %scatter3A_1143 : memref<1x8x8x136xf32, #tpu.memory_space<vmem>> -> memref<8x8x136xf32, #tpu.memory_space<vmem>>
        tpu.vector_store_idx %scatter3A_1144[%add3A_23, %and3A_25, %add3A_1100], %get3A_1138 : memref<8x8x136xf32, #tpu.memory_space<vmem>>[vector<16xi32>, vector<16xi32>, vector<16xi32>], vector<16xf32>,
        %mul3A_1145 = arith.constant 16 : i32
        %mul3A_1146 = arith.muli %scan3A_395, %mul3A_1145 : i32
        %add3A_1147 = arith.constant 15 : i32
        %add3A_1148 = arith.addi %mul3A_1146, %add3A_1147 : i32
        %add3A_1149 = vector.broadcast %add3A_1148 : i32 to vector<16xi32>
        %add3A_1150 = arith.addi %sub3A, %add3A_1149 : vector<16xi32>
        %get3A_1151 = arith.constant 0 : i32
        %get3A_1152 = arith.index_cast %get3A_1151 : i32 to index
        %get3A_1153 = arith.index_cast %add3A_1148 : i32 to index
        %get3A_1154 = arith.constant 0 : index
        %get3A_1155 = tpu.vector_load %arg6[%get3A_1152, %get3A_1153, %get3A_1154] {strides = array<i32>} : memref<4x128x64xf32, #tpu.memory_space<vmem>>, vector<16xf32>,
        %scatter3A_1156 = arith.constant 0 : i32
        %scatter3A_1157 = arith.constant 0 : i32
        %scatter3A_1158 = arith.constant 0 : i32
        %scatter3A_1159 = arith.constant 0 : i32
        %scatter3A_1160 = tpu.memref_slice %arg7[%scatter3A_1156, %scatter3A_1157, %scatter3A_1158, %scatter3A_1159] : memref<2x8x8x136xf32, #tpu.memory_space<vmem>> -> memref<1x8x8x136xf32, #tpu.memory_space<vmem>>
        %scatter3A_1161 = tpu.memref_squeeze %scatter3A_1160 : memref<1x8x8x136xf32, #tpu.memory_space<vmem>> -> memref<8x8x136xf32, #tpu.memory_space<vmem>>
        tpu.vector_store_idx %scatter3A_1161[%add3A_5, %and3A_25, %add3A_1150], %get3A_1155 : memref<8x8x136xf32, #tpu.memory_space<vmem>>[vector<16xi32>, vector<16xi32>, vector<16xi32>], vector<16xf32>,
        %get3A_1162 = arith.constant 0 : i32
        %get3A_1163 = arith.index_cast %get3A_1162 : i32 to index
        %get3A_1164 = arith.index_cast %add3A_1148 : i32 to index
        %get3A_1165 = arith.constant 16 : index
        %get3A_1166 = tpu.vector_load %arg6[%get3A_1163, %get3A_1164, %get3A_1165] {strides = array<i32>} : memref<4x128x64xf32, #tpu.memory_space<vmem>>, vector<16xf32>,
        %scatter3A_1167 = arith.constant 0 : i32
        %scatter3A_1168 = arith.constant 0 : i32
        %scatter3A_1169 = arith.constant 0 : i32
        %scatter3A_1170 = arith.constant 0 : i32
        %scatter3A_1171 = tpu.memref_slice %arg7[%scatter3A_1167, %scatter3A_1168, %scatter3A_1169, %scatter3A_1170] : memref<2x8x8x136xf32, #tpu.memory_space<vmem>> -> memref<1x8x8x136xf32, #tpu.memory_space<vmem>>
        %scatter3A_1172 = tpu.memref_squeeze %scatter3A_1171 : memref<1x8x8x136xf32, #tpu.memory_space<vmem>> -> memref<8x8x136xf32, #tpu.memory_space<vmem>>
        tpu.vector_store_idx %scatter3A_1172[%add3A_11, %and3A_25, %add3A_1150], %get3A_1166 : memref<8x8x136xf32, #tpu.memory_space<vmem>>[vector<16xi32>, vector<16xi32>, vector<16xi32>], vector<16xf32>,
        %get3A_1173 = arith.constant 0 : i32
        %get3A_1174 = arith.index_cast %get3A_1173 : i32 to index
        %get3A_1175 = arith.index_cast %add3A_1148 : i32 to index
        %get3A_1176 = arith.constant 32 : index
        %get3A_1177 = tpu.vector_load %arg6[%get3A_1174, %get3A_1175, %get3A_1176] {strides = array<i32>} : memref<4x128x64xf32, #tpu.memory_space<vmem>>, vector<16xf32>,
        %scatter3A_1178 = arith.constant 0 : i32
        %scatter3A_1179 = arith.constant 0 : i32
        %scatter3A_1180 = arith.constant 0 : i32
        %scatter3A_1181 = arith.constant 0 : i32
        %scatter3A_1182 = tpu.memref_slice %arg7[%scatter3A_1178, %scatter3A_1179, %scatter3A_1180, %scatter3A_1181] : memref<2x8x8x136xf32, #tpu.memory_space<vmem>> -> memref<1x8x8x136xf32, #tpu.memory_space<vmem>>
        %scatter3A_1183 = tpu.memref_squeeze %scatter3A_1182 : memref<1x8x8x136xf32, #tpu.memory_space<vmem>> -> memref<8x8x136xf32, #tpu.memory_space<vmem>>
        tpu.vector_store_idx %scatter3A_1183[%add3A_17, %and3A_25, %add3A_1150], %get3A_1177 : memref<8x8x136xf32, #tpu.memory_space<vmem>>[vector<16xi32>, vector<16xi32>, vector<16xi32>], vector<16xf32>,
        %get3A_1184 = arith.constant 0 : i32
        %get3A_1185 = arith.index_cast %get3A_1184 : i32 to index
        %get3A_1186 = arith.index_cast %add3A_1148 : i32 to index
        %get3A_1187 = arith.constant 48 : index
        %get3A_1188 = tpu.vector_load %arg6[%get3A_1185, %get3A_1186, %get3A_1187] {strides = array<i32>} : memref<4x128x64xf32, #tpu.memory_space<vmem>>, vector<16xf32>,
        %scatter3A_1189 = arith.constant 0 : i32
        %scatter3A_1190 = arith.constant 0 : i32
        %scatter3A_1191 = arith.constant 0 : i32
        %scatter3A_1192 = arith.constant 0 : i32
        %scatter3A_1193 = tpu.memref_slice %arg7[%scatter3A_1189, %scatter3A_1190, %scatter3A_1191, %scatter3A_1192] : memref<2x8x8x136xf32, #tpu.memory_space<vmem>> -> memref<1x8x8x136xf32, #tpu.memory_space<vmem>>
        %scatter3A_1194 = tpu.memref_squeeze %scatter3A_1193 : memref<1x8x8x136xf32, #tpu.memory_space<vmem>> -> memref<8x8x136xf32, #tpu.memory_space<vmem>>
        tpu.vector_store_idx %scatter3A_1194[%add3A_23, %and3A_25, %add3A_1150], %get3A_1188 : memref<8x8x136xf32, #tpu.memory_space<vmem>>[vector<16xi32>, vector<16xi32>, vector<16xi32>], vector<16xf32>,
      }
      %scan3A_322 = arith.constant 8 : i32
      %dma_start3A_323 = arith.constant 0 : i32
      %dma_start3A_324 = arith.constant 0 : i32
      %dma_start3A_325 = arith.constant 0 : i32
      %dma_start3A_326 = arith.constant 0 : i32
      %dma_start3A_327 = tpu.memref_slice %arg7[%dma_start3A_323, %dma_start3A_324, %dma_start3A_325, %dma_start3A_326] : memref<2x8x8x136xf32, #tpu.memory_space<vmem>> -> memref<1x8x8x128xf32, #tpu.memory_space<vmem>>
      %dma_start3A_328 = tpu.memref_squeeze %dma_start3A_327 : memref<1x8x8x128xf32, #tpu.memory_space<vmem>> -> memref<8x8x128xf32, #tpu.memory_space<vmem>>
      %dma_start3A_329 = arith.constant 0 : i32
      %dma_start3A_330 = arith.constant 0 : i32
      %dma_start3A_331 = arith.constant 0 : i32
      %dma_start3A_332 = tpu.memref_slice %arg4[%mul3A_180, %dma_start3A_329, %add3A, %dma_start3A_330, %dma_start3A_331] : memref<200x8x32x8x128xf32, #tpu.memory_space<hbm>> -> memref<1x8x1x8x128xf32, #tpu.memory_space<hbm>>
      %dma_start3A_333 = tpu.memref_squeeze %dma_start3A_332 : memref<1x8x1x8x128xf32, #tpu.memory_space<hbm>> -> memref<8x8x128xf32, #tpu.memory_space<hbm>>
      %dma_start3A_334 = arith.constant 0 : i32
      %dma_start3A_335 = arith.constant 0 : i32
      %dma_start3A_336 = arith.constant 0 : i32
      %dma_start3A_337 = tpu.memref_slice %arg4[%mul3A_180, %dma_start3A_334, %add3A, %dma_start3A_335, %dma_start3A_336] : memref<200x8x32x8x128xf32, #tpu.memory_space<hbm>> -> memref<1x8x1x8x128xf32, #tpu.memory_space<hbm>>
      %dma_start3A_338 = tpu.memref_squeeze %dma_start3A_337 : memref<1x8x1x8x128xf32, #tpu.memory_space<hbm>> -> memref<8x8x128xf32, #tpu.memory_space<hbm>>
      %dma_start3A_339 = arith.constant 0 : i32
      %dma_start3A_340 = arith.constant 0 : i32
      %dma_start3A_341 = arith.constant 0 : i32
      %dma_start3A_342 = tpu.memref_slice %arg7[%dma_start3A_323, %dma_start3A_339, %dma_start3A_340, %dma_start3A_341] : memref<2x8x8x136xf32, #tpu.memory_space<vmem>> -> memref<1x8x8x128xf32, #tpu.memory_space<vmem>>
      %dma_start3A_343 = tpu.memref_squeeze %dma_start3A_342 : memref<1x8x8x128xf32, #tpu.memory_space<vmem>> -> memref<8x8x128xf32, #tpu.memory_space<vmem>>
      tpu.enqueue_dma source(%dma_start3A_343 : memref<8x8x128xf32, #tpu.memory_space<vmem>>) target(%dma_start3A_338 : memref<8x8x128xf32, #tpu.memory_space<hbm>>) target_semaphore(%arg12 : memref<!tpu.dma_semaphore, #tpu.memory_space<semaphore_mem>>)
      %dma_wait3A_344 = arith.constant 1 : i32
      %dma_wait3A_345 = arith.constant 0 : i32
      %dma_wait3A_346 = arith.constant 0 : i32
      %dma_wait3A_347 = tpu.memref_slice %arg6[%dma_wait3A_344, %dma_wait3A_345, %dma_wait3A_346] : memref<4x128x64xf32, #tpu.memory_space<vmem>> -> memref<1x128x64xf32, #tpu.memory_space<vmem>>
      %dma_wait3A_348 = tpu.memref_squeeze %dma_wait3A_347 : memref<1x128x64xf32, #tpu.memory_space<vmem>> -> memref<128x64xf32, #tpu.memory_space<vmem>>
      %dma_wait3A_349 = arith.constant 0 : i32
      %dma_wait3A_350 = arith.constant 0 : i32
      %dma_wait3A_351 = tpu.memref_slice %arg2[%dma_wait3A_349, %dma_wait3A_350] : memref<1000000x64xf32, #tpu.memory_space<hbm>> -> memref<128x64xf32, #tpu.memory_space<hbm>>
      %dma_wait3A_352 = arith.constant 0 : i32
      %dma_wait3A_353 = arith.constant 0 : i32
      %dma_wait3A_354 = tpu.memref_slice %arg6[%dma_wait3A_344, %dma_wait3A_352, %dma_wait3A_353] : memref<4x128x64xf32, #tpu.memory_space<vmem>> -> memref<1x128x64xf32, #tpu.memory_space<vmem>>
      %dma_wait3A_355 = tpu.memref_squeeze %dma_wait3A_354 : memref<1x128x64xf32, #tpu.memory_space<vmem>> -> memref<128x64xf32, #tpu.memory_space<vmem>>
      %dma_wait3A_356 = arith.constant 0 : i32
      %dma_wait3A_357 = arith.constant 0 : i32
      %dma_wait3A_358 = tpu.memref_slice %arg2[%dma_wait3A_356, %dma_wait3A_357] : memref<1000000x64xf32, #tpu.memory_space<hbm>> -> memref<128x64xf32, #tpu.memory_space<hbm>>
      tpu.wait_dma2 semaphore(%arg9 : memref<!tpu.dma_semaphore, #tpu.memory_space<semaphore_mem>>) src(%dma_wait3A_358 : memref<128x64xf32, #tpu.memory_space<hbm>>) dst(%dma_wait3A_355 : memref<128x64xf32, #tpu.memory_space<vmem>>)
      %le3A = arith.constant 98 : i32
      %le3A_359 = arith.cmpi sle, %scan3A_178, %le3A : i32
      %convert_element_type3A_360 = arith.extui %le3A_359 : i1 to i32
      %cond3A_361 = arith.constant 0 : i32
      %cond3A_362 = arith.cmpi ne, %convert_element_type3A_360, %cond3A_361 : i32
      scf.if %cond3A_362 {
        %add3A_395 = arith.constant 1 : i32
        %add3A_396 = arith.addi %add3A_182, %add3A_395 : i32
        %jit3A_397 = arith.constant 8 : i32
        %div3A_398 = arith.divsi %add3A_396, %jit3A_397 : i32
        %sign3A_399 = arith.constant 0 : i32
        %sign3A_400 = arith.cmpi sgt, %add3A_396, %sign3A_399 : i32
        %sign3A_401 = arith.extui %sign3A_400 : i1 to i32
        %sign3A_402 = arith.constant 0 : i32
        %sign3A_403 = arith.cmpi slt, %add3A_396, %sign3A_402 : i32
        %sign3A_404 = arith.extui %sign3A_403 : i1 to i32
        %sign3A_405 = arith.subi %sign3A_401, %sign3A_404 : i32
        %sign3A_406 = arith.constant 0 : i32
        %sign3A_407 = arith.cmpi sgt, %jit3A_397, %sign3A_406 : i32
        %sign3A_408 = arith.extui %sign3A_407 : i1 to i32
        %sign3A_409 = arith.constant 0 : i32
        %sign3A_410 = arith.cmpi slt, %jit3A_397, %sign3A_409 : i32
        %sign3A_411 = arith.extui %sign3A_410 : i1 to i32
        %sign3A_412 = arith.subi %sign3A_408, %sign3A_411 : i32
        %ne3A_413 = arith.cmpi ne, %sign3A_405, %sign3A_412 : i32
        %rem3A_414 = arith.remsi %add3A_396, %jit3A_397 : i32
        %ne3A_415 = arith.constant 0 : i32
        %ne3A_416 = arith.cmpi ne, %rem3A_414, %ne3A_415 : i32
        %and3A_417 = arith.andi %ne3A_413, %ne3A_416 : i1
        %sub3A_418 = arith.constant 1 : i32
        %sub3A_419 = arith.subi %div3A_398, %sub3A_418 : i32
        %select_n3A_420 = arith.select %and3A_417, %sub3A_419, %div3A_398 : i32
        %rem3A_421 = arith.constant 8 : i32
        %rem3A_422 = arith.remsi %add3A_396, %rem3A_421 : i32
        %get3A_423 = arith.index_cast %select_n3A_420 : i32 to index
        %get3A_424 = arith.index_cast %rem3A_422 : i32 to index
        %get3A_425 = arith.constant 0 : index
        %get3A_426 = tpu.vector_load %arg5[%get3A_423, %get3A_424, %get3A_425] {strides = array<i32>} : memref<25x8x128xi32, #tpu.memory_space<vmem>>, vector<16xi32>,
        %dma_start3A_427 = arith.constant 0 : i32
        %dma_start3A_428 = arith.constant 0 : i32
        %dma_start3A_429 = arith.constant 0 : i32
        %dma_start3A_430 = tpu.memref_slice %arg6[%dma_start3A_427, %dma_start3A_428, %dma_start3A_429] : memref<4x128x64xf32, #tpu.memory_space<vmem>> -> memref<1x16x64xf32, #tpu.memory_space<vmem>>
        %dma_start3A_431 = tpu.memref_squeeze %dma_start3A_430 : memref<1x16x64xf32, #tpu.memory_space<vmem>> -> memref<16x64xf32, #tpu.memory_space<vmem>>
        %dma_start3A_432 = arith.constant 0 : i32
        %dma_start3A_433 = arith.constant 0 : i32
        %dma_start3A_434 = tpu.memref_slice %arg2[%dma_start3A_432, %dma_start3A_433] : memref<1000000x64xf32, #tpu.memory_space<hbm>> -> memref<1000000x64xf32, #tpu.memory_space<hbm>>
        tpu.enqueue_indirect_dma source(%dma_start3A_434 : memref<1000000x64xf32, #tpu.memory_space<hbm>>) target(%dma_start3A_431 : memref<16x64xf32, #tpu.memory_space<vmem>>) offsets(%get3A_426 : vector<16xi32>) semaphore(%arg8 : memref<!tpu.dma_semaphore, #tpu.memory_space<semaphore_mem>>)
        %get3A_435 = arith.index_cast %select_n3A_420 : i32 to index
        %get3A_436 = arith.index_cast %rem3A_422 : i32 to index
        %get3A_437 = arith.constant 16 : index
        %get3A_438 = tpu.vector_load %arg5[%get3A_435, %get3A_436, %get3A_437] {strides = array<i32>} : memref<25x8x128xi32, #tpu.memory_space<vmem>>, vector<16xi32>,
        %dma_start3A_439 = arith.constant 0 : i32
        %dma_start3A_440 = arith.constant 16 : i32
        %dma_start3A_441 = arith.constant 0 : i32
        %dma_start3A_442 = tpu.memref_slice %arg6[%dma_start3A_439, %dma_start3A_440, %dma_start3A_441] : memref<4x128x64xf32, #tpu.memory_space<vmem>> -> memref<1x16x64xf32, #tpu.memory_space<vmem>>
        %dma_start3A_443 = tpu.memref_squeeze %dma_start3A_442 : memref<1x16x64xf32, #tpu.memory_space<vmem>> -> memref<16x64xf32, #tpu.memory_space<vmem>>
        %dma_start3A_444 = arith.constant 0 : i32
        %dma_start3A_445 = arith.constant 0 : i32
        %dma_start3A_446 = tpu.memref_slice %arg2[%dma_start3A_444, %dma_start3A_445] : memref<1000000x64xf32, #tpu.memory_space<hbm>> -> memref<1000000x64xf32, #tpu.memory_space<hbm>>
        tpu.enqueue_indirect_dma source(%dma_start3A_446 : memref<1000000x64xf32, #tpu.memory_space<hbm>>) target(%dma_start3A_443 : memref<16x64xf32, #tpu.memory_space<vmem>>) offsets(%get3A_438 : vector<16xi32>) semaphore(%arg8 : memref<!tpu.dma_semaphore, #tpu.memory_space<semaphore_mem>>)
        %get3A_447 = arith.index_cast %select_n3A_420 : i32 to index
        %get3A_448 = arith.index_cast %rem3A_422 : i32 to index
        %get3A_449 = arith.constant 32 : index
        %get3A_450 = tpu.vector_load %arg5[%get3A_447, %get3A_448, %get3A_449] {strides = array<i32>} : memref<25x8x128xi32, #tpu.memory_space<vmem>>, vector<16xi32>,
        %dma_start3A_451 = arith.constant 0 : i32
        %dma_start3A_452 = arith.constant 32 : i32
        %dma_start3A_453 = arith.constant 0 : i32
        %dma_start3A_454 = tpu.memref_slice %arg6[%dma_start3A_451, %dma_start3A_452, %dma_start3A_453] : memref<4x128x64xf32, #tpu.memory_space<vmem>> -> memref<1x16x64xf32, #tpu.memory_space<vmem>>
        %dma_start3A_455 = tpu.memref_squeeze %dma_start3A_454 : memref<1x16x64xf32, #tpu.memory_space<vmem>> -> memref<16x64xf32, #tpu.memory_space<vmem>>
        %dma_start3A_456 = arith.constant 0 : i32
        %dma_start3A_457 = arith.constant 0 : i32
        %dma_start3A_458 = tpu.memref_slice %arg2[%dma_start3A_456, %dma_start3A_457] : memref<1000000x64xf32, #tpu.memory_space<hbm>> -> memref<1000000x64xf32, #tpu.memory_space<hbm>>
        tpu.enqueue_indirect_dma source(%dma_start3A_458 : memref<1000000x64xf32, #tpu.memory_space<hbm>>) target(%dma_start3A_455 : memref<16x64xf32, #tpu.memory_space<vmem>>) offsets(%get3A_450 : vector<16xi32>) semaphore(%arg8 : memref<!tpu.dma_semaphore, #tpu.memory_space<semaphore_mem>>)
        %get3A_459 = arith.index_cast %select_n3A_420 : i32 to index
        %get3A_460 = arith.index_cast %rem3A_422 : i32 to index
        %get3A_461 = arith.constant 48 : index
        %get3A_462 = tpu.vector_load %arg5[%get3A_459, %get3A_460, %get3A_461] {strides = array<i32>} : memref<25x8x128xi32, #tpu.memory_space<vmem>>, vector<16xi32>,
        %dma_start3A_463 = arith.constant 0 : i32
        %dma_start3A_464 = arith.constant 48 : i32
        %dma_start3A_465 = arith.constant 0 : i32
        %dma_start3A_466 = tpu.memref_slice %arg6[%dma_start3A_463, %dma_start3A_464, %dma_start3A_465] : memref<4x128x64xf32, #tpu.memory_space<vmem>> -> memref<1x16x64xf32, #tpu.memory_space<vmem>>
        %dma_start3A_467 = tpu.memref_squeeze %dma_start3A_466 : memref<1x16x64xf32, #tpu.memory_space<vmem>> -> memref<16x64xf32, #tpu.memory_space<vmem>>
        %dma_start3A_468 = arith.constant 0 : i32
        %dma_start3A_469 = arith.constant 0 : i32
        %dma_start3A_470 = tpu.memref_slice %arg2[%dma_start3A_468, %dma_start3A_469] : memref<1000000x64xf32, #tpu.memory_space<hbm>> -> memref<1000000x64xf32, #tpu.memory_space<hbm>>
        tpu.enqueue_indirect_dma source(%dma_start3A_470 : memref<1000000x64xf32, #tpu.memory_space<hbm>>) target(%dma_start3A_467 : memref<16x64xf32, #tpu.memory_space<vmem>>) offsets(%get3A_462 : vector<16xi32>) semaphore(%arg8 : memref<!tpu.dma_semaphore, #tpu.memory_space<semaphore_mem>>)
        %get3A_471 = arith.index_cast %select_n3A_420 : i32 to index
        %get3A_472 = arith.index_cast %rem3A_422 : i32 to index
        %get3A_473 = arith.constant 64 : index
        %get3A_474 = tpu.vector_load %arg5[%get3A_471, %get3A_472, %get3A_473] {strides = array<i32>} : memref<25x8x128xi32, #tpu.memory_space<vmem>>, vector<16xi32>,
        %dma_start3A_475 = arith.constant 0 : i32
        %dma_start3A_476 = arith.constant 64 : i32
        %dma_start3A_477 = arith.constant 0 : i32
        %dma_start3A_478 = tpu.memref_slice %arg6[%dma_start3A_475, %dma_start3A_476, %dma_start3A_477] : memref<4x128x64xf32, #tpu.memory_space<vmem>> -> memref<1x16x64xf32, #tpu.memory_space<vmem>>
        %dma_start3A_479 = tpu.memref_squeeze %dma_start3A_478 : memref<1x16x64xf32, #tpu.memory_space<vmem>> -> memref<16x64xf32, #tpu.memory_space<vmem>>
        %dma_start3A_480 = arith.constant 0 : i32
        %dma_start3A_481 = arith.constant 0 : i32
        %dma_start3A_482 = tpu.memref_slice %arg2[%dma_start3A_480, %dma_start3A_481] : memref<1000000x64xf32, #tpu.memory_space<hbm>> -> memref<1000000x64xf32, #tpu.memory_space<hbm>>
        tpu.enqueue_indirect_dma source(%dma_start3A_482 : memref<1000000x64xf32, #tpu.memory_space<hbm>>) target(%dma_start3A_479 : memref<16x64xf32, #tpu.memory_space<vmem>>) offsets(%get3A_474 : vector<16xi32>) semaphore(%arg8 : memref<!tpu.dma_semaphore, #tpu.memory_space<semaphore_mem>>)
        %get3A_483 = arith.index_cast %select_n3A_420 : i32 to index
        %get3A_484 = arith.index_cast %rem3A_422 : i32 to index
        %get3A_485 = arith.constant 80 : index
        %get3A_486 = tpu.vector_load %arg5[%get3A_483, %get3A_484, %get3A_485] {strides = array<i32>} : memref<25x8x128xi32, #tpu.memory_space<vmem>>, vector<16xi32>,
        %dma_start3A_487 = arith.constant 0 : i32
        %dma_start3A_488 = arith.constant 80 : i32
        %dma_start3A_489 = arith.constant 0 : i32
        %dma_start3A_490 = tpu.memref_slice %arg6[%dma_start3A_487, %dma_start3A_488, %dma_start3A_489] : memref<4x128x64xf32, #tpu.memory_space<vmem>> -> memref<1x16x64xf32, #tpu.memory_space<vmem>>
        %dma_start3A_491 = tpu.memref_squeeze %dma_start3A_490 : memref<1x16x64xf32, #tpu.memory_space<vmem>> -> memref<16x64xf32, #tpu.memory_space<vmem>>
        %dma_start3A_492 = arith.constant 0 : i32
        %dma_start3A_493 = arith.constant 0 : i32
        %dma_start3A_494 = tpu.memref_slice %arg2[%dma_start3A_492, %dma_start3A_493] : memref<1000000x64xf32, #tpu.memory_space<hbm>> -> memref<1000000x64xf32, #tpu.memory_space<hbm>>
        tpu.enqueue_indirect_dma source(%dma_start3A_494 : memref<1000000x64xf32, #tpu.memory_space<hbm>>) target(%dma_start3A_491 : memref<16x64xf32, #tpu.memory_space<vmem>>) offsets(%get3A_486 : vector<16xi32>) semaphore(%arg8 : memref<!tpu.dma_semaphore, #tpu.memory_space<semaphore_mem>>)
        %get3A_495 = arith.index_cast %select_n3A_420 : i32 to index
        %get3A_496 = arith.index_cast %rem3A_422 : i32 to index
        %get3A_497 = arith.constant 96 : index
        %get3A_498 = tpu.vector_load %arg5[%get3A_495, %get3A_496, %get3A_497] {strides = array<i32>} : memref<25x8x128xi32, #tpu.memory_space<vmem>>, vector<16xi32>,
        %dma_start3A_499 = arith.constant 0 : i32
        %dma_start3A_500 = arith.constant 96 : i32
        %dma_start3A_501 = arith.constant 0 : i32
        %dma_start3A_502 = tpu.memref_slice %arg6[%dma_start3A_499, %dma_start3A_500, %dma_start3A_501] : memref<4x128x64xf32, #tpu.memory_space<vmem>> -> memref<1x16x64xf32, #tpu.memory_space<vmem>>
        %dma_start3A_503 = tpu.memref_squeeze %dma_start3A_502 : memref<1x16x64xf32, #tpu.memory_space<vmem>> -> memref<16x64xf32, #tpu.memory_space<vmem>>
        %dma_start3A_504 = arith.constant 0 : i32
        %dma_start3A_505 = arith.constant 0 : i32
        %dma_start3A_506 = tpu.memref_slice %arg2[%dma_start3A_504, %dma_start3A_505] : memref<1000000x64xf32, #tpu.memory_space<hbm>> -> memref<1000000x64xf32, #tpu.memory_space<hbm>>
        tpu.enqueue_indirect_dma source(%dma_start3A_506 : memref<1000000x64xf32, #tpu.memory_space<hbm>>) target(%dma_start3A_503 : memref<16x64xf32, #tpu.memory_space<vmem>>) offsets(%get3A_498 : vector<16xi32>) semaphore(%arg8 : memref<!tpu.dma_semaphore, #tpu.memory_space<semaphore_mem>>)
        %get3A_507 = arith.index_cast %select_n3A_420 : i32 to index
        %get3A_508 = arith.index_cast %rem3A_422 : i32 to index
        %get3A_509 = arith.constant 112 : index
        %get3A_510 = tpu.vector_load %arg5[%get3A_507, %get3A_508, %get3A_509] {strides = array<i32>} : memref<25x8x128xi32, #tpu.memory_space<vmem>>, vector<16xi32>,
        %dma_start3A_511 = arith.constant 0 : i32
        %dma_start3A_512 = arith.constant 112 : i32
        %dma_start3A_513 = arith.constant 0 : i32
        %dma_start3A_514 = tpu.memref_slice %arg6[%dma_start3A_511, %dma_start3A_512, %dma_start3A_513] : memref<4x128x64xf32, #tpu.memory_space<vmem>> -> memref<1x16x64xf32, #tpu.memory_space<vmem>>
        %dma_start3A_515 = tpu.memref_squeeze %dma_start3A_514 : memref<1x16x64xf32, #tpu.memory_space<vmem>> -> memref<16x64xf32, #tpu.memory_space<vmem>>
        %dma_start3A_516 = arith.constant 0 : i32
        %dma_start3A_517 = arith.constant 0 : i32
        %dma_start3A_518 = tpu.memref_slice %arg2[%dma_start3A_516, %dma_start3A_517] : memref<1000000x64xf32, #tpu.memory_space<hbm>> -> memref<1000000x64xf32, #tpu.memory_space<hbm>>
        tpu.enqueue_indirect_dma source(%dma_start3A_518 : memref<1000000x64xf32, #tpu.memory_space<hbm>>) target(%dma_start3A_515 : memref<16x64xf32, #tpu.memory_space<vmem>>) offsets(%get3A_510 : vector<16xi32>) semaphore(%arg8 : memref<!tpu.dma_semaphore, #tpu.memory_space<semaphore_mem>>)
      } else {
      }
      %ge3A_363 = arith.constant 1 : i32
      %ge3A_364 = arith.cmpi sge, %scan3A_178, %ge3A_363 : i32
      %convert_element_type3A_365 = arith.extui %ge3A_364 : i1 to i32
      %cond3A_366 = arith.constant 0 : i32
      %cond3A_367 = arith.cmpi ne, %convert_element_type3A_365, %cond3A_366 : i32
      scf.if %cond3A_367 {
        %dma_wait3A_395 = arith.constant 1 : i32
        %dma_wait3A_396 = arith.constant 0 : i32
        %dma_wait3A_397 = arith.constant 0 : i32
        %dma_wait3A_398 = arith.constant 0 : i32
        %dma_wait3A_399 = arith.constant 0 : i32
        %dma_wait3A_400 = tpu.memref_slice %arg7[%dma_wait3A_395, %dma_wait3A_397, %dma_wait3A_398, %dma_wait3A_399] : memref<2x8x8x136xf32, #tpu.memory_space<vmem>> -> memref<1x8x8x128xf32, #tpu.memory_space<vmem>>
        %dma_wait3A_401 = tpu.memref_squeeze %dma_wait3A_400 : memref<1x8x8x128xf32, #tpu.memory_space<vmem>> -> memref<8x8x128xf32, #tpu.memory_space<vmem>>
        %dma_wait3A_402 = arith.constant 0 : i32
        %dma_wait3A_403 = arith.constant 0 : i32
        %dma_wait3A_404 = arith.constant 0 : i32
        %dma_wait3A_405 = tpu.memref_slice %arg4[%dma_wait3A_396, %dma_wait3A_402, %add3A, %dma_wait3A_403, %dma_wait3A_404] : memref<200x8x32x8x128xf32, #tpu.memory_space<hbm>> -> memref<1x8x1x8x128xf32, #tpu.memory_space<hbm>>
        %dma_wait3A_406 = tpu.memref_squeeze %dma_wait3A_405 : memref<1x8x1x8x128xf32, #tpu.memory_space<hbm>> -> memref<8x8x128xf32, #tpu.memory_space<hbm>>
        %dma_wait3A_407 = arith.constant 0 : i32
        %dma_wait3A_408 = arith.constant 0 : i32
        %dma_wait3A_409 = arith.constant 0 : i32
        %dma_wait3A_410 = tpu.memref_slice %arg4[%dma_wait3A_396, %dma_wait3A_407, %add3A, %dma_wait3A_408, %dma_wait3A_409] : memref<200x8x32x8x128xf32, #tpu.memory_space<hbm>> -> memref<1x8x1x8x128xf32, #tpu.memory_space<hbm>>
        %dma_wait3A_411 = tpu.memref_squeeze %dma_wait3A_410 : memref<1x8x1x8x128xf32, #tpu.memory_space<hbm>> -> memref<8x8x128xf32, #tpu.memory_space<hbm>>
        %dma_wait3A_412 = arith.constant 0 : i32
        %dma_wait3A_413 = arith.constant 0 : i32
        %dma_wait3A_414 = arith.constant 0 : i32
        %dma_wait3A_415 = tpu.memref_slice %arg7[%dma_wait3A_395, %dma_wait3A_412, %dma_wait3A_413, %dma_wait3A_414] : memref<2x8x8x136xf32, #tpu.memory_space<vmem>> -> memref<1x8x8x128xf32, #tpu.memory_space<vmem>>
        %dma_wait3A_416 = tpu.memref_squeeze %dma_wait3A_415 : memref<1x8x8x128xf32, #tpu.memory_space<vmem>> -> memref<8x8x128xf32, #tpu.memory_space<vmem>>
        tpu.wait_dma2 semaphore(%arg13 : memref<!tpu.dma_semaphore, #tpu.memory_space<semaphore_mem>>) src(%dma_wait3A_416 : memref<8x8x128xf32, #tpu.memory_space<vmem>>) dst(%dma_wait3A_411 : memref<8x8x128xf32, #tpu.memory_space<hbm>>)
      } else {
      }
      %scan3A_368 = arith.constant 0 : i32
      %scan3A_369 = arith.constant 0 : i32
      %scan3A_370 = arith.constant 8 : i32
      %scan3A_371 = arith.addi %scan3A_369, %scan3A_370 : i32
      %scan3A_372 = arith.constant 1 : i32
      scf.for %scan3A_395 = %scan3A_369 to %scan3A_371 step %scan3A_372  : i32 {
        %mul3A_396 = arith.constant 16 : i32
        %mul3A_397 = arith.muli %scan3A_395, %mul3A_396 : i32
        %add3A_398 = arith.constant 0 : i32
        %add3A_399 = arith.addi %mul3A_397, %add3A_398 : i32
        %add3A_400 = vector.broadcast %add3A_399 : i32 to vector<16xi32>
        %add3A_401 = arith.addi %sub3A, %add3A_400 : vector<16xi32>
        %get3A_402 = arith.constant 1 : i32
        %get3A_403 = arith.index_cast %get3A_402 : i32 to index
        %get3A_404 = arith.index_cast %add3A_399 : i32 to index
        %get3A_405 = arith.constant 0 : index
        %get3A_406 = tpu.vector_load %arg6[%get3A_403, %get3A_404, %get3A_405] {strides = array<i32>} : memref<4x128x64xf32, #tpu.memory_space<vmem>>, vector<16xf32>,
        %scatter3A = arith.constant 1 : i32
        %scatter3A_407 = arith.constant 0 : i32
        %scatter3A_408 = arith.constant 0 : i32
        %scatter3A_409 = arith.constant 0 : i32
        %scatter3A_410 = tpu.memref_slice %arg7[%scatter3A, %scatter3A_407, %scatter3A_408, %scatter3A_409] : memref<2x8x8x136xf32, #tpu.memory_space<vmem>> -> memref<1x8x8x136xf32, #tpu.memory_space<vmem>>
        %scatter3A_411 = tpu.memref_squeeze %scatter3A_410 : memref<1x8x8x136xf32, #tpu.memory_space<vmem>> -> memref<8x8x136xf32, #tpu.memory_space<vmem>>
        tpu.vector_store_idx %scatter3A_411[%add3A_5, %and3A_25, %add3A_401], %get3A_406 : memref<8x8x136xf32, #tpu.memory_space<vmem>>[vector<16xi32>, vector<16xi32>, vector<16xi32>], vector<16xf32>,
        %get3A_412 = arith.constant 1 : i32
        %get3A_413 = arith.index_cast %get3A_412 : i32 to index
        %get3A_414 = arith.index_cast %add3A_399 : i32 to index
        %get3A_415 = arith.constant 16 : index
        %get3A_416 = tpu.vector_load %arg6[%get3A_413, %get3A_414, %get3A_415] {strides = array<i32>} : memref<4x128x64xf32, #tpu.memory_space<vmem>>, vector<16xf32>,
        %scatter3A_417 = arith.constant 1 : i32
        %scatter3A_418 = arith.constant 0 : i32
        %scatter3A_419 = arith.constant 0 : i32
        %scatter3A_420 = arith.constant 0 : i32
        %scatter3A_421 = tpu.memref_slice %arg7[%scatter3A_417, %scatter3A_418, %scatter3A_419, %scatter3A_420] : memref<2x8x8x136xf32, #tpu.memory_space<vmem>> -> memref<1x8x8x136xf32, #tpu.memory_space<vmem>>
        %scatter3A_422 = tpu.memref_squeeze %scatter3A_421 : memref<1x8x8x136xf32, #tpu.memory_space<vmem>> -> memref<8x8x136xf32, #tpu.memory_space<vmem>>
        tpu.vector_store_idx %scatter3A_422[%add3A_11, %and3A_25, %add3A_401], %get3A_416 : memref<8x8x136xf32, #tpu.memory_space<vmem>>[vector<16xi32>, vector<16xi32>, vector<16xi32>], vector<16xf32>,
        %get3A_423 = arith.constant 1 : i32
        %get3A_424 = arith.index_cast %get3A_423 : i32 to index
        %get3A_425 = arith.index_cast %add3A_399 : i32 to index
        %get3A_426 = arith.constant 32 : index
        %get3A_427 = tpu.vector_load %arg6[%get3A_424, %get3A_425, %get3A_426] {strides = array<i32>} : memref<4x128x64xf32, #tpu.memory_space<vmem>>, vector<16xf32>,
        %scatter3A_428 = arith.constant 1 : i32
        %scatter3A_429 = arith.constant 0 : i32
        %scatter3A_430 = arith.constant 0 : i32
        %scatter3A_431 = arith.constant 0 : i32
        %scatter3A_432 = tpu.memref_slice %arg7[%scatter3A_428, %scatter3A_429, %scatter3A_430, %scatter3A_431] : memref<2x8x8x136xf32, #tpu.memory_space<vmem>> -> memref<1x8x8x136xf32, #tpu.memory_space<vmem>>
        %scatter3A_433 = tpu.memref_squeeze %scatter3A_432 : memref<1x8x8x136xf32, #tpu.memory_space<vmem>> -> memref<8x8x136xf32, #tpu.memory_space<vmem>>
        tpu.vector_store_idx %scatter3A_433[%add3A_17, %and3A_25, %add3A_401], %get3A_427 : memref<8x8x136xf32, #tpu.memory_space<vmem>>[vector<16xi32>, vector<16xi32>, vector<16xi32>], vector<16xf32>,
        %get3A_434 = arith.constant 1 : i32
        %get3A_435 = arith.index_cast %get3A_434 : i32 to index
        %get3A_436 = arith.index_cast %add3A_399 : i32 to index
        %get3A_437 = arith.constant 48 : index
        %get3A_438 = tpu.vector_load %arg6[%get3A_435, %get3A_436, %get3A_437] {strides = array<i32>} : memref<4x128x64xf32, #tpu.memory_space<vmem>>, vector<16xf32>,
        %scatter3A_439 = arith.constant 1 : i32
        %scatter3A_440 = arith.constant 0 : i32
        %scatter3A_441 = arith.constant 0 : i32
        %scatter3A_442 = arith.constant 0 : i32
        %scatter3A_443 = tpu.memref_slice %arg7[%scatter3A_439, %scatter3A_440, %scatter3A_441, %scatter3A_442] : memref<2x8x8x136xf32, #tpu.memory_space<vmem>> -> memref<1x8x8x136xf32, #tpu.memory_space<vmem>>
        %scatter3A_444 = tpu.memref_squeeze %scatter3A_443 : memref<1x8x8x136xf32, #tpu.memory_space<vmem>> -> memref<8x8x136xf32, #tpu.memory_space<vmem>>
        tpu.vector_store_idx %scatter3A_444[%add3A_23, %and3A_25, %add3A_401], %get3A_438 : memref<8x8x136xf32, #tpu.memory_space<vmem>>[vector<16xi32>, vector<16xi32>, vector<16xi32>], vector<16xf32>,
        %mul3A_445 = arith.constant 16 : i32
        %mul3A_446 = arith.muli %scan3A_395, %mul3A_445 : i32
        %add3A_447 = arith.constant 1 : i32
        %add3A_448 = arith.addi %mul3A_446, %add3A_447 : i32
        %add3A_449 = vector.broadcast %add3A_448 : i32 to vector<16xi32>
        %add3A_450 = arith.addi %sub3A, %add3A_449 : vector<16xi32>
        %get3A_451 = arith.constant 1 : i32
        %get3A_452 = arith.index_cast %get3A_451 : i32 to index
        %get3A_453 = arith.index_cast %add3A_448 : i32 to index
        %get3A_454 = arith.constant 0 : index
        %get3A_455 = tpu.vector_load %arg6[%get3A_452, %get3A_453, %get3A_454] {strides = array<i32>} : memref<4x128x64xf32, #tpu.memory_space<vmem>>, vector<16xf32>,
        %scatter3A_456 = arith.constant 1 : i32
        %scatter3A_457 = arith.constant 0 : i32
        %scatter3A_458 = arith.constant 0 : i32
        %scatter3A_459 = arith.constant 0 : i32
        %scatter3A_460 = tpu.memref_slice %arg7[%scatter3A_456, %scatter3A_457, %scatter3A_458, %scatter3A_459] : memref<2x8x8x136xf32, #tpu.memory_space<vmem>> -> memref<1x8x8x136xf32, #tpu.memory_space<vmem>>
        %scatter3A_461 = tpu.memref_squeeze %scatter3A_460 : memref<1x8x8x136xf32, #tpu.memory_space<vmem>> -> memref<8x8x136xf32, #tpu.memory_space<vmem>>
        tpu.vector_store_idx %scatter3A_461[%add3A_5, %and3A_25, %add3A_450], %get3A_455 : memref<8x8x136xf32, #tpu.memory_space<vmem>>[vector<16xi32>, vector<16xi32>, vector<16xi32>], vector<16xf32>,
        %get3A_462 = arith.constant 1 : i32
        %get3A_463 = arith.index_cast %get3A_462 : i32 to index
        %get3A_464 = arith.index_cast %add3A_448 : i32 to index
        %get3A_465 = arith.constant 16 : index
        %get3A_466 = tpu.vector_load %arg6[%get3A_463, %get3A_464, %get3A_465] {strides = array<i32>} : memref<4x128x64xf32, #tpu.memory_space<vmem>>, vector<16xf32>,
        %scatter3A_467 = arith.constant 1 : i32
        %scatter3A_468 = arith.constant 0 : i32
        %scatter3A_469 = arith.constant 0 : i32
        %scatter3A_470 = arith.constant 0 : i32
        %scatter3A_471 = tpu.memref_slice %arg7[%scatter3A_467, %scatter3A_468, %scatter3A_469, %scatter3A_470] : memref<2x8x8x136xf32, #tpu.memory_space<vmem>> -> memref<1x8x8x136xf32, #tpu.memory_space<vmem>>
        %scatter3A_472 = tpu.memref_squeeze %scatter3A_471 : memref<1x8x8x136xf32, #tpu.memory_space<vmem>> -> memref<8x8x136xf32, #tpu.memory_space<vmem>>
        tpu.vector_store_idx %scatter3A_472[%add3A_11, %and3A_25, %add3A_450], %get3A_466 : memref<8x8x136xf32, #tpu.memory_space<vmem>>[vector<16xi32>, vector<16xi32>, vector<16xi32>], vector<16xf32>,
        %get3A_473 = arith.constant 1 : i32
        %get3A_474 = arith.index_cast %get3A_473 : i32 to index
        %get3A_475 = arith.index_cast %add3A_448 : i32 to index
        %get3A_476 = arith.constant 32 : index
        %get3A_477 = tpu.vector_load %arg6[%get3A_474, %get3A_475, %get3A_476] {strides = array<i32>} : memref<4x128x64xf32, #tpu.memory_space<vmem>>, vector<16xf32>,
        %scatter3A_478 = arith.constant 1 : i32
        %scatter3A_479 = arith.constant 0 : i32
        %scatter3A_480 = arith.constant 0 : i32
        %scatter3A_481 = arith.constant 0 : i32
        %scatter3A_482 = tpu.memref_slice %arg7[%scatter3A_478, %scatter3A_479, %scatter3A_480, %scatter3A_481] : memref<2x8x8x136xf32, #tpu.memory_space<vmem>> -> memref<1x8x8x136xf32, #tpu.memory_space<vmem>>
        %scatter3A_483 = tpu.memref_squeeze %scatter3A_482 : memref<1x8x8x136xf32, #tpu.memory_space<vmem>> -> memref<8x8x136xf32, #tpu.memory_space<vmem>>
        tpu.vector_store_idx %scatter3A_483[%add3A_17, %and3A_25, %add3A_450], %get3A_477 : memref<8x8x136xf32, #tpu.memory_space<vmem>>[vector<16xi32>, vector<16xi32>, vector<16xi32>], vector<16xf32>,
        %get3A_484 = arith.constant 1 : i32
        %get3A_485 = arith.index_cast %get3A_484 : i32 to index
        %get3A_486 = arith.index_cast %add3A_448 : i32 to index
        %get3A_487 = arith.constant 48 : index
        %get3A_488 = tpu.vector_load %arg6[%get3A_485, %get3A_486, %get3A_487] {strides = array<i32>} : memref<4x128x64xf32, #tpu.memory_space<vmem>>, vector<16xf32>,
        %scatter3A_489 = arith.constant 1 : i32
        %scatter3A_490 = arith.constant 0 : i32
        %scatter3A_491 = arith.constant 0 : i32
        %scatter3A_492 = arith.constant 0 : i32
        %scatter3A_493 = tpu.memref_slice %arg7[%scatter3A_489, %scatter3A_490, %scatter3A_491, %scatter3A_492] : memref<2x8x8x136xf32, #tpu.memory_space<vmem>> -> memref<1x8x8x136xf32, #tpu.memory_space<vmem>>
        %scatter3A_494 = tpu.memref_squeeze %scatter3A_493 : memref<1x8x8x136xf32, #tpu.memory_space<vmem>> -> memref<8x8x136xf32, #tpu.memory_space<vmem>>
        tpu.vector_store_idx %scatter3A_494[%add3A_23, %and3A_25, %add3A_450], %get3A_488 : memref<8x8x136xf32, #tpu.memory_space<vmem>>[vector<16xi32>, vector<16xi32>, vector<16xi32>], vector<16xf32>,
        %mul3A_495 = arith.constant 16 : i32
        %mul3A_496 = arith.muli %scan3A_395, %mul3A_495 : i32
        %add3A_497 = arith.constant 2 : i32
        %add3A_498 = arith.addi %mul3A_496, %add3A_497 : i32
        %add3A_499 = vector.broadcast %add3A_498 : i32 to vector<16xi32>
        %add3A_500 = arith.addi %sub3A, %add3A_499 : vector<16xi32>
        %get3A_501 = arith.constant 1 : i32
        %get3A_502 = arith.index_cast %get3A_501 : i32 to index
        %get3A_503 = arith.index_cast %add3A_498 : i32 to index
        %get3A_504 = arith.constant 0 : index
        %get3A_505 = tpu.vector_load %arg6[%get3A_502, %get3A_503, %get3A_504] {strides = array<i32>} : memref<4x128x64xf32, #tpu.memory_space<vmem>>, vector<16xf32>,
        %scatter3A_506 = arith.constant 1 : i32
        %scatter3A_507 = arith.constant 0 : i32
        %scatter3A_508 = arith.constant 0 : i32
        %scatter3A_509 = arith.constant 0 : i32
        %scatter3A_510 = tpu.memref_slice %arg7[%scatter3A_506, %scatter3A_507, %scatter3A_508, %scatter3A_509] : memref<2x8x8x136xf32, #tpu.memory_space<vmem>> -> memref<1x8x8x136xf32, #tpu.memory_space<vmem>>
        %scatter3A_511 = tpu.memref_squeeze %scatter3A_510 : memref<1x8x8x136xf32, #tpu.memory_space<vmem>> -> memref<8x8x136xf32, #tpu.memory_space<vmem>>
        tpu.vector_store_idx %scatter3A_511[%add3A_5, %and3A_25, %add3A_500], %get3A_505 : memref<8x8x136xf32, #tpu.memory_space<vmem>>[vector<16xi32>, vector<16xi32>, vector<16xi32>], vector<16xf32>,
        %get3A_512 = arith.constant 1 : i32
        %get3A_513 = arith.index_cast %get3A_512 : i32 to index
        %get3A_514 = arith.index_cast %add3A_498 : i32 to index
        %get3A_515 = arith.constant 16 : index
        %get3A_516 = tpu.vector_load %arg6[%get3A_513, %get3A_514, %get3A_515] {strides = array<i32>} : memref<4x128x64xf32, #tpu.memory_space<vmem>>, vector<16xf32>,
        %scatter3A_517 = arith.constant 1 : i32
        %scatter3A_518 = arith.constant 0 : i32
        %scatter3A_519 = arith.constant 0 : i32
        %scatter3A_520 = arith.constant 0 : i32
        %scatter3A_521 = tpu.memref_slice %arg7[%scatter3A_517, %scatter3A_518, %scatter3A_519, %scatter3A_520] : memref<2x8x8x136xf32, #tpu.memory_space<vmem>> -> memref<1x8x8x136xf32, #tpu.memory_space<vmem>>
        %scatter3A_522 = tpu.memref_squeeze %scatter3A_521 : memref<1x8x8x136xf32, #tpu.memory_space<vmem>> -> memref<8x8x136xf32, #tpu.memory_space<vmem>>
        tpu.vector_store_idx %scatter3A_522[%add3A_11, %and3A_25, %add3A_500], %get3A_516 : memref<8x8x136xf32, #tpu.memory_space<vmem>>[vector<16xi32>, vector<16xi32>, vector<16xi32>], vector<16xf32>,
        %get3A_523 = arith.constant 1 : i32
        %get3A_524 = arith.index_cast %get3A_523 : i32 to index
        %get3A_525 = arith.index_cast %add3A_498 : i32 to index
        %get3A_526 = arith.constant 32 : index
        %get3A_527 = tpu.vector_load %arg6[%get3A_524, %get3A_525, %get3A_526] {strides = array<i32>} : memref<4x128x64xf32, #tpu.memory_space<vmem>>, vector<16xf32>,
        %scatter3A_528 = arith.constant 1 : i32
        %scatter3A_529 = arith.constant 0 : i32
        %scatter3A_530 = arith.constant 0 : i32
        %scatter3A_531 = arith.constant 0 : i32
        %scatter3A_532 = tpu.memref_slice %arg7[%scatter3A_528, %scatter3A_529, %scatter3A_530, %scatter3A_531] : memref<2x8x8x136xf32, #tpu.memory_space<vmem>> -> memref<1x8x8x136xf32, #tpu.memory_space<vmem>>
        %scatter3A_533 = tpu.memref_squeeze %scatter3A_532 : memref<1x8x8x136xf32, #tpu.memory_space<vmem>> -> memref<8x8x136xf32, #tpu.memory_space<vmem>>
        tpu.vector_store_idx %scatter3A_533[%add3A_17, %and3A_25, %add3A_500], %get3A_527 : memref<8x8x136xf32, #tpu.memory_space<vmem>>[vector<16xi32>, vector<16xi32>, vector<16xi32>], vector<16xf32>,
        %get3A_534 = arith.constant 1 : i32
        %get3A_535 = arith.index_cast %get3A_534 : i32 to index
        %get3A_536 = arith.index_cast %add3A_498 : i32 to index
        %get3A_537 = arith.constant 48 : index
        %get3A_538 = tpu.vector_load %arg6[%get3A_535, %get3A_536, %get3A_537] {strides = array<i32>} : memref<4x128x64xf32, #tpu.memory_space<vmem>>, vector<16xf32>,
        %scatter3A_539 = arith.constant 1 : i32
        %scatter3A_540 = arith.constant 0 : i32
        %scatter3A_541 = arith.constant 0 : i32
        %scatter3A_542 = arith.constant 0 : i32
        %scatter3A_543 = tpu.memref_slice %arg7[%scatter3A_539, %scatter3A_540, %scatter3A_541, %scatter3A_542] : memref<2x8x8x136xf32, #tpu.memory_space<vmem>> -> memref<1x8x8x136xf32, #tpu.memory_space<vmem>>
        %scatter3A_544 = tpu.memref_squeeze %scatter3A_543 : memref<1x8x8x136xf32, #tpu.memory_space<vmem>> -> memref<8x8x136xf32, #tpu.memory_space<vmem>>
        tpu.vector_store_idx %scatter3A_544[%add3A_23, %and3A_25, %add3A_500], %get3A_538 : memref<8x8x136xf32, #tpu.memory_space<vmem>>[vector<16xi32>, vector<16xi32>, vector<16xi32>], vector<16xf32>,
        %mul3A_545 = arith.constant 16 : i32
        %mul3A_546 = arith.muli %scan3A_395, %mul3A_545 : i32
        %add3A_547 = arith.constant 3 : i32
        %add3A_548 = arith.addi %mul3A_546, %add3A_547 : i32
        %add3A_549 = vector.broadcast %add3A_548 : i32 to vector<16xi32>
        %add3A_550 = arith.addi %sub3A, %add3A_549 : vector<16xi32>
        %get3A_551 = arith.constant 1 : i32
        %get3A_552 = arith.index_cast %get3A_551 : i32 to index
        %get3A_553 = arith.index_cast %add3A_548 : i32 to index
        %get3A_554 = arith.constant 0 : index
        %get3A_555 = tpu.vector_load %arg6[%get3A_552, %get3A_553, %get3A_554] {strides = array<i32>} : memref<4x128x64xf32, #tpu.memory_space<vmem>>, vector<16xf32>,
        %scatter3A_556 = arith.constant 1 : i32
        %scatter3A_557 = arith.constant 0 : i32
        %scatter3A_558 = arith.constant 0 : i32
        %scatter3A_559 = arith.constant 0 : i32
        %scatter3A_560 = tpu.memref_slice %arg7[%scatter3A_556, %scatter3A_557, %scatter3A_558, %scatter3A_559] : memref<2x8x8x136xf32, #tpu.memory_space<vmem>> -> memref<1x8x8x136xf32, #tpu.memory_space<vmem>>
        %scatter3A_561 = tpu.memref_squeeze %scatter3A_560 : memref<1x8x8x136xf32, #tpu.memory_space<vmem>> -> memref<8x8x136xf32, #tpu.memory_space<vmem>>
        tpu.vector_store_idx %scatter3A_561[%add3A_5, %and3A_25, %add3A_550], %get3A_555 : memref<8x8x136xf32, #tpu.memory_space<vmem>>[vector<16xi32>, vector<16xi32>, vector<16xi32>], vector<16xf32>,
        %get3A_562 = arith.constant 1 : i32
        %get3A_563 = arith.index_cast %get3A_562 : i32 to index
        %get3A_564 = arith.index_cast %add3A_548 : i32 to index
        %get3A_565 = arith.constant 16 : index
        %get3A_566 = tpu.vector_load %arg6[%get3A_563, %get3A_564, %get3A_565] {strides = array<i32>} : memref<4x128x64xf32, #tpu.memory_space<vmem>>, vector<16xf32>,
        %scatter3A_567 = arith.constant 1 : i32
        %scatter3A_568 = arith.constant 0 : i32
        %scatter3A_569 = arith.constant 0 : i32
        %scatter3A_570 = arith.constant 0 : i32
        %scatter3A_571 = tpu.memref_slice %arg7[%scatter3A_567, %scatter3A_568, %scatter3A_569, %scatter3A_570] : memref<2x8x8x136xf32, #tpu.memory_space<vmem>> -> memref<1x8x8x136xf32, #tpu.memory_space<vmem>>
        %scatter3A_572 = tpu.memref_squeeze %scatter3A_571 : memref<1x8x8x136xf32, #tpu.memory_space<vmem>> -> memref<8x8x136xf32, #tpu.memory_space<vmem>>
        tpu.vector_store_idx %scatter3A_572[%add3A_11, %and3A_25, %add3A_550], %get3A_566 : memref<8x8x136xf32, #tpu.memory_space<vmem>>[vector<16xi32>, vector<16xi32>, vector<16xi32>], vector<16xf32>,
        %get3A_573 = arith.constant 1 : i32
        %get3A_574 = arith.index_cast %get3A_573 : i32 to index
        %get3A_575 = arith.index_cast %add3A_548 : i32 to index
        %get3A_576 = arith.constant 32 : index
        %get3A_577 = tpu.vector_load %arg6[%get3A_574, %get3A_575, %get3A_576] {strides = array<i32>} : memref<4x128x64xf32, #tpu.memory_space<vmem>>, vector<16xf32>,
        %scatter3A_578 = arith.constant 1 : i32
        %scatter3A_579 = arith.constant 0 : i32
        %scatter3A_580 = arith.constant 0 : i32
        %scatter3A_581 = arith.constant 0 : i32
        %scatter3A_582 = tpu.memref_slice %arg7[%scatter3A_578, %scatter3A_579, %scatter3A_580, %scatter3A_581] : memref<2x8x8x136xf32, #tpu.memory_space<vmem>> -> memref<1x8x8x136xf32, #tpu.memory_space<vmem>>
        %scatter3A_583 = tpu.memref_squeeze %scatter3A_582 : memref<1x8x8x136xf32, #tpu.memory_space<vmem>> -> memref<8x8x136xf32, #tpu.memory_space<vmem>>
        tpu.vector_store_idx %scatter3A_583[%add3A_17, %and3A_25, %add3A_550], %get3A_577 : memref<8x8x136xf32, #tpu.memory_space<vmem>>[vector<16xi32>, vector<16xi32>, vector<16xi32>], vector<16xf32>,
        %get3A_584 = arith.constant 1 : i32
        %get3A_585 = arith.index_cast %get3A_584 : i32 to index
        %get3A_586 = arith.index_cast %add3A_548 : i32 to index
        %get3A_587 = arith.constant 48 : index
        %get3A_588 = tpu.vector_load %arg6[%get3A_585, %get3A_586, %get3A_587] {strides = array<i32>} : memref<4x128x64xf32, #tpu.memory_space<vmem>>, vector<16xf32>,
        %scatter3A_589 = arith.constant 1 : i32
        %scatter3A_590 = arith.constant 0 : i32
        %scatter3A_591 = arith.constant 0 : i32
        %scatter3A_592 = arith.constant 0 : i32
        %scatter3A_593 = tpu.memref_slice %arg7[%scatter3A_589, %scatter3A_590, %scatter3A_591, %scatter3A_592] : memref<2x8x8x136xf32, #tpu.memory_space<vmem>> -> memref<1x8x8x136xf32, #tpu.memory_space<vmem>>
        %scatter3A_594 = tpu.memref_squeeze %scatter3A_593 : memref<1x8x8x136xf32, #tpu.memory_space<vmem>> -> memref<8x8x136xf32, #tpu.memory_space<vmem>>
        tpu.vector_store_idx %scatter3A_594[%add3A_23, %and3A_25, %add3A_550], %get3A_588 : memref<8x8x136xf32, #tpu.memory_space<vmem>>[vector<16xi32>, vector<16xi32>, vector<16xi32>], vector<16xf32>,
        %mul3A_595 = arith.constant 16 : i32
        %mul3A_596 = arith.muli %scan3A_395, %mul3A_595 : i32
        %add3A_597 = arith.constant 4 : i32
        %add3A_598 = arith.addi %mul3A_596, %add3A_597 : i32
        %add3A_599 = vector.broadcast %add3A_598 : i32 to vector<16xi32>
        %add3A_600 = arith.addi %sub3A, %add3A_599 : vector<16xi32>
        %get3A_601 = arith.constant 1 : i32
        %get3A_602 = arith.index_cast %get3A_601 : i32 to index
        %get3A_603 = arith.index_cast %add3A_598 : i32 to index
        %get3A_604 = arith.constant 0 : index
        %get3A_605 = tpu.vector_load %arg6[%get3A_602, %get3A_603, %get3A_604] {strides = array<i32>} : memref<4x128x64xf32, #tpu.memory_space<vmem>>, vector<16xf32>,
        %scatter3A_606 = arith.constant 1 : i32
        %scatter3A_607 = arith.constant 0 : i32
        %scatter3A_608 = arith.constant 0 : i32
        %scatter3A_609 = arith.constant 0 : i32
        %scatter3A_610 = tpu.memref_slice %arg7[%scatter3A_606, %scatter3A_607, %scatter3A_608, %scatter3A_609] : memref<2x8x8x136xf32, #tpu.memory_space<vmem>> -> memref<1x8x8x136xf32, #tpu.memory_space<vmem>>
        %scatter3A_611 = tpu.memref_squeeze %scatter3A_610 : memref<1x8x8x136xf32, #tpu.memory_space<vmem>> -> memref<8x8x136xf32, #tpu.memory_space<vmem>>
        tpu.vector_store_idx %scatter3A_611[%add3A_5, %and3A_25, %add3A_600], %get3A_605 : memref<8x8x136xf32, #tpu.memory_space<vmem>>[vector<16xi32>, vector<16xi32>, vector<16xi32>], vector<16xf32>,
        %get3A_612 = arith.constant 1 : i32
        %get3A_613 = arith.index_cast %get3A_612 : i32 to index
        %get3A_614 = arith.index_cast %add3A_598 : i32 to index
        %get3A_615 = arith.constant 16 : index
        %get3A_616 = tpu.vector_load %arg6[%get3A_613, %get3A_614, %get3A_615] {strides = array<i32>} : memref<4x128x64xf32, #tpu.memory_space<vmem>>, vector<16xf32>,
        %scatter3A_617 = arith.constant 1 : i32
        %scatter3A_618 = arith.constant 0 : i32
        %scatter3A_619 = arith.constant 0 : i32
        %scatter3A_620 = arith.constant 0 : i32
        %scatter3A_621 = tpu.memref_slice %arg7[%scatter3A_617, %scatter3A_618, %scatter3A_619, %scatter3A_620] : memref<2x8x8x136xf32, #tpu.memory_space<vmem>> -> memref<1x8x8x136xf32, #tpu.memory_space<vmem>>
        %scatter3A_622 = tpu.memref_squeeze %scatter3A_621 : memref<1x8x8x136xf32, #tpu.memory_space<vmem>> -> memref<8x8x136xf32, #tpu.memory_space<vmem>>
        tpu.vector_store_idx %scatter3A_622[%add3A_11, %and3A_25, %add3A_600], %get3A_616 : memref<8x8x136xf32, #tpu.memory_space<vmem>>[vector<16xi32>, vector<16xi32>, vector<16xi32>], vector<16xf32>,
        %get3A_623 = arith.constant 1 : i32
        %get3A_624 = arith.index_cast %get3A_623 : i32 to index
        %get3A_625 = arith.index_cast %add3A_598 : i32 to index
        %get3A_626 = arith.constant 32 : index
        %get3A_627 = tpu.vector_load %arg6[%get3A_624, %get3A_625, %get3A_626] {strides = array<i32>} : memref<4x128x64xf32, #tpu.memory_space<vmem>>, vector<16xf32>,
        %scatter3A_628 = arith.constant 1 : i32
        %scatter3A_629 = arith.constant 0 : i32
        %scatter3A_630 = arith.constant 0 : i32
        %scatter3A_631 = arith.constant 0 : i32
        %scatter3A_632 = tpu.memref_slice %arg7[%scatter3A_628, %scatter3A_629, %scatter3A_630, %scatter3A_631] : memref<2x8x8x136xf32, #tpu.memory_space<vmem>> -> memref<1x8x8x136xf32, #tpu.memory_space<vmem>>
        %scatter3A_633 = tpu.memref_squeeze %scatter3A_632 : memref<1x8x8x136xf32, #tpu.memory_space<vmem>> -> memref<8x8x136xf32, #tpu.memory_space<vmem>>
        tpu.vector_store_idx %scatter3A_633[%add3A_17, %and3A_25, %add3A_600], %get3A_627 : memref<8x8x136xf32, #tpu.memory_space<vmem>>[vector<16xi32>, vector<16xi32>, vector<16xi32>], vector<16xf32>,
        %get3A_634 = arith.constant 1 : i32
        %get3A_635 = arith.index_cast %get3A_634 : i32 to index
        %get3A_636 = arith.index_cast %add3A_598 : i32 to index
        %get3A_637 = arith.constant 48 : index
        %get3A_638 = tpu.vector_load %arg6[%get3A_635, %get3A_636, %get3A_637] {strides = array<i32>} : memref<4x128x64xf32, #tpu.memory_space<vmem>>, vector<16xf32>,
        %scatter3A_639 = arith.constant 1 : i32
        %scatter3A_640 = arith.constant 0 : i32
        %scatter3A_641 = arith.constant 0 : i32
        %scatter3A_642 = arith.constant 0 : i32
        %scatter3A_643 = tpu.memref_slice %arg7[%scatter3A_639, %scatter3A_640, %scatter3A_641, %scatter3A_642] : memref<2x8x8x136xf32, #tpu.memory_space<vmem>> -> memref<1x8x8x136xf32, #tpu.memory_space<vmem>>
        %scatter3A_644 = tpu.memref_squeeze %scatter3A_643 : memref<1x8x8x136xf32, #tpu.memory_space<vmem>> -> memref<8x8x136xf32, #tpu.memory_space<vmem>>
        tpu.vector_store_idx %scatter3A_644[%add3A_23, %and3A_25, %add3A_600], %get3A_638 : memref<8x8x136xf32, #tpu.memory_space<vmem>>[vector<16xi32>, vector<16xi32>, vector<16xi32>], vector<16xf32>,
        %mul3A_645 = arith.constant 16 : i32
        %mul3A_646 = arith.muli %scan3A_395, %mul3A_645 : i32
        %add3A_647 = arith.constant 5 : i32
        %add3A_648 = arith.addi %mul3A_646, %add3A_647 : i32
        %add3A_649 = vector.broadcast %add3A_648 : i32 to vector<16xi32>
        %add3A_650 = arith.addi %sub3A, %add3A_649 : vector<16xi32>
        %get3A_651 = arith.constant 1 : i32
        %get3A_652 = arith.index_cast %get3A_651 : i32 to index
        %get3A_653 = arith.index_cast %add3A_648 : i32 to index
        %get3A_654 = arith.constant 0 : index
        %get3A_655 = tpu.vector_load %arg6[%get3A_652, %get3A_653, %get3A_654] {strides = array<i32>} : memref<4x128x64xf32, #tpu.memory_space<vmem>>, vector<16xf32>,
        %scatter3A_656 = arith.constant 1 : i32
        %scatter3A_657 = arith.constant 0 : i32
        %scatter3A_658 = arith.constant 0 : i32
        %scatter3A_659 = arith.constant 0 : i32
        %scatter3A_660 = tpu.memref_slice %arg7[%scatter3A_656, %scatter3A_657, %scatter3A_658, %scatter3A_659] : memref<2x8x8x136xf32, #tpu.memory_space<vmem>> -> memref<1x8x8x136xf32, #tpu.memory_space<vmem>>
        %scatter3A_661 = tpu.memref_squeeze %scatter3A_660 : memref<1x8x8x136xf32, #tpu.memory_space<vmem>> -> memref<8x8x136xf32, #tpu.memory_space<vmem>>
        tpu.vector_store_idx %scatter3A_661[%add3A_5, %and3A_25, %add3A_650], %get3A_655 : memref<8x8x136xf32, #tpu.memory_space<vmem>>[vector<16xi32>, vector<16xi32>, vector<16xi32>], vector<16xf32>,
        %get3A_662 = arith.constant 1 : i32
        %get3A_663 = arith.index_cast %get3A_662 : i32 to index
        %get3A_664 = arith.index_cast %add3A_648 : i32 to index
        %get3A_665 = arith.constant 16 : index
        %get3A_666 = tpu.vector_load %arg6[%get3A_663, %get3A_664, %get3A_665] {strides = array<i32>} : memref<4x128x64xf32, #tpu.memory_space<vmem>>, vector<16xf32>,
        %scatter3A_667 = arith.constant 1 : i32
        %scatter3A_668 = arith.constant 0 : i32
        %scatter3A_669 = arith.constant 0 : i32
        %scatter3A_670 = arith.constant 0 : i32
        %scatter3A_671 = tpu.memref_slice %arg7[%scatter3A_667, %scatter3A_668, %scatter3A_669, %scatter3A_670] : memref<2x8x8x136xf32, #tpu.memory_space<vmem>> -> memref<1x8x8x136xf32, #tpu.memory_space<vmem>>
        %scatter3A_672 = tpu.memref_squeeze %scatter3A_671 : memref<1x8x8x136xf32, #tpu.memory_space<vmem>> -> memref<8x8x136xf32, #tpu.memory_space<vmem>>
        tpu.vector_store_idx %scatter3A_672[%add3A_11, %and3A_25, %add3A_650], %get3A_666 : memref<8x8x136xf32, #tpu.memory_space<vmem>>[vector<16xi32>, vector<16xi32>, vector<16xi32>], vector<16xf32>,
        %get3A_673 = arith.constant 1 : i32
        %get3A_674 = arith.index_cast %get3A_673 : i32 to index
        %get3A_675 = arith.index_cast %add3A_648 : i32 to index
        %get3A_676 = arith.constant 32 : index
        %get3A_677 = tpu.vector_load %arg6[%get3A_674, %get3A_675, %get3A_676] {strides = array<i32>} : memref<4x128x64xf32, #tpu.memory_space<vmem>>, vector<16xf32>,
        %scatter3A_678 = arith.constant 1 : i32
        %scatter3A_679 = arith.constant 0 : i32
        %scatter3A_680 = arith.constant 0 : i32
        %scatter3A_681 = arith.constant 0 : i32
        %scatter3A_682 = tpu.memref_slice %arg7[%scatter3A_678, %scatter3A_679, %scatter3A_680, %scatter3A_681] : memref<2x8x8x136xf32, #tpu.memory_space<vmem>> -> memref<1x8x8x136xf32, #tpu.memory_space<vmem>>
        %scatter3A_683 = tpu.memref_squeeze %scatter3A_682 : memref<1x8x8x136xf32, #tpu.memory_space<vmem>> -> memref<8x8x136xf32, #tpu.memory_space<vmem>>
        tpu.vector_store_idx %scatter3A_683[%add3A_17, %and3A_25, %add3A_650], %get3A_677 : memref<8x8x136xf32, #tpu.memory_space<vmem>>[vector<16xi32>, vector<16xi32>, vector<16xi32>], vector<16xf32>,
        %get3A_684 = arith.constant 1 : i32
        %get3A_685 = arith.index_cast %get3A_684 : i32 to index
        %get3A_686 = arith.index_cast %add3A_648 : i32 to index
        %get3A_687 = arith.constant 48 : index
        %get3A_688 = tpu.vector_load %arg6[%get3A_685, %get3A_686, %get3A_687] {strides = array<i32>} : memref<4x128x64xf32, #tpu.memory_space<vmem>>, vector<16xf32>,
        %scatter3A_689 = arith.constant 1 : i32
        %scatter3A_690 = arith.constant 0 : i32
        %scatter3A_691 = arith.constant 0 : i32
        %scatter3A_692 = arith.constant 0 : i32
        %scatter3A_693 = tpu.memref_slice %arg7[%scatter3A_689, %scatter3A_690, %scatter3A_691, %scatter3A_692] : memref<2x8x8x136xf32, #tpu.memory_space<vmem>> -> memref<1x8x8x136xf32, #tpu.memory_space<vmem>>
        %scatter3A_694 = tpu.memref_squeeze %scatter3A_693 : memref<1x8x8x136xf32, #tpu.memory_space<vmem>> -> memref<8x8x136xf32, #tpu.memory_space<vmem>>
        tpu.vector_store_idx %scatter3A_694[%add3A_23, %and3A_25, %add3A_650], %get3A_688 : memref<8x8x136xf32, #tpu.memory_space<vmem>>[vector<16xi32>, vector<16xi32>, vector<16xi32>], vector<16xf32>,
        %mul3A_695 = arith.constant 16 : i32
        %mul3A_696 = arith.muli %scan3A_395, %mul3A_695 : i32
        %add3A_697 = arith.constant 6 : i32
        %add3A_698 = arith.addi %mul3A_696, %add3A_697 : i32
        %add3A_699 = vector.broadcast %add3A_698 : i32 to vector<16xi32>
        %add3A_700 = arith.addi %sub3A, %add3A_699 : vector<16xi32>
        %get3A_701 = arith.constant 1 : i32
        %get3A_702 = arith.index_cast %get3A_701 : i32 to index
        %get3A_703 = arith.index_cast %add3A_698 : i32 to index
        %get3A_704 = arith.constant 0 : index
        %get3A_705 = tpu.vector_load %arg6[%get3A_702, %get3A_703, %get3A_704] {strides = array<i32>} : memref<4x128x64xf32, #tpu.memory_space<vmem>>, vector<16xf32>,
        %scatter3A_706 = arith.constant 1 : i32
        %scatter3A_707 = arith.constant 0 : i32
        %scatter3A_708 = arith.constant 0 : i32
        %scatter3A_709 = arith.constant 0 : i32
        %scatter3A_710 = tpu.memref_slice %arg7[%scatter3A_706, %scatter3A_707, %scatter3A_708, %scatter3A_709] : memref<2x8x8x136xf32, #tpu.memory_space<vmem>> -> memref<1x8x8x136xf32, #tpu.memory_space<vmem>>
        %scatter3A_711 = tpu.memref_squeeze %scatter3A_710 : memref<1x8x8x136xf32, #tpu.memory_space<vmem>> -> memref<8x8x136xf32, #tpu.memory_space<vmem>>
        tpu.vector_store_idx %scatter3A_711[%add3A_5, %and3A_25, %add3A_700], %get3A_705 : memref<8x8x136xf32, #tpu.memory_space<vmem>>[vector<16xi32>, vector<16xi32>, vector<16xi32>], vector<16xf32>,
        %get3A_712 = arith.constant 1 : i32
        %get3A_713 = arith.index_cast %get3A_712 : i32 to index
        %get3A_714 = arith.index_cast %add3A_698 : i32 to index
        %get3A_715 = arith.constant 16 : index
        %get3A_716 = tpu.vector_load %arg6[%get3A_713, %get3A_714, %get3A_715] {strides = array<i32>} : memref<4x128x64xf32, #tpu.memory_space<vmem>>, vector<16xf32>,
        %scatter3A_717 = arith.constant 1 : i32
        %scatter3A_718 = arith.constant 0 : i32
        %scatter3A_719 = arith.constant 0 : i32
        %scatter3A_720 = arith.constant 0 : i32
        %scatter3A_721 = tpu.memref_slice %arg7[%scatter3A_717, %scatter3A_718, %scatter3A_719, %scatter3A_720] : memref<2x8x8x136xf32, #tpu.memory_space<vmem>> -> memref<1x8x8x136xf32, #tpu.memory_space<vmem>>
        %scatter3A_722 = tpu.memref_squeeze %scatter3A_721 : memref<1x8x8x136xf32, #tpu.memory_space<vmem>> -> memref<8x8x136xf32, #tpu.memory_space<vmem>>
        tpu.vector_store_idx %scatter3A_722[%add3A_11, %and3A_25, %add3A_700], %get3A_716 : memref<8x8x136xf32, #tpu.memory_space<vmem>>[vector<16xi32>, vector<16xi32>, vector<16xi32>], vector<16xf32>,
        %get3A_723 = arith.constant 1 : i32
        %get3A_724 = arith.index_cast %get3A_723 : i32 to index
        %get3A_725 = arith.index_cast %add3A_698 : i32 to index
        %get3A_726 = arith.constant 32 : index
        %get3A_727 = tpu.vector_load %arg6[%get3A_724, %get3A_725, %get3A_726] {strides = array<i32>} : memref<4x128x64xf32, #tpu.memory_space<vmem>>, vector<16xf32>,
        %scatter3A_728 = arith.constant 1 : i32
        %scatter3A_729 = arith.constant 0 : i32
        %scatter3A_730 = arith.constant 0 : i32
        %scatter3A_731 = arith.constant 0 : i32
        %scatter3A_732 = tpu.memref_slice %arg7[%scatter3A_728, %scatter3A_729, %scatter3A_730, %scatter3A_731] : memref<2x8x8x136xf32, #tpu.memory_space<vmem>> -> memref<1x8x8x136xf32, #tpu.memory_space<vmem>>
        %scatter3A_733 = tpu.memref_squeeze %scatter3A_732 : memref<1x8x8x136xf32, #tpu.memory_space<vmem>> -> memref<8x8x136xf32, #tpu.memory_space<vmem>>
        tpu.vector_store_idx %scatter3A_733[%add3A_17, %and3A_25, %add3A_700], %get3A_727 : memref<8x8x136xf32, #tpu.memory_space<vmem>>[vector<16xi32>, vector<16xi32>, vector<16xi32>], vector<16xf32>,
        %get3A_734 = arith.constant 1 : i32
        %get3A_735 = arith.index_cast %get3A_734 : i32 to index
        %get3A_736 = arith.index_cast %add3A_698 : i32 to index
        %get3A_737 = arith.constant 48 : index
        %get3A_738 = tpu.vector_load %arg6[%get3A_735, %get3A_736, %get3A_737] {strides = array<i32>} : memref<4x128x64xf32, #tpu.memory_space<vmem>>, vector<16xf32>,
        %scatter3A_739 = arith.constant 1 : i32
        %scatter3A_740 = arith.constant 0 : i32
        %scatter3A_741 = arith.constant 0 : i32
        %scatter3A_742 = arith.constant 0 : i32
        %scatter3A_743 = tpu.memref_slice %arg7[%scatter3A_739, %scatter3A_740, %scatter3A_741, %scatter3A_742] : memref<2x8x8x136xf32, #tpu.memory_space<vmem>> -> memref<1x8x8x136xf32, #tpu.memory_space<vmem>>
        %scatter3A_744 = tpu.memref_squeeze %scatter3A_743 : memref<1x8x8x136xf32, #tpu.memory_space<vmem>> -> memref<8x8x136xf32, #tpu.memory_space<vmem>>
        tpu.vector_store_idx %scatter3A_744[%add3A_23, %and3A_25, %add3A_700], %get3A_738 : memref<8x8x136xf32, #tpu.memory_space<vmem>>[vector<16xi32>, vector<16xi32>, vector<16xi32>], vector<16xf32>,
        %mul3A_745 = arith.constant 16 : i32
        %mul3A_746 = arith.muli %scan3A_395, %mul3A_745 : i32
        %add3A_747 = arith.constant 7 : i32
        %add3A_748 = arith.addi %mul3A_746, %add3A_747 : i32
        %add3A_749 = vector.broadcast %add3A_748 : i32 to vector<16xi32>
        %add3A_750 = arith.addi %sub3A, %add3A_749 : vector<16xi32>
        %get3A_751 = arith.constant 1 : i32
        %get3A_752 = arith.index_cast %get3A_751 : i32 to index
        %get3A_753 = arith.index_cast %add3A_748 : i32 to index
        %get3A_754 = arith.constant 0 : index
        %get3A_755 = tpu.vector_load %arg6[%get3A_752, %get3A_753, %get3A_754] {strides = array<i32>} : memref<4x128x64xf32, #tpu.memory_space<vmem>>, vector<16xf32>,
        %scatter3A_756 = arith.constant 1 : i32
        %scatter3A_757 = arith.constant 0 : i32
        %scatter3A_758 = arith.constant 0 : i32
        %scatter3A_759 = arith.constant 0 : i32
        %scatter3A_760 = tpu.memref_slice %arg7[%scatter3A_756, %scatter3A_757, %scatter3A_758, %scatter3A_759] : memref<2x8x8x136xf32, #tpu.memory_space<vmem>> -> memref<1x8x8x136xf32, #tpu.memory_space<vmem>>
        %scatter3A_761 = tpu.memref_squeeze %scatter3A_760 : memref<1x8x8x136xf32, #tpu.memory_space<vmem>> -> memref<8x8x136xf32, #tpu.memory_space<vmem>>
        tpu.vector_store_idx %scatter3A_761[%add3A_5, %and3A_25, %add3A_750], %get3A_755 : memref<8x8x136xf32, #tpu.memory_space<vmem>>[vector<16xi32>, vector<16xi32>, vector<16xi32>], vector<16xf32>,
        %get3A_762 = arith.constant 1 : i32
        %get3A_763 = arith.index_cast %get3A_762 : i32 to index
        %get3A_764 = arith.index_cast %add3A_748 : i32 to index
        %get3A_765 = arith.constant 16 : index
        %get3A_766 = tpu.vector_load %arg6[%get3A_763, %get3A_764, %get3A_765] {strides = array<i32>} : memref<4x128x64xf32, #tpu.memory_space<vmem>>, vector<16xf32>,
        %scatter3A_767 = arith.constant 1 : i32
        %scatter3A_768 = arith.constant 0 : i32
        %scatter3A_769 = arith.constant 0 : i32
        %scatter3A_770 = arith.constant 0 : i32
        %scatter3A_771 = tpu.memref_slice %arg7[%scatter3A_767, %scatter3A_768, %scatter3A_769, %scatter3A_770] : memref<2x8x8x136xf32, #tpu.memory_space<vmem>> -> memref<1x8x8x136xf32, #tpu.memory_space<vmem>>
        %scatter3A_772 = tpu.memref_squeeze %scatter3A_771 : memref<1x8x8x136xf32, #tpu.memory_space<vmem>> -> memref<8x8x136xf32, #tpu.memory_space<vmem>>
        tpu.vector_store_idx %scatter3A_772[%add3A_11, %and3A_25, %add3A_750], %get3A_766 : memref<8x8x136xf32, #tpu.memory_space<vmem>>[vector<16xi32>, vector<16xi32>, vector<16xi32>], vector<16xf32>,
        %get3A_773 = arith.constant 1 : i32
        %get3A_774 = arith.index_cast %get3A_773 : i32 to index
        %get3A_775 = arith.index_cast %add3A_748 : i32 to index
        %get3A_776 = arith.constant 32 : index
        %get3A_777 = tpu.vector_load %arg6[%get3A_774, %get3A_775, %get3A_776] {strides = array<i32>} : memref<4x128x64xf32, #tpu.memory_space<vmem>>, vector<16xf32>,
        %scatter3A_778 = arith.constant 1 : i32
        %scatter3A_779 = arith.constant 0 : i32
        %scatter3A_780 = arith.constant 0 : i32
        %scatter3A_781 = arith.constant 0 : i32
        %scatter3A_782 = tpu.memref_slice %arg7[%scatter3A_778, %scatter3A_779, %scatter3A_780, %scatter3A_781] : memref<2x8x8x136xf32, #tpu.memory_space<vmem>> -> memref<1x8x8x136xf32, #tpu.memory_space<vmem>>
        %scatter3A_783 = tpu.memref_squeeze %scatter3A_782 : memref<1x8x8x136xf32, #tpu.memory_space<vmem>> -> memref<8x8x136xf32, #tpu.memory_space<vmem>>
        tpu.vector_store_idx %scatter3A_783[%add3A_17, %and3A_25, %add3A_750], %get3A_777 : memref<8x8x136xf32, #tpu.memory_space<vmem>>[vector<16xi32>, vector<16xi32>, vector<16xi32>], vector<16xf32>,
        %get3A_784 = arith.constant 1 : i32
        %get3A_785 = arith.index_cast %get3A_784 : i32 to index
        %get3A_786 = arith.index_cast %add3A_748 : i32 to index
        %get3A_787 = arith.constant 48 : index
        %get3A_788 = tpu.vector_load %arg6[%get3A_785, %get3A_786, %get3A_787] {strides = array<i32>} : memref<4x128x64xf32, #tpu.memory_space<vmem>>, vector<16xf32>,
        %scatter3A_789 = arith.constant 1 : i32
        %scatter3A_790 = arith.constant 0 : i32
        %scatter3A_791 = arith.constant 0 : i32
        %scatter3A_792 = arith.constant 0 : i32
        %scatter3A_793 = tpu.memref_slice %arg7[%scatter3A_789, %scatter3A_790, %scatter3A_791, %scatter3A_792] : memref<2x8x8x136xf32, #tpu.memory_space<vmem>> -> memref<1x8x8x136xf32, #tpu.memory_space<vmem>>
        %scatter3A_794 = tpu.memref_squeeze %scatter3A_793 : memref<1x8x8x136xf32, #tpu.memory_space<vmem>> -> memref<8x8x136xf32, #tpu.memory_space<vmem>>
        tpu.vector_store_idx %scatter3A_794[%add3A_23, %and3A_25, %add3A_750], %get3A_788 : memref<8x8x136xf32, #tpu.memory_space<vmem>>[vector<16xi32>, vector<16xi32>, vector<16xi32>], vector<16xf32>,
        %mul3A_795 = arith.constant 16 : i32
        %mul3A_796 = arith.muli %scan3A_395, %mul3A_795 : i32
        %add3A_797 = arith.constant 8 : i32
        %add3A_798 = arith.addi %mul3A_796, %add3A_797 : i32
        %add3A_799 = vector.broadcast %add3A_798 : i32 to vector<16xi32>
        %add3A_800 = arith.addi %sub3A, %add3A_799 : vector<16xi32>
        %get3A_801 = arith.constant 1 : i32
        %get3A_802 = arith.index_cast %get3A_801 : i32 to index
        %get3A_803 = arith.index_cast %add3A_798 : i32 to index
        %get3A_804 = arith.constant 0 : index
        %get3A_805 = tpu.vector_load %arg6[%get3A_802, %get3A_803, %get3A_804] {strides = array<i32>} : memref<4x128x64xf32, #tpu.memory_space<vmem>>, vector<16xf32>,
        %scatter3A_806 = arith.constant 1 : i32
        %scatter3A_807 = arith.constant 0 : i32
        %scatter3A_808 = arith.constant 0 : i32
        %scatter3A_809 = arith.constant 0 : i32
        %scatter3A_810 = tpu.memref_slice %arg7[%scatter3A_806, %scatter3A_807, %scatter3A_808, %scatter3A_809] : memref<2x8x8x136xf32, #tpu.memory_space<vmem>> -> memref<1x8x8x136xf32, #tpu.memory_space<vmem>>
        %scatter3A_811 = tpu.memref_squeeze %scatter3A_810 : memref<1x8x8x136xf32, #tpu.memory_space<vmem>> -> memref<8x8x136xf32, #tpu.memory_space<vmem>>
        tpu.vector_store_idx %scatter3A_811[%add3A_5, %and3A_25, %add3A_800], %get3A_805 : memref<8x8x136xf32, #tpu.memory_space<vmem>>[vector<16xi32>, vector<16xi32>, vector<16xi32>], vector<16xf32>,
        %get3A_812 = arith.constant 1 : i32
        %get3A_813 = arith.index_cast %get3A_812 : i32 to index
        %get3A_814 = arith.index_cast %add3A_798 : i32 to index
        %get3A_815 = arith.constant 16 : index
        %get3A_816 = tpu.vector_load %arg6[%get3A_813, %get3A_814, %get3A_815] {strides = array<i32>} : memref<4x128x64xf32, #tpu.memory_space<vmem>>, vector<16xf32>,
        %scatter3A_817 = arith.constant 1 : i32
        %scatter3A_818 = arith.constant 0 : i32
        %scatter3A_819 = arith.constant 0 : i32
        %scatter3A_820 = arith.constant 0 : i32
        %scatter3A_821 = tpu.memref_slice %arg7[%scatter3A_817, %scatter3A_818, %scatter3A_819, %scatter3A_820] : memref<2x8x8x136xf32, #tpu.memory_space<vmem>> -> memref<1x8x8x136xf32, #tpu.memory_space<vmem>>
        %scatter3A_822 = tpu.memref_squeeze %scatter3A_821 : memref<1x8x8x136xf32, #tpu.memory_space<vmem>> -> memref<8x8x136xf32, #tpu.memory_space<vmem>>
        tpu.vector_store_idx %scatter3A_822[%add3A_11, %and3A_25, %add3A_800], %get3A_816 : memref<8x8x136xf32, #tpu.memory_space<vmem>>[vector<16xi32>, vector<16xi32>, vector<16xi32>], vector<16xf32>,
        %get3A_823 = arith.constant 1 : i32
        %get3A_824 = arith.index_cast %get3A_823 : i32 to index
        %get3A_825 = arith.index_cast %add3A_798 : i32 to index
        %get3A_826 = arith.constant 32 : index
        %get3A_827 = tpu.vector_load %arg6[%get3A_824, %get3A_825, %get3A_826] {strides = array<i32>} : memref<4x128x64xf32, #tpu.memory_space<vmem>>, vector<16xf32>,
        %scatter3A_828 = arith.constant 1 : i32
        %scatter3A_829 = arith.constant 0 : i32
        %scatter3A_830 = arith.constant 0 : i32
        %scatter3A_831 = arith.constant 0 : i32
        %scatter3A_832 = tpu.memref_slice %arg7[%scatter3A_828, %scatter3A_829, %scatter3A_830, %scatter3A_831] : memref<2x8x8x136xf32, #tpu.memory_space<vmem>> -> memref<1x8x8x136xf32, #tpu.memory_space<vmem>>
        %scatter3A_833 = tpu.memref_squeeze %scatter3A_832 : memref<1x8x8x136xf32, #tpu.memory_space<vmem>> -> memref<8x8x136xf32, #tpu.memory_space<vmem>>
        tpu.vector_store_idx %scatter3A_833[%add3A_17, %and3A_25, %add3A_800], %get3A_827 : memref<8x8x136xf32, #tpu.memory_space<vmem>>[vector<16xi32>, vector<16xi32>, vector<16xi32>], vector<16xf32>,
        %get3A_834 = arith.constant 1 : i32
        %get3A_835 = arith.index_cast %get3A_834 : i32 to index
        %get3A_836 = arith.index_cast %add3A_798 : i32 to index
        %get3A_837 = arith.constant 48 : index
        %get3A_838 = tpu.vector_load %arg6[%get3A_835, %get3A_836, %get3A_837] {strides = array<i32>} : memref<4x128x64xf32, #tpu.memory_space<vmem>>, vector<16xf32>,
        %scatter3A_839 = arith.constant 1 : i32
        %scatter3A_840 = arith.constant 0 : i32
        %scatter3A_841 = arith.constant 0 : i32
        %scatter3A_842 = arith.constant 0 : i32
        %scatter3A_843 = tpu.memref_slice %arg7[%scatter3A_839, %scatter3A_840, %scatter3A_841, %scatter3A_842] : memref<2x8x8x136xf32, #tpu.memory_space<vmem>> -> memref<1x8x8x136xf32, #tpu.memory_space<vmem>>
        %scatter3A_844 = tpu.memref_squeeze %scatter3A_843 : memref<1x8x8x136xf32, #tpu.memory_space<vmem>> -> memref<8x8x136xf32, #tpu.memory_space<vmem>>
        tpu.vector_store_idx %scatter3A_844[%add3A_23, %and3A_25, %add3A_800], %get3A_838 : memref<8x8x136xf32, #tpu.memory_space<vmem>>[vector<16xi32>, vector<16xi32>, vector<16xi32>], vector<16xf32>,
        %mul3A_845 = arith.constant 16 : i32
        %mul3A_846 = arith.muli %scan3A_395, %mul3A_845 : i32
        %add3A_847 = arith.constant 9 : i32
        %add3A_848 = arith.addi %mul3A_846, %add3A_847 : i32
        %add3A_849 = vector.broadcast %add3A_848 : i32 to vector<16xi32>
        %add3A_850 = arith.addi %sub3A, %add3A_849 : vector<16xi32>
        %get3A_851 = arith.constant 1 : i32
        %get3A_852 = arith.index_cast %get3A_851 : i32 to index
        %get3A_853 = arith.index_cast %add3A_848 : i32 to index
        %get3A_854 = arith.constant 0 : index
        %get3A_855 = tpu.vector_load %arg6[%get3A_852, %get3A_853, %get3A_854] {strides = array<i32>} : memref<4x128x64xf32, #tpu.memory_space<vmem>>, vector<16xf32>,
        %scatter3A_856 = arith.constant 1 : i32
        %scatter3A_857 = arith.constant 0 : i32
        %scatter3A_858 = arith.constant 0 : i32
        %scatter3A_859 = arith.constant 0 : i32
        %scatter3A_860 = tpu.memref_slice %arg7[%scatter3A_856, %scatter3A_857, %scatter3A_858, %scatter3A_859] : memref<2x8x8x136xf32, #tpu.memory_space<vmem>> -> memref<1x8x8x136xf32, #tpu.memory_space<vmem>>
        %scatter3A_861 = tpu.memref_squeeze %scatter3A_860 : memref<1x8x8x136xf32, #tpu.memory_space<vmem>> -> memref<8x8x136xf32, #tpu.memory_space<vmem>>
        tpu.vector_store_idx %scatter3A_861[%add3A_5, %and3A_25, %add3A_850], %get3A_855 : memref<8x8x136xf32, #tpu.memory_space<vmem>>[vector<16xi32>, vector<16xi32>, vector<16xi32>], vector<16xf32>,
        %get3A_862 = arith.constant 1 : i32
        %get3A_863 = arith.index_cast %get3A_862 : i32 to index
        %get3A_864 = arith.index_cast %add3A_848 : i32 to index
        %get3A_865 = arith.constant 16 : index
        %get3A_866 = tpu.vector_load %arg6[%get3A_863, %get3A_864, %get3A_865] {strides = array<i32>} : memref<4x128x64xf32, #tpu.memory_space<vmem>>, vector<16xf32>,
        %scatter3A_867 = arith.constant 1 : i32
        %scatter3A_868 = arith.constant 0 : i32
        %scatter3A_869 = arith.constant 0 : i32
        %scatter3A_870 = arith.constant 0 : i32
        %scatter3A_871 = tpu.memref_slice %arg7[%scatter3A_867, %scatter3A_868, %scatter3A_869, %scatter3A_870] : memref<2x8x8x136xf32, #tpu.memory_space<vmem>> -> memref<1x8x8x136xf32, #tpu.memory_space<vmem>>
        %scatter3A_872 = tpu.memref_squeeze %scatter3A_871 : memref<1x8x8x136xf32, #tpu.memory_space<vmem>> -> memref<8x8x136xf32, #tpu.memory_space<vmem>>
        tpu.vector_store_idx %scatter3A_872[%add3A_11, %and3A_25, %add3A_850], %get3A_866 : memref<8x8x136xf32, #tpu.memory_space<vmem>>[vector<16xi32>, vector<16xi32>, vector<16xi32>], vector<16xf32>,
        %get3A_873 = arith.constant 1 : i32
        %get3A_874 = arith.index_cast %get3A_873 : i32 to index
        %get3A_875 = arith.index_cast %add3A_848 : i32 to index
        %get3A_876 = arith.constant 32 : index
        %get3A_877 = tpu.vector_load %arg6[%get3A_874, %get3A_875, %get3A_876] {strides = array<i32>} : memref<4x128x64xf32, #tpu.memory_space<vmem>>, vector<16xf32>,
        %scatter3A_878 = arith.constant 1 : i32
        %scatter3A_879 = arith.constant 0 : i32
        %scatter3A_880 = arith.constant 0 : i32
        %scatter3A_881 = arith.constant 0 : i32
        %scatter3A_882 = tpu.memref_slice %arg7[%scatter3A_878, %scatter3A_879, %scatter3A_880, %scatter3A_881] : memref<2x8x8x136xf32, #tpu.memory_space<vmem>> -> memref<1x8x8x136xf32, #tpu.memory_space<vmem>>
        %scatter3A_883 = tpu.memref_squeeze %scatter3A_882 : memref<1x8x8x136xf32, #tpu.memory_space<vmem>> -> memref<8x8x136xf32, #tpu.memory_space<vmem>>
        tpu.vector_store_idx %scatter3A_883[%add3A_17, %and3A_25, %add3A_850], %get3A_877 : memref<8x8x136xf32, #tpu.memory_space<vmem>>[vector<16xi32>, vector<16xi32>, vector<16xi32>], vector<16xf32>,
        %get3A_884 = arith.constant 1 : i32
        %get3A_885 = arith.index_cast %get3A_884 : i32 to index
        %get3A_886 = arith.index_cast %add3A_848 : i32 to index
        %get3A_887 = arith.constant 48 : index
        %get3A_888 = tpu.vector_load %arg6[%get3A_885, %get3A_886, %get3A_887] {strides = array<i32>} : memref<4x128x64xf32, #tpu.memory_space<vmem>>, vector<16xf32>,
        %scatter3A_889 = arith.constant 1 : i32
        %scatter3A_890 = arith.constant 0 : i32
        %scatter3A_891 = arith.constant 0 : i32
        %scatter3A_892 = arith.constant 0 : i32
        %scatter3A_893 = tpu.memref_slice %arg7[%scatter3A_889, %scatter3A_890, %scatter3A_891, %scatter3A_892] : memref<2x8x8x136xf32, #tpu.memory_space<vmem>> -> memref<1x8x8x136xf32, #tpu.memory_space<vmem>>
        %scatter3A_894 = tpu.memref_squeeze %scatter3A_893 : memref<1x8x8x136xf32, #tpu.memory_space<vmem>> -> memref<8x8x136xf32, #tpu.memory_space<vmem>>
        tpu.vector_store_idx %scatter3A_894[%add3A_23, %and3A_25, %add3A_850], %get3A_888 : memref<8x8x136xf32, #tpu.memory_space<vmem>>[vector<16xi32>, vector<16xi32>, vector<16xi32>], vector<16xf32>,
        %mul3A_895 = arith.constant 16 : i32
        %mul3A_896 = arith.muli %scan3A_395, %mul3A_895 : i32
        %add3A_897 = arith.constant 10 : i32
        %add3A_898 = arith.addi %mul3A_896, %add3A_897 : i32
        %add3A_899 = vector.broadcast %add3A_898 : i32 to vector<16xi32>
        %add3A_900 = arith.addi %sub3A, %add3A_899 : vector<16xi32>
        %get3A_901 = arith.constant 1 : i32
        %get3A_902 = arith.index_cast %get3A_901 : i32 to index
        %get3A_903 = arith.index_cast %add3A_898 : i32 to index
        %get3A_904 = arith.constant 0 : index
        %get3A_905 = tpu.vector_load %arg6[%get3A_902, %get3A_903, %get3A_904] {strides = array<i32>} : memref<4x128x64xf32, #tpu.memory_space<vmem>>, vector<16xf32>,
        %scatter3A_906 = arith.constant 1 : i32
        %scatter3A_907 = arith.constant 0 : i32
        %scatter3A_908 = arith.constant 0 : i32
        %scatter3A_909 = arith.constant 0 : i32
        %scatter3A_910 = tpu.memref_slice %arg7[%scatter3A_906, %scatter3A_907, %scatter3A_908, %scatter3A_909] : memref<2x8x8x136xf32, #tpu.memory_space<vmem>> -> memref<1x8x8x136xf32, #tpu.memory_space<vmem>>
        %scatter3A_911 = tpu.memref_squeeze %scatter3A_910 : memref<1x8x8x136xf32, #tpu.memory_space<vmem>> -> memref<8x8x136xf32, #tpu.memory_space<vmem>>
        tpu.vector_store_idx %scatter3A_911[%add3A_5, %and3A_25, %add3A_900], %get3A_905 : memref<8x8x136xf32, #tpu.memory_space<vmem>>[vector<16xi32>, vector<16xi32>, vector<16xi32>], vector<16xf32>,
        %get3A_912 = arith.constant 1 : i32
        %get3A_913 = arith.index_cast %get3A_912 : i32 to index
        %get3A_914 = arith.index_cast %add3A_898 : i32 to index
        %get3A_915 = arith.constant 16 : index
        %get3A_916 = tpu.vector_load %arg6[%get3A_913, %get3A_914, %get3A_915] {strides = array<i32>} : memref<4x128x64xf32, #tpu.memory_space<vmem>>, vector<16xf32>,
        %scatter3A_917 = arith.constant 1 : i32
        %scatter3A_918 = arith.constant 0 : i32
        %scatter3A_919 = arith.constant 0 : i32
        %scatter3A_920 = arith.constant 0 : i32
        %scatter3A_921 = tpu.memref_slice %arg7[%scatter3A_917, %scatter3A_918, %scatter3A_919, %scatter3A_920] : memref<2x8x8x136xf32, #tpu.memory_space<vmem>> -> memref<1x8x8x136xf32, #tpu.memory_space<vmem>>
        %scatter3A_922 = tpu.memref_squeeze %scatter3A_921 : memref<1x8x8x136xf32, #tpu.memory_space<vmem>> -> memref<8x8x136xf32, #tpu.memory_space<vmem>>
        tpu.vector_store_idx %scatter3A_922[%add3A_11, %and3A_25, %add3A_900], %get3A_916 : memref<8x8x136xf32, #tpu.memory_space<vmem>>[vector<16xi32>, vector<16xi32>, vector<16xi32>], vector<16xf32>,
        %get3A_923 = arith.constant 1 : i32
        %get3A_924 = arith.index_cast %get3A_923 : i32 to index
        %get3A_925 = arith.index_cast %add3A_898 : i32 to index
        %get3A_926 = arith.constant 32 : index
        %get3A_927 = tpu.vector_load %arg6[%get3A_924, %get3A_925, %get3A_926] {strides = array<i32>} : memref<4x128x64xf32, #tpu.memory_space<vmem>>, vector<16xf32>,
        %scatter3A_928 = arith.constant 1 : i32
        %scatter3A_929 = arith.constant 0 : i32
        %scatter3A_930 = arith.constant 0 : i32
        %scatter3A_931 = arith.constant 0 : i32
        %scatter3A_932 = tpu.memref_slice %arg7[%scatter3A_928, %scatter3A_929, %scatter3A_930, %scatter3A_931] : memref<2x8x8x136xf32, #tpu.memory_space<vmem>> -> memref<1x8x8x136xf32, #tpu.memory_space<vmem>>
        %scatter3A_933 = tpu.memref_squeeze %scatter3A_932 : memref<1x8x8x136xf32, #tpu.memory_space<vmem>> -> memref<8x8x136xf32, #tpu.memory_space<vmem>>
        tpu.vector_store_idx %scatter3A_933[%add3A_17, %and3A_25, %add3A_900], %get3A_927 : memref<8x8x136xf32, #tpu.memory_space<vmem>>[vector<16xi32>, vector<16xi32>, vector<16xi32>], vector<16xf32>,
        %get3A_934 = arith.constant 1 : i32
        %get3A_935 = arith.index_cast %get3A_934 : i32 to index
        %get3A_936 = arith.index_cast %add3A_898 : i32 to index
        %get3A_937 = arith.constant 48 : index
        %get3A_938 = tpu.vector_load %arg6[%get3A_935, %get3A_936, %get3A_937] {strides = array<i32>} : memref<4x128x64xf32, #tpu.memory_space<vmem>>, vector<16xf32>,
        %scatter3A_939 = arith.constant 1 : i32
        %scatter3A_940 = arith.constant 0 : i32
        %scatter3A_941 = arith.constant 0 : i32
        %scatter3A_942 = arith.constant 0 : i32
        %scatter3A_943 = tpu.memref_slice %arg7[%scatter3A_939, %scatter3A_940, %scatter3A_941, %scatter3A_942] : memref<2x8x8x136xf32, #tpu.memory_space<vmem>> -> memref<1x8x8x136xf32, #tpu.memory_space<vmem>>
        %scatter3A_944 = tpu.memref_squeeze %scatter3A_943 : memref<1x8x8x136xf32, #tpu.memory_space<vmem>> -> memref<8x8x136xf32, #tpu.memory_space<vmem>>
        tpu.vector_store_idx %scatter3A_944[%add3A_23, %and3A_25, %add3A_900], %get3A_938 : memref<8x8x136xf32, #tpu.memory_space<vmem>>[vector<16xi32>, vector<16xi32>, vector<16xi32>], vector<16xf32>,
        %mul3A_945 = arith.constant 16 : i32
        %mul3A_946 = arith.muli %scan3A_395, %mul3A_945 : i32
        %add3A_947 = arith.constant 11 : i32
        %add3A_948 = arith.addi %mul3A_946, %add3A_947 : i32
        %add3A_949 = vector.broadcast %add3A_948 : i32 to vector<16xi32>
        %add3A_950 = arith.addi %sub3A, %add3A_949 : vector<16xi32>
        %get3A_951 = arith.constant 1 : i32
        %get3A_952 = arith.index_cast %get3A_951 : i32 to index
        %get3A_953 = arith.index_cast %add3A_948 : i32 to index
        %get3A_954 = arith.constant 0 : index
        %get3A_955 = tpu.vector_load %arg6[%get3A_952, %get3A_953, %get3A_954] {strides = array<i32>} : memref<4x128x64xf32, #tpu.memory_space<vmem>>, vector<16xf32>,
        %scatter3A_956 = arith.constant 1 : i32
        %scatter3A_957 = arith.constant 0 : i32
        %scatter3A_958 = arith.constant 0 : i32
        %scatter3A_959 = arith.constant 0 : i32
        %scatter3A_960 = tpu.memref_slice %arg7[%scatter3A_956, %scatter3A_957, %scatter3A_958, %scatter3A_959] : memref<2x8x8x136xf32, #tpu.memory_space<vmem>> -> memref<1x8x8x136xf32, #tpu.memory_space<vmem>>
        %scatter3A_961 = tpu.memref_squeeze %scatter3A_960 : memref<1x8x8x136xf32, #tpu.memory_space<vmem>> -> memref<8x8x136xf32, #tpu.memory_space<vmem>>
        tpu.vector_store_idx %scatter3A_961[%add3A_5, %and3A_25, %add3A_950], %get3A_955 : memref<8x8x136xf32, #tpu.memory_space<vmem>>[vector<16xi32>, vector<16xi32>, vector<16xi32>], vector<16xf32>,
        %get3A_962 = arith.constant 1 : i32
        %get3A_963 = arith.index_cast %get3A_962 : i32 to index
        %get3A_964 = arith.index_cast %add3A_948 : i32 to index
        %get3A_965 = arith.constant 16 : index
        %get3A_966 = tpu.vector_load %arg6[%get3A_963, %get3A_964, %get3A_965] {strides = array<i32>} : memref<4x128x64xf32, #tpu.memory_space<vmem>>, vector<16xf32>,
        %scatter3A_967 = arith.constant 1 : i32
        %scatter3A_968 = arith.constant 0 : i32
        %scatter3A_969 = arith.constant 0 : i32
        %scatter3A_970 = arith.constant 0 : i32
        %scatter3A_971 = tpu.memref_slice %arg7[%scatter3A_967, %scatter3A_968, %scatter3A_969, %scatter3A_970] : memref<2x8x8x136xf32, #tpu.memory_space<vmem>> -> memref<1x8x8x136xf32, #tpu.memory_space<vmem>>
        %scatter3A_972 = tpu.memref_squeeze %scatter3A_971 : memref<1x8x8x136xf32, #tpu.memory_space<vmem>> -> memref<8x8x136xf32, #tpu.memory_space<vmem>>
        tpu.vector_store_idx %scatter3A_972[%add3A_11, %and3A_25, %add3A_950], %get3A_966 : memref<8x8x136xf32, #tpu.memory_space<vmem>>[vector<16xi32>, vector<16xi32>, vector<16xi32>], vector<16xf32>,
        %get3A_973 = arith.constant 1 : i32
        %get3A_974 = arith.index_cast %get3A_973 : i32 to index
        %get3A_975 = arith.index_cast %add3A_948 : i32 to index
        %get3A_976 = arith.constant 32 : index
        %get3A_977 = tpu.vector_load %arg6[%get3A_974, %get3A_975, %get3A_976] {strides = array<i32>} : memref<4x128x64xf32, #tpu.memory_space<vmem>>, vector<16xf32>,
        %scatter3A_978 = arith.constant 1 : i32
        %scatter3A_979 = arith.constant 0 : i32
        %scatter3A_980 = arith.constant 0 : i32
        %scatter3A_981 = arith.constant 0 : i32
        %scatter3A_982 = tpu.memref_slice %arg7[%scatter3A_978, %scatter3A_979, %scatter3A_980, %scatter3A_981] : memref<2x8x8x136xf32, #tpu.memory_space<vmem>> -> memref<1x8x8x136xf32, #tpu.memory_space<vmem>>
        %scatter3A_983 = tpu.memref_squeeze %scatter3A_982 : memref<1x8x8x136xf32, #tpu.memory_space<vmem>> -> memref<8x8x136xf32, #tpu.memory_space<vmem>>
        tpu.vector_store_idx %scatter3A_983[%add3A_17, %and3A_25, %add3A_950], %get3A_977 : memref<8x8x136xf32, #tpu.memory_space<vmem>>[vector<16xi32>, vector<16xi32>, vector<16xi32>], vector<16xf32>,
        %get3A_984 = arith.constant 1 : i32
        %get3A_985 = arith.index_cast %get3A_984 : i32 to index
        %get3A_986 = arith.index_cast %add3A_948 : i32 to index
        %get3A_987 = arith.constant 48 : index
        %get3A_988 = tpu.vector_load %arg6[%get3A_985, %get3A_986, %get3A_987] {strides = array<i32>} : memref<4x128x64xf32, #tpu.memory_space<vmem>>, vector<16xf32>,
        %scatter3A_989 = arith.constant 1 : i32
        %scatter3A_990 = arith.constant 0 : i32
        %scatter3A_991 = arith.constant 0 : i32
        %scatter3A_992 = arith.constant 0 : i32
        %scatter3A_993 = tpu.memref_slice %arg7[%scatter3A_989, %scatter3A_990, %scatter3A_991, %scatter3A_992] : memref<2x8x8x136xf32, #tpu.memory_space<vmem>> -> memref<1x8x8x136xf32, #tpu.memory_space<vmem>>
        %scatter3A_994 = tpu.memref_squeeze %scatter3A_993 : memref<1x8x8x136xf32, #tpu.memory_space<vmem>> -> memref<8x8x136xf32, #tpu.memory_space<vmem>>
        tpu.vector_store_idx %scatter3A_994[%add3A_23, %and3A_25, %add3A_950], %get3A_988 : memref<8x8x136xf32, #tpu.memory_space<vmem>>[vector<16xi32>, vector<16xi32>, vector<16xi32>], vector<16xf32>,
        %mul3A_995 = arith.constant 16 : i32
        %mul3A_996 = arith.muli %scan3A_395, %mul3A_995 : i32
        %add3A_997 = arith.constant 12 : i32
        %add3A_998 = arith.addi %mul3A_996, %add3A_997 : i32
        %add3A_999 = vector.broadcast %add3A_998 : i32 to vector<16xi32>
        %add3A_1000 = arith.addi %sub3A, %add3A_999 : vector<16xi32>
        %get3A_1001 = arith.constant 1 : i32
        %get3A_1002 = arith.index_cast %get3A_1001 : i32 to index
        %get3A_1003 = arith.index_cast %add3A_998 : i32 to index
        %get3A_1004 = arith.constant 0 : index
        %get3A_1005 = tpu.vector_load %arg6[%get3A_1002, %get3A_1003, %get3A_1004] {strides = array<i32>} : memref<4x128x64xf32, #tpu.memory_space<vmem>>, vector<16xf32>,
        %scatter3A_1006 = arith.constant 1 : i32
        %scatter3A_1007 = arith.constant 0 : i32
        %scatter3A_1008 = arith.constant 0 : i32
        %scatter3A_1009 = arith.constant 0 : i32
        %scatter3A_1010 = tpu.memref_slice %arg7[%scatter3A_1006, %scatter3A_1007, %scatter3A_1008, %scatter3A_1009] : memref<2x8x8x136xf32, #tpu.memory_space<vmem>> -> memref<1x8x8x136xf32, #tpu.memory_space<vmem>>
        %scatter3A_1011 = tpu.memref_squeeze %scatter3A_1010 : memref<1x8x8x136xf32, #tpu.memory_space<vmem>> -> memref<8x8x136xf32, #tpu.memory_space<vmem>>
        tpu.vector_store_idx %scatter3A_1011[%add3A_5, %and3A_25, %add3A_1000], %get3A_1005 : memref<8x8x136xf32, #tpu.memory_space<vmem>>[vector<16xi32>, vector<16xi32>, vector<16xi32>], vector<16xf32>,
        %get3A_1012 = arith.constant 1 : i32
        %get3A_1013 = arith.index_cast %get3A_1012 : i32 to index
        %get3A_1014 = arith.index_cast %add3A_998 : i32 to index
        %get3A_1015 = arith.constant 16 : index
        %get3A_1016 = tpu.vector_load %arg6[%get3A_1013, %get3A_1014, %get3A_1015] {strides = array<i32>} : memref<4x128x64xf32, #tpu.memory_space<vmem>>, vector<16xf32>,
        %scatter3A_1017 = arith.constant 1 : i32
        %scatter3A_1018 = arith.constant 0 : i32
        %scatter3A_1019 = arith.constant 0 : i32
        %scatter3A_1020 = arith.constant 0 : i32
        %scatter3A_1021 = tpu.memref_slice %arg7[%scatter3A_1017, %scatter3A_1018, %scatter3A_1019, %scatter3A_1020] : memref<2x8x8x136xf32, #tpu.memory_space<vmem>> -> memref<1x8x8x136xf32, #tpu.memory_space<vmem>>
        %scatter3A_1022 = tpu.memref_squeeze %scatter3A_1021 : memref<1x8x8x136xf32, #tpu.memory_space<vmem>> -> memref<8x8x136xf32, #tpu.memory_space<vmem>>
        tpu.vector_store_idx %scatter3A_1022[%add3A_11, %and3A_25, %add3A_1000], %get3A_1016 : memref<8x8x136xf32, #tpu.memory_space<vmem>>[vector<16xi32>, vector<16xi32>, vector<16xi32>], vector<16xf32>,
        %get3A_1023 = arith.constant 1 : i32
        %get3A_1024 = arith.index_cast %get3A_1023 : i32 to index
        %get3A_1025 = arith.index_cast %add3A_998 : i32 to index
        %get3A_1026 = arith.constant 32 : index
        %get3A_1027 = tpu.vector_load %arg6[%get3A_1024, %get3A_1025, %get3A_1026] {strides = array<i32>} : memref<4x128x64xf32, #tpu.memory_space<vmem>>, vector<16xf32>,
        %scatter3A_1028 = arith.constant 1 : i32
        %scatter3A_1029 = arith.constant 0 : i32
        %scatter3A_1030 = arith.constant 0 : i32
        %scatter3A_1031 = arith.constant 0 : i32
        %scatter3A_1032 = tpu.memref_slice %arg7[%scatter3A_1028, %scatter3A_1029, %scatter3A_1030, %scatter3A_1031] : memref<2x8x8x136xf32, #tpu.memory_space<vmem>> -> memref<1x8x8x136xf32, #tpu.memory_space<vmem>>
        %scatter3A_1033 = tpu.memref_squeeze %scatter3A_1032 : memref<1x8x8x136xf32, #tpu.memory_space<vmem>> -> memref<8x8x136xf32, #tpu.memory_space<vmem>>
        tpu.vector_store_idx %scatter3A_1033[%add3A_17, %and3A_25, %add3A_1000], %get3A_1027 : memref<8x8x136xf32, #tpu.memory_space<vmem>>[vector<16xi32>, vector<16xi32>, vector<16xi32>], vector<16xf32>,
        %get3A_1034 = arith.constant 1 : i32
        %get3A_1035 = arith.index_cast %get3A_1034 : i32 to index
        %get3A_1036 = arith.index_cast %add3A_998 : i32 to index
        %get3A_1037 = arith.constant 48 : index
        %get3A_1038 = tpu.vector_load %arg6[%get3A_1035, %get3A_1036, %get3A_1037] {strides = array<i32>} : memref<4x128x64xf32, #tpu.memory_space<vmem>>, vector<16xf32>,
        %scatter3A_1039 = arith.constant 1 : i32
        %scatter3A_1040 = arith.constant 0 : i32
        %scatter3A_1041 = arith.constant 0 : i32
        %scatter3A_1042 = arith.constant 0 : i32
        %scatter3A_1043 = tpu.memref_slice %arg7[%scatter3A_1039, %scatter3A_1040, %scatter3A_1041, %scatter3A_1042] : memref<2x8x8x136xf32, #tpu.memory_space<vmem>> -> memref<1x8x8x136xf32, #tpu.memory_space<vmem>>
        %scatter3A_1044 = tpu.memref_squeeze %scatter3A_1043 : memref<1x8x8x136xf32, #tpu.memory_space<vmem>> -> memref<8x8x136xf32, #tpu.memory_space<vmem>>
        tpu.vector_store_idx %scatter3A_1044[%add3A_23, %and3A_25, %add3A_1000], %get3A_1038 : memref<8x8x136xf32, #tpu.memory_space<vmem>>[vector<16xi32>, vector<16xi32>, vector<16xi32>], vector<16xf32>,
        %mul3A_1045 = arith.constant 16 : i32
        %mul3A_1046 = arith.muli %scan3A_395, %mul3A_1045 : i32
        %add3A_1047 = arith.constant 13 : i32
        %add3A_1048 = arith.addi %mul3A_1046, %add3A_1047 : i32
        %add3A_1049 = vector.broadcast %add3A_1048 : i32 to vector<16xi32>
        %add3A_1050 = arith.addi %sub3A, %add3A_1049 : vector<16xi32>
        %get3A_1051 = arith.constant 1 : i32
        %get3A_1052 = arith.index_cast %get3A_1051 : i32 to index
        %get3A_1053 = arith.index_cast %add3A_1048 : i32 to index
        %get3A_1054 = arith.constant 0 : index
        %get3A_1055 = tpu.vector_load %arg6[%get3A_1052, %get3A_1053, %get3A_1054] {strides = array<i32>} : memref<4x128x64xf32, #tpu.memory_space<vmem>>, vector<16xf32>,
        %scatter3A_1056 = arith.constant 1 : i32
        %scatter3A_1057 = arith.constant 0 : i32
        %scatter3A_1058 = arith.constant 0 : i32
        %scatter3A_1059 = arith.constant 0 : i32
        %scatter3A_1060 = tpu.memref_slice %arg7[%scatter3A_1056, %scatter3A_1057, %scatter3A_1058, %scatter3A_1059] : memref<2x8x8x136xf32, #tpu.memory_space<vmem>> -> memref<1x8x8x136xf32, #tpu.memory_space<vmem>>
        %scatter3A_1061 = tpu.memref_squeeze %scatter3A_1060 : memref<1x8x8x136xf32, #tpu.memory_space<vmem>> -> memref<8x8x136xf32, #tpu.memory_space<vmem>>
        tpu.vector_store_idx %scatter3A_1061[%add3A_5, %and3A_25, %add3A_1050], %get3A_1055 : memref<8x8x136xf32, #tpu.memory_space<vmem>>[vector<16xi32>, vector<16xi32>, vector<16xi32>], vector<16xf32>,
        %get3A_1062 = arith.constant 1 : i32
        %get3A_1063 = arith.index_cast %get3A_1062 : i32 to index
        %get3A_1064 = arith.index_cast %add3A_1048 : i32 to index
        %get3A_1065 = arith.constant 16 : index
        %get3A_1066 = tpu.vector_load %arg6[%get3A_1063, %get3A_1064, %get3A_1065] {strides = array<i32>} : memref<4x128x64xf32, #tpu.memory_space<vmem>>, vector<16xf32>,
        %scatter3A_1067 = arith.constant 1 : i32
        %scatter3A_1068 = arith.constant 0 : i32
        %scatter3A_1069 = arith.constant 0 : i32
        %scatter3A_1070 = arith.constant 0 : i32
        %scatter3A_1071 = tpu.memref_slice %arg7[%scatter3A_1067, %scatter3A_1068, %scatter3A_1069, %scatter3A_1070] : memref<2x8x8x136xf32, #tpu.memory_space<vmem>> -> memref<1x8x8x136xf32, #tpu.memory_space<vmem>>
        %scatter3A_1072 = tpu.memref_squeeze %scatter3A_1071 : memref<1x8x8x136xf32, #tpu.memory_space<vmem>> -> memref<8x8x136xf32, #tpu.memory_space<vmem>>
        tpu.vector_store_idx %scatter3A_1072[%add3A_11, %and3A_25, %add3A_1050], %get3A_1066 : memref<8x8x136xf32, #tpu.memory_space<vmem>>[vector<16xi32>, vector<16xi32>, vector<16xi32>], vector<16xf32>,
        %get3A_1073 = arith.constant 1 : i32
        %get3A_1074 = arith.index_cast %get3A_1073 : i32 to index
        %get3A_1075 = arith.index_cast %add3A_1048 : i32 to index
        %get3A_1076 = arith.constant 32 : index
        %get3A_1077 = tpu.vector_load %arg6[%get3A_1074, %get3A_1075, %get3A_1076] {strides = array<i32>} : memref<4x128x64xf32, #tpu.memory_space<vmem>>, vector<16xf32>,
        %scatter3A_1078 = arith.constant 1 : i32
        %scatter3A_1079 = arith.constant 0 : i32
        %scatter3A_1080 = arith.constant 0 : i32
        %scatter3A_1081 = arith.constant 0 : i32
        %scatter3A_1082 = tpu.memref_slice %arg7[%scatter3A_1078, %scatter3A_1079, %scatter3A_1080, %scatter3A_1081] : memref<2x8x8x136xf32, #tpu.memory_space<vmem>> -> memref<1x8x8x136xf32, #tpu.memory_space<vmem>>
        %scatter3A_1083 = tpu.memref_squeeze %scatter3A_1082 : memref<1x8x8x136xf32, #tpu.memory_space<vmem>> -> memref<8x8x136xf32, #tpu.memory_space<vmem>>
        tpu.vector_store_idx %scatter3A_1083[%add3A_17, %and3A_25, %add3A_1050], %get3A_1077 : memref<8x8x136xf32, #tpu.memory_space<vmem>>[vector<16xi32>, vector<16xi32>, vector<16xi32>], vector<16xf32>,
        %get3A_1084 = arith.constant 1 : i32
        %get3A_1085 = arith.index_cast %get3A_1084 : i32 to index
        %get3A_1086 = arith.index_cast %add3A_1048 : i32 to index
        %get3A_1087 = arith.constant 48 : index
        %get3A_1088 = tpu.vector_load %arg6[%get3A_1085, %get3A_1086, %get3A_1087] {strides = array<i32>} : memref<4x128x64xf32, #tpu.memory_space<vmem>>, vector<16xf32>,
        %scatter3A_1089 = arith.constant 1 : i32
        %scatter3A_1090 = arith.constant 0 : i32
        %scatter3A_1091 = arith.constant 0 : i32
        %scatter3A_1092 = arith.constant 0 : i32
        %scatter3A_1093 = tpu.memref_slice %arg7[%scatter3A_1089, %scatter3A_1090, %scatter3A_1091, %scatter3A_1092] : memref<2x8x8x136xf32, #tpu.memory_space<vmem>> -> memref<1x8x8x136xf32, #tpu.memory_space<vmem>>
        %scatter3A_1094 = tpu.memref_squeeze %scatter3A_1093 : memref<1x8x8x136xf32, #tpu.memory_space<vmem>> -> memref<8x8x136xf32, #tpu.memory_space<vmem>>
        tpu.vector_store_idx %scatter3A_1094[%add3A_23, %and3A_25, %add3A_1050], %get3A_1088 : memref<8x8x136xf32, #tpu.memory_space<vmem>>[vector<16xi32>, vector<16xi32>, vector<16xi32>], vector<16xf32>,
        %mul3A_1095 = arith.constant 16 : i32
        %mul3A_1096 = arith.muli %scan3A_395, %mul3A_1095 : i32
        %add3A_1097 = arith.constant 14 : i32
        %add3A_1098 = arith.addi %mul3A_1096, %add3A_1097 : i32
        %add3A_1099 = vector.broadcast %add3A_1098 : i32 to vector<16xi32>
        %add3A_1100 = arith.addi %sub3A, %add3A_1099 : vector<16xi32>
        %get3A_1101 = arith.constant 1 : i32
        %get3A_1102 = arith.index_cast %get3A_1101 : i32 to index
        %get3A_1103 = arith.index_cast %add3A_1098 : i32 to index
        %get3A_1104 = arith.constant 0 : index
        %get3A_1105 = tpu.vector_load %arg6[%get3A_1102, %get3A_1103, %get3A_1104] {strides = array<i32>} : memref<4x128x64xf32, #tpu.memory_space<vmem>>, vector<16xf32>,
        %scatter3A_1106 = arith.constant 1 : i32
        %scatter3A_1107 = arith.constant 0 : i32
        %scatter3A_1108 = arith.constant 0 : i32
        %scatter3A_1109 = arith.constant 0 : i32
        %scatter3A_1110 = tpu.memref_slice %arg7[%scatter3A_1106, %scatter3A_1107, %scatter3A_1108, %scatter3A_1109] : memref<2x8x8x136xf32, #tpu.memory_space<vmem>> -> memref<1x8x8x136xf32, #tpu.memory_space<vmem>>
        %scatter3A_1111 = tpu.memref_squeeze %scatter3A_1110 : memref<1x8x8x136xf32, #tpu.memory_space<vmem>> -> memref<8x8x136xf32, #tpu.memory_space<vmem>>
        tpu.vector_store_idx %scatter3A_1111[%add3A_5, %and3A_25, %add3A_1100], %get3A_1105 : memref<8x8x136xf32, #tpu.memory_space<vmem>>[vector<16xi32>, vector<16xi32>, vector<16xi32>], vector<16xf32>,
        %get3A_1112 = arith.constant 1 : i32
        %get3A_1113 = arith.index_cast %get3A_1112 : i32 to index
        %get3A_1114 = arith.index_cast %add3A_1098 : i32 to index
        %get3A_1115 = arith.constant 16 : index
        %get3A_1116 = tpu.vector_load %arg6[%get3A_1113, %get3A_1114, %get3A_1115] {strides = array<i32>} : memref<4x128x64xf32, #tpu.memory_space<vmem>>, vector<16xf32>,
        %scatter3A_1117 = arith.constant 1 : i32
        %scatter3A_1118 = arith.constant 0 : i32
        %scatter3A_1119 = arith.constant 0 : i32
        %scatter3A_1120 = arith.constant 0 : i32
        %scatter3A_1121 = tpu.memref_slice %arg7[%scatter3A_1117, %scatter3A_1118, %scatter3A_1119, %scatter3A_1120] : memref<2x8x8x136xf32, #tpu.memory_space<vmem>> -> memref<1x8x8x136xf32, #tpu.memory_space<vmem>>
        %scatter3A_1122 = tpu.memref_squeeze %scatter3A_1121 : memref<1x8x8x136xf32, #tpu.memory_space<vmem>> -> memref<8x8x136xf32, #tpu.memory_space<vmem>>
        tpu.vector_store_idx %scatter3A_1122[%add3A_11, %and3A_25, %add3A_1100], %get3A_1116 : memref<8x8x136xf32, #tpu.memory_space<vmem>>[vector<16xi32>, vector<16xi32>, vector<16xi32>], vector<16xf32>,
        %get3A_1123 = arith.constant 1 : i32
        %get3A_1124 = arith.index_cast %get3A_1123 : i32 to index
        %get3A_1125 = arith.index_cast %add3A_1098 : i32 to index
        %get3A_1126 = arith.constant 32 : index
        %get3A_1127 = tpu.vector_load %arg6[%get3A_1124, %get3A_1125, %get3A_1126] {strides = array<i32>} : memref<4x128x64xf32, #tpu.memory_space<vmem>>, vector<16xf32>,
        %scatter3A_1128 = arith.constant 1 : i32
        %scatter3A_1129 = arith.constant 0 : i32
        %scatter3A_1130 = arith.constant 0 : i32
        %scatter3A_1131 = arith.constant 0 : i32
        %scatter3A_1132 = tpu.memref_slice %arg7[%scatter3A_1128, %scatter3A_1129, %scatter3A_1130, %scatter3A_1131] : memref<2x8x8x136xf32, #tpu.memory_space<vmem>> -> memref<1x8x8x136xf32, #tpu.memory_space<vmem>>
        %scatter3A_1133 = tpu.memref_squeeze %scatter3A_1132 : memref<1x8x8x136xf32, #tpu.memory_space<vmem>> -> memref<8x8x136xf32, #tpu.memory_space<vmem>>
        tpu.vector_store_idx %scatter3A_1133[%add3A_17, %and3A_25, %add3A_1100], %get3A_1127 : memref<8x8x136xf32, #tpu.memory_space<vmem>>[vector<16xi32>, vector<16xi32>, vector<16xi32>], vector<16xf32>,
        %get3A_1134 = arith.constant 1 : i32
        %get3A_1135 = arith.index_cast %get3A_1134 : i32 to index
        %get3A_1136 = arith.index_cast %add3A_1098 : i32 to index
        %get3A_1137 = arith.constant 48 : index
        %get3A_1138 = tpu.vector_load %arg6[%get3A_1135, %get3A_1136, %get3A_1137] {strides = array<i32>} : memref<4x128x64xf32, #tpu.memory_space<vmem>>, vector<16xf32>,
        %scatter3A_1139 = arith.constant 1 : i32
        %scatter3A_1140 = arith.constant 0 : i32
        %scatter3A_1141 = arith.constant 0 : i32
        %scatter3A_1142 = arith.constant 0 : i32
        %scatter3A_1143 = tpu.memref_slice %arg7[%scatter3A_1139, %scatter3A_1140, %scatter3A_1141, %scatter3A_1142] : memref<2x8x8x136xf32, #tpu.memory_space<vmem>> -> memref<1x8x8x136xf32, #tpu.memory_space<vmem>>
        %scatter3A_1144 = tpu.memref_squeeze %scatter3A_1143 : memref<1x8x8x136xf32, #tpu.memory_space<vmem>> -> memref<8x8x136xf32, #tpu.memory_space<vmem>>
        tpu.vector_store_idx %scatter3A_1144[%add3A_23, %and3A_25, %add3A_1100], %get3A_1138 : memref<8x8x136xf32, #tpu.memory_space<vmem>>[vector<16xi32>, vector<16xi32>, vector<16xi32>], vector<16xf32>,
        %mul3A_1145 = arith.constant 16 : i32
        %mul3A_1146 = arith.muli %scan3A_395, %mul3A_1145 : i32
        %add3A_1147 = arith.constant 15 : i32
        %add3A_1148 = arith.addi %mul3A_1146, %add3A_1147 : i32
        %add3A_1149 = vector.broadcast %add3A_1148 : i32 to vector<16xi32>
        %add3A_1150 = arith.addi %sub3A, %add3A_1149 : vector<16xi32>
        %get3A_1151 = arith.constant 1 : i32
        %get3A_1152 = arith.index_cast %get3A_1151 : i32 to index
        %get3A_1153 = arith.index_cast %add3A_1148 : i32 to index
        %get3A_1154 = arith.constant 0 : index
        %get3A_1155 = tpu.vector_load %arg6[%get3A_1152, %get3A_1153, %get3A_1154] {strides = array<i32>} : memref<4x128x64xf32, #tpu.memory_space<vmem>>, vector<16xf32>,
        %scatter3A_1156 = arith.constant 1 : i32
        %scatter3A_1157 = arith.constant 0 : i32
        %scatter3A_1158 = arith.constant 0 : i32
        %scatter3A_1159 = arith.constant 0 : i32
        %scatter3A_1160 = tpu.memref_slice %arg7[%scatter3A_1156, %scatter3A_1157, %scatter3A_1158, %scatter3A_1159] : memref<2x8x8x136xf32, #tpu.memory_space<vmem>> -> memref<1x8x8x136xf32, #tpu.memory_space<vmem>>
        %scatter3A_1161 = tpu.memref_squeeze %scatter3A_1160 : memref<1x8x8x136xf32, #tpu.memory_space<vmem>> -> memref<8x8x136xf32, #tpu.memory_space<vmem>>
        tpu.vector_store_idx %scatter3A_1161[%add3A_5, %and3A_25, %add3A_1150], %get3A_1155 : memref<8x8x136xf32, #tpu.memory_space<vmem>>[vector<16xi32>, vector<16xi32>, vector<16xi32>], vector<16xf32>,
        %get3A_1162 = arith.constant 1 : i32
        %get3A_1163 = arith.index_cast %get3A_1162 : i32 to index
        %get3A_1164 = arith.index_cast %add3A_1148 : i32 to index
        %get3A_1165 = arith.constant 16 : index
        %get3A_1166 = tpu.vector_load %arg6[%get3A_1163, %get3A_1164, %get3A_1165] {strides = array<i32>} : memref<4x128x64xf32, #tpu.memory_space<vmem>>, vector<16xf32>,
        %scatter3A_1167 = arith.constant 1 : i32
        %scatter3A_1168 = arith.constant 0 : i32
        %scatter3A_1169 = arith.constant 0 : i32
        %scatter3A_1170 = arith.constant 0 : i32
        %scatter3A_1171 = tpu.memref_slice %arg7[%scatter3A_1167, %scatter3A_1168, %scatter3A_1169, %scatter3A_1170] : memref<2x8x8x136xf32, #tpu.memory_space<vmem>> -> memref<1x8x8x136xf32, #tpu.memory_space<vmem>>
        %scatter3A_1172 = tpu.memref_squeeze %scatter3A_1171 : memref<1x8x8x136xf32, #tpu.memory_space<vmem>> -> memref<8x8x136xf32, #tpu.memory_space<vmem>>
        tpu.vector_store_idx %scatter3A_1172[%add3A_11, %and3A_25, %add3A_1150], %get3A_1166 : memref<8x8x136xf32, #tpu.memory_space<vmem>>[vector<16xi32>, vector<16xi32>, vector<16xi32>], vector<16xf32>,
        %get3A_1173 = arith.constant 1 : i32
        %get3A_1174 = arith.index_cast %get3A_1173 : i32 to index
        %get3A_1175 = arith.index_cast %add3A_1148 : i32 to index
        %get3A_1176 = arith.constant 32 : index
        %get3A_1177 = tpu.vector_load %arg6[%get3A_1174, %get3A_1175, %get3A_1176] {strides = array<i32>} : memref<4x128x64xf32, #tpu.memory_space<vmem>>, vector<16xf32>,
        %scatter3A_1178 = arith.constant 1 : i32
        %scatter3A_1179 = arith.constant 0 : i32
        %scatter3A_1180 = arith.constant 0 : i32
        %scatter3A_1181 = arith.constant 0 : i32
        %scatter3A_1182 = tpu.memref_slice %arg7[%scatter3A_1178, %scatter3A_1179, %scatter3A_1180, %scatter3A_1181] : memref<2x8x8x136xf32, #tpu.memory_space<vmem>> -> memref<1x8x8x136xf32, #tpu.memory_space<vmem>>
        %scatter3A_1183 = tpu.memref_squeeze %scatter3A_1182 : memref<1x8x8x136xf32, #tpu.memory_space<vmem>> -> memref<8x8x136xf32, #tpu.memory_space<vmem>>
        tpu.vector_store_idx %scatter3A_1183[%add3A_17, %and3A_25, %add3A_1150], %get3A_1177 : memref<8x8x136xf32, #tpu.memory_space<vmem>>[vector<16xi32>, vector<16xi32>, vector<16xi32>], vector<16xf32>,
        %get3A_1184 = arith.constant 1 : i32
        %get3A_1185 = arith.index_cast %get3A_1184 : i32 to index
        %get3A_1186 = arith.index_cast %add3A_1148 : i32 to index
        %get3A_1187 = arith.constant 48 : index
        %get3A_1188 = tpu.vector_load %arg6[%get3A_1185, %get3A_1186, %get3A_1187] {strides = array<i32>} : memref<4x128x64xf32, #tpu.memory_space<vmem>>, vector<16xf32>,
        %scatter3A_1189 = arith.constant 1 : i32
        %scatter3A_1190 = arith.constant 0 : i32
        %scatter3A_1191 = arith.constant 0 : i32
        %scatter3A_1192 = arith.constant 0 : i32
        %scatter3A_1193 = tpu.memref_slice %arg7[%scatter3A_1189, %scatter3A_1190, %scatter3A_1191, %scatter3A_1192] : memref<2x8x8x136xf32, #tpu.memory_space<vmem>> -> memref<1x8x8x136xf32, #tpu.memory_space<vmem>>
        %scatter3A_1194 = tpu.memref_squeeze %scatter3A_1193 : memref<1x8x8x136xf32, #tpu.memory_space<vmem>> -> memref<8x8x136xf32, #tpu.memory_space<vmem>>
        tpu.vector_store_idx %scatter3A_1194[%add3A_23, %and3A_25, %add3A_1150], %get3A_1188 : memref<8x8x136xf32, #tpu.memory_space<vmem>>[vector<16xi32>, vector<16xi32>, vector<16xi32>], vector<16xf32>,
      }
      %scan3A_373 = arith.constant 8 : i32
      %dma_start3A_374 = arith.constant 1 : i32
      %dma_start3A_375 = arith.constant 0 : i32
      %dma_start3A_376 = arith.constant 0 : i32
      %dma_start3A_377 = arith.constant 0 : i32
      %dma_start3A_378 = tpu.memref_slice %arg7[%dma_start3A_374, %dma_start3A_375, %dma_start3A_376, %dma_start3A_377] : memref<2x8x8x136xf32, #tpu.memory_space<vmem>> -> memref<1x8x8x128xf32, #tpu.memory_space<vmem>>
      %dma_start3A_379 = tpu.memref_squeeze %dma_start3A_378 : memref<1x8x8x128xf32, #tpu.memory_space<vmem>> -> memref<8x8x128xf32, #tpu.memory_space<vmem>>
      %dma_start3A_380 = arith.constant 0 : i32
      %dma_start3A_381 = arith.constant 0 : i32
      %dma_start3A_382 = arith.constant 0 : i32
      %dma_start3A_383 = tpu.memref_slice %arg4[%add3A_182, %dma_start3A_380, %add3A, %dma_start3A_381, %dma_start3A_382] : memref<200x8x32x8x128xf32, #tpu.memory_space<hbm>> -> memref<1x8x1x8x128xf32, #tpu.memory_space<hbm>>
      %dma_start3A_384 = tpu.memref_squeeze %dma_start3A_383 : memref<1x8x1x8x128xf32, #tpu.memory_space<hbm>> -> memref<8x8x128xf32, #tpu.memory_space<hbm>>
      %dma_start3A_385 = arith.constant 0 : i32
      %dma_start3A_386 = arith.constant 0 : i32
      %dma_start3A_387 = arith.constant 0 : i32
      %dma_start3A_388 = tpu.memref_slice %arg4[%add3A_182, %dma_start3A_385, %add3A, %dma_start3A_386, %dma_start3A_387] : memref<200x8x32x8x128xf32, #tpu.memory_space<hbm>> -> memref<1x8x1x8x128xf32, #tpu.memory_space<hbm>>
      %dma_start3A_389 = tpu.memref_squeeze %dma_start3A_388 : memref<1x8x1x8x128xf32, #tpu.memory_space<hbm>> -> memref<8x8x128xf32, #tpu.memory_space<hbm>>
      %dma_start3A_390 = arith.constant 0 : i32
      %dma_start3A_391 = arith.constant 0 : i32
      %dma_start3A_392 = arith.constant 0 : i32
      %dma_start3A_393 = tpu.memref_slice %arg7[%dma_start3A_374, %dma_start3A_390, %dma_start3A_391, %dma_start3A_392] : memref<2x8x8x136xf32, #tpu.memory_space<vmem>> -> memref<1x8x8x128xf32, #tpu.memory_space<vmem>>
      %dma_start3A_394 = tpu.memref_squeeze %dma_start3A_393 : memref<1x8x8x128xf32, #tpu.memory_space<vmem>> -> memref<8x8x128xf32, #tpu.memory_space<vmem>>
      tpu.enqueue_dma source(%dma_start3A_394 : memref<8x8x128xf32, #tpu.memory_space<vmem>>) target(%dma_start3A_389 : memref<8x8x128xf32, #tpu.memory_space<hbm>>) target_semaphore(%arg13 : memref<!tpu.dma_semaphore, #tpu.memory_space<semaphore_mem>>)
    }
    %scan3A_134 = arith.constant 100 : i32
    %dma_wait3A = arith.constant 0 : i32
    %dma_wait3A_135 = arith.constant 0 : i32
    %dma_wait3A_136 = arith.constant 0 : i32
    %dma_wait3A_137 = arith.constant 0 : i32
    %dma_wait3A_138 = arith.constant 0 : i32
    %dma_wait3A_139 = tpu.memref_slice %arg7[%dma_wait3A, %dma_wait3A_136, %dma_wait3A_137, %dma_wait3A_138] : memref<2x8x8x136xf32, #tpu.memory_space<vmem>> -> memref<1x8x8x128xf32, #tpu.memory_space<vmem>>
    %dma_wait3A_140 = tpu.memref_squeeze %dma_wait3A_139 : memref<1x8x8x128xf32, #tpu.memory_space<vmem>> -> memref<8x8x128xf32, #tpu.memory_space<vmem>>
    %dma_wait3A_141 = arith.constant 0 : i32
    %dma_wait3A_142 = arith.constant 0 : i32
    %dma_wait3A_143 = arith.constant 0 : i32
    %dma_wait3A_144 = tpu.memref_slice %arg4[%dma_wait3A_135, %dma_wait3A_141, %add3A, %dma_wait3A_142, %dma_wait3A_143] : memref<200x8x32x8x128xf32, #tpu.memory_space<hbm>> -> memref<1x8x1x8x128xf32, #tpu.memory_space<hbm>>
    %dma_wait3A_145 = tpu.memref_squeeze %dma_wait3A_144 : memref<1x8x1x8x128xf32, #tpu.memory_space<hbm>> -> memref<8x8x128xf32, #tpu.memory_space<hbm>>
    %dma_wait3A_146 = arith.constant 0 : i32
    %dma_wait3A_147 = arith.constant 0 : i32
    %dma_wait3A_148 = arith.constant 0 : i32
    %dma_wait3A_149 = tpu.memref_slice %arg4[%dma_wait3A_135, %dma_wait3A_146, %add3A, %dma_wait3A_147, %dma_wait3A_148] : memref<200x8x32x8x128xf32, #tpu.memory_space<hbm>> -> memref<1x8x1x8x128xf32, #tpu.memory_space<hbm>>
    %dma_wait3A_150 = tpu.memref_squeeze %dma_wait3A_149 : memref<1x8x1x8x128xf32, #tpu.memory_space<hbm>> -> memref<8x8x128xf32, #tpu.memory_space<hbm>>
    %dma_wait3A_151 = arith.constant 0 : i32
    %dma_wait3A_152 = arith.constant 0 : i32
    %dma_wait3A_153 = arith.constant 0 : i32
    %dma_wait3A_154 = tpu.memref_slice %arg7[%dma_wait3A, %dma_wait3A_151, %dma_wait3A_152, %dma_wait3A_153] : memref<2x8x8x136xf32, #tpu.memory_space<vmem>> -> memref<1x8x8x128xf32, #tpu.memory_space<vmem>>
    %dma_wait3A_155 = tpu.memref_squeeze %dma_wait3A_154 : memref<1x8x8x128xf32, #tpu.memory_space<vmem>> -> memref<8x8x128xf32, #tpu.memory_space<vmem>>
    tpu.wait_dma2 semaphore(%arg12 : memref<!tpu.dma_semaphore, #tpu.memory_space<semaphore_mem>>) src(%dma_wait3A_155 : memref<8x8x128xf32, #tpu.memory_space<vmem>>) dst(%dma_wait3A_150 : memref<8x8x128xf32, #tpu.memory_space<hbm>>)
    %dma_wait3A_156 = arith.constant 1 : i32
    %dma_wait3A_157 = arith.constant 0 : i32
    %dma_wait3A_158 = arith.constant 0 : i32
    %dma_wait3A_159 = arith.constant 0 : i32
    %dma_wait3A_160 = arith.constant 0 : i32
    %dma_wait3A_161 = tpu.memref_slice %arg7[%dma_wait3A_156, %dma_wait3A_158, %dma_wait3A_159, %dma_wait3A_160] : memref<2x8x8x136xf32, #tpu.memory_space<vmem>> -> memref<1x8x8x128xf32, #tpu.memory_space<vmem>>
    %dma_wait3A_162 = tpu.memref_squeeze %dma_wait3A_161 : memref<1x8x8x128xf32, #tpu.memory_space<vmem>> -> memref<8x8x128xf32, #tpu.memory_space<vmem>>
    %dma_wait3A_163 = arith.constant 0 : i32
    %dma_wait3A_164 = arith.constant 0 : i32
    %dma_wait3A_165 = arith.constant 0 : i32
    %dma_wait3A_166 = tpu.memref_slice %arg4[%dma_wait3A_157, %dma_wait3A_163, %add3A, %dma_wait3A_164, %dma_wait3A_165] : memref<200x8x32x8x128xf32, #tpu.memory_space<hbm>> -> memref<1x8x1x8x128xf32, #tpu.memory_space<hbm>>
    %dma_wait3A_167 = tpu.memref_squeeze %dma_wait3A_166 : memref<1x8x1x8x128xf32, #tpu.memory_space<hbm>> -> memref<8x8x128xf32, #tpu.memory_space<hbm>>
    %dma_wait3A_168 = arith.constant 0 : i32
    %dma_wait3A_169 = arith.constant 0 : i32
    %dma_wait3A_170 = arith.constant 0 : i32
    %dma_wait3A_171 = tpu.memref_slice %arg4[%dma_wait3A_157, %dma_wait3A_168, %add3A, %dma_wait3A_169, %dma_wait3A_170] : memref<200x8x32x8x128xf32, #tpu.memory_space<hbm>> -> memref<1x8x1x8x128xf32, #tpu.memory_space<hbm>>
    %dma_wait3A_172 = tpu.memref_squeeze %dma_wait3A_171 : memref<1x8x1x8x128xf32, #tpu.memory_space<hbm>> -> memref<8x8x128xf32, #tpu.memory_space<hbm>>
    %dma_wait3A_173 = arith.constant 0 : i32
    %dma_wait3A_174 = arith.constant 0 : i32
    %dma_wait3A_175 = arith.constant 0 : i32
    %dma_wait3A_176 = tpu.memref_slice %arg7[%dma_wait3A_156, %dma_wait3A_173, %dma_wait3A_174, %dma_wait3A_175] : memref<2x8x8x136xf32, #tpu.memory_space<vmem>> -> memref<1x8x8x128xf32, #tpu.memory_space<vmem>>
    %dma_wait3A_177 = tpu.memref_squeeze %dma_wait3A_176 : memref<1x8x8x128xf32, #tpu.memory_space<vmem>> -> memref<8x8x128xf32, #tpu.memory_space<vmem>>
    tpu.wait_dma2 semaphore(%arg13 : memref<!tpu.dma_semaphore, #tpu.memory_space<semaphore_mem>>) src(%dma_wait3A_177 : memref<8x8x128xf32, #tpu.memory_space<vmem>>) dst(%dma_wait3A_172 : memref<8x8x128xf32, #tpu.memory_space<hbm>>)
    return
  }
}

</mosaic_0001>

<sc_bundles>
// kernel: kernel.3.cloned.1.call-start
scs
__scs_entry_jumppad:
0x0: {  	(pc) =	sbr.rel $0x88, $3  }
0x1: {  	(tag) =	ssettag $0x0;
	lr =	simm.s32 $0x1  }
0x2: {  	[smem:$0x3F9F] =	sst lr;
	_ =	strace $0xD0000000  }
0x3: {  	_ = 	snop  }
0x4: {  	_ = 	snop  }
0x5: {  	_ = 	snop  }
0x6: {  	_ = 	snop  }
0x7: {  	_ = 	snop  }
__scs_overlays_trampoline_lowered:
0x8: {  	[smem:$0x3FAE] =	sst s0  }
0x9: {  	[smem:$0x3FAF] =	sst s1  }
0xa: {  	[smem:$0x3FB0] =	sst s2  }
0xb: {  	[smem:$0x3FB1] =	sst s3  }
0xc: {  	[smem:$0x3FB2] =	sst s4  }
0xd: {  	[smem:$0x3FB3] =	sst s5  }
0xe: {  	[smem:$0x3FB4] =	sst s6  }
0xf: {  	[smem:$0x3FB5] =	sst s7  }
0x10: {  	[smem:$0x3FB6] =	sst s8  }
0x11: {  	[smem:$0x3FB7] =	sst s9;
	s0 =	simm.s32 @!p0 $0x0  }
0x12: {  	s1 =	sld [smem:$0x3F9D];
	s0 =	simm.s32 @p0 $0x1  }
0x13: {  	[smem:$0x3FB8] =	sst s0;
	s0 =	simm.s32 @!p1 $0x0  }
0x14: {  	s2 =	sld [smem:$0x3F9C];
	s0 =	simm.s32 @p1 $0x1  }
0x15: {  	[smem:$0x3FB9] =	sst s0;
	s0 =	simm.s32 @!p2 $0x0  }
0x16: {  	s3 =	sld [smem:$0x3FDB];
	s0 =	simm.s32 @p2 $0x1  }
0x17: {  	s4 =	simm.s32 $0x1BF5;
	[smem:$0x3FBB] =	sst s0  }
0x18: {  	s0 =	sld [smem:$0x3F9E];
	_ =	swait.ge [sflag:s4], $0x0  }
0x19: {  	s7 =	sld [smem:$0x3F9F]  }
0x1a: {  	s8 =	sadd.s32 $0xFFFFE003, lr  }
0x1b: {  	s9 =	sadd.s32 $0xFFFFFEF7, lr;
	s5 =	simm.s32 $0xFFFFFFFF;
	p2 =	slt.u32 s8, $0xFFFFF086  }
0x1c: {  	p1 =	slt.u32 s9, $0xF7A;
	s5 =	simm.s32 @!p2 $0x0  }
0x1d: {  	s5 =	simm.s32 @p1 $0x1;
	p0 =	seq.s32 s7, s2  }
0x1e: {  	s7 =	smul.u32 @!p0 $0xF7A, s2;
	p2 =	seq.s32 @!p0 s5, $0x0  }
0x1f: {  	s9 =	smul.u32 $0xF7A, s1;
	s8 =	simm.s32 @!p0 $0x1BF5;
	p2 =	por !p2, p0  }
0x20: {  	[sflag:s8] =	ssyncset.s32 @!p0 $0xFFFFF086;
	s6 =	sadd.s32 @!p0 s3, s7;
	s7 =	simm.s32 @!p0 $0x108  }
0x21: {  	s3 =	sadd.s32 s3, s9;
	s6 =	sadd.s32 @!p0 $0x88, s6;
	s7 =	simm.s32 @p2 $0x1082  }
0x22: {  	[simem:s7], [sflag:s8] =	dma.local @!p0 [hbm:s6], $0xF7A  }
0x23: {  	s9 =	sor.u32 $0xD0000000, s2;
	s6 =	simm.s32 $0x108;
	_ =	swait.ge @!p0 [sflag:s8], $0x0  }
0x24: {  	s3 =	sadd.s32 $0x88, s3;
	s6 =	simm.s32 @!p1 $0x1082;
	[sflag:s4] =	ssyncset.s32 $0xFFFFF086  }
0x25: {  	[simem:s6], [sflag:s4] =	dma.local [hbm:s3], $0xF7A  }
0x26: {  	[smem:$0x3F9F] =	sst s1;
	(tag) =	ssettag s2;
	_ =	strace s9  }
0x27: {  	s1 =	sld [smem:$0x3FAF]  }
0x28: {  	s2 =	sld [smem:$0x3FB0]  }
0x29: {  	s4 =	sld [smem:$0x3FB2]  }
0x2a: {  	p0 =	seq.s32 s5, $0x0;
	s5 =	sld [smem:$0x3FB3]  }
0x2b: {  	s6 =	sld [smem:$0x3FB4]  }
0x2c: {  	s7 =	sld [smem:$0x3FB5]  }
0x2d: {  	s3 =	simm.s32 $0x108;
	s8 =	sld [smem:$0x3FB6]  }
0x2e: {  	s3 =	simm.s32 @!p0 $0x1082;
	s9 =	sld [smem:$0x3FB7]  }
0x2f: {  	lr =	sadd.s32 s0, s3;
	s0 =	sld [smem:$0x3FAE]  }
0x30: {  	s3 =	sld [smem:$0x3FB1]  }
0x31: {  	[smem:$0x3FBA] =	sst s10  }
0x32: {  	s10 =	sld [smem:$0x3FB8];
	_ =	sdelay $0x3  }
0x33: {  	p0 =	seq.s32 s10, $0x1;
	s10 =	sld [smem:$0x3FBA];
	_ =	sdelay $0x3  }
0x34: {  	[smem:$0x3FBA] =	sst s10  }
0x35: {  	s10 =	sld [smem:$0x3FB9];
	_ =	sdelay $0x3  }
0x36: {  	p1 =	seq.s32 s10, $0x1;
	s10 =	sld [smem:$0x3FBA];
	_ =	sdelay $0x3  }
0x37: {  	[smem:$0x3FBA] =	sst s10  }
0x38: {  	s10 =	sld [smem:$0x3FBB]  }
0x39: {  	_ = 	snop;
	(pc) =	sbr.ind lr, $3  }
0x3a: {  	_ = 	snop  }
0x3b: {  	_ = 	snop  }
0x3c: {  	p2 =	seq.s32 s10, $0x1;
	s10 =	sld [smem:$0x3FBA]  }
0x3d: {  	_ =	shalt  }
0x3e: {  	_ =	shalt  }
0x3f: {  	_ =	shalt  }
0x40: {  	_ =	shalt  }
0x41: {  	_ =	shalt  }
0x42: {  	_ =	shalt  }
0x43: {  	_ =	shalt  }
0x44: {  	_ =	shalt  }
0x45: {  	_ =	shalt  }
0x46: {  	_ =	shalt  }
0x47: {  	_ =	shalt  }
0x48: {  	_ =	shalt  }
0x49: {  	_ =	shalt  }
0x4a: {  	_ =	shalt  }
0x4b: {  	_ =	shalt  }
0x4c: {  	_ =	shalt  }
0x4d: {  	_ =	shalt  }
0x4e: {  	_ =	shalt  }
0x4f: {  	_ =	shalt  }
0x50: {  	_ =	shalt  }
0x51: {  	_ =	shalt  }
0x52: {  	_ =	shalt  }
0x53: {  	_ =	shalt  }
0x54: {  	_ =	shalt  }
0x55: {  	_ =	shalt  }
0x56: {  	_ =	shalt  }
0x57: {  	_ =	shalt  }
0x58: {  	_ =	shalt  }
0x59: {  	_ =	shalt  }
0x5a: {  	_ =	shalt  }
0x5b: {  	_ =	shalt  }
0x5c: {  	_ =	shalt  }
0x5d: {  	_ =	shalt  }
0x5e: {  	_ =	shalt  }
0x5f: {  	_ =	shalt  }
0x60: {  	_ =	shalt  }
0x61: {  	_ =	shalt  }
0x62: {  	_ =	shalt  }
0x63: {  	_ =	shalt  }
0x64: {  	_ =	shalt  }
0x65: {  	_ =	shalt  }
0x66: {  	_ =	shalt  }
0x67: {  	_ =	shalt  }
0x68: {  	_ =	shalt  }
0x69: {  	_ =	shalt  }
0x6a: {  	_ =	shalt  }
0x6b: {  	_ =	shalt  }
0x6c: {  	_ =	shalt  }
0x6d: {  	_ =	shalt  }
0x6e: {  	_ =	shalt  }
0x6f: {  	_ =	shalt  }
0x70: {  	_ =	shalt  }
0x71: {  	_ =	shalt  }
0x72: {  	_ =	shalt  }
0x73: {  	_ =	shalt  }
0x74: {  	_ =	shalt  }
0x75: {  	_ =	shalt  }
0x76: {  	_ =	shalt  }
0x77: {  	_ =	shalt  }
0x78: {  	_ =	shalt  }
0x79: {  	_ =	shalt  }
0x7a: {  	_ =	shalt  }
0x7b: {  	_ =	shalt  }
0x7c: {  	_ =	shalt  }
0x7d: {  	_ =	shalt  }
0x7e: {  	_ =	shalt  }
0x7f: {  	_ =	shalt  }
0x80: {  	_ =	shalt  }
0x81: {  	_ =	shalt  }
0x82: {  	_ =	shalt  }
0x83: {  	_ =	shalt  }
0x84: {  	_ =	shalt  }
0x85: {  	_ =	shalt  }
0x86: {  	_ =	shalt  }
0x87: {  	_ =	shalt  }
.Lfunc_end0:
.L_simem_size_0:
called_computation_lowered:
.L_overlay_start_0:
0x88: {  	s2 =	sld [smem:$0x3FD9]  }
0x89: {  	s3 =	sld [smem:$0x3FFE];
	_ =	sdelay $0x1  }
0x8a: {  	s1 =	srdreg.scid  }
0x8b: {  	s0 =	sand.u32 $0x1, s1  }
0x8c: {  	s17 =	sshll.u32 s0, $0xA;
	s2 =	sadd.s32 s3, s2  }
0x8d: {  	s2 =	sadd.s32 s2, s17  }
0x8e: {  	[smem:$0x3FC6] =	sst s2  }
0x8f: {  	_ = 	snop  }
0x90: {  	s2 =	sld [smem:$0x3FC9]  }
0x91: {  	s18 =	sld [smem:$0x3FD0];
	(tm) =	ssettm $0x1  }
0x92: {  	s4 =	sld [smem:$0x3FFB];
	_ =	sdelay $0x3  }
0x93: {  	_ =	strace s4  }
0x94: {  	s4 =	sld [smem:$0x3FFC];
	_ =	sdelay $0x3  }
0x95: {  	_ =	strace s4  }
0x96: {  	s4 =	sld [smem:$0x3FFD];
	_ =	sdelay $0x3  }
0x97: {  	_ =	strace s4  }
0x98: {  	_ =	strace $0x8FFFFFFF  }
0x99: {  	s19 =	sld [smem:$0x3FDB];
	_ =	sdelay $0x1  }
0x9a: {  	s5 =	simm.s32 $_scs_section_size  }
0x9b: {  	s6 =	simm.s32 $_size__tile_overlayer_lowered;
	s7 =	simm.s32 $_tile_overlayer_lowered  }
0x9c: {  	s22 =	simm.s32 $0x1BFF;
	s21 =	sshll.u32 s7, $0x1;
	s4 =	sadd.s32 s5, s19  }
0x9d: {  	s8 =	simm.s32 $0x0;
	s20 =	sshll.u32 s6, $0x1;
	s6 =	sadd.s32 s21, s4  }
0x9e: {  	[timem:s8], [sflag:s22] =	dma.local [hbm:s6], s20  }
0x9f: {  	_ =	swait.ge [sflag:s22], s20  }
0xa0: {  	s5 =	ssub.s32 $0x0, s20;
	[sflag:s22] =	ssyncset.done $0x0  }
0xa1: {  	[sflag:s22] =	ssyncadd.s32 s5;
	_ =	sdelay $0x1  }
0xa2: {  	s23 =	simm.s32 $0x1B8B  }
0xa3: {  	_ =	swait.ge [sflag:s23], $0x1  }
0xa4: {  	[sflag:s23] =	ssyncset.done $0x0  }
0xa5: {  	s25 =	simm.s32 $0x1B8E;
	s24 =	sld [smem:$0x3FFE];
	[sflag:s23] =	ssyncadd.s32 $0xFFFFFFFF  }
0xa6: {  	s26 =	simm.s32 $execute0_lowered;
	[smem:$0x3FD2] =	sst s25  }
0xa7: {  	s6 =	sshll.u32 s26, $0x1;
	_ =	strace $0x80000046;
	[dreg:$0x1] =	wrdreg $0xFFFFFFFF  }
0xa8: {  	s28 =	simm.s32 $_size_execute0_lowered;
	s4 =	sadd.s32 s4, s6;
	[dreg:$0x0] =	wrdreg $0x0  }
0xa9: {  	s6 =	sshll.u32 s28, $0x1;
	[dreg:$0x2] =	wrdreg s4  }
0xaa: {  	[dreg:$0x3] =	wrdreg s6  }
0xab: {  	[dreg:$0x4] =	wrdreg $0xC0  }
0xac: {  	_ =	task [dreg:s8], $0x5FFFF  }
0xad: {  	[dreg:$0x1] =	wrdreg $0xFFFFFFFF  }
0xae: {  	[dreg:$0x0] =	wrdreg $0x60  }
0xaf: {  	[dreg:$0x2] =	wrdreg s24  }
0xb0: {  	[dreg:$0x3] =	wrdreg s2  }
0xb1: {  	[dreg:$0x4] =	wrdreg s18  }
0xb2: {  	[dreg:$0x5] =	wrdreg $0x9  }
0xb3: {  	_ =	task.clear_ibuf [dreg:s8], $0x6FFFF;
	_ =	strace $0x90000046  }
0xb4: {  	s29 =	simm.s32 $0x9;
	_ =	strace $0x80000048  }
0xb5: {  	_ =	swait.ge [sflag:s29], $0x1  }
0xb6: {  	[sflag:s29] =	ssyncadd.s32 $0xFFFFFFFF  }
0xb7: {  	_ =	strace $0x90000048  }
0xb8: {  	_ =	sfence  }
0xb9: {  	s30 =	sld [smem:$0x0];
	_ =	sdelay $0x2  }
0xba: {  	s31 =	sshll.u32 s1, $0xD;
	s1 =	sshrl.u32 s1, $0x2  }
0xbb: {  	s3 =	sand.u32 $0x4000, s31;
	s1 =	sadd.s32 s1, s30  }
0xbc: {  	s0 =	sor.u32 s3, s0;
	s1 =	sshll.u32 s1, $0x11  }
0xbd: {  	s0 =	sor.u32 s1, s0  }
0xbe: {  	s0 =	sadd.s32 $0x8F2B, s0  }
0xbf: {  	[sflag:s0] =	ssyncadd.remote.s32 $0x1  }
0xc0: {  	_ =	sfence.sel $0xFFFF  }
0xc1: {  	[dreg:$0x0] =	wrdreg $0xFFFFFFFF;
	(pc) =	sbr.abs _section_cstart, $3  }
0xc2: {  	[dreg:$0x1] =	wrdreg $0xFFFFFFFF  }
0xc3: {  	_ =	task.clear_ibuf [dreg:s8], $0x2FFFF;
	_ =	strace $0x9FFFFFFF  }
0xc4: {  	(tm) =	ssettm $0x7FFFFFFF  }
0xc5: {  	_ =	shalt  }
tec
execute0_lowered:
.L_overlay_start_1:
0x0: {  	(tag) =	ssettag $0x1  }
0x1: {  	s0 =	rddreg [dreg:$0x0];
	v0 =	vlaneseq.u32  }
0x2: {  	s2 =	rddreg [dreg:$0x1];
	v0 =	vmul.u32 $0x88, v0  }
0x3: {  	s1 =	rddreg [dreg:$0x2];
	v1 =	vimm.s32 $0x0;
	vm1 =	vcmask $0x300  }
0x4: {  	s3 =	simm.s32 $0x0;
	s4 =	srdreg.scid;
	s5 =	stileid.u32;
	vm0 =	vmmov $0xffff;
	v1 =	vsel vm1, $0x3, v1;
	v2 =	vadd.s32 $0x880, v0  }
0x5: {  	s9 =	simm.s32 $0x8000;
	s10 =	simm.s32 $0x5;
	s18 =	simm.s32 $0x1;
	v3 =	vadd.s32 $0x1100, v0;
	v4 =	vadd.s32 $0x1980, v0;
	v5 =	vor.u32 $0x1, v0  }
0x6: {  	s19 =	simm.s32 $0x8400;
	s20 =	simm.s32 $0x8800;
	s21 =	simm.s32 $0x8C00;
	v6 =	vadd.s32 $0x881, v0;
	v7 =	vadd.s32 $0x1101, v0;
	v8 =	vadd.s32 $0x1981, v0  }
0x7: {  	s22 =	simm.s32 $0x9000;
	s23 =	simm.s32 $0x9400;
	s24 =	simm.s32 $0x9800;
	v9 =	vor.u32 $0x2, v0;
	v10 =	vadd.s32 $0x882, v0;
	v11 =	vadd.s32 $0x1102, v0  }
0x8: {  	s28 =	simm.s32 $0xE400;
	s29 =	simm.s32 $0x2;
	s30 =	simm.s32 $0x10600;
	v12 =	vadd.s32 $0x1982, v0;
	v13 =	vor.u32 $0x3, v0;
	v14 =	vadd.s32 $0x883, v0  }
0x9: {  	s31 =	simm.s32 $0x3;
	[smem:$0x7FF] =	sst s3;
	s4 =	sand.u32 $0x1, s4;
	v15 =	vadd.s32 $0x1103, v0;
	v16 =	vadd.s32 $0x1983, v0;
	v17 =	vor.u32 $0x4, v0  }
0xa: {  	s5 =	sshll.u32 s5, $0xB;
	s6 =	ssub.s32 $0x2, s4;
	s4 =	sshll.u32 s4, $0xA;
	v18 =	vadd.s32 $0x884, v0;
	v19 =	vadd.s32 $0x1104, v0;
	v20 =	vadd.s32 $0x1984, v0  }
0xb: {  	_ =	strace $0x80000047;
	s7 =	sshrl.u32 s6, $0x1;
	s4 =	sor.u32 s4, s5;
	v21 =	vor.u32 $0x5, v0;
	v22 =	vadd.s32 $0x885, v0;
	v23 =	vadd.s32 $0x1105, v0  }
0xc: {  	s5 =	sadd.s32 $0xF42800, s0;
	v24 =	vadd.s32 $0x1985, v0;
	v25 =	vor.u32 $0x6, v0;
	v26 =	vadd.s32 $0x886, v0;
	s25 =	ssub.s32 s6, s7;
	s26 =	sshrl.u32 s4, $0x3  }
0xd: {  	v27 =	vadd.s32 $0x1106, v0;
	v28 =	vadd.s32 $0x1986, v0;
	v29 =	vor.u32 $0x7, v0;
	s0 =	simm.s32 $0x4;
	s6 =	sadd.s32 s2, s26;
	s7 =	smax.u32 s25, $0x1  }
0xe: {  	v30 =	vadd.s32 $0x887, v0;
	v31 =	vadd.s32 $0x1107, v0;
	v32 =	vadd.s32 $0x1987, v0;
	s25 =	simm.s32 $0x9C00;
	s26 =	simm.s32 $0xA000;
	s2 =	simm.s32 $0x0  }
.LBB2_1:
0xf: {  	s8 =	simm.s32 $0x400  }
0x10: {  	[tilespmem:s3], [sflag:$0x5] =	stream.strided.gather [hbm4b:s6+s8], $0x6400, s9, s8, $0x38;
	[tilespmem:$0x12800] =	vst v63  }
0x11: {  	_ =	swait.ge [sflag:s10], $0x6400  }
0x12: {  	[sflag:s10] =	ssyncset.done $0x0  }
0x13: {  	[sflag:s10] =	ssyncadd.s32 $0xFFFF9C00  }
0x14: {  	v33 =	vld [tilespmem:$0x0];
	_ =	sdelay $0x6  }
0x15: {  	s11 =	simm.s32 $0x6400  }
0x16: {  	[tilespmem:s11], [sflag:$0x1] =	stream.indirect_vreg.gather [hbm4b:s5+s3], $0x40, v33, vm0, $0xb8;
	[tilespmem:$0x12800] =	vst v63  }
0x17: {  	v33 =	vld [tilespmem:$0x10];
	_ =	sdelay $0x6  }
0x18: {  	s12 =	simm.s32 $0x6800  }
0x19: {  	[tilespmem:s12], [sflag:$0x1] =	stream.indirect_vreg.gather [hbm4b:s5+s3], $0x40, v33, vm0, $0xb8;
	[tilespmem:$0x12800] =	vst v63  }
0x1a: {  	v33 =	vld [tilespmem:$0x20];
	_ =	sdelay $0x6  }
0x1b: {  	s13 =	simm.s32 $0x6C00  }
0x1c: {  	[tilespmem:s13], [sflag:$0x1] =	stream.indirect_vreg.gather [hbm4b:s5+s3], $0x40, v33, vm0, $0xb8;
	[tilespmem:$0x12800] =	vst v63  }
0x1d: {  	v33 =	vld [tilespmem:$0x30];
	_ =	sdelay $0x6  }
0x1e: {  	s14 =	simm.s32 $0x7000  }
0x1f: {  	[tilespmem:s14], [sflag:$0x1] =	stream.indirect_vreg.gather [hbm4b:s5+s3], $0x40, v33, vm0, $0xb8;
	[tilespmem:$0x12800] =	vst v63  }
0x20: {  	v33 =	vld [tilespmem:$0x40];
	_ =	sdelay $0x6  }
0x21: {  	s15 =	simm.s32 $0x7400  }
0x22: {  	[tilespmem:s15], [sflag:$0x1] =	stream.indirect_vreg.gather [hbm4b:s5+s3], $0x40, v33, vm0, $0xb8;
	[tilespmem:$0x12800] =	vst v63  }
0x23: {  	v33 =	vld [tilespmem:$0x50];
	_ =	sdelay $0x6  }
0x24: {  	s16 =	simm.s32 $0x7800  }
0x25: {  	[tilespmem:s16], [sflag:$0x1] =	stream.indirect_vreg.gather [hbm4b:s5+s3], $0x40, v33, vm0, $0xb8;
	[tilespmem:$0x12800] =	vst v63  }
0x26: {  	v33 =	vld [tilespmem:$0x60];
	_ =	sdelay $0x6  }
0x27: {  	s17 =	simm.s32 $0x7C00  }
0x28: {  	[tilespmem:s17], [sflag:$0x1] =	stream.indirect_vreg.gather [hbm4b:s5+s3], $0x40, v33, vm0, $0xb8;
	[tilespmem:$0x12800] =	vst v63  }
0x29: {  	v33 =	vld [tilespmem:$0x70];
	_ =	sdelay $0x6  }
0x2a: {  	s8 =	simm.s32 $0x0  }
0x2b: {  	[tilespmem:s9], [sflag:$0x1] =	stream.indirect_vreg.gather [hbm4b:s5+s3], $0x40, v33, vm0, $0xb8;
	[tilespmem:$0x12800] =	vst v63  }
.LBB2_2:
0x2c: {  	s11 =	sshllo.u32 s8, $0x1  }
0x2d: {  	_ =	swait.ge [sflag:s18], $0x2000;
	s12 =	sshll.u32 s8, $0x8;
	s13 =	sshll.u32 s11, $0x7  }
0x2e: {  	[sflag:s18] =	ssyncset.done $0x0;
	s12 =	sand.u32 $0x7C00, s12;
	s13 =	sand.u32 $0x380, s13  }
0x2f: {  	[sflag:s18] =	ssyncadd.s32 $0xFFFFE000;
	s12 =	sor.u32 s13, s12  }
0x30: {  	v33 =	vld [tilespmem:s12+$0x0];
	_ =	sdelay $0x7  }
0x31: {  	[tilespmem:s19], [sflag:$0x2] =	stream.indirect_vreg.gather [hbm4b:s5+s3], $0x40, v33, vm0, $0xb8;
	[tilespmem:$0x12800] =	vst v63  }
0x32: {  	v33 =	vld [tilespmem:s12+$0x10];
	_ =	sdelay $0x7  }
0x33: {  	[tilespmem:s20], [sflag:$0x2] =	stream.indirect_vreg.gather [hbm4b:s5+s3], $0x40, v33, vm0, $0xb8;
	[tilespmem:$0x12800] =	vst v63  }
0x34: {  	v33 =	vld [tilespmem:s12+$0x20];
	_ =	sdelay $0x7  }
0x35: {  	[tilespmem:s21], [sflag:$0x2] =	stream.indirect_vreg.gather [hbm4b:s5+s3], $0x40, v33, vm0, $0xb8;
	[tilespmem:$0x12800] =	vst v63  }
0x36: {  	v33 =	vld [tilespmem:s12+$0x30];
	_ =	sdelay $0x7  }
0x37: {  	[tilespmem:s22], [sflag:$0x2] =	stream.indirect_vreg.gather [hbm4b:s5+s3], $0x40, v33, vm0, $0xb8;
	[tilespmem:$0x12800] =	vst v63  }
0x38: {  	v33 =	vld [tilespmem:s12+$0x40];
	_ =	sdelay $0x7  }
0x39: {  	[tilespmem:s23], [sflag:$0x2] =	stream.indirect_vreg.gather [hbm4b:s5+s3], $0x40, v33, vm0, $0xb8;
	[tilespmem:$0x12800] =	vst v63  }
0x3a: {  	v33 =	vld [tilespmem:s12+$0x50];
	_ =	sdelay $0x7  }
0x3b: {  	[tilespmem:s24], [sflag:$0x2] =	stream.indirect_vreg.gather [hbm4b:s5+s3], $0x40, v33, vm0, $0xb8;
	[tilespmem:$0x12800] =	vst v63  }
0x3c: {  	v33 =	vld [tilespmem:s12+$0x60];
	_ =	sdelay $0x7  }
0x3d: {  	[tilespmem:s25], [sflag:$0x2] =	stream.indirect_vreg.gather [hbm4b:s5+s3], $0x40, v33, vm0, $0xb8;
	[tilespmem:$0x12800] =	vst v63  }
0x3e: {  	v33 =	vld [tilespmem:s12+$0x70];
	_ =	sdelay $0x5  }
0x3f: {  	s14 =	simm.s32 $0x0;
	p0 =	seq.s32 s8, $0x0  }
0x40: {  	v43 =	vmov s14;
	s12 =	simm.s32 @!p0 $0x3  }
0x41: {  	[tilespmem:s26], [sflag:$0x2] =	stream.indirect_vreg.gather [hbm4b:s5+s3], $0x40, v33, vm0, $0xb8;
	v33 =	vshrl.u32 v43, $0x3;
	[tilespmem:$0x12800] =	vst v63  }
0x42: {  	_ =	swait.ge @!p0 [sflag:s12], $0x2000;
	v33 =	vshll.u32 v33, v1  }
0x43: {  	[sflag:s12] =	ssyncset.done @!p0 $0x0;
	v33 =	vbroadcast v33, $0x0  }
0x44: {  	[sflag:s12] =	ssyncadd.s32 @!p0 $0xFFFFE000;
	s12 =	simm.s32 $0x6600  }
0x45: {  	v34 =	vld [tilespmem:s12+$0xFFFFFE00];
	v35 =	vadd.s32 v0, v33;
	_ =	sdelay $0x4  }
0x46: {  	[tilespmem:v35+s28+$0x0] =	vst.idx.msk $0xffff, v34  }
0x47: {  	v44 =	vadd.s32 v2, v33;
	v34 =	vld [tilespmem:s12+$0xFFFFFE10];
	_ =	sdelay $0x4  }
0x48: {  	[tilespmem:v44+s28+$0x0] =	vst.idx.msk $0xffff, v34  }
0x49: {  	v45 =	vadd.s32 v3, v33;
	v34 =	vld [tilespmem:s12+$0xFFFFFE20];
	_ =	sdelay $0x4  }
0x4a: {  	[tilespmem:v45+s28+$0x0] =	vst.idx.msk $0xffff, v34  }
0x4b: {  	s15 =	simm.s32 $0x1;
	v33 =	vadd.s32 v4, v33;
	v34 =	vld [tilespmem:s12+$0xFFFFFE30]  }
0x4c: {  	v46 =	vmov s15  }
0x4d: {  	v35 =	vshrl.u32 v46, $0x3  }
0x4e: {  	v35 =	vshll.u32 v35, v1  }
0x4f: {  	v35 =	vbroadcast v35, $0x0  }
0x50: {  	[tilespmem:v33+s28+$0x0] =	vst.idx.msk $0xffff, v34  }
0x51: {  	v47 =	vadd.s32 v5, v35;
	v33 =	vld [tilespmem:s12+$0xFFFFFE40];
	_ =	sdelay $0x4  }
0x52: {  	[tilespmem:v47+s28+$0x0] =	vst.idx.msk $0xffff, v33  }
0x53: {  	v48 =	vadd.s32 v6, v35;
	v33 =	vld [tilespmem:s12+$0xFFFFFE50];
	_ =	sdelay $0x4  }
0x54: {  	[tilespmem:v48+s28+$0x0] =	vst.idx.msk $0xffff, v33  }
0x55: {  	v49 =	vadd.s32 v7, v35;
	v33 =	vld [tilespmem:s12+$0xFFFFFE60];
	_ =	sdelay $0x4  }
0x56: {  	[tilespmem:v49+s28+$0x0] =	vst.idx.msk $0xffff, v33  }
0x57: {  	s16 =	simm.s32 $0x2;
	v50 =	vadd.s32 v8, v35;
	v33 =	vld [tilespmem:s12+$0xFFFFFE70]  }
0x58: {  	v51 =	vmov s16  }
0x59: {  	v35 =	vshrl.u32 v51, $0x3  }
0x5a: {  	v35 =	vshll.u32 v35, v1  }
0x5b: {  	v35 =	vbroadcast v35, $0x0  }
0x5c: {  	[tilespmem:v50+s28+$0x0] =	vst.idx.msk $0xffff, v33  }
0x5d: {  	v52 =	vadd.s32 v9, v35;
	v33 =	vld [tilespmem:s12+$0xFFFFFE80];
	_ =	sdelay $0x4  }
0x5e: {  	[tilespmem:v52+s28+$0x0] =	vst.idx.msk $0xffff, v33  }
0x5f: {  	v53 =	vadd.s32 v10, v35;
	v33 =	vld [tilespmem:s12+$0xFFFFFE90];
	_ =	sdelay $0x4  }
0x60: {  	[tilespmem:v53+s28+$0x0] =	vst.idx.msk $0xffff, v33  }
0x61: {  	v54 =	vadd.s32 v11, v35;
	v33 =	vld [tilespmem:s12+$0xFFFFFEA0];
	_ =	sdelay $0x4  }
0x62: {  	[tilespmem:v54+s28+$0x0] =	vst.idx.msk $0xffff, v33  }
0x63: {  	s17 =	simm.s32 $0x3;
	v55 =	vadd.s32 v12, v35;
	v33 =	vld [tilespmem:s12+$0xFFFFFEB0]  }
0x64: {  	v56 =	vmov s17  }
0x65: {  	v35 =	vshrl.u32 v56, $0x3  }
0x66: {  	v35 =	vshll.u32 v35, v1  }
0x67: {  	v35 =	vbroadcast v35, $0x0  }
0x68: {  	[tilespmem:v55+s28+$0x0] =	vst.idx.msk $0xffff, v33  }
0x69: {  	v57 =	vadd.s32 v13, v35;
	v33 =	vld [tilespmem:s12+$0xFFFFFEC0];
	_ =	sdelay $0x4  }
0x6a: {  	[tilespmem:v57+s28+$0x0] =	vst.idx.msk $0xffff, v33  }
0x6b: {  	v58 =	vadd.s32 v14, v35;
	v33 =	vld [tilespmem:s12+$0xFFFFFED0];
	_ =	sdelay $0x4  }
0x6c: {  	[tilespmem:v58+s28+$0x0] =	vst.idx.msk $0xffff, v33  }
0x6d: {  	v59 =	vadd.s32 v15, v35;
	v33 =	vld [tilespmem:s12+$0xFFFFFEE0];
	_ =	sdelay $0x4  }
0x6e: {  	[tilespmem:v59+s28+$0x0] =	vst.idx.msk $0xffff, v33  }
0x6f: {  	s14 =	simm.s32 $0x4;
	v60 =	vadd.s32 v16, v35;
	v33 =	vld [tilespmem:s12+$0xFFFFFEF0]  }
0x70: {  	v61 =	vmov s14  }
0x71: {  	v35 =	vshrl.u32 v61, $0x3  }
0x72: {  	v35 =	vshll.u32 v35, v1  }
0x73: {  	v35 =	vbroadcast v35, $0x0  }
0x74: {  	[tilespmem:v60+s28+$0x0] =	vst.idx.msk $0xffff, v33  }
0x75: {  	v62 =	vadd.s32 v17, v35;
	v33 =	vld [tilespmem:s12+$0xFFFFFF00];
	_ =	sdelay $0x4  }
0x76: {  	[tilespmem:v62+s28+$0x0] =	vst.idx.msk $0xffff, v33  }
0x77: {  	v63 =	vadd.s32 v18, v35;
	v33 =	vld [tilespmem:s12+$0xFFFFFF10];
	_ =	sdelay $0x4  }
0x78: {  	[tilespmem:v63+s28+$0x0] =	vst.idx.msk $0xffff, v33  }
0x79: {  	v36 =	vadd.s32 v19, v35;
	v33 =	vld [tilespmem:s12+$0xFFFFFF20];
	_ =	sdelay $0x4  }
0x7a: {  	[tilespmem:v36+s28+$0x0] =	vst.idx.msk $0xffff, v33  }
0x7b: {  	s15 =	simm.s32 $0x5;
	v37 =	vadd.s32 v20, v35;
	v33 =	vld [tilespmem:s12+$0xFFFFFF30]  }
0x7c: {  	v38 =	vmov s15  }
0x7d: {  	v35 =	vshrl.u32 v38, $0x3  }
0x7e: {  	v35 =	vshll.u32 v35, v1  }
0x7f: {  	v35 =	vbroadcast v35, $0x0  }
0x80: {  	[tilespmem:v37+s28+$0x0] =	vst.idx.msk $0xffff, v33  }
0x81: {  	v39 =	vadd.s32 v21, v35;
	v33 =	vld [tilespmem:s12+$0xFFFFFF40];
	_ =	sdelay $0x4  }
0x82: {  	[tilespmem:v39+s28+$0x0] =	vst.idx.msk $0xffff, v33  }
0x83: {  	v40 =	vadd.s32 v22, v35;
	v33 =	vld [tilespmem:s12+$0xFFFFFF50];
	_ =	sdelay $0x4  }
0x84: {  	[tilespmem:v40+s28+$0x0] =	vst.idx.msk $0xffff, v33  }
0x85: {  	v41 =	vadd.s32 v23, v35;
	v33 =	vld [tilespmem:s12+$0xFFFFFF60];
	_ =	sdelay $0x4  }
0x86: {  	[tilespmem:v41+s28+$0x0] =	vst.idx.msk $0xffff, v33  }
0x87: {  	s16 =	simm.s32 $0x6;
	v42 =	vadd.s32 v24, v35;
	v33 =	vld [tilespmem:s12+$0xFFFFFF70]  }
0x88: {  	v43 =	vmov s16  }
0x89: {  	v35 =	vshrl.u32 v43, $0x3  }
0x8a: {  	v35 =	vshll.u32 v35, v1  }
0x8b: {  	v35 =	vbroadcast v35, $0x0  }
0x8c: {  	[tilespmem:v42+s28+$0x0] =	vst.idx.msk $0xffff, v33  }
0x8d: {  	v44 =	vadd.s32 v25, v35;
	v33 =	vld [tilespmem:s12+$0xFFFFFF80];
	_ =	sdelay $0x4  }
0x8e: {  	[tilespmem:v44+s28+$0x0] =	vst.idx.msk $0xffff, v33  }
0x8f: {  	v45 =	vadd.s32 v26, v35;
	v33 =	vld [tilespmem:s12+$0xFFFFFF90];
	_ =	sdelay $0x4  }
0x90: {  	[tilespmem:v45+s28+$0x0] =	vst.idx.msk $0xffff, v33  }
0x91: {  	v46 =	vadd.s32 v27, v35;
	v33 =	vld [tilespmem:s12+$0xFFFFFFA0];
	_ =	sdelay $0x4  }
0x92: {  	[tilespmem:v46+s28+$0x0] =	vst.idx.msk $0xffff, v33  }
0x93: {  	s17 =	simm.s32 $0x7;
	v47 =	vadd.s32 v28, v35;
	v33 =	vld [tilespmem:s12+$0xFFFFFFB0]  }
0x94: {  	v48 =	vmov s17  }
0x95: {  	v35 =	vshrl.u32 v48, $0x3  }
0x96: {  	v35 =	vshll.u32 v35, v1  }
0x97: {  	v35 =	vbroadcast v35, $0x0  }
0x98: {  	[tilespmem:v47+s28+$0x0] =	vst.idx.msk $0xffff, v33  }
0x99: {  	v49 =	vadd.s32 v29, v35;
	v33 =	vld [tilespmem:s12+$0xFFFFFFC0];
	_ =	sdelay $0x4  }
0x9a: {  	[tilespmem:v49+s28+$0x0] =	vst.idx.msk $0xffff, v33  }
0x9b: {  	v50 =	vadd.s32 v30, v35;
	v33 =	vld [tilespmem:s12+$0xFFFFFFD0];
	_ =	sdelay $0x4  }
0x9c: {  	[tilespmem:v50+s28+$0x0] =	vst.idx.msk $0xffff, v33  }
0x9d: {  	v51 =	vadd.s32 v31, v35;
	v33 =	vld [tilespmem:s12+$0xFFFFFFE0];
	_ =	sdelay $0x4  }
0x9e: {  	[tilespmem:v51+s28+$0x0] =	vst.idx.msk $0xffff, v33  }
0x9f: {  	s14 =	simm.s32 $0x8;
	v52 =	vadd.s32 v32, v35;
	v33 =	vld [tilespmem:s12+$0xFFFFFFF0]  }
0xa0: {  	v53 =	vmov s14  }
0xa1: {  	v35 =	vshrl.u32 v53, $0x3  }
0xa2: {  	v35 =	vshll.u32 v35, v1  }
0xa3: {  	v35 =	vbroadcast v35, $0x0  }
0xa4: {  	[tilespmem:v52+s28+$0x0] =	vst.idx.msk $0xffff, v33  }
0xa5: {  	v54 =	vadd.s32 v0, v35;
	v33 =	vld [tilespmem:s12+$0x0];
	_ =	sdelay $0x4  }
0xa6: {  	[tilespmem:v54+s28+$0x0] =	vst.idx.msk $0xffff, v33  }
0xa7: {  	v55 =	vadd.s32 v2, v35;
	v33 =	vld [tilespmem:s12+$0x10];
	_ =	sdelay $0x4  }
0xa8: {  	[tilespmem:v55+s28+$0x0] =	vst.idx.msk $0xffff, v33  }
0xa9: {  	v56 =	vadd.s32 v3, v35;
	v33 =	vld [tilespmem:s12+$0x20];
	_ =	sdelay $0x4  }
0xaa: {  	[tilespmem:v56+s28+$0x0] =	vst.idx.msk $0xffff, v33  }
0xab: {  	s15 =	simm.s32 $0x9;
	v57 =	vadd.s32 v4, v35;
	v33 =	vld [tilespmem:s12+$0x30]  }
0xac: {  	v58 =	vmov s15  }
0xad: {  	v35 =	vshrl.u32 v58, $0x3  }
0xae: {  	v35 =	vshll.u32 v35, v1  }
0xaf: {  	v35 =	vbroadcast v35, $0x0  }
0xb0: {  	[tilespmem:v57+s28+$0x0] =	vst.idx.msk $0xffff, v33  }
0xb1: {  	v59 =	vadd.s32 v5, v35;
	v33 =	vld [tilespmem:s12+$0x40];
	_ =	sdelay $0x4  }
0xb2: {  	[tilespmem:v59+s28+$0x0] =	vst.idx.msk $0xffff, v33  }
0xb3: {  	v60 =	vadd.s32 v6, v35;
	v33 =	vld [tilespmem:s12+$0x50];
	_ =	sdelay $0x4  }
0xb4: {  	[tilespmem:v60+s28+$0x0] =	vst.idx.msk $0xffff, v33  }
0xb5: {  	v61 =	vadd.s32 v7, v35;
	v33 =	vld [tilespmem:s12+$0x60];
	_ =	sdelay $0x4  }
0xb6: {  	[tilespmem:v61+s28+$0x0] =	vst.idx.msk $0xffff, v33  }
0xb7: {  	s16 =	simm.s32 $0xA;
	v62 =	vadd.s32 v8, v35;
	v33 =	vld [tilespmem:s12+$0x70]  }
0xb8: {  	v63 =	vmov s16  }
0xb9: {  	v35 =	vshrl.u32 v63, $0x3  }
0xba: {  	v35 =	vshll.u32 v35, v1  }
0xbb: {  	v35 =	vbroadcast v35, $0x0  }
0xbc: {  	[tilespmem:v62+s28+$0x0] =	vst.idx.msk $0xffff, v33  }
0xbd: {  	v36 =	vadd.s32 v9, v35;
	v33 =	vld [tilespmem:s12+$0x80];
	_ =	sdelay $0x4  }
0xbe: {  	[tilespmem:v36+s28+$0x0] =	vst.idx.msk $0xffff, v33  }
0xbf: {  	v37 =	vadd.s32 v10, v35;
	v33 =	vld [tilespmem:s12+$0x90];
	_ =	sdelay $0x4  }
0xc0: {  	[tilespmem:v37+s28+$0x0] =	vst.idx.msk $0xffff, v33  }
0xc1: {  	v38 =	vadd.s32 v11, v35;
	v33 =	vld [tilespmem:s12+$0xA0];
	_ =	sdelay $0x4  }
0xc2: {  	[tilespmem:v38+s28+$0x0] =	vst.idx.msk $0xffff, v33  }
0xc3: {  	s17 =	simm.s32 $0xB;
	v39 =	vadd.s32 v12, v35;
	v33 =	vld [tilespmem:s12+$0xB0]  }
0xc4: {  	v40 =	vmov s17  }
0xc5: {  	v35 =	vshrl.u32 v40, $0x3  }
0xc6: {  	v35 =	vshll.u32 v35, v1  }
0xc7: {  	v35 =	vbroadcast v35, $0x0  }
0xc8: {  	[tilespmem:v39+s28+$0x0] =	vst.idx.msk $0xffff, v33  }
0xc9: {  	v41 =	vadd.s32 v13, v35;
	v33 =	vld [tilespmem:s12+$0xC0];
	_ =	sdelay $0x4  }
0xca: {  	[tilespmem:v41+s28+$0x0] =	vst.idx.msk $0xffff, v33  }
0xcb: {  	v42 =	vadd.s32 v14, v35;
	v33 =	vld [tilespmem:s12+$0xD0];
	_ =	sdelay $0x4  }
0xcc: {  	[tilespmem:v42+s28+$0x0] =	vst.idx.msk $0xffff, v33  }
0xcd: {  	v43 =	vadd.s32 v15, v35;
	v33 =	vld [tilespmem:s12+$0xE0];
	_ =	sdelay $0x4  }
0xce: {  	[tilespmem:v43+s28+$0x0] =	vst.idx.msk $0xffff, v33  }
0xcf: {  	s14 =	simm.s32 $0xC;
	v44 =	vadd.s32 v16, v35;
	v33 =	vld [tilespmem:s12+$0xF0]  }
0xd0: {  	v45 =	vmov s14  }
0xd1: {  	v35 =	vshrl.u32 v45, $0x3  }
0xd2: {  	v35 =	vshll.u32 v35, v1  }
0xd3: {  	v35 =	vbroadcast v35, $0x0  }
0xd4: {  	[tilespmem:v44+s28+$0x0] =	vst.idx.msk $0xffff, v33  }
0xd5: {  	v46 =	vadd.s32 v17, v35;
	v33 =	vld [tilespmem:s12+$0x100];
	_ =	sdelay $0x4  }
0xd6: {  	[tilespmem:v46+s28+$0x0] =	vst.idx.msk $0xffff, v33  }
0xd7: {  	v47 =	vadd.s32 v18, v35;
	v33 =	vld [tilespmem:s12+$0x110];
	_ =	sdelay $0x4  }
0xd8: {  	[tilespmem:v47+s28+$0x0] =	vst.idx.msk $0xffff, v33  }
0xd9: {  	v48 =	vadd.s32 v19, v35;
	v33 =	vld [tilespmem:s12+$0x120];
	_ =	sdelay $0x4  }
0xda: {  	[tilespmem:v48+s28+$0x0] =	vst.idx.msk $0xffff, v33  }
0xdb: {  	s15 =	simm.s32 $0xD;
	v49 =	vadd.s32 v20, v35;
	v33 =	vld [tilespmem:s12+$0x130]  }
0xdc: {  	v50 =	vmov s15  }
0xdd: {  	v35 =	vshrl.u32 v50, $0x3  }
0xde: {  	v35 =	vshll.u32 v35, v1  }
0xdf: {  	v35 =	vbroadcast v35, $0x0  }
0xe0: {  	[tilespmem:v49+s28+$0x0] =	vst.idx.msk $0xffff, v33  }
0xe1: {  	v51 =	vadd.s32 v21, v35;
	v33 =	vld [tilespmem:s12+$0x140];
	_ =	sdelay $0x4  }
0xe2: {  	[tilespmem:v51+s28+$0x0] =	vst.idx.msk $0xffff, v33  }
0xe3: {  	v52 =	vadd.s32 v22, v35;
	v33 =	vld [tilespmem:s12+$0x150];
	_ =	sdelay $0x4  }
0xe4: {  	[tilespmem:v52+s28+$0x0] =	vst.idx.msk $0xffff, v33  }
0xe5: {  	v53 =	vadd.s32 v23, v35;
	v33 =	vld [tilespmem:s12+$0x160];
	_ =	sdelay $0x4  }
0xe6: {  	[tilespmem:v53+s28+$0x0] =	vst.idx.msk $0xffff, v33  }
0xe7: {  	s16 =	simm.s32 $0xE;
	v54 =	vadd.s32 v24, v35;
	v33 =	vld [tilespmem:s12+$0x170]  }
0xe8: {  	v55 =	vmov s16  }
0xe9: {  	v35 =	vshrl.u32 v55, $0x3  }
0xea: {  	v35 =	vshll.u32 v35, v1  }
0xeb: {  	v35 =	vbroadcast v35, $0x0  }
0xec: {  	[tilespmem:v54+s28+$0x0] =	vst.idx.msk $0xffff, v33  }
0xed: {  	v56 =	vadd.s32 v25, v35;
	v33 =	vld [tilespmem:s12+$0x180];
	_ =	sdelay $0x4  }
0xee: {  	[tilespmem:v56+s28+$0x0] =	vst.idx.msk $0xffff, v33  }
0xef: {  	v57 =	vadd.s32 v26, v35;
	v33 =	vld [tilespmem:s12+$0x190];
	_ =	sdelay $0x4  }
0xf0: {  	[tilespmem:v57+s28+$0x0] =	vst.idx.msk $0xffff, v33  }
0xf1: {  	v58 =	vadd.s32 v27, v35;
	v33 =	vld [tilespmem:s12+$0x1A0];
	_ =	sdelay $0x4  }
0xf2: {  	[tilespmem:v58+s28+$0x0] =	vst.idx.msk $0xffff, v33  }
0xf3: {  	s17 =	simm.s32 $0xF;
	v59 =	vadd.s32 v28, v35;
	v33 =	vld [tilespmem:s12+$0x1B0]  }
0xf4: {  	v60 =	vmov s17  }
0xf5: {  	v35 =	vshrl.u32 v60, $0x3  }
0xf6: {  	v35 =	vshll.u32 v35, v1  }
0xf7: {  	v35 =	vbroadcast v35, $0x0  }
0xf8: {  	[tilespmem:v59+s28+$0x0] =	vst.idx.msk $0xffff, v33  }
0xf9: {  	v61 =	vadd.s32 v29, v35;
	v33 =	vld [tilespmem:s12+$0x1C0];
	_ =	sdelay $0x4  }
0xfa: {  	[tilespmem:v61+s28+$0x0] =	vst.idx.msk $0xffff, v33  }
0xfb: {  	v62 =	vadd.s32 v30, v35;
	v33 =	vld [tilespmem:s12+$0x1D0];
	_ =	sdelay $0x4  }
0xfc: {  	[tilespmem:v62+s28+$0x0] =	vst.idx.msk $0xffff, v33  }
0xfd: {  	v63 =	vadd.s32 v31, v35;
	v33 =	vld [tilespmem:s12+$0x1E0];
	_ =	sdelay $0x4  }
0xfe: {  	[tilespmem:v63+s28+$0x0] =	vst.idx.msk $0xffff, v33  }
0xff: {  	s13 =	simm.s32 $0x1F;
	s14 =	simm.s32 $0x2F;
	s15 =	simm.s32 $0x10;
	v34 =	vadd.s32 v32, v35;
	v33 =	vld [tilespmem:s12+$0x1F0]  }
.LBB2_3:
0x100: {  	p0 =	sne.s32 s14, $0x7F;
	v35 =	vmov s15  }
0x101: {  	v35 =	vshrl.u32 v35, $0x3  }
0x102: {  	v35 =	vshll.u32 v35, v1  }
0x103: {  	v35 =	vbroadcast v35, $0x0  }
0x104: {  	s12 =	sadd.s32 $0x400, s12;
	[tilespmem:v34+s28+$0x0] =	vst.idx.msk $0xffff, v33  }
0x105: {  	v33 =	vld [tilespmem:s12+$0xFFFFFE00];
	v34 =	vadd.s32 v0, v35;
	_ =	sdelay $0x4  }
0x106: {  	[tilespmem:v34+s28+$0x0] =	vst.idx.msk $0xffff, v33  }
0x107: {  	v34 =	vadd.s32 v2, v35;
	v33 =	vld [tilespmem:s12+$0xFFFFFE10];
	_ =	sdelay $0x4  }
0x108: {  	[tilespmem:v34+s28+$0x0] =	vst.idx.msk $0xffff, v33  }
0x109: {  	v34 =	vadd.s32 v3, v35;
	v33 =	vld [tilespmem:s12+$0xFFFFFE20];
	_ =	sdelay $0x4  }
0x10a: {  	[tilespmem:v34+s28+$0x0] =	vst.idx.msk $0xffff, v33  }
0x10b: {  	s15 =	sadd.s32 $0xFFFFFFF2, s13;
	v34 =	vadd.s32 v4, v35;
	v33 =	vld [tilespmem:s12+$0xFFFFFE30]  }
0x10c: {  	v35 =	vmov s15  }
0x10d: {  	v35 =	vshrl.u32 v35, $0x3  }
0x10e: {  	v35 =	vshll.u32 v35, v1  }
0x10f: {  	v35 =	vbroadcast v35, $0x0  }
0x110: {  	[tilespmem:v34+s28+$0x0] =	vst.idx.msk $0xffff, v33  }
0x111: {  	v34 =	vadd.s32 v5, v35;
	v33 =	vld [tilespmem:s12+$0xFFFFFE40];
	_ =	sdelay $0x4  }
0x112: {  	[tilespmem:v34+s28+$0x0] =	vst.idx.msk $0xffff, v33  }
0x113: {  	v34 =	vadd.s32 v6, v35;
	v33 =	vld [tilespmem:s12+$0xFFFFFE50];
	_ =	sdelay $0x4  }
0x114: {  	[tilespmem:v34+s28+$0x0] =	vst.idx.msk $0xffff, v33  }
0x115: {  	v34 =	vadd.s32 v7, v35;
	v33 =	vld [tilespmem:s12+$0xFFFFFE60];
	_ =	sdelay $0x4  }
0x116: {  	[tilespmem:v34+s28+$0x0] =	vst.idx.msk $0xffff, v33  }
0x117: {  	s15 =	sadd.s32 $0xFFFFFFF3, s13;
	v34 =	vadd.s32 v8, v35;
	v33 =	vld [tilespmem:s12+$0xFFFFFE70]  }
0x118: {  	v35 =	vmov s15  }
0x119: {  	v35 =	vshrl.u32 v35, $0x3  }
0x11a: {  	v35 =	vshll.u32 v35, v1  }
0x11b: {  	v35 =	vbroadcast v35, $0x0  }
0x11c: {  	[tilespmem:v34+s28+$0x0] =	vst.idx.msk $0xffff, v33  }
0x11d: {  	v34 =	vadd.s32 v9, v35;
	v33 =	vld [tilespmem:s12+$0xFFFFFE80];
	_ =	sdelay $0x4  }
0x11e: {  	[tilespmem:v34+s28+$0x0] =	vst.idx.msk $0xffff, v33  }
0x11f: {  	v34 =	vadd.s32 v10, v35;
	v33 =	vld [tilespmem:s12+$0xFFFFFE90];
	_ =	sdelay $0x4  }
0x120: {  	[tilespmem:v34+s28+$0x0] =	vst.idx.msk $0xffff, v33  }
0x121: {  	v34 =	vadd.s32 v11, v35;
	v33 =	vld [tilespmem:s12+$0xFFFFFEA0];
	_ =	sdelay $0x4  }
0x122: {  	[tilespmem:v34+s28+$0x0] =	vst.idx.msk $0xffff, v33  }
0x123: {  	s15 =	sadd.s32 $0xFFFFFFF4, s13;
	v34 =	vadd.s32 v12, v35;
	v33 =	vld [tilespmem:s12+$0xFFFFFEB0]  }
0x124: {  	v35 =	vmov s15  }
0x125: {  	v35 =	vshrl.u32 v35, $0x3  }
0x126: {  	v35 =	vshll.u32 v35, v1  }
0x127: {  	v35 =	vbroadcast v35, $0x0  }
0x128: {  	[tilespmem:v34+s28+$0x0] =	vst.idx.msk $0xffff, v33  }
0x129: {  	v34 =	vadd.s32 v13, v35;
	v33 =	vld [tilespmem:s12+$0xFFFFFEC0];
	_ =	sdelay $0x4  }
0x12a: {  	[tilespmem:v34+s28+$0x0] =	vst.idx.msk $0xffff, v33  }
0x12b: {  	v34 =	vadd.s32 v14, v35;
	v33 =	vld [tilespmem:s12+$0xFFFFFED0];
	_ =	sdelay $0x4  }
0x12c: {  	[tilespmem:v34+s28+$0x0] =	vst.idx.msk $0xffff, v33  }
0x12d: {  	v34 =	vadd.s32 v15, v35;
	v33 =	vld [tilespmem:s12+$0xFFFFFEE0];
	_ =	sdelay $0x4  }
0x12e: {  	[tilespmem:v34+s28+$0x0] =	vst.idx.msk $0xffff, v33  }
0x12f: {  	s15 =	sadd.s32 $0xFFFFFFF5, s13;
	v34 =	vadd.s32 v16, v35;
	v33 =	vld [tilespmem:s12+$0xFFFFFEF0]  }
0x130: {  	v35 =	vmov s15  }
0x131: {  	v35 =	vshrl.u32 v35, $0x3  }
0x132: {  	v35 =	vshll.u32 v35, v1  }
0x133: {  	v35 =	vbroadcast v35, $0x0  }
0x134: {  	[tilespmem:v34+s28+$0x0] =	vst.idx.msk $0xffff, v33  }
0x135: {  	v34 =	vadd.s32 v17, v35;
	v33 =	vld [tilespmem:s12+$0xFFFFFF00];
	_ =	sdelay $0x4  }
0x136: {  	[tilespmem:v34+s28+$0x0] =	vst.idx.msk $0xffff, v33  }
0x137: {  	v34 =	vadd.s32 v18, v35;
	v33 =	vld [tilespmem:s12+$0xFFFFFF10];
	_ =	sdelay $0x4  }
0x138: {  	[tilespmem:v34+s28+$0x0] =	vst.idx.msk $0xffff, v33  }
0x139: {  	v34 =	vadd.s32 v19, v35;
	v33 =	vld [tilespmem:s12+$0xFFFFFF20];
	_ =	sdelay $0x4  }
0x13a: {  	[tilespmem:v34+s28+$0x0] =	vst.idx.msk $0xffff, v33  }
0x13b: {  	s15 =	sadd.s32 $0xFFFFFFF6, s13;
	v34 =	vadd.s32 v20, v35;
	v33 =	vld [tilespmem:s12+$0xFFFFFF30]  }
0x13c: {  	v35 =	vmov s15  }
0x13d: {  	v35 =	vshrl.u32 v35, $0x3  }
0x13e: {  	v35 =	vshll.u32 v35, v1  }
0x13f: {  	v35 =	vbroadcast v35, $0x0  }
0x140: {  	[tilespmem:v34+s28+$0x0] =	vst.idx.msk $0xffff, v33  }
0x141: {  	v34 =	vadd.s32 v21, v35;
	v33 =	vld [tilespmem:s12+$0xFFFFFF40];
	_ =	sdelay $0x4  }
0x142: {  	[tilespmem:v34+s28+$0x0] =	vst.idx.msk $0xffff, v33  }
0x143: {  	v34 =	vadd.s32 v22, v35;
	v33 =	vld [tilespmem:s12+$0xFFFFFF50];
	_ =	sdelay $0x4  }
0x144: {  	[tilespmem:v34+s28+$0x0] =	vst.idx.msk $0xffff, v33  }
0x145: {  	v34 =	vadd.s32 v23, v35;
	v33 =	vld [tilespmem:s12+$0xFFFFFF60];
	_ =	sdelay $0x4  }
0x146: {  	[tilespmem:v34+s28+$0x0] =	vst.idx.msk $0xffff, v33  }
0x147: {  	s15 =	sadd.s32 $0xFFFFFFF7, s13;
	v34 =	vadd.s32 v24, v35;
	v33 =	vld [tilespmem:s12+$0xFFFFFF70]  }
0x148: {  	v35 =	vmov s15  }
0x149: {  	v35 =	vshrl.u32 v35, $0x3  }
0x14a: {  	v35 =	vshll.u32 v35, v1  }
0x14b: {  	v35 =	vbroadcast v35, $0x0  }
0x14c: {  	[tilespmem:v34+s28+$0x0] =	vst.idx.msk $0xffff, v33  }
0x14d: {  	v34 =	vadd.s32 v25, v35;
	v33 =	vld [tilespmem:s12+$0xFFFFFF80];
	_ =	sdelay $0x4  }
0x14e: {  	[tilespmem:v34+s28+$0x0] =	vst.idx.msk $0xffff, v33  }
0x14f: {  	v34 =	vadd.s32 v26, v35;
	v33 =	vld [tilespmem:s12+$0xFFFFFF90];
	_ =	sdelay $0x4  }
0x150: {  	[tilespmem:v34+s28+$0x0] =	vst.idx.msk $0xffff, v33  }
0x151: {  	v34 =	vadd.s32 v27, v35;
	v33 =	vld [tilespmem:s12+$0xFFFFFFA0];
	_ =	sdelay $0x4  }
0x152: {  	[tilespmem:v34+s28+$0x0] =	vst.idx.msk $0xffff, v33  }
0x153: {  	s15 =	sadd.s32 $0xFFFFFFF8, s13;
	v34 =	vadd.s32 v28, v35;
	v33 =	vld [tilespmem:s12+$0xFFFFFFB0]  }
0x154: {  	v35 =	vmov s15  }
0x155: {  	v35 =	vshrl.u32 v35, $0x3  }
0x156: {  	v35 =	vshll.u32 v35, v1  }
0x157: {  	v35 =	vbroadcast v35, $0x0  }
0x158: {  	[tilespmem:v34+s28+$0x0] =	vst.idx.msk $0xffff, v33  }
0x159: {  	v34 =	vadd.s32 v29, v35;
	v33 =	vld [tilespmem:s12+$0xFFFFFFC0];
	_ =	sdelay $0x4  }
0x15a: {  	[tilespmem:v34+s28+$0x0] =	vst.idx.msk $0xffff, v33  }
0x15b: {  	v34 =	vadd.s32 v30, v35;
	v33 =	vld [tilespmem:s12+$0xFFFFFFD0];
	_ =	sdelay $0x4  }
0x15c: {  	[tilespmem:v34+s28+$0x0] =	vst.idx.msk $0xffff, v33  }
0x15d: {  	v34 =	vadd.s32 v31, v35;
	v33 =	vld [tilespmem:s12+$0xFFFFFFE0];
	_ =	sdelay $0x4  }
0x15e: {  	[tilespmem:v34+s28+$0x0] =	vst.idx.msk $0xffff, v33  }
0x15f: {  	s15 =	sadd.s32 $0xFFFFFFF9, s13;
	v34 =	vadd.s32 v32, v35;
	v33 =	vld [tilespmem:s12+$0xFFFFFFF0]  }
0x160: {  	v35 =	vmov s15  }
0x161: {  	v35 =	vshrl.u32 v35, $0x3  }
0x162: {  	v35 =	vshll.u32 v35, v1  }
0x163: {  	v35 =	vbroadcast v35, $0x0  }
0x164: {  	[tilespmem:v34+s28+$0x0] =	vst.idx.msk $0xffff, v33  }
0x165: {  	v34 =	vadd.s32 v0, v35;
	v33 =	vld [tilespmem:s12+$0x0];
	_ =	sdelay $0x4  }
0x166: {  	[tilespmem:v34+s28+$0x0] =	vst.idx.msk $0xffff, v33  }
0x167: {  	v34 =	vadd.s32 v2, v35;
	v33 =	vld [tilespmem:s12+$0x10];
	_ =	sdelay $0x4  }
0x168: {  	[tilespmem:v34+s28+$0x0] =	vst.idx.msk $0xffff, v33  }
0x169: {  	v34 =	vadd.s32 v3, v35;
	v33 =	vld [tilespmem:s12+$0x20];
	_ =	sdelay $0x4  }
0x16a: {  	[tilespmem:v34+s28+$0x0] =	vst.idx.msk $0xffff, v33  }
0x16b: {  	s15 =	sadd.s32 $0xFFFFFFFA, s13;
	v34 =	vadd.s32 v4, v35;
	v33 =	vld [tilespmem:s12+$0x30]  }
0x16c: {  	v35 =	vmov s15  }
0x16d: {  	v35 =	vshrl.u32 v35, $0x3  }
0x16e: {  	v35 =	vshll.u32 v35, v1  }
0x16f: {  	v35 =	vbroadcast v35, $0x0  }
0x170: {  	[tilespmem:v34+s28+$0x0] =	vst.idx.msk $0xffff, v33  }
0x171: {  	v34 =	vadd.s32 v5, v35;
	v33 =	vld [tilespmem:s12+$0x40];
	_ =	sdelay $0x4  }
0x172: {  	[tilespmem:v34+s28+$0x0] =	vst.idx.msk $0xffff, v33  }
0x173: {  	v34 =	vadd.s32 v6, v35;
	v33 =	vld [tilespmem:s12+$0x50];
	_ =	sdelay $0x4  }
0x174: {  	[tilespmem:v34+s28+$0x0] =	vst.idx.msk $0xffff, v33  }
0x175: {  	v34 =	vadd.s32 v7, v35;
	v33 =	vld [tilespmem:s12+$0x60];
	_ =	sdelay $0x4  }
0x176: {  	[tilespmem:v34+s28+$0x0] =	vst.idx.msk $0xffff, v33  }
0x177: {  	s15 =	sadd.s32 $0xFFFFFFFB, s13;
	v34 =	vadd.s32 v8, v35;
	v33 =	vld [tilespmem:s12+$0x70]  }
0x178: {  	v35 =	vmov s15  }
0x179: {  	v35 =	vshrl.u32 v35, $0x3  }
0x17a: {  	v35 =	vshll.u32 v35, v1  }
0x17b: {  	v35 =	vbroadcast v35, $0x0  }
0x17c: {  	[tilespmem:v34+s28+$0x0] =	vst.idx.msk $0xffff, v33  }
0x17d: {  	v34 =	vadd.s32 v9, v35;
	v33 =	vld [tilespmem:s12+$0x80];
	_ =	sdelay $0x4  }
0x17e: {  	[tilespmem:v34+s28+$0x0] =	vst.idx.msk $0xffff, v33  }
0x17f: {  	v34 =	vadd.s32 v10, v35;
	v33 =	vld [tilespmem:s12+$0x90];
	_ =	sdelay $0x4  }
0x180: {  	[tilespmem:v34+s28+$0x0] =	vst.idx.msk $0xffff, v33  }
0x181: {  	v34 =	vadd.s32 v11, v35;
	v33 =	vld [tilespmem:s12+$0xA0];
	_ =	sdelay $0x4  }
0x182: {  	[tilespmem:v34+s28+$0x0] =	vst.idx.msk $0xffff, v33  }
0x183: {  	s15 =	sadd.s32 $0xFFFFFFFC, s13;
	v34 =	vadd.s32 v12, v35;
	v33 =	vld [tilespmem:s12+$0xB0]  }
0x184: {  	v35 =	vmov s15  }
0x185: {  	v35 =	vshrl.u32 v35, $0x3  }
0x186: {  	v35 =	vshll.u32 v35, v1  }
0x187: {  	v35 =	vbroadcast v35, $0x0  }
0x188: {  	[tilespmem:v34+s28+$0x0] =	vst.idx.msk $0xffff, v33  }
0x189: {  	v34 =	vadd.s32 v13, v35;
	v33 =	vld [tilespmem:s12+$0xC0];
	_ =	sdelay $0x4  }
0x18a: {  	[tilespmem:v34+s28+$0x0] =	vst.idx.msk $0xffff, v33  }
0x18b: {  	v34 =	vadd.s32 v14, v35;
	v33 =	vld [tilespmem:s12+$0xD0];
	_ =	sdelay $0x4  }
0x18c: {  	[tilespmem:v34+s28+$0x0] =	vst.idx.msk $0xffff, v33  }
0x18d: {  	v34 =	vadd.s32 v15, v35;
	v33 =	vld [tilespmem:s12+$0xE0];
	_ =	sdelay $0x4  }
0x18e: {  	[tilespmem:v34+s28+$0x0] =	vst.idx.msk $0xffff, v33  }
0x18f: {  	s15 =	sadd.s32 $0xFFFFFFFD, s13;
	v34 =	vadd.s32 v16, v35;
	v33 =	vld [tilespmem:s12+$0xF0]  }
0x190: {  	v35 =	vmov s15  }
0x191: {  	v35 =	vshrl.u32 v35, $0x3  }
0x192: {  	v35 =	vshll.u32 v35, v1  }
0x193: {  	v35 =	vbroadcast v35, $0x0  }
0x194: {  	[tilespmem:v34+s28+$0x0] =	vst.idx.msk $0xffff, v33  }
0x195: {  	v34 =	vadd.s32 v17, v35;
	v33 =	vld [tilespmem:s12+$0x100];
	_ =	sdelay $0x4  }
0x196: {  	[tilespmem:v34+s28+$0x0] =	vst.idx.msk $0xffff, v33  }
0x197: {  	v34 =	vadd.s32 v18, v35;
	v33 =	vld [tilespmem:s12+$0x110];
	_ =	sdelay $0x4  }
0x198: {  	[tilespmem:v34+s28+$0x0] =	vst.idx.msk $0xffff, v33  }
0x199: {  	v34 =	vadd.s32 v19, v35;
	v33 =	vld [tilespmem:s12+$0x120];
	_ =	sdelay $0x4  }
0x19a: {  	[tilespmem:v34+s28+$0x0] =	vst.idx.msk $0xffff, v33  }
0x19b: {  	s15 =	sadd.s32 $0xFFFFFFFE, s13;
	v34 =	vadd.s32 v20, v35;
	v33 =	vld [tilespmem:s12+$0x130]  }
0x19c: {  	v35 =	vmov s15  }
0x19d: {  	v35 =	vshrl.u32 v35, $0x3  }
0x19e: {  	v35 =	vshll.u32 v35, v1  }
0x19f: {  	v35 =	vbroadcast v35, $0x0  }
0x1a0: {  	[tilespmem:v34+s28+$0x0] =	vst.idx.msk $0xffff, v33  }
0x1a1: {  	v34 =	vadd.s32 v21, v35;
	v33 =	vld [tilespmem:s12+$0x140];
	_ =	sdelay $0x4  }
0x1a2: {  	[tilespmem:v34+s28+$0x0] =	vst.idx.msk $0xffff, v33  }
0x1a3: {  	v34 =	vadd.s32 v22, v35;
	v33 =	vld [tilespmem:s12+$0x150];
	_ =	sdelay $0x4  }
0x1a4: {  	[tilespmem:v34+s28+$0x0] =	vst.idx.msk $0xffff, v33  }
0x1a5: {  	v34 =	vadd.s32 v23, v35;
	v33 =	vld [tilespmem:s12+$0x160];
	_ =	sdelay $0x4  }
0x1a6: {  	[tilespmem:v34+s28+$0x0] =	vst.idx.msk $0xffff, v33  }
0x1a7: {  	s15 =	sadd.s32 $0xFFFFFFFF, s13;
	v34 =	vadd.s32 v24, v35;
	v33 =	vld [tilespmem:s12+$0x170]  }
0x1a8: {  	v35 =	vmov s15  }
0x1a9: {  	v35 =	vshrl.u32 v35, $0x3  }
0x1aa: {  	v35 =	vshll.u32 v35, v1  }
0x1ab: {  	v35 =	vbroadcast v35, $0x0  }
0x1ac: {  	[tilespmem:v34+s28+$0x0] =	vst.idx.msk $0xffff, v33  }
0x1ad: {  	v34 =	vadd.s32 v25, v35;
	v33 =	vld [tilespmem:s12+$0x180];
	_ =	sdelay $0x4  }
0x1ae: {  	[tilespmem:v34+s28+$0x0] =	vst.idx.msk $0xffff, v33  }
0x1af: {  	v34 =	vadd.s32 v26, v35;
	v33 =	vld [tilespmem:s12+$0x190];
	_ =	sdelay $0x4  }
0x1b0: {  	[tilespmem:v34+s28+$0x0] =	vst.idx.msk $0xffff, v33  }
0x1b1: {  	v34 =	vadd.s32 v27, v35;
	v33 =	vld [tilespmem:s12+$0x1A0];
	_ =	sdelay $0x4  }
0x1b2: {  	[tilespmem:v34+s28+$0x0] =	vst.idx.msk $0xffff, v33  }
0x1b3: {  	v34 =	vadd.s32 v28, v35;
	v33 =	vld [tilespmem:s12+$0x1B0]  }
0x1b4: {  	v35 =	vmov s13;
	s13 =	smov.u32 s14  }
0x1b5: {  	v35 =	vshrl.u32 v35, $0x3  }
0x1b6: {  	v35 =	vshll.u32 v35, v1  }
0x1b7: {  	v35 =	vbroadcast v35, $0x0  }
0x1b8: {  	[tilespmem:v34+s28+$0x0] =	vst.idx.msk $0xffff, v33  }
0x1b9: {  	v34 =	vadd.s32 v29, v35;
	v33 =	vld [tilespmem:s12+$0x1C0];
	_ =	sdelay $0x4  }
0x1ba: {  	[tilespmem:v34+s28+$0x0] =	vst.idx.msk $0xffff, v33  }
0x1bb: {  	v34 =	vadd.s32 v30, v35;
	v33 =	vld [tilespmem:s12+$0x1D0];
	_ =	sdelay $0x4  }
0x1bc: {  	[tilespmem:v34+s28+$0x0] =	vst.idx.msk $0xffff, v33  }
0x1bd: {  	v34 =	vadd.s32 v31, v35;
	v33 =	vld [tilespmem:s12+$0x1E0];
	_ =	sdelay $0x1  }
.Ltmp0:
0x1be: {  	(pc) =	sbr.rel @p0 .LBB2_3-.Ltmp0, $3  }
0x1bf: {  	_ =	sdelay $0x1  }
0x1c0: {  	[tilespmem:v34+s28+$0x0] =	vst.idx.msk $0xffff, v33  }
0x1c1: {  	s14 =	sadd.s32 $0x10, s14;
	s15 =	sadd.s32 $0xFFFFFFF1, s13;
	v34 =	vadd.s32 v32, v35;
	v33 =	vld [tilespmem:s12+$0x1F0]  }
0x1c2: {  	v35 =	vmov s15  }
0x1c3: {  	v35 =	vshrl.u32 v35, $0x3  }
0x1c4: {  	v35 =	vshll.u32 v35, v1  }
0x1c5: {  	v35 =	vbroadcast v35, $0x0  }
0x1c6: {  	s12 =	sadd.s32 $0x400, s12;
	[tilespmem:v34+s28+$0x0] =	vst.idx.msk $0xffff, v33  }
0x1c7: {  	v33 =	vld [tilespmem:s12+$0xFFFFFE00];
	v41 =	vadd.s32 v0, v35;
	_ =	sdelay $0x4  }
0x1c8: {  	[tilespmem:v41+s28+$0x0] =	vst.idx.msk $0xffff, v33  }
0x1c9: {  	v42 =	vadd.s32 v2, v35;
	v33 =	vld [tilespmem:s12+$0xFFFFFE10];
	_ =	sdelay $0x4  }
0x1ca: {  	[tilespmem:v42+s28+$0x0] =	vst.idx.msk $0xffff, v33  }
0x1cb: {  	v43 =	vadd.s32 v3, v35;
	v33 =	vld [tilespmem:s12+$0xFFFFFE20];
	_ =	sdelay $0x4  }
0x1cc: {  	[tilespmem:v43+s28+$0x0] =	vst.idx.msk $0xffff, v33  }
0x1cd: {  	s14 =	sadd.s32 $0xFFFFFFF2, s13;
	v44 =	vadd.s32 v4, v35;
	v33 =	vld [tilespmem:s12+$0xFFFFFE30]  }
0x1ce: {  	v45 =	vmov s14  }
0x1cf: {  	v35 =	vshrl.u32 v45, $0x3  }
0x1d0: {  	v35 =	vshll.u32 v35, v1  }
0x1d1: {  	v35 =	vbroadcast v35, $0x0  }
0x1d2: {  	[tilespmem:v44+s28+$0x0] =	vst.idx.msk $0xffff, v33  }
0x1d3: {  	v46 =	vadd.s32 v5, v35;
	v33 =	vld [tilespmem:s12+$0xFFFFFE40];
	_ =	sdelay $0x4  }
0x1d4: {  	[tilespmem:v46+s28+$0x0] =	vst.idx.msk $0xffff, v33  }
0x1d5: {  	v47 =	vadd.s32 v6, v35;
	v33 =	vld [tilespmem:s12+$0xFFFFFE50];
	_ =	sdelay $0x4  }
0x1d6: {  	[tilespmem:v47+s28+$0x0] =	vst.idx.msk $0xffff, v33  }
0x1d7: {  	v48 =	vadd.s32 v7, v35;
	v33 =	vld [tilespmem:s12+$0xFFFFFE60];
	_ =	sdelay $0x4  }
0x1d8: {  	[tilespmem:v48+s28+$0x0] =	vst.idx.msk $0xffff, v33  }
0x1d9: {  	s15 =	sadd.s32 $0xFFFFFFF3, s13;
	v49 =	vadd.s32 v8, v35;
	v33 =	vld [tilespmem:s12+$0xFFFFFE70]  }
0x1da: {  	v50 =	vmov s15  }
0x1db: {  	v35 =	vshrl.u32 v50, $0x3  }
0x1dc: {  	v35 =	vshll.u32 v35, v1  }
0x1dd: {  	v35 =	vbroadcast v35, $0x0  }
0x1de: {  	[tilespmem:v49+s28+$0x0] =	vst.idx.msk $0xffff, v33  }
0x1df: {  	v51 =	vadd.s32 v9, v35;
	v33 =	vld [tilespmem:s12+$0xFFFFFE80];
	_ =	sdelay $0x4  }
0x1e0: {  	[tilespmem:v51+s28+$0x0] =	vst.idx.msk $0xffff, v33  }
0x1e1: {  	v52 =	vadd.s32 v10, v35;
	v33 =	vld [tilespmem:s12+$0xFFFFFE90];
	_ =	sdelay $0x4  }
0x1e2: {  	[tilespmem:v52+s28+$0x0] =	vst.idx.msk $0xffff, v33  }
0x1e3: {  	v53 =	vadd.s32 v11, v35;
	v33 =	vld [tilespmem:s12+$0xFFFFFEA0];
	_ =	sdelay $0x4  }
0x1e4: {  	[tilespmem:v53+s28+$0x0] =	vst.idx.msk $0xffff, v33  }
0x1e5: {  	s16 =	sadd.s32 $0xFFFFFFF4, s13;
	v54 =	vadd.s32 v12, v35;
	v33 =	vld [tilespmem:s12+$0xFFFFFEB0]  }
0x1e6: {  	v55 =	vmov s16  }
0x1e7: {  	v35 =	vshrl.u32 v55, $0x3  }
0x1e8: {  	v35 =	vshll.u32 v35, v1  }
0x1e9: {  	v35 =	vbroadcast v35, $0x0  }
0x1ea: {  	[tilespmem:v54+s28+$0x0] =	vst.idx.msk $0xffff, v33  }
0x1eb: {  	v56 =	vadd.s32 v13, v35;
	v33 =	vld [tilespmem:s12+$0xFFFFFEC0];
	_ =	sdelay $0x4  }
0x1ec: {  	[tilespmem:v56+s28+$0x0] =	vst.idx.msk $0xffff, v33  }
0x1ed: {  	v57 =	vadd.s32 v14, v35;
	v33 =	vld [tilespmem:s12+$0xFFFFFED0];
	_ =	sdelay $0x4  }
0x1ee: {  	[tilespmem:v57+s28+$0x0] =	vst.idx.msk $0xffff, v33  }
0x1ef: {  	v58 =	vadd.s32 v15, v35;
	v33 =	vld [tilespmem:s12+$0xFFFFFEE0];
	_ =	sdelay $0x4  }
0x1f0: {  	[tilespmem:v58+s28+$0x0] =	vst.idx.msk $0xffff, v33  }
0x1f1: {  	s17 =	sadd.s32 $0xFFFFFFF5, s13;
	v59 =	vadd.s32 v16, v35;
	v33 =	vld [tilespmem:s12+$0xFFFFFEF0]  }
0x1f2: {  	v60 =	vmov s17  }
0x1f3: {  	v35 =	vshrl.u32 v60, $0x3  }
0x1f4: {  	v35 =	vshll.u32 v35, v1  }
0x1f5: {  	v35 =	vbroadcast v35, $0x0  }
0x1f6: {  	[tilespmem:v59+s28+$0x0] =	vst.idx.msk $0xffff, v33  }
0x1f7: {  	v61 =	vadd.s32 v17, v35;
	v33 =	vld [tilespmem:s12+$0xFFFFFF00];
	_ =	sdelay $0x4  }
0x1f8: {  	[tilespmem:v61+s28+$0x0] =	vst.idx.msk $0xffff, v33  }
0x1f9: {  	v62 =	vadd.s32 v18, v35;
	v33 =	vld [tilespmem:s12+$0xFFFFFF10];
	_ =	sdelay $0x4  }
0x1fa: {  	[tilespmem:v62+s28+$0x0] =	vst.idx.msk $0xffff, v33  }
0x1fb: {  	v63 =	vadd.s32 v19, v35;
	v33 =	vld [tilespmem:s12+$0xFFFFFF20];
	_ =	sdelay $0x4  }
0x1fc: {  	[tilespmem:v63+s28+$0x0] =	vst.idx.msk $0xffff, v33  }
0x1fd: {  	s15 =	sadd.s32 $0xFFFFFFF6, s13;
	v36 =	vadd.s32 v20, v35;
	v33 =	vld [tilespmem:s12+$0xFFFFFF30]  }
0x1fe: {  	v37 =	vmov s15  }
0x1ff: {  	v35 =	vshrl.u32 v37, $0x3  }
0x200: {  	v35 =	vshll.u32 v35, v1  }
0x201: {  	v35 =	vbroadcast v35, $0x0  }
0x202: {  	[tilespmem:v36+s28+$0x0] =	vst.idx.msk $0xffff, v33  }
0x203: {  	v38 =	vadd.s32 v21, v35;
	v33 =	vld [tilespmem:s12+$0xFFFFFF40];
	_ =	sdelay $0x4  }
0x204: {  	[tilespmem:v38+s28+$0x0] =	vst.idx.msk $0xffff, v33  }
0x205: {  	v39 =	vadd.s32 v22, v35;
	v33 =	vld [tilespmem:s12+$0xFFFFFF50];
	_ =	sdelay $0x4  }
0x206: {  	[tilespmem:v39+s28+$0x0] =	vst.idx.msk $0xffff, v33  }
0x207: {  	v40 =	vadd.s32 v23, v35;
	v33 =	vld [tilespmem:s12+$0xFFFFFF60];
	_ =	sdelay $0x4  }
0x208: {  	[tilespmem:v40+s28+$0x0] =	vst.idx.msk $0xffff, v33  }
0x209: {  	s16 =	sadd.s32 $0xFFFFFFF7, s13;
	v41 =	vadd.s32 v24, v35;
	v33 =	vld [tilespmem:s12+$0xFFFFFF70]  }
0x20a: {  	v42 =	vmov s16  }
0x20b: {  	v35 =	vshrl.u32 v42, $0x3  }
0x20c: {  	v35 =	vshll.u32 v35, v1  }
0x20d: {  	v35 =	vbroadcast v35, $0x0  }
0x20e: {  	[tilespmem:v41+s28+$0x0] =	vst.idx.msk $0xffff, v33  }
0x20f: {  	v43 =	vadd.s32 v25, v35;
	v33 =	vld [tilespmem:s12+$0xFFFFFF80];
	_ =	sdelay $0x4  }
0x210: {  	[tilespmem:v43+s28+$0x0] =	vst.idx.msk $0xffff, v33  }
0x211: {  	v44 =	vadd.s32 v26, v35;
	v33 =	vld [tilespmem:s12+$0xFFFFFF90];
	_ =	sdelay $0x4  }
0x212: {  	[tilespmem:v44+s28+$0x0] =	vst.idx.msk $0xffff, v33  }
0x213: {  	v45 =	vadd.s32 v27, v35;
	v33 =	vld [tilespmem:s12+$0xFFFFFFA0];
	_ =	sdelay $0x4  }
0x214: {  	[tilespmem:v45+s28+$0x0] =	vst.idx.msk $0xffff, v33  }
0x215: {  	s17 =	sadd.s32 $0xFFFFFFF8, s13;
	v46 =	vadd.s32 v28, v35;
	v33 =	vld [tilespmem:s12+$0xFFFFFFB0]  }
0x216: {  	v47 =	vmov s17  }
0x217: {  	v35 =	vshrl.u32 v47, $0x3  }
0x218: {  	v35 =	vshll.u32 v35, v1  }
0x219: {  	v35 =	vbroadcast v35, $0x0  }
0x21a: {  	[tilespmem:v46+s28+$0x0] =	vst.idx.msk $0xffff, v33  }
0x21b: {  	v48 =	vadd.s32 v29, v35;
	v33 =	vld [tilespmem:s12+$0xFFFFFFC0];
	_ =	sdelay $0x4  }
0x21c: {  	[tilespmem:v48+s28+$0x0] =	vst.idx.msk $0xffff, v33  }
0x21d: {  	v49 =	vadd.s32 v30, v35;
	v33 =	vld [tilespmem:s12+$0xFFFFFFD0];
	_ =	sdelay $0x4  }
0x21e: {  	[tilespmem:v49+s28+$0x0] =	vst.idx.msk $0xffff, v33  }
0x21f: {  	v50 =	vadd.s32 v31, v35;
	v33 =	vld [tilespmem:s12+$0xFFFFFFE0];
	_ =	sdelay $0x4  }
0x220: {  	[tilespmem:v50+s28+$0x0] =	vst.idx.msk $0xffff, v33  }
0x221: {  	s15 =	sadd.s32 $0xFFFFFFF9, s13;
	v51 =	vadd.s32 v32, v35;
	v33 =	vld [tilespmem:s12+$0xFFFFFFF0]  }
0x222: {  	v52 =	vmov s15  }
0x223: {  	v35 =	vshrl.u32 v52, $0x3  }
0x224: {  	v35 =	vshll.u32 v35, v1  }
0x225: {  	v35 =	vbroadcast v35, $0x0  }
0x226: {  	[tilespmem:v51+s28+$0x0] =	vst.idx.msk $0xffff, v33  }
0x227: {  	v53 =	vadd.s32 v0, v35;
	v33 =	vld [tilespmem:s12+$0x0];
	_ =	sdelay $0x4  }
0x228: {  	[tilespmem:v53+s28+$0x0] =	vst.idx.msk $0xffff, v33  }
0x229: {  	v54 =	vadd.s32 v2, v35;
	v33 =	vld [tilespmem:s12+$0x10];
	_ =	sdelay $0x4  }
0x22a: {  	[tilespmem:v54+s28+$0x0] =	vst.idx.msk $0xffff, v33  }
0x22b: {  	v55 =	vadd.s32 v3, v35;
	v33 =	vld [tilespmem:s12+$0x20];
	_ =	sdelay $0x4  }
0x22c: {  	[tilespmem:v55+s28+$0x0] =	vst.idx.msk $0xffff, v33  }
0x22d: {  	s16 =	sadd.s32 $0xFFFFFFFA, s13;
	v56 =	vadd.s32 v4, v35;
	v33 =	vld [tilespmem:s12+$0x30]  }
0x22e: {  	v57 =	vmov s16  }
0x22f: {  	v35 =	vshrl.u32 v57, $0x3  }
0x230: {  	v35 =	vshll.u32 v35, v1  }
0x231: {  	v35 =	vbroadcast v35, $0x0  }
0x232: {  	[tilespmem:v56+s28+$0x0] =	vst.idx.msk $0xffff, v33  }
0x233: {  	v58 =	vadd.s32 v5, v35;
	v33 =	vld [tilespmem:s12+$0x40];
	_ =	sdelay $0x4  }
0x234: {  	[tilespmem:v58+s28+$0x0] =	vst.idx.msk $0xffff, v33  }
0x235: {  	v59 =	vadd.s32 v6, v35;
	v33 =	vld [tilespmem:s12+$0x50];
	_ =	sdelay $0x4  }
0x236: {  	[tilespmem:v59+s28+$0x0] =	vst.idx.msk $0xffff, v33  }
0x237: {  	v60 =	vadd.s32 v7, v35;
	v33 =	vld [tilespmem:s12+$0x60];
	_ =	sdelay $0x4  }
0x238: {  	[tilespmem:v60+s28+$0x0] =	vst.idx.msk $0xffff, v33  }
0x239: {  	s17 =	sadd.s32 $0xFFFFFFFB, s13;
	v61 =	vadd.s32 v8, v35;
	v33 =	vld [tilespmem:s12+$0x70]  }
0x23a: {  	v62 =	vmov s17  }
0x23b: {  	v35 =	vshrl.u32 v62, $0x3  }
0x23c: {  	v35 =	vshll.u32 v35, v1  }
0x23d: {  	v35 =	vbroadcast v35, $0x0  }
0x23e: {  	[tilespmem:v61+s28+$0x0] =	vst.idx.msk $0xffff, v33  }
0x23f: {  	v63 =	vadd.s32 v9, v35;
	v33 =	vld [tilespmem:s12+$0x80];
	_ =	sdelay $0x4  }
0x240: {  	[tilespmem:v63+s28+$0x0] =	vst.idx.msk $0xffff, v33  }
0x241: {  	v36 =	vadd.s32 v10, v35;
	v33 =	vld [tilespmem:s12+$0x90];
	_ =	sdelay $0x4  }
0x242: {  	[tilespmem:v36+s28+$0x0] =	vst.idx.msk $0xffff, v33  }
0x243: {  	v37 =	vadd.s32 v11, v35;
	v33 =	vld [tilespmem:s12+$0xA0];
	_ =	sdelay $0x4  }
0x244: {  	[tilespmem:v37+s28+$0x0] =	vst.idx.msk $0xffff, v33  }
0x245: {  	s15 =	sadd.s32 $0xFFFFFFFC, s13;
	v38 =	vadd.s32 v12, v35;
	v33 =	vld [tilespmem:s12+$0xB0]  }
0x246: {  	v39 =	vmov s15  }
0x247: {  	v35 =	vshrl.u32 v39, $0x3  }
0x248: {  	v35 =	vshll.u32 v35, v1  }
0x249: {  	v35 =	vbroadcast v35, $0x0  }
0x24a: {  	[tilespmem:v38+s28+$0x0] =	vst.idx.msk $0xffff, v33  }
0x24b: {  	v40 =	vadd.s32 v13, v35;
	v33 =	vld [tilespmem:s12+$0xC0];
	_ =	sdelay $0x4  }
0x24c: {  	[tilespmem:v40+s28+$0x0] =	vst.idx.msk $0xffff, v33  }
0x24d: {  	v41 =	vadd.s32 v14, v35;
	v33 =	vld [tilespmem:s12+$0xD0];
	_ =	sdelay $0x4  }
0x24e: {  	[tilespmem:v41+s28+$0x0] =	vst.idx.msk $0xffff, v33  }
0x24f: {  	v42 =	vadd.s32 v15, v35;
	v33 =	vld [tilespmem:s12+$0xE0];
	_ =	sdelay $0x4  }
0x250: {  	[tilespmem:v42+s28+$0x0] =	vst.idx.msk $0xffff, v33  }
0x251: {  	s16 =	sadd.s32 $0xFFFFFFFD, s13;
	v43 =	vadd.s32 v16, v35;
	v33 =	vld [tilespmem:s12+$0xF0]  }
0x252: {  	v44 =	vmov s16  }
0x253: {  	v35 =	vshrl.u32 v44, $0x3  }
0x254: {  	v35 =	vshll.u32 v35, v1  }
0x255: {  	v35 =	vbroadcast v35, $0x0  }
0x256: {  	[tilespmem:v43+s28+$0x0] =	vst.idx.msk $0xffff, v33  }
0x257: {  	v45 =	vadd.s32 v17, v35;
	v33 =	vld [tilespmem:s12+$0x100];
	_ =	sdelay $0x4  }
0x258: {  	[tilespmem:v45+s28+$0x0] =	vst.idx.msk $0xffff, v33  }
0x259: {  	v46 =	vadd.s32 v18, v35;
	v33 =	vld [tilespmem:s12+$0x110];
	_ =	sdelay $0x4  }
0x25a: {  	[tilespmem:v46+s28+$0x0] =	vst.idx.msk $0xffff, v33  }
0x25b: {  	v47 =	vadd.s32 v19, v35;
	v33 =	vld [tilespmem:s12+$0x120];
	_ =	sdelay $0x4  }
0x25c: {  	[tilespmem:v47+s28+$0x0] =	vst.idx.msk $0xffff, v33  }
0x25d: {  	s17 =	sadd.s32 $0xFFFFFFFE, s13;
	v48 =	vadd.s32 v20, v35;
	v33 =	vld [tilespmem:s12+$0x130]  }
0x25e: {  	v49 =	vmov s17  }
0x25f: {  	v35 =	vshrl.u32 v49, $0x3  }
0x260: {  	v35 =	vshll.u32 v35, v1  }
0x261: {  	v35 =	vbroadcast v35, $0x0  }
0x262: {  	[tilespmem:v48+s28+$0x0] =	vst.idx.msk $0xffff, v33  }
0x263: {  	v50 =	vadd.s32 v21, v35;
	v33 =	vld [tilespmem:s12+$0x140];
	_ =	sdelay $0x4  }
0x264: {  	[tilespmem:v50+s28+$0x0] =	vst.idx.msk $0xffff, v33  }
0x265: {  	v51 =	vadd.s32 v22, v35;
	v33 =	vld [tilespmem:s12+$0x150];
	_ =	sdelay $0x4  }
0x266: {  	[tilespmem:v51+s28+$0x0] =	vst.idx.msk $0xffff, v33  }
0x267: {  	v52 =	vadd.s32 v23, v35;
	v33 =	vld [tilespmem:s12+$0x160];
	_ =	sdelay $0x4  }
0x268: {  	[tilespmem:v52+s28+$0x0] =	vst.idx.msk $0xffff, v33  }
0x269: {  	s15 =	sadd.s32 $0xFFFFFFFF, s13;
	v53 =	vadd.s32 v24, v35;
	v33 =	vld [tilespmem:s12+$0x170]  }
0x26a: {  	v54 =	vmov s15  }
0x26b: {  	v35 =	vshrl.u32 v54, $0x3  }
0x26c: {  	v35 =	vshll.u32 v35, v1  }
0x26d: {  	v35 =	vbroadcast v35, $0x0  }
0x26e: {  	[tilespmem:v53+s28+$0x0] =	vst.idx.msk $0xffff, v33  }
0x26f: {  	v55 =	vadd.s32 v25, v35;
	v33 =	vld [tilespmem:s12+$0x180];
	_ =	sdelay $0x4  }
0x270: {  	[tilespmem:v55+s28+$0x0] =	vst.idx.msk $0xffff, v33  }
0x271: {  	v56 =	vadd.s32 v26, v35;
	v33 =	vld [tilespmem:s12+$0x190];
	_ =	sdelay $0x4  }
0x272: {  	[tilespmem:v56+s28+$0x0] =	vst.idx.msk $0xffff, v33  }
0x273: {  	v57 =	vadd.s32 v27, v35;
	v33 =	vld [tilespmem:s12+$0x1A0];
	_ =	sdelay $0x4  }
0x274: {  	[tilespmem:v57+s28+$0x0] =	vst.idx.msk $0xffff, v33  }
0x275: {  	v58 =	vadd.s32 v28, v35;
	v33 =	vld [tilespmem:s12+$0x1B0]  }
0x276: {  	v59 =	vmov s13  }
0x277: {  	v35 =	vshrl.u32 v59, $0x3  }
0x278: {  	v35 =	vshll.u32 v35, v1  }
0x279: {  	v35 =	vbroadcast v35, $0x0  }
0x27a: {  	[tilespmem:v58+s28+$0x0] =	vst.idx.msk $0xffff, v33  }
0x27b: {  	v60 =	vadd.s32 v29, v35;
	v33 =	vld [tilespmem:s12+$0x1C0];
	_ =	sdelay $0x4  }
0x27c: {  	[tilespmem:v60+s28+$0x0] =	vst.idx.msk $0xffff, v33  }
0x27d: {  	v61 =	vadd.s32 v30, v35;
	v33 =	vld [tilespmem:s12+$0x1D0];
	_ =	sdelay $0x4  }
0x27e: {  	[tilespmem:v61+s28+$0x0] =	vst.idx.msk $0xffff, v33  }
0x27f: {  	v62 =	vadd.s32 v31, v35;
	v33 =	vld [tilespmem:s12+$0x1E0];
	_ =	sdelay $0x4  }
0x280: {  	[tilespmem:v62+s28+$0x0] =	vst.idx.msk $0xffff, v33  }
0x281: {  	v63 =	vadd.s32 v32, v35;
	v33 =	vld [tilespmem:s12+$0x1F0];
	_ =	sdelay $0x1  }
0x282: {  	s16 =	sshll.u32 s8, $0x13  }
0x283: {  	s12 =	sor.u32 s4, s16  }
0x284: {  	s12 =	sshrl.u32 s12, $0x3  }
0x285: {  	s17 =	simm.s32 $0xE400;
	s13 =	sadd.s32 s1, s12;
	[tilespmem:v63+s28+$0x0] =	vst.idx.msk $0xffff, v33  }
0x286: {  	[hbm4b:s13+s3] =	stream.linear.scatter [tilespmem:s17], [sflag:$0x3], $0x80, $0x38;
	[tilespmem:$0x12800] =	vst v63  }
0x287: {  	s14 =	simm.s32 $0xE488;
	s15 =	sadd.s32 $0x10, s13  }
0x288: {  	[hbm4b:s15+s3] =	stream.linear.scatter [tilespmem:s14], [sflag:$0x3], $0x80, $0x38;
	[tilespmem:$0x12800] =	vst v63  }
0x289: {  	s16 =	simm.s32 $0xE510;
	s17 =	sadd.s32 $0x20, s13  }
0x28a: {  	[hbm4b:s17+s3] =	stream.linear.scatter [tilespmem:s16], [sflag:$0x3], $0x80, $0x38;
	[tilespmem:$0x12800] =	vst v63  }
0x28b: {  	s14 =	simm.s32 $0xE598;
	s15 =	sadd.s32 $0x30, s13  }
0x28c: {  	[hbm4b:s15+s3] =	stream.linear.scatter [tilespmem:s14], [sflag:$0x3], $0x80, $0x38;
	[tilespmem:$0x12800] =	vst v63  }
0x28d: {  	s16 =	simm.s32 $0xE620;
	s17 =	sadd.s32 $0x40, s13  }
0x28e: {  	[hbm4b:s17+s3] =	stream.linear.scatter [tilespmem:s16], [sflag:$0x3], $0x80, $0x38;
	[tilespmem:$0x12800] =	vst v63  }
0x28f: {  	s12 =	simm.s32 $0x440;
	s14 =	simm.s32 $0xE6A8;
	s15 =	sadd.s32 $0x50, s13  }
0x290: {  	[hbm4b:s15+s3] =	stream.linear.scatter [tilespmem:s14], [sflag:$0x3], $0x80, $0x38;
	[tilespmem:$0x12800] =	vst v63  }
0x291: {  	s16 =	simm.s32 $0xE730;
	s17 =	sadd.s32 $0x60, s13;
	s14 =	simm.s32 $0x2200  }
0x292: {  	[hbm4b:s17+s3] =	stream.linear.scatter [tilespmem:s16], [sflag:$0x3], $0x80, $0x38;
	[tilespmem:$0x12800] =	vst v63  }
0x293: {  	s15 =	simm.s32 $0xE7B8;
	s16 =	sadd.s32 $0x70, s13;
	s13 =	sadd.s32 $0x1000, s13  }
.LBB2_5:
0x294: {  	[hbm4b:s16+s3] =	stream.linear.scatter [tilespmem:s15], [sflag:$0x3], $0x80, $0x38;
	[tilespmem:$0x12800] =	vst v63  }
0x295: {  	s15 =	smov.u32 s12;
	s12 =	smov.u32 s14  }
0x296: {  	s17 =	sadd.s32 $0x1100, s14;
	s12 =	sshra.s32 s12, $0x2;
	s16 =	sadd.s32 $0xE400, s15  }
0x297: {  	[hbm4b:s13+s3] =	stream.linear.scatter [tilespmem:s16], [sflag:$0x3], $0x80, $0x38;
	[tilespmem:$0x12800] =	vst v63  }
0x298: {  	p0 =	sne.s32 s14, $0x7700;
	s14 =	sadd.s32 $0xE488, s15;
	s16 =	sadd.s32 $0x10, s13  }
0x299: {  	[hbm4b:s16+s3] =	stream.linear.scatter [tilespmem:s14], [sflag:$0x3], $0x80, $0x38;
	[tilespmem:$0x12800] =	vst v63  }
0x29a: {  	s14 =	sadd.s32 $0xE510, s15;
	s16 =	sadd.s32 $0x20, s13  }
0x29b: {  	[hbm4b:s16+s3] =	stream.linear.scatter [tilespmem:s14], [sflag:$0x3], $0x80, $0x38;
	[tilespmem:$0x12800] =	vst v63  }
0x29c: {  	s14 =	sadd.s32 $0xE598, s15;
	s16 =	sadd.s32 $0x30, s13  }
0x29d: {  	[hbm4b:s16+s3] =	stream.linear.scatter [tilespmem:s14], [sflag:$0x3], $0x80, $0x38;
	[tilespmem:$0x12800] =	vst v63  }
0x29e: {  	s14 =	sadd.s32 $0xE620, s15;
	s16 =	sadd.s32 $0x40, s13  }
0x29f: {  	[hbm4b:s16+s3] =	stream.linear.scatter [tilespmem:s14], [sflag:$0x3], $0x80, $0x38;
	[tilespmem:$0x12800] =	vst v63  }
.Ltmp1:
0x2a0: {  	s14 =	sadd.s32 $0xE6A8, s15;
	s16 =	sadd.s32 $0x50, s13;
	(pc) =	sbr.rel @p0 .LBB2_5-.Ltmp1, $4  }
0x2a1: {  	[hbm4b:s16+s3] =	stream.linear.scatter [tilespmem:s14], [sflag:$0x3], $0x80, $0x38;
	[tilespmem:$0x12800] =	vst v63  }
0x2a2: {  	s14 =	sadd.s32 $0xE730, s15;
	s16 =	sadd.s32 $0x60, s13;
	s15 =	sadd.s32 $0xE7B8, s15  }
0x2a3: {  	[hbm4b:s16+s3] =	stream.linear.scatter [tilespmem:s14], [sflag:$0x3], $0x80, $0x38;
	[tilespmem:$0x12800] =	vst v63  }
0x2a4: {  	s16 =	sadd.s32 $0x70, s13;
	s13 =	sadd.s32 $0x1000, s13;
	s14 =	smov.u32 s17  }
0x2a5: {  	[hbm4b:s16+s3] =	stream.linear.scatter [tilespmem:s15], [sflag:$0x3], $0x80, $0x38;
	[tilespmem:$0x12800] =	vst v63  }
0x2a6: {  	s14 =	sadd.s32 $0xE400, s12  }
0x2a7: {  	[hbm4b:s13+s3] =	stream.linear.scatter [tilespmem:s14], [sflag:$0x3], $0x80, $0x38;
	[tilespmem:$0x12800] =	vst v63  }
0x2a8: {  	s16 =	sadd.s32 $0xE488, s12;
	s17 =	sadd.s32 $0x10, s13  }
0x2a9: {  	[hbm4b:s17+s3] =	stream.linear.scatter [tilespmem:s16], [sflag:$0x3], $0x80, $0x38;
	[tilespmem:$0x12800] =	vst v63  }
0x2aa: {  	s16 =	sadd.s32 $0xE510, s12;
	s17 =	sadd.s32 $0x20, s13  }
0x2ab: {  	[hbm4b:s17+s3] =	stream.linear.scatter [tilespmem:s16], [sflag:$0x3], $0x80, $0x38;
	[tilespmem:$0x12800] =	vst v63  }
0x2ac: {  	s16 =	sadd.s32 $0xE598, s12;
	s17 =	sadd.s32 $0x30, s13  }
0x2ad: {  	[hbm4b:s17+s3] =	stream.linear.scatter [tilespmem:s16], [sflag:$0x3], $0x80, $0x38;
	[tilespmem:$0x12800] =	vst v63  }
0x2ae: {  	s16 =	sadd.s32 $0xE620, s12;
	s17 =	sadd.s32 $0x40, s13  }
0x2af: {  	[hbm4b:s17+s3] =	stream.linear.scatter [tilespmem:s16], [sflag:$0x3], $0x80, $0x38;
	[tilespmem:$0x12800] =	vst v63  }
0x2b0: {  	s16 =	sadd.s32 $0xE6A8, s12;
	s17 =	sadd.s32 $0x50, s13  }
0x2b1: {  	[hbm4b:s17+s3] =	stream.linear.scatter [tilespmem:s16], [sflag:$0x3], $0x80, $0x38;
	[tilespmem:$0x12800] =	vst v63  }
0x2b2: {  	s16 =	sadd.s32 $0xE730, s12;
	s17 =	sadd.s32 $0x60, s13  }
0x2b3: {  	[hbm4b:s17+s3] =	stream.linear.scatter [tilespmem:s16], [sflag:$0x3], $0x80, $0x38;
	[tilespmem:$0x12800] =	vst v63  }
0x2b4: {  	s16 =	sadd.s32 $0xE7B8, s12;
	s17 =	sadd.s32 $0x70, s13  }
0x2b5: {  	[hbm4b:s17+s3] =	stream.linear.scatter [tilespmem:s16], [sflag:$0x3], $0x80, $0x38;
	[tilespmem:$0x12800] =	vst v63  }
0x2b6: {  	p0 =	seq.s32 s8, $0x63;
	_ =	swait.ge [sflag:s29], $0x2000  }
0x2b7: {  	s12 =	sshll.u32 @!p0 s8, $0x8;
	[sflag:s29] =	ssyncset.done $0x0  }
0x2b8: {  	s12 =	sand.u32 @!p0 $0x3FFFFF00, s12;
	[sflag:s29] =	ssyncadd.s32 $0xFFFFE000  }
0x2b9: {  	v33 =	vld @!p0 [tilespmem:s12+$0x100];
	_ =	sdelay $0x6  }
0x2ba: {  	vm1 =	vmmov @!p0 $0xffff;
	s14 =	simm.s32 @!p0 $0x6400;
	s13 =	simm.s32 @!p0 $0x0  }
0x2bb: {  	[tilespmem:s14], [sflag:$0x1] =	stream.indirect_vreg.gather @!p0 [hbm4b:s5+s13], $0x40, v33, vm1, $0xb8;
	[tilespmem:$0x12800] =	vst v63  }
0x2bc: {  	v33 =	vld @!p0 [tilespmem:s12+$0x110];
	_ =	sdelay $0x6  }
0x2bd: {  	s14 =	simm.s32 @!p0 $0x6800  }
0x2be: {  	[tilespmem:s14], [sflag:$0x1] =	stream.indirect_vreg.gather @!p0 [hbm4b:s5+s13], $0x40, v33, vm1, $0xb8;
	[tilespmem:$0x12800] =	vst v63  }
0x2bf: {  	v33 =	vld @!p0 [tilespmem:s12+$0x120];
	_ =	sdelay $0x6  }
0x2c0: {  	s14 =	simm.s32 @!p0 $0x6C00  }
0x2c1: {  	[tilespmem:s14], [sflag:$0x1] =	stream.indirect_vreg.gather @!p0 [hbm4b:s5+s13], $0x40, v33, vm1, $0xb8;
	[tilespmem:$0x12800] =	vst v63  }
0x2c2: {  	v33 =	vld @!p0 [tilespmem:s12+$0x130];
	_ =	sdelay $0x6  }
0x2c3: {  	s14 =	simm.s32 @!p0 $0x7000  }
0x2c4: {  	[tilespmem:s14], [sflag:$0x1] =	stream.indirect_vreg.gather @!p0 [hbm4b:s5+s13], $0x40, v33, vm1, $0xb8;
	[tilespmem:$0x12800] =	vst v63  }
0x2c5: {  	v33 =	vld @!p0 [tilespmem:s12+$0x140];
	_ =	sdelay $0x6  }
0x2c6: {  	s14 =	simm.s32 @!p0 $0x7400  }
0x2c7: {  	[tilespmem:s14], [sflag:$0x1] =	stream.indirect_vreg.gather @!p0 [hbm4b:s5+s13], $0x40, v33, vm1, $0xb8;
	[tilespmem:$0x12800] =	vst v63  }
0x2c8: {  	v33 =	vld @!p0 [tilespmem:s12+$0x150];
	_ =	sdelay $0x6  }
0x2c9: {  	s14 =	simm.s32 @!p0 $0x7800  }
0x2ca: {  	[tilespmem:s14], [sflag:$0x1] =	stream.indirect_vreg.gather @!p0 [hbm4b:s5+s13], $0x40, v33, vm1, $0xb8;
	[tilespmem:$0x12800] =	vst v63  }
0x2cb: {  	v33 =	vld @!p0 [tilespmem:s12+$0x160];
	_ =	sdelay $0x6  }
0x2cc: {  	s14 =	simm.s32 @!p0 $0x7C00  }
0x2cd: {  	[tilespmem:s14], [sflag:$0x1] =	stream.indirect_vreg.gather @!p0 [hbm4b:s5+s13], $0x40, v33, vm1, $0xb8;
	[tilespmem:$0x12800] =	vst v63  }
0x2ce: {  	v33 =	vld @!p0 [tilespmem:s12+$0x170];
	_ =	sdelay $0x6  }
0x2cf: {  	p1 =	seq.s32 @!p0 s8, $0x0;
	s14 =	simm.s32 $0x0;
	s12 =	simm.s32 @!p0 $0x8000  }
0x2d0: {  	v43 =	vmov s14;
	[tilespmem:s12], [sflag:$0x1] =	stream.indirect_vreg.gather @!p0 [hbm4b:s5+s13], $0x40, v33, vm1, $0xb8;
	[tilespmem:$0x12800] =	vst v63  }
0x2d1: {  	p0 =	por p0, !p1;
	v33 =	vshrl.u32 v43, $0x3  }
0x2d2: {  	_ =	swait.ge @p0 [sflag:s0], $0x2000;
	v33 =	vshll.u32 v33, v1  }
0x2d3: {  	[sflag:s0] =	ssyncset.done @p0 $0x0;
	v33 =	vbroadcast v33, $0x0  }
0x2d4: {  	s12 =	simm.s32 $0x87F0;
	[sflag:s0] =	ssyncadd.s32 @p0 $0xFFFFE000  }
0x2d5: {  	v34 =	vld [tilespmem:s12+$0xFFFFFC10];
	v35 =	vadd.s32 v0, v33;
	_ =	sdelay $0x4  }
0x2d6: {  	[tilespmem:v35+s30+$0x0] =	vst.idx.msk $0xffff, v34  }
0x2d7: {  	v44 =	vadd.s32 v2, v33;
	v34 =	vld [tilespmem:s12+$0xFFFFFC20];
	_ =	sdelay $0x4  }
0x2d8: {  	[tilespmem:v44+s30+$0x0] =	vst.idx.msk $0xffff, v34  }
0x2d9: {  	v45 =	vadd.s32 v3, v33;
	v34 =	vld [tilespmem:s12+$0xFFFFFC30];
	_ =	sdelay $0x4  }
0x2da: {  	[tilespmem:v45+s30+$0x0] =	vst.idx.msk $0xffff, v34  }
0x2db: {  	s15 =	simm.s32 $0x1;
	v33 =	vadd.s32 v4, v33;
	v34 =	vld [tilespmem:s12+$0xFFFFFC40]  }
0x2dc: {  	v46 =	vmov s15  }
0x2dd: {  	v35 =	vshrl.u32 v46, $0x3  }
0x2de: {  	v35 =	vshll.u32 v35, v1  }
0x2df: {  	v35 =	vbroadcast v35, $0x0  }
0x2e0: {  	[tilespmem:v33+s30+$0x0] =	vst.idx.msk $0xffff, v34  }
0x2e1: {  	v47 =	vadd.s32 v5, v35;
	v33 =	vld [tilespmem:s12+$0xFFFFFC50];
	_ =	sdelay $0x4  }
0x2e2: {  	[tilespmem:v47+s30+$0x0] =	vst.idx.msk $0xffff, v33  }
0x2e3: {  	v48 =	vadd.s32 v6, v35;
	v33 =	vld [tilespmem:s12+$0xFFFFFC60];
	_ =	sdelay $0x4  }
0x2e4: {  	[tilespmem:v48+s30+$0x0] =	vst.idx.msk $0xffff, v33  }
0x2e5: {  	v49 =	vadd.s32 v7, v35;
	v33 =	vld [tilespmem:s12+$0xFFFFFC70];
	_ =	sdelay $0x4  }
0x2e6: {  	[tilespmem:v49+s30+$0x0] =	vst.idx.msk $0xffff, v33  }
0x2e7: {  	s16 =	simm.s32 $0x2;
	v50 =	vadd.s32 v8, v35;
	v33 =	vld [tilespmem:s12+$0xFFFFFC80]  }
0x2e8: {  	v51 =	vmov s16  }
0x2e9: {  	v35 =	vshrl.u32 v51, $0x3  }
0x2ea: {  	v35 =	vshll.u32 v35, v1  }
0x2eb: {  	v35 =	vbroadcast v35, $0x0  }
0x2ec: {  	[tilespmem:v50+s30+$0x0] =	vst.idx.msk $0xffff, v33  }
0x2ed: {  	v52 =	vadd.s32 v9, v35;
	v33 =	vld [tilespmem:s12+$0xFFFFFC90];
	_ =	sdelay $0x4  }
0x2ee: {  	[tilespmem:v52+s30+$0x0] =	vst.idx.msk $0xffff, v33  }
0x2ef: {  	v53 =	vadd.s32 v10, v35;
	v33 =	vld [tilespmem:s12+$0xFFFFFCA0];
	_ =	sdelay $0x4  }
0x2f0: {  	[tilespmem:v53+s30+$0x0] =	vst.idx.msk $0xffff, v33  }
0x2f1: {  	v54 =	vadd.s32 v11, v35;
	v33 =	vld [tilespmem:s12+$0xFFFFFCB0];
	_ =	sdelay $0x4  }
0x2f2: {  	[tilespmem:v54+s30+$0x0] =	vst.idx.msk $0xffff, v33  }
0x2f3: {  	s17 =	simm.s32 $0x3;
	v55 =	vadd.s32 v12, v35;
	v33 =	vld [tilespmem:s12+$0xFFFFFCC0]  }
0x2f4: {  	v56 =	vmov s17  }
0x2f5: {  	v35 =	vshrl.u32 v56, $0x3  }
0x2f6: {  	v35 =	vshll.u32 v35, v1  }
0x2f7: {  	v35 =	vbroadcast v35, $0x0  }
0x2f8: {  	[tilespmem:v55+s30+$0x0] =	vst.idx.msk $0xffff, v33  }
0x2f9: {  	v57 =	vadd.s32 v13, v35;
	v33 =	vld [tilespmem:s12+$0xFFFFFCD0];
	_ =	sdelay $0x4  }
0x2fa: {  	[tilespmem:v57+s30+$0x0] =	vst.idx.msk $0xffff, v33  }
0x2fb: {  	v58 =	vadd.s32 v14, v35;
	v33 =	vld [tilespmem:s12+$0xFFFFFCE0];
	_ =	sdelay $0x4  }
0x2fc: {  	[tilespmem:v58+s30+$0x0] =	vst.idx.msk $0xffff, v33  }
0x2fd: {  	v59 =	vadd.s32 v15, v35;
	v33 =	vld [tilespmem:s12+$0xFFFFFCF0];
	_ =	sdelay $0x4  }
0x2fe: {  	[tilespmem:v59+s30+$0x0] =	vst.idx.msk $0xffff, v33  }
0x2ff: {  	s14 =	simm.s32 $0x4;
	v60 =	vadd.s32 v16, v35;
	v33 =	vld [tilespmem:s12+$0xFFFFFD00]  }
0x300: {  	v61 =	vmov s14  }
0x301: {  	v35 =	vshrl.u32 v61, $0x3  }
0x302: {  	v35 =	vshll.u32 v35, v1  }
0x303: {  	v35 =	vbroadcast v35, $0x0  }
0x304: {  	[tilespmem:v60+s30+$0x0] =	vst.idx.msk $0xffff, v33  }
0x305: {  	v62 =	vadd.s32 v17, v35;
	v33 =	vld [tilespmem:s12+$0xFFFFFD10];
	_ =	sdelay $0x4  }
0x306: {  	[tilespmem:v62+s30+$0x0] =	vst.idx.msk $0xffff, v33  }
0x307: {  	v63 =	vadd.s32 v18, v35;
	v33 =	vld [tilespmem:s12+$0xFFFFFD20];
	_ =	sdelay $0x4  }
0x308: {  	[tilespmem:v63+s30+$0x0] =	vst.idx.msk $0xffff, v33  }
0x309: {  	v36 =	vadd.s32 v19, v35;
	v33 =	vld [tilespmem:s12+$0xFFFFFD30];
	_ =	sdelay $0x4  }
0x30a: {  	[tilespmem:v36+s30+$0x0] =	vst.idx.msk $0xffff, v33  }
0x30b: {  	s15 =	simm.s32 $0x5;
	v37 =	vadd.s32 v20, v35;
	v33 =	vld [tilespmem:s12+$0xFFFFFD40]  }
0x30c: {  	v38 =	vmov s15  }
0x30d: {  	v35 =	vshrl.u32 v38, $0x3  }
0x30e: {  	v35 =	vshll.u32 v35, v1  }
0x30f: {  	v35 =	vbroadcast v35, $0x0  }
0x310: {  	[tilespmem:v37+s30+$0x0] =	vst.idx.msk $0xffff, v33  }
0x311: {  	v39 =	vadd.s32 v21, v35;
	v33 =	vld [tilespmem:s12+$0xFFFFFD50];
	_ =	sdelay $0x4  }
0x312: {  	[tilespmem:v39+s30+$0x0] =	vst.idx.msk $0xffff, v33  }
0x313: {  	v40 =	vadd.s32 v22, v35;
	v33 =	vld [tilespmem:s12+$0xFFFFFD60];
	_ =	sdelay $0x4  }
0x314: {  	[tilespmem:v40+s30+$0x0] =	vst.idx.msk $0xffff, v33  }
0x315: {  	v41 =	vadd.s32 v23, v35;
	v33 =	vld [tilespmem:s12+$0xFFFFFD70];
	_ =	sdelay $0x4  }
0x316: {  	[tilespmem:v41+s30+$0x0] =	vst.idx.msk $0xffff, v33  }
0x317: {  	s16 =	simm.s32 $0x6;
	v42 =	vadd.s32 v24, v35;
	v33 =	vld [tilespmem:s12+$0xFFFFFD80]  }
0x318: {  	v43 =	vmov s16  }
0x319: {  	v35 =	vshrl.u32 v43, $0x3  }
0x31a: {  	v35 =	vshll.u32 v35, v1  }
0x31b: {  	v35 =	vbroadcast v35, $0x0  }
0x31c: {  	[tilespmem:v42+s30+$0x0] =	vst.idx.msk $0xffff, v33  }
0x31d: {  	v44 =	vadd.s32 v25, v35;
	v33 =	vld [tilespmem:s12+$0xFFFFFD90];
	_ =	sdelay $0x4  }
0x31e: {  	[tilespmem:v44+s30+$0x0] =	vst.idx.msk $0xffff, v33  }
0x31f: {  	v45 =	vadd.s32 v26, v35;
	v33 =	vld [tilespmem:s12+$0xFFFFFDA0];
	_ =	sdelay $0x4  }
0x320: {  	[tilespmem:v45+s30+$0x0] =	vst.idx.msk $0xffff, v33  }
0x321: {  	v46 =	vadd.s32 v27, v35;
	v33 =	vld [tilespmem:s12+$0xFFFFFDB0];
	_ =	sdelay $0x4  }
0x322: {  	[tilespmem:v46+s30+$0x0] =	vst.idx.msk $0xffff, v33  }
0x323: {  	s17 =	simm.s32 $0x7;
	v47 =	vadd.s32 v28, v35;
	v33 =	vld [tilespmem:s12+$0xFFFFFDC0]  }
0x324: {  	v48 =	vmov s17  }
0x325: {  	v35 =	vshrl.u32 v48, $0x3  }
0x326: {  	v35 =	vshll.u32 v35, v1  }
0x327: {  	v35 =	vbroadcast v35, $0x0  }
0x328: {  	[tilespmem:v47+s30+$0x0] =	vst.idx.msk $0xffff, v33  }
0x329: {  	v49 =	vadd.s32 v29, v35;
	v33 =	vld [tilespmem:s12+$0xFFFFFDD0];
	_ =	sdelay $0x4  }
0x32a: {  	[tilespmem:v49+s30+$0x0] =	vst.idx.msk $0xffff, v33  }
0x32b: {  	v50 =	vadd.s32 v30, v35;
	v33 =	vld [tilespmem:s12+$0xFFFFFDE0];
	_ =	sdelay $0x4  }
0x32c: {  	[tilespmem:v50+s30+$0x0] =	vst.idx.msk $0xffff, v33  }
0x32d: {  	v51 =	vadd.s32 v31, v35;
	v33 =	vld [tilespmem:s12+$0xFFFFFDF0];
	_ =	sdelay $0x4  }
0x32e: {  	[tilespmem:v51+s30+$0x0] =	vst.idx.msk $0xffff, v33  }
0x32f: {  	s14 =	simm.s32 $0x8;
	v52 =	vadd.s32 v32, v35;
	v33 =	vld [tilespmem:s12+$0xFFFFFE00]  }
0x330: {  	v53 =	vmov s14  }
0x331: {  	v35 =	vshrl.u32 v53, $0x3  }
0x332: {  	v35 =	vshll.u32 v35, v1  }
0x333: {  	v35 =	vbroadcast v35, $0x0  }
0x334: {  	[tilespmem:v52+s30+$0x0] =	vst.idx.msk $0xffff, v33  }
0x335: {  	v54 =	vadd.s32 v0, v35;
	v33 =	vld [tilespmem:s12+$0xFFFFFE10];
	_ =	sdelay $0x4  }
0x336: {  	[tilespmem:v54+s30+$0x0] =	vst.idx.msk $0xffff, v33  }
0x337: {  	v55 =	vadd.s32 v2, v35;
	v33 =	vld [tilespmem:s12+$0xFFFFFE20];
	_ =	sdelay $0x4  }
0x338: {  	[tilespmem:v55+s30+$0x0] =	vst.idx.msk $0xffff, v33  }
0x339: {  	v56 =	vadd.s32 v3, v35;
	v33 =	vld [tilespmem:s12+$0xFFFFFE30];
	_ =	sdelay $0x4  }
0x33a: {  	[tilespmem:v56+s30+$0x0] =	vst.idx.msk $0xffff, v33  }
0x33b: {  	s15 =	simm.s32 $0x9;
	v57 =	vadd.s32 v4, v35;
	v33 =	vld [tilespmem:s12+$0xFFFFFE40]  }
0x33c: {  	v58 =	vmov s15  }
0x33d: {  	v35 =	vshrl.u32 v58, $0x3  }
0x33e: {  	v35 =	vshll.u32 v35, v1  }
0x33f: {  	v35 =	vbroadcast v35, $0x0  }
0x340: {  	[tilespmem:v57+s30+$0x0] =	vst.idx.msk $0xffff, v33  }
0x341: {  	v59 =	vadd.s32 v5, v35;
	v33 =	vld [tilespmem:s12+$0xFFFFFE50];
	_ =	sdelay $0x4  }
0x342: {  	[tilespmem:v59+s30+$0x0] =	vst.idx.msk $0xffff, v33  }
0x343: {  	v60 =	vadd.s32 v6, v35;
	v33 =	vld [tilespmem:s12+$0xFFFFFE60];
	_ =	sdelay $0x4  }
0x344: {  	[tilespmem:v60+s30+$0x0] =	vst.idx.msk $0xffff, v33  }
0x345: {  	v61 =	vadd.s32 v7, v35;
	v33 =	vld [tilespmem:s12+$0xFFFFFE70];
	_ =	sdelay $0x4  }
0x346: {  	[tilespmem:v61+s30+$0x0] =	vst.idx.msk $0xffff, v33  }
0x347: {  	s16 =	simm.s32 $0xA;
	v62 =	vadd.s32 v8, v35;
	v33 =	vld [tilespmem:s12+$0xFFFFFE80]  }
0x348: {  	v63 =	vmov s16  }
0x349: {  	v35 =	vshrl.u32 v63, $0x3  }
0x34a: {  	v35 =	vshll.u32 v35, v1  }
0x34b: {  	v35 =	vbroadcast v35, $0x0  }
0x34c: {  	[tilespmem:v62+s30+$0x0] =	vst.idx.msk $0xffff, v33  }
0x34d: {  	v36 =	vadd.s32 v9, v35;
	v33 =	vld [tilespmem:s12+$0xFFFFFE90];
	_ =	sdelay $0x4  }
0x34e: {  	[tilespmem:v36+s30+$0x0] =	vst.idx.msk $0xffff, v33  }
0x34f: {  	v37 =	vadd.s32 v10, v35;
	v33 =	vld [tilespmem:s12+$0xFFFFFEA0];
	_ =	sdelay $0x4  }
0x350: {  	[tilespmem:v37+s30+$0x0] =	vst.idx.msk $0xffff, v33  }
0x351: {  	v38 =	vadd.s32 v11, v35;
	v33 =	vld [tilespmem:s12+$0xFFFFFEB0];
	_ =	sdelay $0x4  }
0x352: {  	[tilespmem:v38+s30+$0x0] =	vst.idx.msk $0xffff, v33  }
0x353: {  	s17 =	simm.s32 $0xB;
	v39 =	vadd.s32 v12, v35;
	v33 =	vld [tilespmem:s12+$0xFFFFFEC0]  }
0x354: {  	v40 =	vmov s17  }
0x355: {  	v35 =	vshrl.u32 v40, $0x3  }
0x356: {  	v35 =	vshll.u32 v35, v1  }
0x357: {  	v35 =	vbroadcast v35, $0x0  }
0x358: {  	[tilespmem:v39+s30+$0x0] =	vst.idx.msk $0xffff, v33  }
0x359: {  	v41 =	vadd.s32 v13, v35;
	v33 =	vld [tilespmem:s12+$0xFFFFFED0];
	_ =	sdelay $0x4  }
0x35a: {  	[tilespmem:v41+s30+$0x0] =	vst.idx.msk $0xffff, v33  }
0x35b: {  	v42 =	vadd.s32 v14, v35;
	v33 =	vld [tilespmem:s12+$0xFFFFFEE0];
	_ =	sdelay $0x4  }
0x35c: {  	[tilespmem:v42+s30+$0x0] =	vst.idx.msk $0xffff, v33  }
0x35d: {  	v43 =	vadd.s32 v15, v35;
	v33 =	vld [tilespmem:s12+$0xFFFFFEF0];
	_ =	sdelay $0x4  }
0x35e: {  	[tilespmem:v43+s30+$0x0] =	vst.idx.msk $0xffff, v33  }
0x35f: {  	s14 =	simm.s32 $0xC;
	v44 =	vadd.s32 v16, v35;
	v33 =	vld [tilespmem:s12+$0xFFFFFF00]  }
0x360: {  	v45 =	vmov s14  }
0x361: {  	v35 =	vshrl.u32 v45, $0x3  }
0x362: {  	v35 =	vshll.u32 v35, v1  }
0x363: {  	v35 =	vbroadcast v35, $0x0  }
0x364: {  	[tilespmem:v44+s30+$0x0] =	vst.idx.msk $0xffff, v33  }
0x365: {  	v46 =	vadd.s32 v17, v35;
	v33 =	vld [tilespmem:s12+$0xFFFFFF10];
	_ =	sdelay $0x4  }
0x366: {  	[tilespmem:v46+s30+$0x0] =	vst.idx.msk $0xffff, v33  }
0x367: {  	v47 =	vadd.s32 v18, v35;
	v33 =	vld [tilespmem:s12+$0xFFFFFF20];
	_ =	sdelay $0x4  }
0x368: {  	[tilespmem:v47+s30+$0x0] =	vst.idx.msk $0xffff, v33  }
0x369: {  	v48 =	vadd.s32 v19, v35;
	v33 =	vld [tilespmem:s12+$0xFFFFFF30];
	_ =	sdelay $0x4  }
0x36a: {  	[tilespmem:v48+s30+$0x0] =	vst.idx.msk $0xffff, v33  }
0x36b: {  	s15 =	simm.s32 $0xD;
	v49 =	vadd.s32 v20, v35;
	v33 =	vld [tilespmem:s12+$0xFFFFFF40]  }
0x36c: {  	v50 =	vmov s15  }
0x36d: {  	v35 =	vshrl.u32 v50, $0x3  }
0x36e: {  	v35 =	vshll.u32 v35, v1  }
0x36f: {  	v35 =	vbroadcast v35, $0x0  }
0x370: {  	[tilespmem:v49+s30+$0x0] =	vst.idx.msk $0xffff, v33  }
0x371: {  	v51 =	vadd.s32 v21, v35;
	v33 =	vld [tilespmem:s12+$0xFFFFFF50];
	_ =	sdelay $0x4  }
0x372: {  	[tilespmem:v51+s30+$0x0] =	vst.idx.msk $0xffff, v33  }
0x373: {  	v52 =	vadd.s32 v22, v35;
	v33 =	vld [tilespmem:s12+$0xFFFFFF60];
	_ =	sdelay $0x4  }
0x374: {  	[tilespmem:v52+s30+$0x0] =	vst.idx.msk $0xffff, v33  }
0x375: {  	v53 =	vadd.s32 v23, v35;
	v33 =	vld [tilespmem:s12+$0xFFFFFF70];
	_ =	sdelay $0x4  }
0x376: {  	[tilespmem:v53+s30+$0x0] =	vst.idx.msk $0xffff, v33  }
0x377: {  	s16 =	simm.s32 $0xE;
	v54 =	vadd.s32 v24, v35;
	v33 =	vld [tilespmem:s12+$0xFFFFFF80]  }
0x378: {  	v55 =	vmov s16  }
0x379: {  	v35 =	vshrl.u32 v55, $0x3  }
0x37a: {  	v35 =	vshll.u32 v35, v1  }
0x37b: {  	v35 =	vbroadcast v35, $0x0  }
0x37c: {  	[tilespmem:v54+s30+$0x0] =	vst.idx.msk $0xffff, v33  }
0x37d: {  	v56 =	vadd.s32 v25, v35;
	v33 =	vld [tilespmem:s12+$0xFFFFFF90];
	_ =	sdelay $0x4  }
0x37e: {  	[tilespmem:v56+s30+$0x0] =	vst.idx.msk $0xffff, v33  }
0x37f: {  	v57 =	vadd.s32 v26, v35;
	v33 =	vld [tilespmem:s12+$0xFFFFFFA0];
	_ =	sdelay $0x4  }
0x380: {  	[tilespmem:v57+s30+$0x0] =	vst.idx.msk $0xffff, v33  }
0x381: {  	v58 =	vadd.s32 v27, v35;
	v33 =	vld [tilespmem:s12+$0xFFFFFFB0];
	_ =	sdelay $0x4  }
0x382: {  	[tilespmem:v58+s30+$0x0] =	vst.idx.msk $0xffff, v33  }
0x383: {  	s17 =	simm.s32 $0xF;
	v59 =	vadd.s32 v28, v35;
	v33 =	vld [tilespmem:s12+$0xFFFFFFC0]  }
0x384: {  	v60 =	vmov s17  }
0x385: {  	v35 =	vshrl.u32 v60, $0x3  }
0x386: {  	v35 =	vshll.u32 v35, v1  }
0x387: {  	v35 =	vbroadcast v35, $0x0  }
0x388: {  	[tilespmem:v59+s30+$0x0] =	vst.idx.msk $0xffff, v33  }
0x389: {  	v61 =	vadd.s32 v29, v35;
	v33 =	vld [tilespmem:s12+$0xFFFFFFD0];
	_ =	sdelay $0x4  }
0x38a: {  	[tilespmem:v61+s30+$0x0] =	vst.idx.msk $0xffff, v33  }
0x38b: {  	v62 =	vadd.s32 v30, v35;
	v33 =	vld [tilespmem:s12+$0xFFFFFFE0];
	_ =	sdelay $0x4  }
0x38c: {  	[tilespmem:v62+s30+$0x0] =	vst.idx.msk $0xffff, v33  }
0x38d: {  	v63 =	vadd.s32 v31, v35;
	v33 =	vld [tilespmem:s12+$0xFFFFFFF0];
	_ =	sdelay $0x4  }
0x38e: {  	[tilespmem:v63+s30+$0x0] =	vst.idx.msk $0xffff, v33  }
0x38f: {  	s13 =	simm.s32 $0x1F;
	s14 =	simm.s32 $0x2F;
	s15 =	simm.s32 $0x10;
	v34 =	vadd.s32 v32, v35;
	v33 =	vld [tilespmem:s12+$0x0]  }
.LBB2_7:
0x390: {  	p0 =	sne.s32 s14, $0x7F;
	v35 =	vmov s15  }
0x391: {  	v35 =	vshrl.u32 v35, $0x3  }
0x392: {  	v35 =	vshll.u32 v35, v1  }
0x393: {  	v35 =	vbroadcast v35, $0x0  }
0x394: {  	s12 =	sadd.s32 $0x400, s12;
	[tilespmem:v34+s30+$0x0] =	vst.idx.msk $0xffff, v33  }
0x395: {  	v33 =	vld [tilespmem:s12+$0xFFFFFC10];
	v34 =	vadd.s32 v0, v35;
	_ =	sdelay $0x4  }
0x396: {  	[tilespmem:v34+s30+$0x0] =	vst.idx.msk $0xffff, v33  }
0x397: {  	v34 =	vadd.s32 v2, v35;
	v33 =	vld [tilespmem:s12+$0xFFFFFC20];
	_ =	sdelay $0x4  }
0x398: {  	[tilespmem:v34+s30+$0x0] =	vst.idx.msk $0xffff, v33  }
0x399: {  	v34 =	vadd.s32 v3, v35;
	v33 =	vld [tilespmem:s12+$0xFFFFFC30];
	_ =	sdelay $0x4  }
0x39a: {  	[tilespmem:v34+s30+$0x0] =	vst.idx.msk $0xffff, v33  }
0x39b: {  	s15 =	sadd.s32 $0xFFFFFFF2, s13;
	v34 =	vadd.s32 v4, v35;
	v33 =	vld [tilespmem:s12+$0xFFFFFC40]  }
0x39c: {  	v35 =	vmov s15  }
0x39d: {  	v35 =	vshrl.u32 v35, $0x3  }
0x39e: {  	v35 =	vshll.u32 v35, v1  }
0x39f: {  	v35 =	vbroadcast v35, $0x0  }
0x3a0: {  	[tilespmem:v34+s30+$0x0] =	vst.idx.msk $0xffff, v33  }
0x3a1: {  	v34 =	vadd.s32 v5, v35;
	v33 =	vld [tilespmem:s12+$0xFFFFFC50];
	_ =	sdelay $0x4  }
0x3a2: {  	[tilespmem:v34+s30+$0x0] =	vst.idx.msk $0xffff, v33  }
0x3a3: {  	v34 =	vadd.s32 v6, v35;
	v33 =	vld [tilespmem:s12+$0xFFFFFC60];
	_ =	sdelay $0x4  }
0x3a4: {  	[tilespmem:v34+s30+$0x0] =	vst.idx.msk $0xffff, v33  }
0x3a5: {  	v34 =	vadd.s32 v7, v35;
	v33 =	vld [tilespmem:s12+$0xFFFFFC70];
	_ =	sdelay $0x4  }
0x3a6: {  	[tilespmem:v34+s30+$0x0] =	vst.idx.msk $0xffff, v33  }
0x3a7: {  	s15 =	sadd.s32 $0xFFFFFFF3, s13;
	v34 =	vadd.s32 v8, v35;
	v33 =	vld [tilespmem:s12+$0xFFFFFC80]  }
0x3a8: {  	v35 =	vmov s15  }
0x3a9: {  	v35 =	vshrl.u32 v35, $0x3  }
0x3aa: {  	v35 =	vshll.u32 v35, v1  }
0x3ab: {  	v35 =	vbroadcast v35, $0x0  }
0x3ac: {  	[tilespmem:v34+s30+$0x0] =	vst.idx.msk $0xffff, v33  }
0x3ad: {  	v34 =	vadd.s32 v9, v35;
	v33 =	vld [tilespmem:s12+$0xFFFFFC90];
	_ =	sdelay $0x4  }
0x3ae: {  	[tilespmem:v34+s30+$0x0] =	vst.idx.msk $0xffff, v33  }
0x3af: {  	v34 =	vadd.s32 v10, v35;
	v33 =	vld [tilespmem:s12+$0xFFFFFCA0];
	_ =	sdelay $0x4  }
0x3b0: {  	[tilespmem:v34+s30+$0x0] =	vst.idx.msk $0xffff, v33  }
0x3b1: {  	v34 =	vadd.s32 v11, v35;
	v33 =	vld [tilespmem:s12+$0xFFFFFCB0];
	_ =	sdelay $0x4  }
0x3b2: {  	[tilespmem:v34+s30+$0x0] =	vst.idx.msk $0xffff, v33  }
0x3b3: {  	s15 =	sadd.s32 $0xFFFFFFF4, s13;
	v34 =	vadd.s32 v12, v35;
	v33 =	vld [tilespmem:s12+$0xFFFFFCC0]  }
0x3b4: {  	v35 =	vmov s15  }
0x3b5: {  	v35 =	vshrl.u32 v35, $0x3  }
0x3b6: {  	v35 =	vshll.u32 v35, v1  }
0x3b7: {  	v35 =	vbroadcast v35, $0x0  }
0x3b8: {  	[tilespmem:v34+s30+$0x0] =	vst.idx.msk $0xffff, v33  }
0x3b9: {  	v34 =	vadd.s32 v13, v35;
	v33 =	vld [tilespmem:s12+$0xFFFFFCD0];
	_ =	sdelay $0x4  }
0x3ba: {  	[tilespmem:v34+s30+$0x0] =	vst.idx.msk $0xffff, v33  }
0x3bb: {  	v34 =	vadd.s32 v14, v35;
	v33 =	vld [tilespmem:s12+$0xFFFFFCE0];
	_ =	sdelay $0x4  }
0x3bc: {  	[tilespmem:v34+s30+$0x0] =	vst.idx.msk $0xffff, v33  }
0x3bd: {  	v34 =	vadd.s32 v15, v35;
	v33 =	vld [tilespmem:s12+$0xFFFFFCF0];
	_ =	sdelay $0x4  }
0x3be: {  	[tilespmem:v34+s30+$0x0] =	vst.idx.msk $0xffff, v33  }
0x3bf: {  	s15 =	sadd.s32 $0xFFFFFFF5, s13;
	v34 =	vadd.s32 v16, v35;
	v33 =	vld [tilespmem:s12+$0xFFFFFD00]  }
0x3c0: {  	v35 =	vmov s15  }
0x3c1: {  	v35 =	vshrl.u32 v35, $0x3  }
0x3c2: {  	v35 =	vshll.u32 v35, v1  }
0x3c3: {  	v35 =	vbroadcast v35, $0x0  }
0x3c4: {  	[tilespmem:v34+s30+$0x0] =	vst.idx.msk $0xffff, v33  }
0x3c5: {  	v34 =	vadd.s32 v17, v35;
	v33 =	vld [tilespmem:s12+$0xFFFFFD10];
	_ =	sdelay $0x4  }
0x3c6: {  	[tilespmem:v34+s30+$0x0] =	vst.idx.msk $0xffff, v33  }
0x3c7: {  	v34 =	vadd.s32 v18, v35;
	v33 =	vld [tilespmem:s12+$0xFFFFFD20];
	_ =	sdelay $0x4  }
0x3c8: {  	[tilespmem:v34+s30+$0x0] =	vst.idx.msk $0xffff, v33  }
0x3c9: {  	v34 =	vadd.s32 v19, v35;
	v33 =	vld [tilespmem:s12+$0xFFFFFD30];
	_ =	sdelay $0x4  }
0x3ca: {  	[tilespmem:v34+s30+$0x0] =	vst.idx.msk $0xffff, v33  }
0x3cb: {  	s15 =	sadd.s32 $0xFFFFFFF6, s13;
	v34 =	vadd.s32 v20, v35;
	v33 =	vld [tilespmem:s12+$0xFFFFFD40]  }
0x3cc: {  	v35 =	vmov s15  }
0x3cd: {  	v35 =	vshrl.u32 v35, $0x3  }
0x3ce: {  	v35 =	vshll.u32 v35, v1  }
0x3cf: {  	v35 =	vbroadcast v35, $0x0  }
0x3d0: {  	[tilespmem:v34+s30+$0x0] =	vst.idx.msk $0xffff, v33  }
0x3d1: {  	v34 =	vadd.s32 v21, v35;
	v33 =	vld [tilespmem:s12+$0xFFFFFD50];
	_ =	sdelay $0x4  }
0x3d2: {  	[tilespmem:v34+s30+$0x0] =	vst.idx.msk $0xffff, v33  }
0x3d3: {  	v34 =	vadd.s32 v22, v35;
	v33 =	vld [tilespmem:s12+$0xFFFFFD60];
	_ =	sdelay $0x4  }
0x3d4: {  	[tilespmem:v34+s30+$0x0] =	vst.idx.msk $0xffff, v33  }
0x3d5: {  	v34 =	vadd.s32 v23, v35;
	v33 =	vld [tilespmem:s12+$0xFFFFFD70];
	_ =	sdelay $0x4  }
0x3d6: {  	[tilespmem:v34+s30+$0x0] =	vst.idx.msk $0xffff, v33  }
0x3d7: {  	s15 =	sadd.s32 $0xFFFFFFF7, s13;
	v34 =	vadd.s32 v24, v35;
	v33 =	vld [tilespmem:s12+$0xFFFFFD80]  }
0x3d8: {  	v35 =	vmov s15  }
0x3d9: {  	v35 =	vshrl.u32 v35, $0x3  }
0x3da: {  	v35 =	vshll.u32 v35, v1  }
0x3db: {  	v35 =	vbroadcast v35, $0x0  }
0x3dc: {  	[tilespmem:v34+s30+$0x0] =	vst.idx.msk $0xffff, v33  }
0x3dd: {  	v34 =	vadd.s32 v25, v35;
	v33 =	vld [tilespmem:s12+$0xFFFFFD90];
	_ =	sdelay $0x4  }
0x3de: {  	[tilespmem:v34+s30+$0x0] =	vst.idx.msk $0xffff, v33  }
0x3df: {  	v34 =	vadd.s32 v26, v35;
	v33 =	vld [tilespmem:s12+$0xFFFFFDA0];
	_ =	sdelay $0x4  }
0x3e0: {  	[tilespmem:v34+s30+$0x0] =	vst.idx.msk $0xffff, v33  }
0x3e1: {  	v34 =	vadd.s32 v27, v35;
	v33 =	vld [tilespmem:s12+$0xFFFFFDB0];
	_ =	sdelay $0x4  }
0x3e2: {  	[tilespmem:v34+s30+$0x0] =	vst.idx.msk $0xffff, v33  }
0x3e3: {  	s15 =	sadd.s32 $0xFFFFFFF8, s13;
	v34 =	vadd.s32 v28, v35;
	v33 =	vld [tilespmem:s12+$0xFFFFFDC0]  }
0x3e4: {  	v35 =	vmov s15  }
0x3e5: {  	v35 =	vshrl.u32 v35, $0x3  }
0x3e6: {  	v35 =	vshll.u32 v35, v1  }
0x3e7: {  	v35 =	vbroadcast v35, $0x0  }
0x3e8: {  	[tilespmem:v34+s30+$0x0] =	vst.idx.msk $0xffff, v33  }
0x3e9: {  	v34 =	vadd.s32 v29, v35;
	v33 =	vld [tilespmem:s12+$0xFFFFFDD0];
	_ =	sdelay $0x4  }
0x3ea: {  	[tilespmem:v34+s30+$0x0] =	vst.idx.msk $0xffff, v33  }
0x3eb: {  	v34 =	vadd.s32 v30, v35;
	v33 =	vld [tilespmem:s12+$0xFFFFFDE0];
	_ =	sdelay $0x4  }
0x3ec: {  	[tilespmem:v34+s30+$0x0] =	vst.idx.msk $0xffff, v33  }
0x3ed: {  	v34 =	vadd.s32 v31, v35;
	v33 =	vld [tilespmem:s12+$0xFFFFFDF0];
	_ =	sdelay $0x4  }
0x3ee: {  	[tilespmem:v34+s30+$0x0] =	vst.idx.msk $0xffff, v33  }
0x3ef: {  	s15 =	sadd.s32 $0xFFFFFFF9, s13;
	v34 =	vadd.s32 v32, v35;
	v33 =	vld [tilespmem:s12+$0xFFFFFE00]  }
0x3f0: {  	v35 =	vmov s15  }
0x3f1: {  	v35 =	vshrl.u32 v35, $0x3  }
0x3f2: {  	v35 =	vshll.u32 v35, v1  }
0x3f3: {  	v35 =	vbroadcast v35, $0x0  }
0x3f4: {  	[tilespmem:v34+s30+$0x0] =	vst.idx.msk $0xffff, v33  }
0x3f5: {  	v34 =	vadd.s32 v0, v35;
	v33 =	vld [tilespmem:s12+$0xFFFFFE10];
	_ =	sdelay $0x4  }
0x3f6: {  	[tilespmem:v34+s30+$0x0] =	vst.idx.msk $0xffff, v33  }
0x3f7: {  	v34 =	vadd.s32 v2, v35;
	v33 =	vld [tilespmem:s12+$0xFFFFFE20];
	_ =	sdelay $0x4  }
0x3f8: {  	[tilespmem:v34+s30+$0x0] =	vst.idx.msk $0xffff, v33  }
0x3f9: {  	v34 =	vadd.s32 v3, v35;
	v33 =	vld [tilespmem:s12+$0xFFFFFE30];
	_ =	sdelay $0x4  }
0x3fa: {  	[tilespmem:v34+s30+$0x0] =	vst.idx.msk $0xffff, v33  }
0x3fb: {  	s15 =	sadd.s32 $0xFFFFFFFA, s13;
	v34 =	vadd.s32 v4, v35;
	v33 =	vld [tilespmem:s12+$0xFFFFFE40]  }
0x3fc: {  	v35 =	vmov s15  }
0x3fd: {  	v35 =	vshrl.u32 v35, $0x3  }
0x3fe: {  	v35 =	vshll.u32 v35, v1  }
0x3ff: {  	v35 =	vbroadcast v35, $0x0  }
0x400: {  	[tilespmem:v34+s30+$0x0] =	vst.idx.msk $0xffff, v33  }
0x401: {  	v34 =	vadd.s32 v5, v35;
	v33 =	vld [tilespmem:s12+$0xFFFFFE50];
	_ =	sdelay $0x4  }
0x402: {  	[tilespmem:v34+s30+$0x0] =	vst.idx.msk $0xffff, v33  }
0x403: {  	v34 =	vadd.s32 v6, v35;
	v33 =	vld [tilespmem:s12+$0xFFFFFE60];
	_ =	sdelay $0x4  }
0x404: {  	[tilespmem:v34+s30+$0x0] =	vst.idx.msk $0xffff, v33  }
0x405: {  	v34 =	vadd.s32 v7, v35;
	v33 =	vld [tilespmem:s12+$0xFFFFFE70];
	_ =	sdelay $0x4  }
0x406: {  	[tilespmem:v34+s30+$0x0] =	vst.idx.msk $0xffff, v33  }
0x407: {  	s15 =	sadd.s32 $0xFFFFFFFB, s13;
	v34 =	vadd.s32 v8, v35;
	v33 =	vld [tilespmem:s12+$0xFFFFFE80]  }
0x408: {  	v35 =	vmov s15  }
0x409: {  	v35 =	vshrl.u32 v35, $0x3  }
0x40a: {  	v35 =	vshll.u32 v35, v1  }
0x40b: {  	v35 =	vbroadcast v35, $0x0  }
0x40c: {  	[tilespmem:v34+s30+$0x0] =	vst.idx.msk $0xffff, v33  }
0x40d: {  	v34 =	vadd.s32 v9, v35;
	v33 =	vld [tilespmem:s12+$0xFFFFFE90];
	_ =	sdelay $0x4  }
0x40e: {  	[tilespmem:v34+s30+$0x0] =	vst.idx.msk $0xffff, v33  }
0x40f: {  	v34 =	vadd.s32 v10, v35;
	v33 =	vld [tilespmem:s12+$0xFFFFFEA0];
	_ =	sdelay $0x4  }
0x410: {  	[tilespmem:v34+s30+$0x0] =	vst.idx.msk $0xffff, v33  }
0x411: {  	v34 =	vadd.s32 v11, v35;
	v33 =	vld [tilespmem:s12+$0xFFFFFEB0];
	_ =	sdelay $0x4  }
0x412: {  	[tilespmem:v34+s30+$0x0] =	vst.idx.msk $0xffff, v33  }
0x413: {  	s15 =	sadd.s32 $0xFFFFFFFC, s13;
	v34 =	vadd.s32 v12, v35;
	v33 =	vld [tilespmem:s12+$0xFFFFFEC0]  }
0x414: {  	v35 =	vmov s15  }
0x415: {  	v35 =	vshrl.u32 v35, $0x3  }
0x416: {  	v35 =	vshll.u32 v35, v1  }
0x417: {  	v35 =	vbroadcast v35, $0x0  }
0x418: {  	[tilespmem:v34+s30+$0x0] =	vst.idx.msk $0xffff, v33  }
0x419: {  	v34 =	vadd.s32 v13, v35;
	v33 =	vld [tilespmem:s12+$0xFFFFFED0];
	_ =	sdelay $0x4  }
0x41a: {  	[tilespmem:v34+s30+$0x0] =	vst.idx.msk $0xffff, v33  }
0x41b: {  	v34 =	vadd.s32 v14, v35;
	v33 =	vld [tilespmem:s12+$0xFFFFFEE0];
	_ =	sdelay $0x4  }
0x41c: {  	[tilespmem:v34+s30+$0x0] =	vst.idx.msk $0xffff, v33  }
0x41d: {  	v34 =	vadd.s32 v15, v35;
	v33 =	vld [tilespmem:s12+$0xFFFFFEF0];
	_ =	sdelay $0x4  }
0x41e: {  	[tilespmem:v34+s30+$0x0] =	vst.idx.msk $0xffff, v33  }
0x41f: {  	s15 =	sadd.s32 $0xFFFFFFFD, s13;
	v34 =	vadd.s32 v16, v35;
	v33 =	vld [tilespmem:s12+$0xFFFFFF00]  }
0x420: {  	v35 =	vmov s15  }
0x421: {  	v35 =	vshrl.u32 v35, $0x3  }
0x422: {  	v35 =	vshll.u32 v35, v1  }
0x423: {  	v35 =	vbroadcast v35, $0x0  }
0x424: {  	[tilespmem:v34+s30+$0x0] =	vst.idx.msk $0xffff, v33  }
0x425: {  	v34 =	vadd.s32 v17, v35;
	v33 =	vld [tilespmem:s12+$0xFFFFFF10];
	_ =	sdelay $0x4  }
0x426: {  	[tilespmem:v34+s30+$0x0] =	vst.idx.msk $0xffff, v33  }
0x427: {  	v34 =	vadd.s32 v18, v35;
	v33 =	vld [tilespmem:s12+$0xFFFFFF20];
	_ =	sdelay $0x4  }
0x428: {  	[tilespmem:v34+s30+$0x0] =	vst.idx.msk $0xffff, v33  }
0x429: {  	v34 =	vadd.s32 v19, v35;
	v33 =	vld [tilespmem:s12+$0xFFFFFF30];
	_ =	sdelay $0x4  }
0x42a: {  	[tilespmem:v34+s30+$0x0] =	vst.idx.msk $0xffff, v33  }
0x42b: {  	s15 =	sadd.s32 $0xFFFFFFFE, s13;
	v34 =	vadd.s32 v20, v35;
	v33 =	vld [tilespmem:s12+$0xFFFFFF40]  }
0x42c: {  	v35 =	vmov s15  }
0x42d: {  	v35 =	vshrl.u32 v35, $0x3  }
0x42e: {  	v35 =	vshll.u32 v35, v1  }
0x42f: {  	v35 =	vbroadcast v35, $0x0  }
0x430: {  	[tilespmem:v34+s30+$0x0] =	vst.idx.msk $0xffff, v33  }
0x431: {  	v34 =	vadd.s32 v21, v35;
	v33 =	vld [tilespmem:s12+$0xFFFFFF50];
	_ =	sdelay $0x4  }
0x432: {  	[tilespmem:v34+s30+$0x0] =	vst.idx.msk $0xffff, v33  }
0x433: {  	v34 =	vadd.s32 v22, v35;
	v33 =	vld [tilespmem:s12+$0xFFFFFF60];
	_ =	sdelay $0x4  }
0x434: {  	[tilespmem:v34+s30+$0x0] =	vst.idx.msk $0xffff, v33  }
0x435: {  	v34 =	vadd.s32 v23, v35;
	v33 =	vld [tilespmem:s12+$0xFFFFFF70];
	_ =	sdelay $0x4  }
0x436: {  	[tilespmem:v34+s30+$0x0] =	vst.idx.msk $0xffff, v33  }
0x437: {  	s15 =	sadd.s32 $0xFFFFFFFF, s13;
	v34 =	vadd.s32 v24, v35;
	v33 =	vld [tilespmem:s12+$0xFFFFFF80]  }
0x438: {  	v35 =	vmov s15  }
0x439: {  	v35 =	vshrl.u32 v35, $0x3  }
0x43a: {  	v35 =	vshll.u32 v35, v1  }
0x43b: {  	v35 =	vbroadcast v35, $0x0  }
0x43c: {  	[tilespmem:v34+s30+$0x0] =	vst.idx.msk $0xffff, v33  }
0x43d: {  	v34 =	vadd.s32 v25, v35;
	v33 =	vld [tilespmem:s12+$0xFFFFFF90];
	_ =	sdelay $0x4  }
0x43e: {  	[tilespmem:v34+s30+$0x0] =	vst.idx.msk $0xffff, v33  }
0x43f: {  	v34 =	vadd.s32 v26, v35;
	v33 =	vld [tilespmem:s12+$0xFFFFFFA0];
	_ =	sdelay $0x4  }
0x440: {  	[tilespmem:v34+s30+$0x0] =	vst.idx.msk $0xffff, v33  }
0x441: {  	v34 =	vadd.s32 v27, v35;
	v33 =	vld [tilespmem:s12+$0xFFFFFFB0];
	_ =	sdelay $0x4  }
0x442: {  	[tilespmem:v34+s30+$0x0] =	vst.idx.msk $0xffff, v33  }
0x443: {  	v34 =	vadd.s32 v28, v35;
	v33 =	vld [tilespmem:s12+$0xFFFFFFC0]  }
0x444: {  	v35 =	vmov s13;
	s13 =	smov.u32 s14  }
0x445: {  	v35 =	vshrl.u32 v35, $0x3  }
0x446: {  	v35 =	vshll.u32 v35, v1  }
0x447: {  	v35 =	vbroadcast v35, $0x0  }
0x448: {  	[tilespmem:v34+s30+$0x0] =	vst.idx.msk $0xffff, v33  }
0x449: {  	v34 =	vadd.s32 v29, v35;
	v33 =	vld [tilespmem:s12+$0xFFFFFFD0];
	_ =	sdelay $0x4  }
0x44a: {  	[tilespmem:v34+s30+$0x0] =	vst.idx.msk $0xffff, v33  }
0x44b: {  	v34 =	vadd.s32 v30, v35;
	v33 =	vld [tilespmem:s12+$0xFFFFFFE0];
	_ =	sdelay $0x4  }
0x44c: {  	[tilespmem:v34+s30+$0x0] =	vst.idx.msk $0xffff, v33  }
0x44d: {  	v34 =	vadd.s32 v31, v35;
	v33 =	vld [tilespmem:s12+$0xFFFFFFF0];
	_ =	sdelay $0x1  }
.Ltmp2:
0x44e: {  	(pc) =	sbr.rel @p0 .LBB2_7-.Ltmp2, $3  }
0x44f: {  	_ =	sdelay $0x1  }
0x450: {  	[tilespmem:v34+s30+$0x0] =	vst.idx.msk $0xffff, v33  }
0x451: {  	s14 =	sadd.s32 $0x10, s14;
	s15 =	sadd.s32 $0xFFFFFFF1, s13;
	v34 =	vadd.s32 v32, v35;
	v33 =	vld [tilespmem:s12+$0x0]  }
0x452: {  	v35 =	vmov s15  }
0x453: {  	v35 =	vshrl.u32 v35, $0x3  }
0x454: {  	v35 =	vshll.u32 v35, v1  }
0x455: {  	v35 =	vbroadcast v35, $0x0  }
0x456: {  	s12 =	sadd.s32 $0x400, s12;
	[tilespmem:v34+s30+$0x0] =	vst.idx.msk $0xffff, v33  }
0x457: {  	v33 =	vld [tilespmem:s12+$0xFFFFFC10];
	v41 =	vadd.s32 v0, v35;
	_ =	sdelay $0x4  }
0x458: {  	[tilespmem:v41+s30+$0x0] =	vst.idx.msk $0xffff, v33  }
0x459: {  	v42 =	vadd.s32 v2, v35;
	v33 =	vld [tilespmem:s12+$0xFFFFFC20];
	_ =	sdelay $0x4  }
0x45a: {  	[tilespmem:v42+s30+$0x0] =	vst.idx.msk $0xffff, v33  }
0x45b: {  	v43 =	vadd.s32 v3, v35;
	v33 =	vld [tilespmem:s12+$0xFFFFFC30];
	_ =	sdelay $0x4  }
0x45c: {  	[tilespmem:v43+s30+$0x0] =	vst.idx.msk $0xffff, v33  }
0x45d: {  	s14 =	sadd.s32 $0xFFFFFFF2, s13;
	v44 =	vadd.s32 v4, v35;
	v33 =	vld [tilespmem:s12+$0xFFFFFC40]  }
0x45e: {  	v45 =	vmov s14  }
0x45f: {  	v35 =	vshrl.u32 v45, $0x3  }
0x460: {  	v35 =	vshll.u32 v35, v1  }
0x461: {  	v35 =	vbroadcast v35, $0x0  }
0x462: {  	[tilespmem:v44+s30+$0x0] =	vst.idx.msk $0xffff, v33  }
0x463: {  	v46 =	vadd.s32 v5, v35;
	v33 =	vld [tilespmem:s12+$0xFFFFFC50];
	_ =	sdelay $0x4  }
0x464: {  	[tilespmem:v46+s30+$0x0] =	vst.idx.msk $0xffff, v33  }
0x465: {  	v47 =	vadd.s32 v6, v35;
	v33 =	vld [tilespmem:s12+$0xFFFFFC60];
	_ =	sdelay $0x4  }
0x466: {  	[tilespmem:v47+s30+$0x0] =	vst.idx.msk $0xffff, v33  }
0x467: {  	v48 =	vadd.s32 v7, v35;
	v33 =	vld [tilespmem:s12+$0xFFFFFC70];
	_ =	sdelay $0x4  }
0x468: {  	[tilespmem:v48+s30+$0x0] =	vst.idx.msk $0xffff, v33  }
0x469: {  	s17 =	sadd.s32 $0xFFFFFFF3, s13;
	v49 =	vadd.s32 v8, v35;
	v33 =	vld [tilespmem:s12+$0xFFFFFC80]  }
0x46a: {  	v50 =	vmov s17  }
0x46b: {  	v35 =	vshrl.u32 v50, $0x3  }
0x46c: {  	v35 =	vshll.u32 v35, v1  }
0x46d: {  	v35 =	vbroadcast v35, $0x0  }
0x46e: {  	[tilespmem:v49+s30+$0x0] =	vst.idx.msk $0xffff, v33  }
0x46f: {  	v51 =	vadd.s32 v9, v35;
	v33 =	vld [tilespmem:s12+$0xFFFFFC90];
	_ =	sdelay $0x4  }
0x470: {  	[tilespmem:v51+s30+$0x0] =	vst.idx.msk $0xffff, v33  }
0x471: {  	v52 =	vadd.s32 v10, v35;
	v33 =	vld [tilespmem:s12+$0xFFFFFCA0];
	_ =	sdelay $0x4  }
0x472: {  	[tilespmem:v52+s30+$0x0] =	vst.idx.msk $0xffff, v33  }
0x473: {  	v53 =	vadd.s32 v11, v35;
	v33 =	vld [tilespmem:s12+$0xFFFFFCB0];
	_ =	sdelay $0x4  }
0x474: {  	[tilespmem:v53+s30+$0x0] =	vst.idx.msk $0xffff, v33  }
0x475: {  	s15 =	sadd.s32 $0xFFFFFFF4, s13;
	v54 =	vadd.s32 v12, v35;
	v33 =	vld [tilespmem:s12+$0xFFFFFCC0]  }
0x476: {  	v55 =	vmov s15  }
0x477: {  	v35 =	vshrl.u32 v55, $0x3  }
0x478: {  	v35 =	vshll.u32 v35, v1  }
0x479: {  	v35 =	vbroadcast v35, $0x0  }
0x47a: {  	[tilespmem:v54+s30+$0x0] =	vst.idx.msk $0xffff, v33  }
0x47b: {  	v56 =	vadd.s32 v13, v35;
	v33 =	vld [tilespmem:s12+$0xFFFFFCD0];
	_ =	sdelay $0x4  }
0x47c: {  	[tilespmem:v56+s30+$0x0] =	vst.idx.msk $0xffff, v33  }
0x47d: {  	v57 =	vadd.s32 v14, v35;
	v33 =	vld [tilespmem:s12+$0xFFFFFCE0];
	_ =	sdelay $0x4  }
0x47e: {  	[tilespmem:v57+s30+$0x0] =	vst.idx.msk $0xffff, v33  }
0x47f: {  	v58 =	vadd.s32 v15, v35;
	v33 =	vld [tilespmem:s12+$0xFFFFFCF0];
	_ =	sdelay $0x4  }
0x480: {  	[tilespmem:v58+s30+$0x0] =	vst.idx.msk $0xffff, v33  }
0x481: {  	s16 =	sadd.s32 $0xFFFFFFF5, s13;
	v59 =	vadd.s32 v16, v35;
	v33 =	vld [tilespmem:s12+$0xFFFFFD00]  }
0x482: {  	v60 =	vmov s16  }
0x483: {  	v35 =	vshrl.u32 v60, $0x3  }
0x484: {  	v35 =	vshll.u32 v35, v1  }
0x485: {  	v35 =	vbroadcast v35, $0x0  }
0x486: {  	[tilespmem:v59+s30+$0x0] =	vst.idx.msk $0xffff, v33  }
0x487: {  	v61 =	vadd.s32 v17, v35;
	v33 =	vld [tilespmem:s12+$0xFFFFFD10];
	_ =	sdelay $0x4  }
0x488: {  	[tilespmem:v61+s30+$0x0] =	vst.idx.msk $0xffff, v33  }
0x489: {  	v62 =	vadd.s32 v18, v35;
	v33 =	vld [tilespmem:s12+$0xFFFFFD20];
	_ =	sdelay $0x4  }
0x48a: {  	[tilespmem:v62+s30+$0x0] =	vst.idx.msk $0xffff, v33  }
0x48b: {  	v63 =	vadd.s32 v19, v35;
	v33 =	vld [tilespmem:s12+$0xFFFFFD30];
	_ =	sdelay $0x4  }
0x48c: {  	[tilespmem:v63+s30+$0x0] =	vst.idx.msk $0xffff, v33  }
0x48d: {  	s17 =	sadd.s32 $0xFFFFFFF6, s13;
	v36 =	vadd.s32 v20, v35;
	v33 =	vld [tilespmem:s12+$0xFFFFFD40]  }
0x48e: {  	v37 =	vmov s17  }
0x48f: {  	v35 =	vshrl.u32 v37, $0x3  }
0x490: {  	v35 =	vshll.u32 v35, v1  }
0x491: {  	v35 =	vbroadcast v35, $0x0  }
0x492: {  	[tilespmem:v36+s30+$0x0] =	vst.idx.msk $0xffff, v33  }
0x493: {  	v38 =	vadd.s32 v21, v35;
	v33 =	vld [tilespmem:s12+$0xFFFFFD50];
	_ =	sdelay $0x4  }
0x494: {  	[tilespmem:v38+s30+$0x0] =	vst.idx.msk $0xffff, v33  }
0x495: {  	v39 =	vadd.s32 v22, v35;
	v33 =	vld [tilespmem:s12+$0xFFFFFD60];
	_ =	sdelay $0x4  }
0x496: {  	[tilespmem:v39+s30+$0x0] =	vst.idx.msk $0xffff, v33  }
0x497: {  	v40 =	vadd.s32 v23, v35;
	v33 =	vld [tilespmem:s12+$0xFFFFFD70];
	_ =	sdelay $0x4  }
0x498: {  	[tilespmem:v40+s30+$0x0] =	vst.idx.msk $0xffff, v33  }
0x499: {  	s15 =	sadd.s32 $0xFFFFFFF7, s13;
	v41 =	vadd.s32 v24, v35;
	v33 =	vld [tilespmem:s12+$0xFFFFFD80]  }
0x49a: {  	v42 =	vmov s15  }
0x49b: {  	v35 =	vshrl.u32 v42, $0x3  }
0x49c: {  	v35 =	vshll.u32 v35, v1  }
0x49d: {  	v35 =	vbroadcast v35, $0x0  }
0x49e: {  	[tilespmem:v41+s30+$0x0] =	vst.idx.msk $0xffff, v33  }
0x49f: {  	v43 =	vadd.s32 v25, v35;
	v33 =	vld [tilespmem:s12+$0xFFFFFD90];
	_ =	sdelay $0x4  }
0x4a0: {  	[tilespmem:v43+s30+$0x0] =	vst.idx.msk $0xffff, v33  }
0x4a1: {  	v44 =	vadd.s32 v26, v35;
	v33 =	vld [tilespmem:s12+$0xFFFFFDA0];
	_ =	sdelay $0x4  }
0x4a2: {  	[tilespmem:v44+s30+$0x0] =	vst.idx.msk $0xffff, v33  }
0x4a3: {  	v45 =	vadd.s32 v27, v35;
	v33 =	vld [tilespmem:s12+$0xFFFFFDB0];
	_ =	sdelay $0x4  }
0x4a4: {  	[tilespmem:v45+s30+$0x0] =	vst.idx.msk $0xffff, v33  }
0x4a5: {  	s16 =	sadd.s32 $0xFFFFFFF8, s13;
	v46 =	vadd.s32 v28, v35;
	v33 =	vld [tilespmem:s12+$0xFFFFFDC0]  }
0x4a6: {  	v47 =	vmov s16  }
0x4a7: {  	v35 =	vshrl.u32 v47, $0x3  }
0x4a8: {  	v35 =	vshll.u32 v35, v1  }
0x4a9: {  	v35 =	vbroadcast v35, $0x0  }
0x4aa: {  	[tilespmem:v46+s30+$0x0] =	vst.idx.msk $0xffff, v33  }
0x4ab: {  	v48 =	vadd.s32 v29, v35;
	v33 =	vld [tilespmem:s12+$0xFFFFFDD0];
	_ =	sdelay $0x4  }
0x4ac: {  	[tilespmem:v48+s30+$0x0] =	vst.idx.msk $0xffff, v33  }
0x4ad: {  	v49 =	vadd.s32 v30, v35;
	v33 =	vld [tilespmem:s12+$0xFFFFFDE0];
	_ =	sdelay $0x4  }
0x4ae: {  	[tilespmem:v49+s30+$0x0] =	vst.idx.msk $0xffff, v33  }
0x4af: {  	v50 =	vadd.s32 v31, v35;
	v33 =	vld [tilespmem:s12+$0xFFFFFDF0];
	_ =	sdelay $0x4  }
0x4b0: {  	[tilespmem:v50+s30+$0x0] =	vst.idx.msk $0xffff, v33  }
0x4b1: {  	s17 =	sadd.s32 $0xFFFFFFF9, s13;
	v51 =	vadd.s32 v32, v35;
	v33 =	vld [tilespmem:s12+$0xFFFFFE00]  }
0x4b2: {  	v52 =	vmov s17  }
0x4b3: {  	v35 =	vshrl.u32 v52, $0x3  }
0x4b4: {  	v35 =	vshll.u32 v35, v1  }
0x4b5: {  	v35 =	vbroadcast v35, $0x0  }
0x4b6: {  	[tilespmem:v51+s30+$0x0] =	vst.idx.msk $0xffff, v33  }
0x4b7: {  	v53 =	vadd.s32 v0, v35;
	v33 =	vld [tilespmem:s12+$0xFFFFFE10];
	_ =	sdelay $0x4  }
0x4b8: {  	[tilespmem:v53+s30+$0x0] =	vst.idx.msk $0xffff, v33  }
0x4b9: {  	v54 =	vadd.s32 v2, v35;
	v33 =	vld [tilespmem:s12+$0xFFFFFE20];
	_ =	sdelay $0x4  }
0x4ba: {  	[tilespmem:v54+s30+$0x0] =	vst.idx.msk $0xffff, v33  }
0x4bb: {  	v55 =	vadd.s32 v3, v35;
	v33 =	vld [tilespmem:s12+$0xFFFFFE30];
	_ =	sdelay $0x4  }
0x4bc: {  	[tilespmem:v55+s30+$0x0] =	vst.idx.msk $0xffff, v33  }
0x4bd: {  	s15 =	sadd.s32 $0xFFFFFFFA, s13;
	v56 =	vadd.s32 v4, v35;
	v33 =	vld [tilespmem:s12+$0xFFFFFE40]  }
0x4be: {  	v57 =	vmov s15  }
0x4bf: {  	v35 =	vshrl.u32 v57, $0x3  }
0x4c0: {  	v35 =	vshll.u32 v35, v1  }
0x4c1: {  	v35 =	vbroadcast v35, $0x0  }
0x4c2: {  	[tilespmem:v56+s30+$0x0] =	vst.idx.msk $0xffff, v33  }
0x4c3: {  	v58 =	vadd.s32 v5, v35;
	v33 =	vld [tilespmem:s12+$0xFFFFFE50];
	_ =	sdelay $0x4  }
0x4c4: {  	[tilespmem:v58+s30+$0x0] =	vst.idx.msk $0xffff, v33  }
0x4c5: {  	v59 =	vadd.s32 v6, v35;
	v33 =	vld [tilespmem:s12+$0xFFFFFE60];
	_ =	sdelay $0x4  }
0x4c6: {  	[tilespmem:v59+s30+$0x0] =	vst.idx.msk $0xffff, v33  }
0x4c7: {  	v60 =	vadd.s32 v7, v35;
	v33 =	vld [tilespmem:s12+$0xFFFFFE70];
	_ =	sdelay $0x4  }
0x4c8: {  	[tilespmem:v60+s30+$0x0] =	vst.idx.msk $0xffff, v33  }
0x4c9: {  	s16 =	sadd.s32 $0xFFFFFFFB, s13;
	v61 =	vadd.s32 v8, v35;
	v33 =	vld [tilespmem:s12+$0xFFFFFE80]  }
0x4ca: {  	v62 =	vmov s16  }
0x4cb: {  	v35 =	vshrl.u32 v62, $0x3  }
0x4cc: {  	v35 =	vshll.u32 v35, v1  }
0x4cd: {  	v35 =	vbroadcast v35, $0x0  }
0x4ce: {  	[tilespmem:v61+s30+$0x0] =	vst.idx.msk $0xffff, v33  }
0x4cf: {  	v63 =	vadd.s32 v9, v35;
	v33 =	vld [tilespmem:s12+$0xFFFFFE90];
	_ =	sdelay $0x4  }
0x4d0: {  	[tilespmem:v63+s30+$0x0] =	vst.idx.msk $0xffff, v33  }
0x4d1: {  	v36 =	vadd.s32 v10, v35;
	v33 =	vld [tilespmem:s12+$0xFFFFFEA0];
	_ =	sdelay $0x4  }
0x4d2: {  	[tilespmem:v36+s30+$0x0] =	vst.idx.msk $0xffff, v33  }
0x4d3: {  	v37 =	vadd.s32 v11, v35;
	v33 =	vld [tilespmem:s12+$0xFFFFFEB0];
	_ =	sdelay $0x4  }
0x4d4: {  	[tilespmem:v37+s30+$0x0] =	vst.idx.msk $0xffff, v33  }
0x4d5: {  	s17 =	sadd.s32 $0xFFFFFFFC, s13;
	v38 =	vadd.s32 v12, v35;
	v33 =	vld [tilespmem:s12+$0xFFFFFEC0]  }
0x4d6: {  	v39 =	vmov s17  }
0x4d7: {  	v35 =	vshrl.u32 v39, $0x3  }
0x4d8: {  	v35 =	vshll.u32 v35, v1  }
0x4d9: {  	v35 =	vbroadcast v35, $0x0  }
0x4da: {  	[tilespmem:v38+s30+$0x0] =	vst.idx.msk $0xffff, v33  }
0x4db: {  	v40 =	vadd.s32 v13, v35;
	v33 =	vld [tilespmem:s12+$0xFFFFFED0];
	_ =	sdelay $0x4  }
0x4dc: {  	[tilespmem:v40+s30+$0x0] =	vst.idx.msk $0xffff, v33  }
0x4dd: {  	v41 =	vadd.s32 v14, v35;
	v33 =	vld [tilespmem:s12+$0xFFFFFEE0];
	_ =	sdelay $0x4  }
0x4de: {  	[tilespmem:v41+s30+$0x0] =	vst.idx.msk $0xffff, v33  }
0x4df: {  	v42 =	vadd.s32 v15, v35;
	v33 =	vld [tilespmem:s12+$0xFFFFFEF0];
	_ =	sdelay $0x4  }
0x4e0: {  	[tilespmem:v42+s30+$0x0] =	vst.idx.msk $0xffff, v33  }
0x4e1: {  	s15 =	sadd.s32 $0xFFFFFFFD, s13;
	v43 =	vadd.s32 v16, v35;
	v33 =	vld [tilespmem:s12+$0xFFFFFF00]  }
0x4e2: {  	v44 =	vmov s15  }
0x4e3: {  	v35 =	vshrl.u32 v44, $0x3  }
0x4e4: {  	v35 =	vshll.u32 v35, v1  }
0x4e5: {  	v35 =	vbroadcast v35, $0x0  }
0x4e6: {  	[tilespmem:v43+s30+$0x0] =	vst.idx.msk $0xffff, v33  }
0x4e7: {  	v45 =	vadd.s32 v17, v35;
	v33 =	vld [tilespmem:s12+$0xFFFFFF10];
	_ =	sdelay $0x4  }
0x4e8: {  	[tilespmem:v45+s30+$0x0] =	vst.idx.msk $0xffff, v33  }
0x4e9: {  	v46 =	vadd.s32 v18, v35;
	v33 =	vld [tilespmem:s12+$0xFFFFFF20];
	_ =	sdelay $0x4  }
0x4ea: {  	[tilespmem:v46+s30+$0x0] =	vst.idx.msk $0xffff, v33  }
0x4eb: {  	v47 =	vadd.s32 v19, v35;
	v33 =	vld [tilespmem:s12+$0xFFFFFF30];
	_ =	sdelay $0x4  }
0x4ec: {  	[tilespmem:v47+s30+$0x0] =	vst.idx.msk $0xffff, v33  }
0x4ed: {  	s16 =	sadd.s32 $0xFFFFFFFE, s13;
	v48 =	vadd.s32 v20, v35;
	v33 =	vld [tilespmem:s12+$0xFFFFFF40]  }
0x4ee: {  	v49 =	vmov s16  }
0x4ef: {  	v35 =	vshrl.u32 v49, $0x3  }
0x4f0: {  	v35 =	vshll.u32 v35, v1  }
0x4f1: {  	v35 =	vbroadcast v35, $0x0  }
0x4f2: {  	[tilespmem:v48+s30+$0x0] =	vst.idx.msk $0xffff, v33  }
0x4f3: {  	v50 =	vadd.s32 v21, v35;
	v33 =	vld [tilespmem:s12+$0xFFFFFF50];
	_ =	sdelay $0x4  }
0x4f4: {  	[tilespmem:v50+s30+$0x0] =	vst.idx.msk $0xffff, v33  }
0x4f5: {  	v51 =	vadd.s32 v22, v35;
	v33 =	vld [tilespmem:s12+$0xFFFFFF60];
	_ =	sdelay $0x4  }
0x4f6: {  	[tilespmem:v51+s30+$0x0] =	vst.idx.msk $0xffff, v33  }
0x4f7: {  	v52 =	vadd.s32 v23, v35;
	v33 =	vld [tilespmem:s12+$0xFFFFFF70];
	_ =	sdelay $0x4  }
0x4f8: {  	[tilespmem:v52+s30+$0x0] =	vst.idx.msk $0xffff, v33  }
0x4f9: {  	s17 =	sadd.s32 $0xFFFFFFFF, s13;
	v53 =	vadd.s32 v24, v35;
	v33 =	vld [tilespmem:s12+$0xFFFFFF80]  }
0x4fa: {  	v54 =	vmov s17  }
0x4fb: {  	v35 =	vshrl.u32 v54, $0x3  }
0x4fc: {  	v35 =	vshll.u32 v35, v1  }
0x4fd: {  	v35 =	vbroadcast v35, $0x0  }
0x4fe: {  	[tilespmem:v53+s30+$0x0] =	vst.idx.msk $0xffff, v33  }
0x4ff: {  	v55 =	vadd.s32 v25, v35;
	v33 =	vld [tilespmem:s12+$0xFFFFFF90];
	_ =	sdelay $0x4  }
0x500: {  	[tilespmem:v55+s30+$0x0] =	vst.idx.msk $0xffff, v33  }
0x501: {  	v56 =	vadd.s32 v26, v35;
	v33 =	vld [tilespmem:s12+$0xFFFFFFA0];
	_ =	sdelay $0x4  }
0x502: {  	[tilespmem:v56+s30+$0x0] =	vst.idx.msk $0xffff, v33  }
0x503: {  	v57 =	vadd.s32 v27, v35;
	v33 =	vld [tilespmem:s12+$0xFFFFFFB0];
	_ =	sdelay $0x4  }
0x504: {  	[tilespmem:v57+s30+$0x0] =	vst.idx.msk $0xffff, v33  }
0x505: {  	v58 =	vadd.s32 v28, v35;
	v33 =	vld [tilespmem:s12+$0xFFFFFFC0]  }
0x506: {  	v59 =	vmov s13  }
0x507: {  	v35 =	vshrl.u32 v59, $0x3  }
0x508: {  	v35 =	vshll.u32 v35, v1  }
0x509: {  	v35 =	vbroadcast v35, $0x0  }
0x50a: {  	[tilespmem:v58+s30+$0x0] =	vst.idx.msk $0xffff, v33  }
0x50b: {  	v60 =	vadd.s32 v29, v35;
	v33 =	vld [tilespmem:s12+$0xFFFFFFD0];
	_ =	sdelay $0x4  }
0x50c: {  	[tilespmem:v60+s30+$0x0] =	vst.idx.msk $0xffff, v33  }
0x50d: {  	v61 =	vadd.s32 v30, v35;
	v33 =	vld [tilespmem:s12+$0xFFFFFFE0];
	_ =	sdelay $0x4  }
0x50e: {  	[tilespmem:v61+s30+$0x0] =	vst.idx.msk $0xffff, v33  }
0x50f: {  	v62 =	vadd.s32 v31, v35;
	v33 =	vld [tilespmem:s12+$0xFFFFFFF0];
	_ =	sdelay $0x4  }
0x510: {  	[tilespmem:v62+s30+$0x0] =	vst.idx.msk $0xffff, v33  }
0x511: {  	v63 =	vadd.s32 v32, v35;
	v33 =	vld [tilespmem:s12+$0x0];
	_ =	sdelay $0x1  }
0x512: {  	s11 =	sshll.u32 s11, $0x12  }
0x513: {  	s11 =	sor.u32 s4, s11  }
0x514: {  	s11 =	sshrl.u32 s11, $0x3  }
0x515: {  	s13 =	simm.s32 $0x10600;
	s12 =	sadd.s32 s1, s11;
	[tilespmem:v63+s30+$0x0] =	vst.idx.msk $0xffff, v33  }
0x516: {  	[hbm4b:s12+s3] =	stream.linear.scatter [tilespmem:s13], [sflag:$0x4], $0x80, $0x38;
	[tilespmem:$0x12800] =	vst v63  }
0x517: {  	s14 =	simm.s32 $0x10688;
	s15 =	sadd.s32 $0x10, s12  }
0x518: {  	[hbm4b:s15+s3] =	stream.linear.scatter [tilespmem:s14], [sflag:$0x4], $0x80, $0x38;
	[tilespmem:$0x12800] =	vst v63  }
0x519: {  	s16 =	simm.s32 $0x10710;
	s11 =	simm.s32 $0x440;
	s17 =	sadd.s32 $0x20, s12  }
0x51a: {  	[hbm4b:s17+s3] =	stream.linear.scatter [tilespmem:s16], [sflag:$0x4], $0x80, $0x38;
	[tilespmem:$0x12800] =	vst v63  }
0x51b: {  	s13 =	simm.s32 $0x2200;
	s14 =	simm.s32 $0x10798;
	s15 =	sadd.s32 $0x30, s12  }
0x51c: {  	[hbm4b:s15+s3] =	stream.linear.scatter [tilespmem:s14], [sflag:$0x4], $0x80, $0x38;
	[tilespmem:$0x12800] =	vst v63  }
0x51d: {  	s16 =	simm.s32 $0x10820;
	s17 =	sadd.s32 $0x40, s12;
	s14 =	simm.s32 $0x108A8  }
0x51e: {  	[hbm4b:s17+s3] =	stream.linear.scatter [tilespmem:s16], [sflag:$0x4], $0x80, $0x38;
	[tilespmem:$0x12800] =	vst v63  }
0x51f: {  	s15 =	sadd.s32 $0x50, s12;
	s16 =	simm.s32 $0x10930;
	s17 =	sadd.s32 $0x60, s12  }
0x520: {  	[hbm4b:s15+s3] =	stream.linear.scatter [tilespmem:s14], [sflag:$0x4], $0x80, $0x38;
	[tilespmem:$0x12800] =	vst v63  }
0x521: {  	s14 =	simm.s32 $0x109B8;
	s15 =	sadd.s32 $0x70, s12;
	s12 =	sadd.s32 $0x1000, s12  }
0x522: {  	[hbm4b:s17+s3] =	stream.linear.scatter [tilespmem:s16], [sflag:$0x4], $0x80, $0x38;
	[tilespmem:$0x12800] =	vst v63  }
.LBB2_9:
0x523: {  	[hbm4b:s15+s3] =	stream.linear.scatter [tilespmem:s14], [sflag:$0x4], $0x80, $0x38;
	[tilespmem:$0x12800] =	vst v63  }
0x524: {  	s14 =	smov.u32 s11;
	s11 =	smov.u32 s13  }
0x525: {  	s16 =	sadd.s32 $0x1100, s13;
	s11 =	sshra.s32 s11, $0x2;
	s15 =	sadd.s32 $0x10600, s14  }
0x526: {  	[hbm4b:s12+s3] =	stream.linear.scatter [tilespmem:s15], [sflag:$0x4], $0x80, $0x38;
	[tilespmem:$0x12800] =	vst v63  }
0x527: {  	p0 =	sne.s32 s13, $0x7700;
	s13 =	sadd.s32 $0x10688, s14;
	s15 =	sadd.s32 $0x10, s12  }
0x528: {  	[hbm4b:s15+s3] =	stream.linear.scatter [tilespmem:s13], [sflag:$0x4], $0x80, $0x38;
	[tilespmem:$0x12800] =	vst v63  }
0x529: {  	s13 =	sadd.s32 $0x10710, s14;
	s15 =	sadd.s32 $0x20, s12  }
0x52a: {  	[hbm4b:s15+s3] =	stream.linear.scatter [tilespmem:s13], [sflag:$0x4], $0x80, $0x38;
	[tilespmem:$0x12800] =	vst v63  }
0x52b: {  	s13 =	sadd.s32 $0x10798, s14;
	s15 =	sadd.s32 $0x30, s12  }
0x52c: {  	[hbm4b:s15+s3] =	stream.linear.scatter [tilespmem:s13], [sflag:$0x4], $0x80, $0x38;
	[tilespmem:$0x12800] =	vst v63  }
0x52d: {  	s13 =	sadd.s32 $0x10820, s14;
	s15 =	sadd.s32 $0x40, s12  }
0x52e: {  	[hbm4b:s15+s3] =	stream.linear.scatter [tilespmem:s13], [sflag:$0x4], $0x80, $0x38;
	[tilespmem:$0x12800] =	vst v63  }
.Ltmp3:
0x52f: {  	s13 =	sadd.s32 $0x108A8, s14;
	s15 =	sadd.s32 $0x50, s12;
	(pc) =	sbr.rel @p0 .LBB2_9-.Ltmp3, $4  }
0x530: {  	[hbm4b:s15+s3] =	stream.linear.scatter [tilespmem:s13], [sflag:$0x4], $0x80, $0x38;
	[tilespmem:$0x12800] =	vst v63  }
0x531: {  	s13 =	sadd.s32 $0x10930, s14;
	s15 =	sadd.s32 $0x60, s12;
	s14 =	sadd.s32 $0x109B8, s14  }
0x532: {  	[hbm4b:s15+s3] =	stream.linear.scatter [tilespmem:s13], [sflag:$0x4], $0x80, $0x38;
	[tilespmem:$0x12800] =	vst v63  }
0x533: {  	s15 =	sadd.s32 $0x70, s12;
	s12 =	sadd.s32 $0x1000, s12;
	s13 =	smov.u32 s16  }
0x534: {  	[hbm4b:s15+s3] =	stream.linear.scatter [tilespmem:s14], [sflag:$0x4], $0x80, $0x38;
	[tilespmem:$0x12800] =	vst v63  }
0x535: {  	s13 =	sadd.s32 $0x10600, s11  }
0x536: {  	[hbm4b:s12+s3] =	stream.linear.scatter [tilespmem:s13], [sflag:$0x4], $0x80, $0x38;
	[tilespmem:$0x12800] =	vst v63  }
0x537: {  	s16 =	sadd.s32 $0x10688, s11;
	s17 =	sadd.s32 $0x10, s12  }
0x538: {  	[hbm4b:s17+s3] =	stream.linear.scatter [tilespmem:s16], [sflag:$0x4], $0x80, $0x38;
	[tilespmem:$0x12800] =	vst v63  }
0x539: {  	s14 =	sadd.s32 $0x10710, s11;
	s15 =	sadd.s32 $0x20, s12  }
0x53a: {  	[hbm4b:s15+s3] =	stream.linear.scatter [tilespmem:s14], [sflag:$0x4], $0x80, $0x38;
	[tilespmem:$0x12800] =	vst v63  }
0x53b: {  	s16 =	sadd.s32 $0x10798, s11;
	s17 =	sadd.s32 $0x30, s12  }
0x53c: {  	[hbm4b:s17+s3] =	stream.linear.scatter [tilespmem:s16], [sflag:$0x4], $0x80, $0x38;
	[tilespmem:$0x12800] =	vst v63  }
0x53d: {  	s8 =	sadd.s32 $0x1, s8;
	s14 =	sadd.s32 $0x10820, s11;
	s15 =	sadd.s32 $0x40, s12  }
0x53e: {  	[hbm4b:s15+s3] =	stream.linear.scatter [tilespmem:s14], [sflag:$0x4], $0x80, $0x38;
	[tilespmem:$0x12800] =	vst v63  }
0x53f: {  	p0 =	sne.s32 s8, $0x64;
	s16 =	sadd.s32 $0x108A8, s11;
	s17 =	sadd.s32 $0x50, s12  }
0x540: {  	[hbm4b:s17+s3] =	stream.linear.scatter [tilespmem:s16], [sflag:$0x4], $0x80, $0x38;
	[tilespmem:$0x12800] =	vst v63  }
.Ltmp4:
0x541: {  	_ = 	snop;
	(pc) =	sbr.rel @p0 .LBB2_2-.Ltmp4, $4  }
0x542: {  	s14 =	sadd.s32 $0x10930, s11;
	s15 =	sadd.s32 $0x60, s12  }
0x543: {  	[hbm4b:s15+s3] =	stream.linear.scatter [tilespmem:s14], [sflag:$0x4], $0x80, $0x38;
	[tilespmem:$0x12800] =	vst v63  }
0x544: {  	s16 =	sadd.s32 $0x109B8, s11;
	s17 =	sadd.s32 $0x70, s12  }
0x545: {  	[hbm4b:s17+s3] =	stream.linear.scatter [tilespmem:s16], [sflag:$0x4], $0x80, $0x38;
	[tilespmem:$0x12800] =	vst v63  }
0x546: {  	s2 =	sadd.s32 $0x1, s2  }
0x547: {  	_ =	swait.ge [sflag:s31], $0x2000;
	p0 =	sne.s32 s2, s7  }
.Ltmp5:
0x548: {  	[sflag:s31] =	ssyncset.done $0x0;
	(pc) =	sbr.rel @p0 .LBB2_1-.Ltmp5, $4  }
0x549: {  	[sflag:s31] =	ssyncadd.s32 $0xFFFFE000  }
0x54a: {  	_ =	swait.ge [sflag:s0], $0x2000  }
0x54b: {  	[sflag:s0] =	ssyncset.done $0x0  }
0x54c: {  	[sflag:s0] =	ssyncadd.s32 $0xFFFFE000  }
0x54d: {  	_ =	sfence.sel $0x180000  }
0x54e: {  	[bflag:$0x0] =	sbarrier.arrive $0xFFFF  }
0x54f: {  	_ =	strace $0x90000047  }
0x550: {  	s0 =	stileid.u32;
	[bflag:$0x2] =	sbarrier.arrive $0xFFFF  }
0x551: {  	p0 =	sne.s32 s0, $0x0;
	s0 =	rddreg [dreg:$0x3]  }
0x552: {  	s0 =	sadd.s32 @!p0 $0x100000, s0  }
0x553: {  	[sflag:s0] =	ssyncadd.tile.s32 @!p0 $0x1;
	_ =	shalt  }
.Lfunc_end2:
_tile_overlayer_lowered:
.L_overlay_start_2:
0x554: {  	(tag) =	ssettag $0x2  }
0x555: {  	s0 =	rddreg [dreg:$0x0];
	s2 =	stileid.u32  }
0x556: {  	s1 =	rddreg [dreg:$0x1];
	p0 =	sne.s32 s2, $0x0  }
0x557: {  	s3 =	rddreg [dreg:$0x2];
	[bflag:$0x3] =	sbarrier.arrive $0xFFFF;
	s2 =	simm.s32 @!p0 $0x1C05  }
0x558: {  	[timem:s3], [sflag:s2] =	dma.local @!p0 [hbm:s0], s1  }
0x559: {  	s0 =	simm.s32 @!p0 $0x5  }
0x55a: {  	_ =	swait.ge @!p0 [sflag:s0], s1  }
0x55b: {  	s1 =	ssub.s32 @!p0 $0x0, s1;
	[sflag:s0] =	ssyncset.done @!p0 $0x0  }
0x55c: {  	[sflag:s0] =	ssyncadd.s32 @!p0 s1  }
0x55d: {  	[bflag:$0x3] =	sbarrier.arrive $0xFFFF  }
0x55e: {  	_ =	shalt  }

</sc_bundles>
